<compile_context>
chip_gen: v7x
topology: tpu7x:2x2x1
jax: 0.10.2.dev20260603
libtpu: 0.0.44.dev20260713+nightly
codegen_flags: <defaults>
</compile_context>

<pallas_src>
import functools

import jax
import jax.numpy as jnp
from jax import lax
from jax.experimental import pallas as pl
from jax.experimental.pallas import tpu as pltpu
from jax.experimental.pallas import tpu_sc as plsc

N = 10000
E = 320000
IN_FEATS = 128
N_HIDDEN = 64
L = 16
K = 10

NW = 16
NP = 10240
RW = NP // NW
CH = 128
NB = 4
NCHUNK = 160
EP = NW * NCHUNK * CH



def _mlp_body(f_ref, w1_ref, b1_ref, w2_ref, b2_ref, o_ref):
    h = jnp.dot(f_ref[...], w1_ref[...], preferred_element_type=jnp.float32)
    h = jnp.maximum(h + b1_ref[...], 0.0)
    o = jnp.dot(h, w2_ref[...], preferred_element_type=jnp.float32)
    o_ref[...] = o + b2_ref[...]


def _mlp(fpad, W1, b1, W2, b2):
    grid = (NP // 1024,)
    return pl.pallas_call(
        _mlp_body,
        grid=grid,
        in_specs=[
            pl.BlockSpec((1024, IN_FEATS), lambda i: (i, 0)),
            pl.BlockSpec((IN_FEATS, N_HIDDEN), lambda i: (0, 0)),
            pl.BlockSpec((1, N_HIDDEN), lambda i: (0, 0)),
            pl.BlockSpec((N_HIDDEN, L), lambda i: (0, 0)),
            pl.BlockSpec((1, L), lambda i: (0, 0)),
        ],
        out_specs=pl.BlockSpec((1024, L), lambda i: (i, 0)),
        out_shape=jax.ShapeDtypeStruct((NP, L), jnp.float32),
    )(fpad, W1, b1, W2, b2)



def _prop(x0, srcp, dstp, normp, tempp, zrow):
    mesh = plsc.VectorSubcoreMesh(
        core_axis_name="c", subcore_axis_name="s", num_cores=1)

    @functools.partial(
        pl.kernel,
        out_type=jax.ShapeDtypeStruct((NP, L), jnp.float32),
        mesh=mesh,
        compiler_params=pltpu.CompilerParams(
            needs_layout_passes=False, use_tc_tiling_on_sc=False),
        scratch_types=[
            pltpu.VMEM_SHARED((NP, L), jnp.float32),
            pltpu.VMEM_SHARED((NP, L), jnp.float32),
            pltpu.VMEM_SHARED((NP, L), jnp.float32),
            pltpu.VMEM((NCHUNK, CH), jnp.int32),
            pltpu.VMEM((NCHUNK, CH), jnp.int32),
            pltpu.VMEM((NCHUNK * CH,), jnp.float32),
            [pltpu.VMEM((CH, L), jnp.float32) for _ in range(NB)],
            [pltpu.VMEM((CH, L), jnp.float32) for _ in range(NB)],
            pltpu.VMEM((RW, L), jnp.float32),
            pltpu.VMEM((RW, L), jnp.float32),
            pltpu.VMEM((L,), jnp.float32),
            [pltpu.SemaphoreType.DMA for _ in range(NB)],
            [pltpu.SemaphoreType.DMA for _ in range(NB)],
            pltpu.SemaphoreType.DMA,
            pltpu.SemaphoreType.DMA,
        ],
    )
    def body(x0_h, src_h, dst_h, norm_h, temp_h, z_h, hid_h,
             bufA, bufB, acc, src_v, dst_v, norm_v, gbuf, sbuf,
             stage_v, hid_v, temp_v, gsem, ssem, esema, esemb):
        wid = lax.axis_index("s")
        rows_sl = pl.ds(wid * RW, RW)

        pltpu.sync_copy(src_h.at[wid], src_v)
        pltpu.sync_copy(dst_h.at[wid], dst_v)
        pltpu.sync_copy(norm_h.at[wid], norm_v)
        pltpu.sync_copy(temp_h, temp_v)

        pltpu.sync_copy(x0_h.at[rows_sl], stage_v)
        t0 = plsc.load_gather(temp_v, [jnp.zeros((L,), jnp.int32)])

        @pl.loop(0, RW)
        def initrow(i):
            hid_v[i] = stage_v[i] * t0
        pltpu.sync_copy(z_h, acc.at[rows_sl])
        pltpu.sync_copy(stage_v, bufA.at[rows_sl])
        plsc.subcore_barrier()

        def hop(kk, xsrc, xdst):
            for b in range(NB):
                pltpu.async_copy(xsrc.at[src_v.at[b]], gbuf[b], gsem[b])

            @pl.loop(0, NCHUNK // NB)
            def group(i0):
                for b in range(NB):
                    i = i0 * NB + b
                    pltpu.make_async_copy(
                        xsrc.at[src_v.at[i]], gbuf[b], gsem[b]).wait()

                    @pl.when(i0 > 0)
                    def _():
                        pltpu.make_async_copy(
                            sbuf[b], acc.at[dst_v.at[i]], ssem[b]).wait()
                    base = i * CH

                    @plsc.parallel_loop(0, CH, unroll=16)
                    def edge(j):
                        nb = plsc.load_gather(
                            norm_v, [jnp.full((L,), base + j, jnp.int32)])
                        sbuf[b][j] = gbuf[b][j] * nb

                    @pl.when(i0 < NCHUNK // NB - 1)
                    def _():
                        pltpu.async_copy(
                            xsrc.at[src_v.at[i + NB]], gbuf[b], gsem[b])
                    pltpu.async_copy(
                        sbuf[b], acc.at[dst_v.at[i]], ssem[b], add=True)

            for b in range(NB):
                pltpu.make_async_copy(
                    sbuf[b], acc.at[dst_v.at[NCHUNK - NB + b]], ssem[b]).wait()
            plsc.subcore_barrier()

            pltpu.sync_copy(acc.at[rows_sl], stage_v)
            tk = plsc.load_gather(
                temp_v, [jnp.full((L,), kk + 1, jnp.int32)])

            pltpu.async_copy(stage_v, xdst.at[rows_sl], esema)
            pltpu.async_copy(z_h, acc.at[rows_sl], esemb)

            @pl.loop(0, RW, unroll=16)
            def acrow(i):
                hid_v[i] = hid_v[i] + stage_v[i] * tk
            pltpu.make_async_copy(stage_v, xdst.at[rows_sl], esema).wait()
            pltpu.make_async_copy(z_h, acc.at[rows_sl], esemb).wait()
            plsc.subcore_barrier()

        @pl.loop(0, K // 2)
        def hoppair(i0):
            hop(2 * i0, bufA, bufB)
            hop(2 * i0 + 1, bufB, bufA)

        pltpu.sync_copy(hid_v, hid_h.at[rows_sl])

    return body(x0, srcp, dstp, normp, tempp, zrow)


def kernel(feature, edge_index, norm_A, W1, b1, W2, b2, temp):
    fpad = jnp.pad(feature, ((0, NP - N), (0, 0)))
    x0 = _mlp(fpad, W1, b1.reshape(1, -1), W2, b2.reshape(1, -1))

    src = jnp.pad(edge_index[0], (0, EP - E)).reshape(NW, NCHUNK, CH)
    dst = jnp.pad(edge_index[1], (0, EP - E)).reshape(NW, NCHUNK, CH)
    nrm = jnp.pad(norm_A, (0, EP - E)).reshape(NW, NCHUNK * CH)
    tpad = jnp.pad(temp, (0, L - (K + 1)))
    zrow = jnp.zeros((RW, L), jnp.float32)

    hid = _prop(x0, src, dst, nrm, tpad, zrow)
    return hid[:N]

# --- scband reference (transcript-rebuilt; emitter-appended) ---
"""Pipeline reference for scband-gprgnn-9345848836276 (READ-ONLY COPY).

The authoritative reference and input builder live on the scoring server;
editing this copy changes nothing except your own understanding.
"""

import jax, jax.numpy as jnp
import numpy as np

N = 10000
E = 320000
IN_FEATS = 128
N_HIDDEN = 64
N_CLASSES = 16
K = 10
ALPHA = 0.1


def setup_inputs(seed: int = 0):
    key = jax.random.key(seed)
    ks = jax.random.split(key, 8)
    feature = jax.random.normal(ks[0], (N, IN_FEATS), dtype=jnp.float32)
    edge_index = jax.random.randint(ks[1], (2, E), 0, N, dtype=jnp.int32)
    norm_A = jax.random.uniform(ks[2], (E,), dtype=jnp.float32)
    W1 = jax.random.normal(ks[3], (IN_FEATS, N_HIDDEN), dtype=jnp.float32) / np.sqrt(IN_FEATS)
    b1 = jnp.zeros((N_HIDDEN,), dtype=jnp.float32)
    W2 = jax.random.normal(ks[4], (N_HIDDEN, N_CLASSES), dtype=jnp.float32) / np.sqrt(N_HIDDEN)
    b2 = jnp.zeros((N_CLASSES,), dtype=jnp.float32)
    temp = ALPHA * (1.0 - ALPHA) ** np.arange(K + 1)
    temp[-1] = (1.0 - ALPHA) ** K
    temp = jnp.asarray(temp, dtype=jnp.float32)
    return {"feature": feature, "edge_index": edge_index, "norm_A": norm_A,
            "W1": W1, "b1": b1, "W2": W2, "b2": b2, "temp": temp}


def reference(feature, edge_index, norm_A, W1, b1, W2, b2, temp):
    # eval mode: F.dropout is identity
    x = jax.nn.relu(feature @ W1 + b1)
    x = x @ W2 + b2
    src = edge_index[0]
    dst = edge_index[1]
    hidden = x * temp[0]
    for k in range(K):
        # GPR_prop message: norm.view(-1,1) * x_j  (x_j gathered at source nodes)
        msg = norm_A[:, None] * jnp.take(x, src, axis=0)
        # scatter-add aggregation at destination nodes
        x = jnp.zeros((N, N_CLASSES), dtype=x.dtype).at[dst].add(msg)
        hidden = hidden + temp[k + 1] * x
    return hidden

if __name__ == "__main__":
    import jax
    _d = setup_inputs()
    print(jax.jit(kernel)(*tuple(_d.values())))

</pallas_src>

<mosaic_0001>
#map = affine_map<(d0, d1) -> (0, 0)>
#map1 = affine_map<(d0, d1) -> (0, 0, 0)>
#map2 = affine_map<(d0, d1) -> (0)>
module attributes {stable_mosaic.version = 14 : i64} {
  func.func @body(%arg0: i32, %arg1: i32, %arg2: memref<10240x16xf32, #tpu.memory_space<hbm>>, %arg3: memref<16x160x128xi32, #tpu.memory_space<hbm>>, %arg4: memref<16x160x128xi32, #tpu.memory_space<hbm>>, %arg5: memref<16x20480xf32, #tpu.memory_space<hbm>>, %arg6: memref<16xf32, #tpu.memory_space<hbm>>, %arg7: memref<640x16xf32, #tpu.memory_space<hbm>>, %arg8: memref<10240x16xf32, #tpu.memory_space<hbm>>, %arg9: memref<10240x16xf32, #tpu.memory_space<vmem_shared>>, %arg10: memref<10240x16xf32, #tpu.memory_space<vmem_shared>>, %arg11: memref<10240x16xf32, #tpu.memory_space<vmem_shared>>, %arg12: memref<160x128xi32, #tpu.memory_space<vmem>>, %arg13: memref<160x128xi32, #tpu.memory_space<vmem>>, %arg14: memref<20480xf32, #tpu.memory_space<vmem>>, %arg15: memref<128x16xf32, #tpu.memory_space<vmem>>, %arg16: memref<128x16xf32, #tpu.memory_space<vmem>>, %arg17: memref<128x16xf32, #tpu.memory_space<vmem>>, %arg18: memref<128x16xf32, #tpu.memory_space<vmem>>, %arg19: memref<128x16xf32, #tpu.memory_space<vmem>>, %arg20: memref<128x16xf32, #tpu.memory_space<vmem>>, %arg21: memref<128x16xf32, #tpu.memory_space<vmem>>, %arg22: memref<128x16xf32, #tpu.memory_space<vmem>>, %arg23: memref<640x16xf32, #tpu.memory_space<vmem>>, %arg24: memref<640x16xf32, #tpu.memory_space<vmem>>, %arg25: memref<16xf32, #tpu.memory_space<vmem>>, %arg26: memref<!tpu.dma_semaphore, #tpu.memory_space<semaphore_mem>>, %arg27: memref<!tpu.dma_semaphore, #tpu.memory_space<semaphore_mem>>, %arg28: memref<!tpu.dma_semaphore, #tpu.memory_space<semaphore_mem>>, %arg29: memref<!tpu.dma_semaphore, #tpu.memory_space<semaphore_mem>>, %arg30: memref<!tpu.dma_semaphore, #tpu.memory_space<semaphore_mem>>, %arg31: memref<!tpu.dma_semaphore, #tpu.memory_space<semaphore_mem>>, %arg32: memref<!tpu.dma_semaphore, #tpu.memory_space<semaphore_mem>>, %arg33: memref<!tpu.dma_semaphore, #tpu.memory_space<semaphore_mem>>, %arg34: memref<!tpu.dma_semaphore, #tpu.memory_space<semaphore_mem>>, %arg35: memref<!tpu.dma_semaphore, #tpu.memory_space<semaphore_mem>>) attributes {dimension_semantics = [#tpu.dimension_semantics<core_parallel>, #tpu.dimension_semantics<subcore_parallel>], iteration_bounds = array<i64: 1, 16>, scalar_prefetch = 0 : i64, scratch_operands = 27 : i64, tpu.core_type = #tpu.core_type<sc_vector_subcore>, window_params = [{transform_indices = #map}, {transform_indices = #map1}, {transform_indices = #map1}, {transform_indices = #map}, {transform_indices = #map2}, {transform_indices = #map}, {transform_indices = #map}]} {
    %mul3A = arith.constant 640 : i32
    %mul3A_0 = arith.muli %arg1, %mul3A : i32
    "tpu.region"() ({
      %run_scoped3A = tpu.sem_alloc : memref<!tpu.dma_semaphore, #tpu.memory_space<semaphore_mem>>
      %dma_start3A = arith.constant 0 : i32
      %dma_start3A_11 = arith.constant 0 : i32
      %dma_start3A_12 = tpu.memref_slice %arg3[%arg1, %dma_start3A, %dma_start3A_11] : memref<16x160x128xi32, #tpu.memory_space<hbm>> -> memref<1x160x128xi32, #tpu.memory_space<hbm>>
      %dma_start3A_13 = tpu.memref_squeeze %dma_start3A_12 : memref<1x160x128xi32, #tpu.memory_space<hbm>> -> memref<160x128xi32, #tpu.memory_space<hbm>>
      %dma_start3A_14 = arith.constant 0 : i32
      %dma_start3A_15 = arith.constant 0 : i32
      %dma_start3A_16 = tpu.memref_slice %arg3[%arg1, %dma_start3A_14, %dma_start3A_15] : memref<16x160x128xi32, #tpu.memory_space<hbm>> -> memref<1x160x128xi32, #tpu.memory_space<hbm>>
      %dma_start3A_17 = tpu.memref_squeeze %dma_start3A_16 : memref<1x160x128xi32, #tpu.memory_space<hbm>> -> memref<160x128xi32, #tpu.memory_space<hbm>>
      tpu.enqueue_dma source(%dma_start3A_17 : memref<160x128xi32, #tpu.memory_space<hbm>>) target(%arg12 : memref<160x128xi32, #tpu.memory_space<vmem>>) target_semaphore(%run_scoped3A : memref<!tpu.dma_semaphore, #tpu.memory_space<semaphore_mem>>)
      %dma_wait3A = arith.constant 0 : i32
      %dma_wait3A_18 = arith.constant 0 : i32
      %dma_wait3A_19 = tpu.memref_slice %arg3[%arg1, %dma_wait3A, %dma_wait3A_18] : memref<16x160x128xi32, #tpu.memory_space<hbm>> -> memref<1x160x128xi32, #tpu.memory_space<hbm>>
      %dma_wait3A_20 = tpu.memref_squeeze %dma_wait3A_19 : memref<1x160x128xi32, #tpu.memory_space<hbm>> -> memref<160x128xi32, #tpu.memory_space<hbm>>
      %dma_wait3A_21 = arith.constant 0 : i32
      %dma_wait3A_22 = arith.constant 0 : i32
      %dma_wait3A_23 = tpu.memref_slice %arg3[%arg1, %dma_wait3A_21, %dma_wait3A_22] : memref<16x160x128xi32, #tpu.memory_space<hbm>> -> memref<1x160x128xi32, #tpu.memory_space<hbm>>
      %dma_wait3A_24 = tpu.memref_squeeze %dma_wait3A_23 : memref<1x160x128xi32, #tpu.memory_space<hbm>> -> memref<160x128xi32, #tpu.memory_space<hbm>>
      tpu.wait_dma2 semaphore(%run_scoped3A : memref<!tpu.dma_semaphore, #tpu.memory_space<semaphore_mem>>) src(%dma_wait3A_24 : memref<160x128xi32, #tpu.memory_space<hbm>>) dst(%arg12 : memref<160x128xi32, #tpu.memory_space<vmem>>)
      tpu.yield
    }) : () -> ()
    "tpu.region"() ({
      %run_scoped3A = tpu.sem_alloc : memref<!tpu.dma_semaphore, #tpu.memory_space<semaphore_mem>>
      %dma_start3A = arith.constant 0 : i32
      %dma_start3A_11 = arith.constant 0 : i32
      %dma_start3A_12 = tpu.memref_slice %arg4[%arg1, %dma_start3A, %dma_start3A_11] : memref<16x160x128xi32, #tpu.memory_space<hbm>> -> memref<1x160x128xi32, #tpu.memory_space<hbm>>
      %dma_start3A_13 = tpu.memref_squeeze %dma_start3A_12 : memref<1x160x128xi32, #tpu.memory_space<hbm>> -> memref<160x128xi32, #tpu.memory_space<hbm>>
      %dma_start3A_14 = arith.constant 0 : i32
      %dma_start3A_15 = arith.constant 0 : i32
      %dma_start3A_16 = tpu.memref_slice %arg4[%arg1, %dma_start3A_14, %dma_start3A_15] : memref<16x160x128xi32, #tpu.memory_space<hbm>> -> memref<1x160x128xi32, #tpu.memory_space<hbm>>
      %dma_start3A_17 = tpu.memref_squeeze %dma_start3A_16 : memref<1x160x128xi32, #tpu.memory_space<hbm>> -> memref<160x128xi32, #tpu.memory_space<hbm>>
      tpu.enqueue_dma source(%dma_start3A_17 : memref<160x128xi32, #tpu.memory_space<hbm>>) target(%arg13 : memref<160x128xi32, #tpu.memory_space<vmem>>) target_semaphore(%run_scoped3A : memref<!tpu.dma_semaphore, #tpu.memory_space<semaphore_mem>>)
      %dma_wait3A = arith.constant 0 : i32
      %dma_wait3A_18 = arith.constant 0 : i32
      %dma_wait3A_19 = tpu.memref_slice %arg4[%arg1, %dma_wait3A, %dma_wait3A_18] : memref<16x160x128xi32, #tpu.memory_space<hbm>> -> memref<1x160x128xi32, #tpu.memory_space<hbm>>
      %dma_wait3A_20 = tpu.memref_squeeze %dma_wait3A_19 : memref<1x160x128xi32, #tpu.memory_space<hbm>> -> memref<160x128xi32, #tpu.memory_space<hbm>>
      %dma_wait3A_21 = arith.constant 0 : i32
      %dma_wait3A_22 = arith.constant 0 : i32
      %dma_wait3A_23 = tpu.memref_slice %arg4[%arg1, %dma_wait3A_21, %dma_wait3A_22] : memref<16x160x128xi32, #tpu.memory_space<hbm>> -> memref<1x160x128xi32, #tpu.memory_space<hbm>>
      %dma_wait3A_24 = tpu.memref_squeeze %dma_wait3A_23 : memref<1x160x128xi32, #tpu.memory_space<hbm>> -> memref<160x128xi32, #tpu.memory_space<hbm>>
      tpu.wait_dma2 semaphore(%run_scoped3A : memref<!tpu.dma_semaphore, #tpu.memory_space<semaphore_mem>>) src(%dma_wait3A_24 : memref<160x128xi32, #tpu.memory_space<hbm>>) dst(%arg13 : memref<160x128xi32, #tpu.memory_space<vmem>>)
      tpu.yield
    }) : () -> ()
    "tpu.region"() ({
      %run_scoped3A = tpu.sem_alloc : memref<!tpu.dma_semaphore, #tpu.memory_space<semaphore_mem>>
      %dma_start3A = arith.constant 0 : i32
      %dma_start3A_11 = tpu.memref_slice %arg5[%arg1, %dma_start3A] : memref<16x20480xf32, #tpu.memory_space<hbm>> -> memref<1x20480xf32, #tpu.memory_space<hbm>>
      %dma_start3A_12 = tpu.memref_squeeze %dma_start3A_11 : memref<1x20480xf32, #tpu.memory_space<hbm>> -> memref<20480xf32, #tpu.memory_space<hbm>>
      %dma_start3A_13 = arith.constant 0 : i32
      %dma_start3A_14 = tpu.memref_slice %arg5[%arg1, %dma_start3A_13] : memref<16x20480xf32, #tpu.memory_space<hbm>> -> memref<1x20480xf32, #tpu.memory_space<hbm>>
      %dma_start3A_15 = tpu.memref_squeeze %dma_start3A_14 : memref<1x20480xf32, #tpu.memory_space<hbm>> -> memref<20480xf32, #tpu.memory_space<hbm>>
      tpu.enqueue_dma source(%dma_start3A_15 : memref<20480xf32, #tpu.memory_space<hbm>>) target(%arg14 : memref<20480xf32, #tpu.memory_space<vmem>>) target_semaphore(%run_scoped3A : memref<!tpu.dma_semaphore, #tpu.memory_space<semaphore_mem>>)
      %dma_wait3A = arith.constant 0 : i32
      %dma_wait3A_16 = tpu.memref_slice %arg5[%arg1, %dma_wait3A] : memref<16x20480xf32, #tpu.memory_space<hbm>> -> memref<1x20480xf32, #tpu.memory_space<hbm>>
      %dma_wait3A_17 = tpu.memref_squeeze %dma_wait3A_16 : memref<1x20480xf32, #tpu.memory_space<hbm>> -> memref<20480xf32, #tpu.memory_space<hbm>>
      %dma_wait3A_18 = arith.constant 0 : i32
      %dma_wait3A_19 = tpu.memref_slice %arg5[%arg1, %dma_wait3A_18] : memref<16x20480xf32, #tpu.memory_space<hbm>> -> memref<1x20480xf32, #tpu.memory_space<hbm>>
      %dma_wait3A_20 = tpu.memref_squeeze %dma_wait3A_19 : memref<1x20480xf32, #tpu.memory_space<hbm>> -> memref<20480xf32, #tpu.memory_space<hbm>>
      tpu.wait_dma2 semaphore(%run_scoped3A : memref<!tpu.dma_semaphore, #tpu.memory_space<semaphore_mem>>) src(%dma_wait3A_20 : memref<20480xf32, #tpu.memory_space<hbm>>) dst(%arg14 : memref<20480xf32, #tpu.memory_space<vmem>>)
      tpu.yield
    }) : () -> ()
    "tpu.region"() ({
      %run_scoped3A = tpu.sem_alloc : memref<!tpu.dma_semaphore, #tpu.memory_space<semaphore_mem>>
      tpu.enqueue_dma source(%arg6 : memref<16xf32, #tpu.memory_space<hbm>>) target(%arg25 : memref<16xf32, #tpu.memory_space<vmem>>) target_semaphore(%run_scoped3A : memref<!tpu.dma_semaphore, #tpu.memory_space<semaphore_mem>>)
      tpu.wait_dma2 semaphore(%run_scoped3A : memref<!tpu.dma_semaphore, #tpu.memory_space<semaphore_mem>>) src(%arg6 : memref<16xf32, #tpu.memory_space<hbm>>) dst(%arg25 : memref<16xf32, #tpu.memory_space<vmem>>)
      tpu.yield
    }) : () -> ()
    "tpu.region"() ({
      %run_scoped3A = tpu.sem_alloc : memref<!tpu.dma_semaphore, #tpu.memory_space<semaphore_mem>>
      %dma_start3A = arith.constant 0 : i32
      %dma_start3A_11 = tpu.memref_slice %arg2[%mul3A_0, %dma_start3A] : memref<10240x16xf32, #tpu.memory_space<hbm>> -> memref<640x16xf32, #tpu.memory_space<hbm>>
      %dma_start3A_12 = arith.constant 0 : i32
      %dma_start3A_13 = tpu.memref_slice %arg2[%mul3A_0, %dma_start3A_12] : memref<10240x16xf32, #tpu.memory_space<hbm>> -> memref<640x16xf32, #tpu.memory_space<hbm>>
      tpu.enqueue_dma source(%dma_start3A_13 : memref<640x16xf32, #tpu.memory_space<hbm>>) target(%arg23 : memref<640x16xf32, #tpu.memory_space<vmem>>) target_semaphore(%run_scoped3A : memref<!tpu.dma_semaphore, #tpu.memory_space<semaphore_mem>>)
      %dma_wait3A = arith.constant 0 : i32
      %dma_wait3A_14 = tpu.memref_slice %arg2[%mul3A_0, %dma_wait3A] : memref<10240x16xf32, #tpu.memory_space<hbm>> -> memref<640x16xf32, #tpu.memory_space<hbm>>
      %dma_wait3A_15 = arith.constant 0 : i32
      %dma_wait3A_16 = tpu.memref_slice %arg2[%mul3A_0, %dma_wait3A_15] : memref<10240x16xf32, #tpu.memory_space<hbm>> -> memref<640x16xf32, #tpu.memory_space<hbm>>
      tpu.wait_dma2 semaphore(%run_scoped3A : memref<!tpu.dma_semaphore, #tpu.memory_space<semaphore_mem>>) src(%dma_wait3A_16 : memref<640x16xf32, #tpu.memory_space<hbm>>) dst(%arg23 : memref<640x16xf32, #tpu.memory_space<vmem>>)
      tpu.yield
    }) : () -> ()
    %broadcast_in_dim3A = arith.constant 0 : i32
    %broadcast_in_dim3A_1 = vector.broadcast %broadcast_in_dim3A : i32 to vector<16xi32>
    %gather3A = tpu.vector_load_idx %arg25[%broadcast_in_dim3A_1] : memref<16xf32, #tpu.memory_space<vmem>>[vector<16xi32>], vector<16xf32>,
    %scan3A = arith.constant 0 : i32
    %scan3A_2 = arith.constant 640 : i32
    %scan3A_3 = arith.addi %scan3A, %scan3A_2 : i32
    %scan3A_4 = arith.constant 1 : i32
    scf.for %scan3A_11 = %scan3A to %scan3A_3 step %scan3A_4  : i32 {
      %mul3A_12 = arith.constant 1 : i32
      %mul3A_13 = arith.muli %scan3A_11, %mul3A_12 : i32
      %add3A = arith.constant 0 : i32
      %add3A_14 = arith.addi %add3A, %mul3A_13 : i32
      %get3A = arith.index_cast %add3A_14 : i32 to index
      %get3A_15 = arith.constant 0 : index
      %get3A_16 = tpu.vector_load %arg23[%get3A, %get3A_15] {strides = array<i32>} : memref<640x16xf32, #tpu.memory_space<vmem>>, vector<16xf32>,
      %mul3A_17 = arith.mulf %get3A_16, %gather3A : vector<16xf32>
      %swap3A = arith.index_cast %add3A_14 : i32 to index
      %swap3A_18 = arith.constant 0 : index
      %swap3A_19 = tpu.vector_load %arg24[%swap3A, %swap3A_18] {strides = array<i32>} : memref<640x16xf32, #tpu.memory_space<vmem>>, vector<16xf32>,
      tpu.vector_store %arg24[%swap3A, %swap3A_18], %mul3A_17 {strides = array<i32>} : memref<640x16xf32, #tpu.memory_space<vmem>>, vector<16xf32>,
    }
    %scan3A_5 = arith.constant 640 : i32
    "tpu.region"() ({
      %run_scoped3A = tpu.sem_alloc : memref<!tpu.dma_semaphore, #tpu.memory_space<semaphore_mem>>
      %dma_start3A = arith.constant 0 : i32
      %dma_start3A_11 = tpu.memref_slice %arg11[%mul3A_0, %dma_start3A] : memref<10240x16xf32, #tpu.memory_space<vmem_shared>> -> memref<640x16xf32, #tpu.memory_space<vmem_shared>>
      tpu.enqueue_dma source(%arg7 : memref<640x16xf32, #tpu.memory_space<hbm>>) target(%dma_start3A_11 : memref<640x16xf32, #tpu.memory_space<vmem_shared>>) target_semaphore(%run_scoped3A : memref<!tpu.dma_semaphore, #tpu.memory_space<semaphore_mem>>)
      %dma_wait3A = arith.constant 0 : i32
      %dma_wait3A_12 = tpu.memref_slice %arg11[%mul3A_0, %dma_wait3A] : memref<10240x16xf32, #tpu.memory_space<vmem_shared>> -> memref<640x16xf32, #tpu.memory_space<vmem_shared>>
      tpu.wait_dma2 semaphore(%run_scoped3A : memref<!tpu.dma_semaphore, #tpu.memory_space<semaphore_mem>>) src(%arg7 : memref<640x16xf32, #tpu.memory_space<hbm>>) dst(%dma_wait3A_12 : memref<640x16xf32, #tpu.memory_space<vmem_shared>>)
      tpu.yield
    }) : () -> ()
    "tpu.region"() ({
      %run_scoped3A = tpu.sem_alloc : memref<!tpu.dma_semaphore, #tpu.memory_space<semaphore_mem>>
      %dma_start3A = arith.constant 0 : i32
      %dma_start3A_11 = tpu.memref_slice %arg9[%mul3A_0, %dma_start3A] : memref<10240x16xf32, #tpu.memory_space<vmem_shared>> -> memref<640x16xf32, #tpu.memory_space<vmem_shared>>
      %dma_start3A_12 = arith.constant 0 : i32
      %dma_start3A_13 = tpu.memref_slice %arg9[%mul3A_0, %dma_start3A_12] : memref<10240x16xf32, #tpu.memory_space<vmem_shared>> -> memref<640x16xf32, #tpu.memory_space<vmem_shared>>
      tpu.enqueue_dma source(%arg23 : memref<640x16xf32, #tpu.memory_space<vmem>>) target(%dma_start3A_13 : memref<640x16xf32, #tpu.memory_space<vmem_shared>>) target_semaphore(%run_scoped3A : memref<!tpu.dma_semaphore, #tpu.memory_space<semaphore_mem>>)
      %dma_wait3A = arith.constant 0 : i32
      %dma_wait3A_14 = tpu.memref_slice %arg9[%mul3A_0, %dma_wait3A] : memref<10240x16xf32, #tpu.memory_space<vmem_shared>> -> memref<640x16xf32, #tpu.memory_space<vmem_shared>>
      %dma_wait3A_15 = arith.constant 0 : i32
      %dma_wait3A_16 = tpu.memref_slice %arg9[%mul3A_0, %dma_wait3A_15] : memref<10240x16xf32, #tpu.memory_space<vmem_shared>> -> memref<640x16xf32, #tpu.memory_space<vmem_shared>>
      tpu.wait_dma2 semaphore(%run_scoped3A : memref<!tpu.dma_semaphore, #tpu.memory_space<semaphore_mem>>) src(%arg23 : memref<640x16xf32, #tpu.memory_space<vmem>>) dst(%dma_wait3A_16 : memref<640x16xf32, #tpu.memory_space<vmem_shared>>)
      tpu.yield
    }) : () -> ()
    %barrier3A = arith.constant 0 : index
    tpu.barrier barrier_id(%barrier3A)
    %scan3A_6 = arith.constant 0 : i32
    %scan3A_7 = arith.constant 5 : i32
    %scan3A_8 = arith.addi %scan3A_6, %scan3A_7 : i32
    %scan3A_9 = arith.constant 1 : i32
    scf.for %scan3A_11 = %scan3A_6 to %scan3A_8 step %scan3A_9  : i32 {
      %mul3A_12 = arith.constant 1 : i32
      %mul3A_13 = arith.muli %scan3A_11, %mul3A_12 : i32
      %add3A = arith.constant 0 : i32
      %add3A_14 = arith.addi %add3A, %mul3A_13 : i32
      %mul3A_15 = arith.constant 2 : i32
      %mul3A_16 = arith.muli %mul3A_15, %add3A_14 : i32
      %dma_start3A = arith.constant 0 : i32
      %dma_start3A_17 = arith.constant 0 : i32
      %dma_start3A_18 = tpu.memref_slice %arg12[%dma_start3A, %dma_start3A_17] : memref<160x128xi32, #tpu.memory_space<vmem>> -> memref<1x128xi32, #tpu.memory_space<vmem>>
      %dma_start3A_19 = tpu.memref_squeeze %dma_start3A_18 : memref<1x128xi32, #tpu.memory_space<vmem>> -> memref<128xi32, #tpu.memory_space<vmem>>
      %dma_start3A_20 = arith.constant 0 : i32
      %dma_start3A_21 = arith.constant 0 : i32
      %dma_start3A_22 = tpu.memref_slice %arg9[%dma_start3A_20, %dma_start3A_21] : memref<10240x16xf32, #tpu.memory_space<vmem_shared>> -> memref<10240x16xf32, #tpu.memory_space<vmem_shared>>
      tpu.enqueue_indirect_dma source(%dma_start3A_22 : memref<10240x16xf32, #tpu.memory_space<vmem_shared>>) target(%arg15 : memref<128x16xf32, #tpu.memory_space<vmem>>) offsets(%dma_start3A_19 : memref<128xi32, #tpu.memory_space<vmem>>) semaphore(%arg26 : memref<!tpu.dma_semaphore, #tpu.memory_space<semaphore_mem>>)
      %dma_start3A_23 = arith.constant 1 : i32
      %dma_start3A_24 = arith.constant 0 : i32
      %dma_start3A_25 = tpu.memref_slice %arg12[%dma_start3A_23, %dma_start3A_24] : memref<160x128xi32, #tpu.memory_space<vmem>> -> memref<1x128xi32, #tpu.memory_space<vmem>>
      %dma_start3A_26 = tpu.memref_squeeze %dma_start3A_25 : memref<1x128xi32, #tpu.memory_space<vmem>> -> memref<128xi32, #tpu.memory_space<vmem>>
      %dma_start3A_27 = arith.constant 0 : i32
      %dma_start3A_28 = arith.constant 0 : i32
      %dma_start3A_29 = tpu.memref_slice %arg9[%dma_start3A_27, %dma_start3A_28] : memref<10240x16xf32, #tpu.memory_space<vmem_shared>> -> memref<10240x16xf32, #tpu.memory_space<vmem_shared>>
      tpu.enqueue_indirect_dma source(%dma_start3A_29 : memref<10240x16xf32, #tpu.memory_space<vmem_shared>>) target(%arg16 : memref<128x16xf32, #tpu.memory_space<vmem>>) offsets(%dma_start3A_26 : memref<128xi32, #tpu.memory_space<vmem>>) semaphore(%arg27 : memref<!tpu.dma_semaphore, #tpu.memory_space<semaphore_mem>>)
      %dma_start3A_30 = arith.constant 2 : i32
      %dma_start3A_31 = arith.constant 0 : i32
      %dma_start3A_32 = tpu.memref_slice %arg12[%dma_start3A_30, %dma_start3A_31] : memref<160x128xi32, #tpu.memory_space<vmem>> -> memref<1x128xi32, #tpu.memory_space<vmem>>
      %dma_start3A_33 = tpu.memref_squeeze %dma_start3A_32 : memref<1x128xi32, #tpu.memory_space<vmem>> -> memref<128xi32, #tpu.memory_space<vmem>>
      %dma_start3A_34 = arith.constant 0 : i32
      %dma_start3A_35 = arith.constant 0 : i32
      %dma_start3A_36 = tpu.memref_slice %arg9[%dma_start3A_34, %dma_start3A_35] : memref<10240x16xf32, #tpu.memory_space<vmem_shared>> -> memref<10240x16xf32, #tpu.memory_space<vmem_shared>>
      tpu.enqueue_indirect_dma source(%dma_start3A_36 : memref<10240x16xf32, #tpu.memory_space<vmem_shared>>) target(%arg17 : memref<128x16xf32, #tpu.memory_space<vmem>>) offsets(%dma_start3A_33 : memref<128xi32, #tpu.memory_space<vmem>>) semaphore(%arg28 : memref<!tpu.dma_semaphore, #tpu.memory_space<semaphore_mem>>)
      %dma_start3A_37 = arith.constant 3 : i32
      %dma_start3A_38 = arith.constant 0 : i32
      %dma_start3A_39 = tpu.memref_slice %arg12[%dma_start3A_37, %dma_start3A_38] : memref<160x128xi32, #tpu.memory_space<vmem>> -> memref<1x128xi32, #tpu.memory_space<vmem>>
      %dma_start3A_40 = tpu.memref_squeeze %dma_start3A_39 : memref<1x128xi32, #tpu.memory_space<vmem>> -> memref<128xi32, #tpu.memory_space<vmem>>
      %dma_start3A_41 = arith.constant 0 : i32
      %dma_start3A_42 = arith.constant 0 : i32
      %dma_start3A_43 = tpu.memref_slice %arg9[%dma_start3A_41, %dma_start3A_42] : memref<10240x16xf32, #tpu.memory_space<vmem_shared>> -> memref<10240x16xf32, #tpu.memory_space<vmem_shared>>
      tpu.enqueue_indirect_dma source(%dma_start3A_43 : memref<10240x16xf32, #tpu.memory_space<vmem_shared>>) target(%arg18 : memref<128x16xf32, #tpu.memory_space<vmem>>) offsets(%dma_start3A_40 : memref<128xi32, #tpu.memory_space<vmem>>) semaphore(%arg29 : memref<!tpu.dma_semaphore, #tpu.memory_space<semaphore_mem>>)
      %scan3A_44 = arith.constant 0 : i32
      %scan3A_45 = arith.constant 40 : i32
      %scan3A_46 = arith.addi %scan3A_44, %scan3A_45 : i32
      %scan3A_47 = arith.constant 1 : i32
      scf.for %scan3A_187 = %scan3A_44 to %scan3A_46 step %scan3A_47  : i32 {
        %mul3A_188 = arith.constant 1 : i32
        %mul3A_189 = arith.muli %scan3A_187, %mul3A_188 : i32
        %add3A_190 = arith.constant 0 : i32
        %add3A_191 = arith.addi %add3A_190, %mul3A_189 : i32
        %mul3A_192 = arith.constant 4 : i32
        %mul3A_193 = arith.muli %add3A_191, %mul3A_192 : i32
        %add3A_194 = arith.constant 0 : i32
        %add3A_195 = arith.addi %mul3A_193, %add3A_194 : i32
        %dma_wait3A_196 = arith.constant 0 : i32
        %dma_wait3A_197 = tpu.memref_slice %arg12[%add3A_195, %dma_wait3A_196] : memref<160x128xi32, #tpu.memory_space<vmem>> -> memref<1x128xi32, #tpu.memory_space<vmem>>
        %dma_wait3A_198 = tpu.memref_squeeze %dma_wait3A_197 : memref<1x128xi32, #tpu.memory_space<vmem>> -> memref<128xi32, #tpu.memory_space<vmem>>
        %dma_wait3A_199 = arith.constant 0 : i32
        %dma_wait3A_200 = arith.constant 0 : i32
        %dma_wait3A_201 = tpu.memref_slice %arg9[%dma_wait3A_199, %dma_wait3A_200] : memref<10240x16xf32, #tpu.memory_space<vmem_shared>> -> memref<10240x16xf32, #tpu.memory_space<vmem_shared>>
        tpu.wait_indirect_dma semaphore(%arg26 : memref<!tpu.dma_semaphore, #tpu.memory_space<semaphore_mem>>) src(%dma_wait3A_201 : memref<10240x16xf32, #tpu.memory_space<vmem_shared>>) dst(%arg15 : memref<128x16xf32, #tpu.memory_space<vmem>>)
        %gt3A = arith.constant 0 : i32
        %gt3A_202 = arith.cmpi sgt, %add3A_191, %gt3A : i32
        %convert_element_type3A = arith.extui %gt3A_202 : i1 to i32
        %cond3A = arith.constant 0 : i32
        %cond3A_203 = arith.cmpi ne, %convert_element_type3A, %cond3A : i32
        scf.if %cond3A_203 {
          %dma_wait3A_311 = arith.constant 0 : i32
          %dma_wait3A_312 = tpu.memref_slice %arg13[%add3A_195, %dma_wait3A_311] : memref<160x128xi32, #tpu.memory_space<vmem>> -> memref<1x128xi32, #tpu.memory_space<vmem>>
          %dma_wait3A_313 = tpu.memref_squeeze %dma_wait3A_312 : memref<1x128xi32, #tpu.memory_space<vmem>> -> memref<128xi32, #tpu.memory_space<vmem>>
          %dma_wait3A_314 = arith.constant 0 : i32
          %dma_wait3A_315 = arith.constant 0 : i32
          %dma_wait3A_316 = tpu.memref_slice %arg11[%dma_wait3A_314, %dma_wait3A_315] : memref<10240x16xf32, #tpu.memory_space<vmem_shared>> -> memref<10240x16xf32, #tpu.memory_space<vmem_shared>>
          tpu.wait_indirect_dma semaphore(%arg30 : memref<!tpu.dma_semaphore, #tpu.memory_space<semaphore_mem>>) src(%arg19 : memref<128x16xf32, #tpu.memory_space<vmem>>) dst(%dma_wait3A_316 : memref<10240x16xf32, #tpu.memory_space<vmem_shared>>)
        } else {
        }
        %mul3A_204 = arith.constant 128 : i32
        %mul3A_205 = arith.muli %add3A_195, %mul3A_204 : i32
        %parallel_loop3A = arith.constant 0 : i32
        %parallel_loop3A_206 = arith.constant 128 : i32
        %parallel_loop3A_207 = arith.constant 1 : i32
        scf.for %parallel_loop3A_311 = %parallel_loop3A to %parallel_loop3A_206 step %parallel_loop3A_207  : i32 {
          %parallel_loop3A_312 = arith.addi %mul3A_205, %parallel_loop3A_311 : i32
          %parallel_loop3A_313 = vector.broadcast %parallel_loop3A_312 : i32 to vector<16xi32>
          %parallel_loop3A_314 = tpu.vector_load_idx %arg14[%parallel_loop3A_313] : memref<20480xf32, #tpu.memory_space<vmem>>[vector<16xi32>], vector<16xf32>,
          %parallel_loop3A_315 = arith.index_cast %parallel_loop3A_311 : i32 to index
          %parallel_loop3A_316 = arith.constant 0 : index
          %parallel_loop3A_317 = tpu.vector_load %arg15[%parallel_loop3A_315, %parallel_loop3A_316] {strides = array<i32>} : memref<128x16xf32, #tpu.memory_space<vmem>>, vector<16xf32>,
          %parallel_loop3A_318 = arith.mulf %parallel_loop3A_317, %parallel_loop3A_314 : vector<16xf32>
          %parallel_loop3A_319 = arith.index_cast %parallel_loop3A_311 : i32 to index
          %parallel_loop3A_320 = arith.constant 0 : index
          %parallel_loop3A_321 = tpu.vector_load %arg19[%parallel_loop3A_319, %parallel_loop3A_320] {strides = array<i32>} : memref<128x16xf32, #tpu.memory_space<vmem>>, vector<16xf32>,
          tpu.vector_store %arg19[%parallel_loop3A_319, %parallel_loop3A_320], %parallel_loop3A_318 {strides = array<i32>} : memref<128x16xf32, #tpu.memory_space<vmem>>, vector<16xf32>,
        } {sc.loop_unroll_factor = 16 : i64, sc.parallel_access}
        %lt3A = arith.constant 39 : i32
        %lt3A_208 = arith.cmpi slt, %add3A_191, %lt3A : i32
        %convert_element_type3A_209 = arith.extui %lt3A_208 : i1 to i32
        %cond3A_210 = arith.constant 0 : i32
        %cond3A_211 = arith.cmpi ne, %convert_element_type3A_209, %cond3A_210 : i32
        scf.if %cond3A_211 {
          %add3A_311 = arith.constant 4 : i32
          %add3A_312 = arith.addi %add3A_195, %add3A_311 : i32
          %dma_start3A_313 = arith.constant 0 : i32
          %dma_start3A_314 = tpu.memref_slice %arg12[%add3A_312, %dma_start3A_313] : memref<160x128xi32, #tpu.memory_space<vmem>> -> memref<1x128xi32, #tpu.memory_space<vmem>>
          %dma_start3A_315 = tpu.memref_squeeze %dma_start3A_314 : memref<1x128xi32, #tpu.memory_space<vmem>> -> memref<128xi32, #tpu.memory_space<vmem>>
          %dma_start3A_316 = arith.constant 0 : i32
          %dma_start3A_317 = arith.constant 0 : i32
          %dma_start3A_318 = tpu.memref_slice %arg9[%dma_start3A_316, %dma_start3A_317] : memref<10240x16xf32, #tpu.memory_space<vmem_shared>> -> memref<10240x16xf32, #tpu.memory_space<vmem_shared>>
          tpu.enqueue_indirect_dma source(%dma_start3A_318 : memref<10240x16xf32, #tpu.memory_space<vmem_shared>>) target(%arg15 : memref<128x16xf32, #tpu.memory_space<vmem>>) offsets(%dma_start3A_315 : memref<128xi32, #tpu.memory_space<vmem>>) semaphore(%arg26 : memref<!tpu.dma_semaphore, #tpu.memory_space<semaphore_mem>>)
        } else {
        }
        %dma_start3A_212 = arith.constant 0 : i32
        %dma_start3A_213 = tpu.memref_slice %arg13[%add3A_195, %dma_start3A_212] : memref<160x128xi32, #tpu.memory_space<vmem>> -> memref<1x128xi32, #tpu.memory_space<vmem>>
        %dma_start3A_214 = tpu.memref_squeeze %dma_start3A_213 : memref<1x128xi32, #tpu.memory_space<vmem>> -> memref<128xi32, #tpu.memory_space<vmem>>
        %dma_start3A_215 = arith.constant 0 : i32
        %dma_start3A_216 = arith.constant 0 : i32
        %dma_start3A_217 = tpu.memref_slice %arg11[%dma_start3A_215, %dma_start3A_216] : memref<10240x16xf32, #tpu.memory_space<vmem_shared>> -> memref<10240x16xf32, #tpu.memory_space<vmem_shared>>
        tpu.enqueue_indirect_dma source(%arg19 : memref<128x16xf32, #tpu.memory_space<vmem>>) target(%dma_start3A_217 : memref<10240x16xf32, #tpu.memory_space<vmem_shared>>) offsets(%dma_start3A_214 : memref<128xi32, #tpu.memory_space<vmem>>) semaphore(%arg30 : memref<!tpu.dma_semaphore, #tpu.memory_space<semaphore_mem>>) {add = true}
        %mul3A_218 = arith.constant 4 : i32
        %mul3A_219 = arith.muli %add3A_191, %mul3A_218 : i32
        %add3A_220 = arith.constant 1 : i32
        %add3A_221 = arith.addi %mul3A_219, %add3A_220 : i32
        %dma_wait3A_222 = arith.constant 0 : i32
        %dma_wait3A_223 = tpu.memref_slice %arg12[%add3A_221, %dma_wait3A_222] : memref<160x128xi32, #tpu.memory_space<vmem>> -> memref<1x128xi32, #tpu.memory_space<vmem>>
        %dma_wait3A_224 = tpu.memref_squeeze %dma_wait3A_223 : memref<1x128xi32, #tpu.memory_space<vmem>> -> memref<128xi32, #tpu.memory_space<vmem>>
        %dma_wait3A_225 = arith.constant 0 : i32
        %dma_wait3A_226 = arith.constant 0 : i32
        %dma_wait3A_227 = tpu.memref_slice %arg9[%dma_wait3A_225, %dma_wait3A_226] : memref<10240x16xf32, #tpu.memory_space<vmem_shared>> -> memref<10240x16xf32, #tpu.memory_space<vmem_shared>>
        tpu.wait_indirect_dma semaphore(%arg27 : memref<!tpu.dma_semaphore, #tpu.memory_space<semaphore_mem>>) src(%dma_wait3A_227 : memref<10240x16xf32, #tpu.memory_space<vmem_shared>>) dst(%arg16 : memref<128x16xf32, #tpu.memory_space<vmem>>)
        %gt3A_228 = arith.constant 0 : i32
        %gt3A_229 = arith.cmpi sgt, %add3A_191, %gt3A_228 : i32
        %convert_element_type3A_230 = arith.extui %gt3A_229 : i1 to i32
        %cond3A_231 = arith.constant 0 : i32
        %cond3A_232 = arith.cmpi ne, %convert_element_type3A_230, %cond3A_231 : i32
        scf.if %cond3A_232 {
          %dma_wait3A_311 = arith.constant 0 : i32
          %dma_wait3A_312 = tpu.memref_slice %arg13[%add3A_221, %dma_wait3A_311] : memref<160x128xi32, #tpu.memory_space<vmem>> -> memref<1x128xi32, #tpu.memory_space<vmem>>
          %dma_wait3A_313 = tpu.memref_squeeze %dma_wait3A_312 : memref<1x128xi32, #tpu.memory_space<vmem>> -> memref<128xi32, #tpu.memory_space<vmem>>
          %dma_wait3A_314 = arith.constant 0 : i32
          %dma_wait3A_315 = arith.constant 0 : i32
          %dma_wait3A_316 = tpu.memref_slice %arg11[%dma_wait3A_314, %dma_wait3A_315] : memref<10240x16xf32, #tpu.memory_space<vmem_shared>> -> memref<10240x16xf32, #tpu.memory_space<vmem_shared>>
          tpu.wait_indirect_dma semaphore(%arg31 : memref<!tpu.dma_semaphore, #tpu.memory_space<semaphore_mem>>) src(%arg20 : memref<128x16xf32, #tpu.memory_space<vmem>>) dst(%dma_wait3A_316 : memref<10240x16xf32, #tpu.memory_space<vmem_shared>>)
        } else {
        }
        %mul3A_233 = arith.constant 128 : i32
        %mul3A_234 = arith.muli %add3A_221, %mul3A_233 : i32
        %parallel_loop3A_235 = arith.constant 0 : i32
        %parallel_loop3A_236 = arith.constant 128 : i32
        %parallel_loop3A_237 = arith.constant 1 : i32
        scf.for %parallel_loop3A_311 = %parallel_loop3A_235 to %parallel_loop3A_236 step %parallel_loop3A_237  : i32 {
          %parallel_loop3A_312 = arith.addi %mul3A_234, %parallel_loop3A_311 : i32
          %parallel_loop3A_313 = vector.broadcast %parallel_loop3A_312 : i32 to vector<16xi32>
          %parallel_loop3A_314 = tpu.vector_load_idx %arg14[%parallel_loop3A_313] : memref<20480xf32, #tpu.memory_space<vmem>>[vector<16xi32>], vector<16xf32>,
          %parallel_loop3A_315 = arith.index_cast %parallel_loop3A_311 : i32 to index
          %parallel_loop3A_316 = arith.constant 0 : index
          %parallel_loop3A_317 = tpu.vector_load %arg16[%parallel_loop3A_315, %parallel_loop3A_316] {strides = array<i32>} : memref<128x16xf32, #tpu.memory_space<vmem>>, vector<16xf32>,
          %parallel_loop3A_318 = arith.mulf %parallel_loop3A_317, %parallel_loop3A_314 : vector<16xf32>
          %parallel_loop3A_319 = arith.index_cast %parallel_loop3A_311 : i32 to index
          %parallel_loop3A_320 = arith.constant 0 : index
          %parallel_loop3A_321 = tpu.vector_load %arg20[%parallel_loop3A_319, %parallel_loop3A_320] {strides = array<i32>} : memref<128x16xf32, #tpu.memory_space<vmem>>, vector<16xf32>,
          tpu.vector_store %arg20[%parallel_loop3A_319, %parallel_loop3A_320], %parallel_loop3A_318 {strides = array<i32>} : memref<128x16xf32, #tpu.memory_space<vmem>>, vector<16xf32>,
        } {sc.loop_unroll_factor = 16 : i64, sc.parallel_access}
        %lt3A_238 = arith.constant 39 : i32
        %lt3A_239 = arith.cmpi slt, %add3A_191, %lt3A_238 : i32
        %convert_element_type3A_240 = arith.extui %lt3A_239 : i1 to i32
        %cond3A_241 = arith.constant 0 : i32
        %cond3A_242 = arith.cmpi ne, %convert_element_type3A_240, %cond3A_241 : i32
        scf.if %cond3A_242 {
          %add3A_311 = arith.constant 4 : i32
          %add3A_312 = arith.addi %add3A_221, %add3A_311 : i32
          %dma_start3A_313 = arith.constant 0 : i32
          %dma_start3A_314 = tpu.memref_slice %arg12[%add3A_312, %dma_start3A_313] : memref<160x128xi32, #tpu.memory_space<vmem>> -> memref<1x128xi32, #tpu.memory_space<vmem>>
          %dma_start3A_315 = tpu.memref_squeeze %dma_start3A_314 : memref<1x128xi32, #tpu.memory_space<vmem>> -> memref<128xi32, #tpu.memory_space<vmem>>
          %dma_start3A_316 = arith.constant 0 : i32
          %dma_start3A_317 = arith.constant 0 : i32
          %dma_start3A_318 = tpu.memref_slice %arg9[%dma_start3A_316, %dma_start3A_317] : memref<10240x16xf32, #tpu.memory_space<vmem_shared>> -> memref<10240x16xf32, #tpu.memory_space<vmem_shared>>
          tpu.enqueue_indirect_dma source(%dma_start3A_318 : memref<10240x16xf32, #tpu.memory_space<vmem_shared>>) target(%arg16 : memref<128x16xf32, #tpu.memory_space<vmem>>) offsets(%dma_start3A_315 : memref<128xi32, #tpu.memory_space<vmem>>) semaphore(%arg27 : memref<!tpu.dma_semaphore, #tpu.memory_space<semaphore_mem>>)
        } else {
        }
        %dma_start3A_243 = arith.constant 0 : i32
        %dma_start3A_244 = tpu.memref_slice %arg13[%add3A_221, %dma_start3A_243] : memref<160x128xi32, #tpu.memory_space<vmem>> -> memref<1x128xi32, #tpu.memory_space<vmem>>
        %dma_start3A_245 = tpu.memref_squeeze %dma_start3A_244 : memref<1x128xi32, #tpu.memory_space<vmem>> -> memref<128xi32, #tpu.memory_space<vmem>>
        %dma_start3A_246 = arith.constant 0 : i32
        %dma_start3A_247 = arith.constant 0 : i32
        %dma_start3A_248 = tpu.memref_slice %arg11[%dma_start3A_246, %dma_start3A_247] : memref<10240x16xf32, #tpu.memory_space<vmem_shared>> -> memref<10240x16xf32, #tpu.memory_space<vmem_shared>>
        tpu.enqueue_indirect_dma source(%arg20 : memref<128x16xf32, #tpu.memory_space<vmem>>) target(%dma_start3A_248 : memref<10240x16xf32, #tpu.memory_space<vmem_shared>>) offsets(%dma_start3A_245 : memref<128xi32, #tpu.memory_space<vmem>>) semaphore(%arg31 : memref<!tpu.dma_semaphore, #tpu.memory_space<semaphore_mem>>) {add = true}
        %mul3A_249 = arith.constant 4 : i32
        %mul3A_250 = arith.muli %add3A_191, %mul3A_249 : i32
        %add3A_251 = arith.constant 2 : i32
        %add3A_252 = arith.addi %mul3A_250, %add3A_251 : i32
        %dma_wait3A_253 = arith.constant 0 : i32
        %dma_wait3A_254 = tpu.memref_slice %arg12[%add3A_252, %dma_wait3A_253] : memref<160x128xi32, #tpu.memory_space<vmem>> -> memref<1x128xi32, #tpu.memory_space<vmem>>
        %dma_wait3A_255 = tpu.memref_squeeze %dma_wait3A_254 : memref<1x128xi32, #tpu.memory_space<vmem>> -> memref<128xi32, #tpu.memory_space<vmem>>
        %dma_wait3A_256 = arith.constant 0 : i32
        %dma_wait3A_257 = arith.constant 0 : i32
        %dma_wait3A_258 = tpu.memref_slice %arg9[%dma_wait3A_256, %dma_wait3A_257] : memref<10240x16xf32, #tpu.memory_space<vmem_shared>> -> memref<10240x16xf32, #tpu.memory_space<vmem_shared>>
        tpu.wait_indirect_dma semaphore(%arg28 : memref<!tpu.dma_semaphore, #tpu.memory_space<semaphore_mem>>) src(%dma_wait3A_258 : memref<10240x16xf32, #tpu.memory_space<vmem_shared>>) dst(%arg17 : memref<128x16xf32, #tpu.memory_space<vmem>>)
        %gt3A_259 = arith.constant 0 : i32
        %gt3A_260 = arith.cmpi sgt, %add3A_191, %gt3A_259 : i32
        %convert_element_type3A_261 = arith.extui %gt3A_260 : i1 to i32
        %cond3A_262 = arith.constant 0 : i32
        %cond3A_263 = arith.cmpi ne, %convert_element_type3A_261, %cond3A_262 : i32
        scf.if %cond3A_263 {
          %dma_wait3A_311 = arith.constant 0 : i32
          %dma_wait3A_312 = tpu.memref_slice %arg13[%add3A_252, %dma_wait3A_311] : memref<160x128xi32, #tpu.memory_space<vmem>> -> memref<1x128xi32, #tpu.memory_space<vmem>>
          %dma_wait3A_313 = tpu.memref_squeeze %dma_wait3A_312 : memref<1x128xi32, #tpu.memory_space<vmem>> -> memref<128xi32, #tpu.memory_space<vmem>>
          %dma_wait3A_314 = arith.constant 0 : i32
          %dma_wait3A_315 = arith.constant 0 : i32
          %dma_wait3A_316 = tpu.memref_slice %arg11[%dma_wait3A_314, %dma_wait3A_315] : memref<10240x16xf32, #tpu.memory_space<vmem_shared>> -> memref<10240x16xf32, #tpu.memory_space<vmem_shared>>
          tpu.wait_indirect_dma semaphore(%arg32 : memref<!tpu.dma_semaphore, #tpu.memory_space<semaphore_mem>>) src(%arg21 : memref<128x16xf32, #tpu.memory_space<vmem>>) dst(%dma_wait3A_316 : memref<10240x16xf32, #tpu.memory_space<vmem_shared>>)
        } else {
        }
        %mul3A_264 = arith.constant 128 : i32
        %mul3A_265 = arith.muli %add3A_252, %mul3A_264 : i32
        %parallel_loop3A_266 = arith.constant 0 : i32
        %parallel_loop3A_267 = arith.constant 128 : i32
        %parallel_loop3A_268 = arith.constant 1 : i32
        scf.for %parallel_loop3A_311 = %parallel_loop3A_266 to %parallel_loop3A_267 step %parallel_loop3A_268  : i32 {
          %parallel_loop3A_312 = arith.addi %mul3A_265, %parallel_loop3A_311 : i32
          %parallel_loop3A_313 = vector.broadcast %parallel_loop3A_312 : i32 to vector<16xi32>
          %parallel_loop3A_314 = tpu.vector_load_idx %arg14[%parallel_loop3A_313] : memref<20480xf32, #tpu.memory_space<vmem>>[vector<16xi32>], vector<16xf32>,
          %parallel_loop3A_315 = arith.index_cast %parallel_loop3A_311 : i32 to index
          %parallel_loop3A_316 = arith.constant 0 : index
          %parallel_loop3A_317 = tpu.vector_load %arg17[%parallel_loop3A_315, %parallel_loop3A_316] {strides = array<i32>} : memref<128x16xf32, #tpu.memory_space<vmem>>, vector<16xf32>,
          %parallel_loop3A_318 = arith.mulf %parallel_loop3A_317, %parallel_loop3A_314 : vector<16xf32>
          %parallel_loop3A_319 = arith.index_cast %parallel_loop3A_311 : i32 to index
          %parallel_loop3A_320 = arith.constant 0 : index
          %parallel_loop3A_321 = tpu.vector_load %arg21[%parallel_loop3A_319, %parallel_loop3A_320] {strides = array<i32>} : memref<128x16xf32, #tpu.memory_space<vmem>>, vector<16xf32>,
          tpu.vector_store %arg21[%parallel_loop3A_319, %parallel_loop3A_320], %parallel_loop3A_318 {strides = array<i32>} : memref<128x16xf32, #tpu.memory_space<vmem>>, vector<16xf32>,
        } {sc.loop_unroll_factor = 16 : i64, sc.parallel_access}
        %lt3A_269 = arith.constant 39 : i32
        %lt3A_270 = arith.cmpi slt, %add3A_191, %lt3A_269 : i32
        %convert_element_type3A_271 = arith.extui %lt3A_270 : i1 to i32
        %cond3A_272 = arith.constant 0 : i32
        %cond3A_273 = arith.cmpi ne, %convert_element_type3A_271, %cond3A_272 : i32
        scf.if %cond3A_273 {
          %add3A_311 = arith.constant 4 : i32
          %add3A_312 = arith.addi %add3A_252, %add3A_311 : i32
          %dma_start3A_313 = arith.constant 0 : i32
          %dma_start3A_314 = tpu.memref_slice %arg12[%add3A_312, %dma_start3A_313] : memref<160x128xi32, #tpu.memory_space<vmem>> -> memref<1x128xi32, #tpu.memory_space<vmem>>
          %dma_start3A_315 = tpu.memref_squeeze %dma_start3A_314 : memref<1x128xi32, #tpu.memory_space<vmem>> -> memref<128xi32, #tpu.memory_space<vmem>>
          %dma_start3A_316 = arith.constant 0 : i32
          %dma_start3A_317 = arith.constant 0 : i32
          %dma_start3A_318 = tpu.memref_slice %arg9[%dma_start3A_316, %dma_start3A_317] : memref<10240x16xf32, #tpu.memory_space<vmem_shared>> -> memref<10240x16xf32, #tpu.memory_space<vmem_shared>>
          tpu.enqueue_indirect_dma source(%dma_start3A_318 : memref<10240x16xf32, #tpu.memory_space<vmem_shared>>) target(%arg17 : memref<128x16xf32, #tpu.memory_space<vmem>>) offsets(%dma_start3A_315 : memref<128xi32, #tpu.memory_space<vmem>>) semaphore(%arg28 : memref<!tpu.dma_semaphore, #tpu.memory_space<semaphore_mem>>)
        } else {
        }
        %dma_start3A_274 = arith.constant 0 : i32
        %dma_start3A_275 = tpu.memref_slice %arg13[%add3A_252, %dma_start3A_274] : memref<160x128xi32, #tpu.memory_space<vmem>> -> memref<1x128xi32, #tpu.memory_space<vmem>>
        %dma_start3A_276 = tpu.memref_squeeze %dma_start3A_275 : memref<1x128xi32, #tpu.memory_space<vmem>> -> memref<128xi32, #tpu.memory_space<vmem>>
        %dma_start3A_277 = arith.constant 0 : i32
        %dma_start3A_278 = arith.constant 0 : i32
        %dma_start3A_279 = tpu.memref_slice %arg11[%dma_start3A_277, %dma_start3A_278] : memref<10240x16xf32, #tpu.memory_space<vmem_shared>> -> memref<10240x16xf32, #tpu.memory_space<vmem_shared>>
        tpu.enqueue_indirect_dma source(%arg21 : memref<128x16xf32, #tpu.memory_space<vmem>>) target(%dma_start3A_279 : memref<10240x16xf32, #tpu.memory_space<vmem_shared>>) offsets(%dma_start3A_276 : memref<128xi32, #tpu.memory_space<vmem>>) semaphore(%arg32 : memref<!tpu.dma_semaphore, #tpu.memory_space<semaphore_mem>>) {add = true}
        %mul3A_280 = arith.constant 4 : i32
        %mul3A_281 = arith.muli %add3A_191, %mul3A_280 : i32
        %add3A_282 = arith.constant 3 : i32
        %add3A_283 = arith.addi %mul3A_281, %add3A_282 : i32
        %dma_wait3A_284 = arith.constant 0 : i32
        %dma_wait3A_285 = tpu.memref_slice %arg12[%add3A_283, %dma_wait3A_284] : memref<160x128xi32, #tpu.memory_space<vmem>> -> memref<1x128xi32, #tpu.memory_space<vmem>>
        %dma_wait3A_286 = tpu.memref_squeeze %dma_wait3A_285 : memref<1x128xi32, #tpu.memory_space<vmem>> -> memref<128xi32, #tpu.memory_space<vmem>>
        %dma_wait3A_287 = arith.constant 0 : i32
        %dma_wait3A_288 = arith.constant 0 : i32
        %dma_wait3A_289 = tpu.memref_slice %arg9[%dma_wait3A_287, %dma_wait3A_288] : memref<10240x16xf32, #tpu.memory_space<vmem_shared>> -> memref<10240x16xf32, #tpu.memory_space<vmem_shared>>
        tpu.wait_indirect_dma semaphore(%arg29 : memref<!tpu.dma_semaphore, #tpu.memory_space<semaphore_mem>>) src(%dma_wait3A_289 : memref<10240x16xf32, #tpu.memory_space<vmem_shared>>) dst(%arg18 : memref<128x16xf32, #tpu.memory_space<vmem>>)
        %gt3A_290 = arith.constant 0 : i32
        %gt3A_291 = arith.cmpi sgt, %add3A_191, %gt3A_290 : i32
        %convert_element_type3A_292 = arith.extui %gt3A_291 : i1 to i32
        %cond3A_293 = arith.constant 0 : i32
        %cond3A_294 = arith.cmpi ne, %convert_element_type3A_292, %cond3A_293 : i32
        scf.if %cond3A_294 {
          %dma_wait3A_311 = arith.constant 0 : i32
          %dma_wait3A_312 = tpu.memref_slice %arg13[%add3A_283, %dma_wait3A_311] : memref<160x128xi32, #tpu.memory_space<vmem>> -> memref<1x128xi32, #tpu.memory_space<vmem>>
          %dma_wait3A_313 = tpu.memref_squeeze %dma_wait3A_312 : memref<1x128xi32, #tpu.memory_space<vmem>> -> memref<128xi32, #tpu.memory_space<vmem>>
          %dma_wait3A_314 = arith.constant 0 : i32
          %dma_wait3A_315 = arith.constant 0 : i32
          %dma_wait3A_316 = tpu.memref_slice %arg11[%dma_wait3A_314, %dma_wait3A_315] : memref<10240x16xf32, #tpu.memory_space<vmem_shared>> -> memref<10240x16xf32, #tpu.memory_space<vmem_shared>>
          tpu.wait_indirect_dma semaphore(%arg33 : memref<!tpu.dma_semaphore, #tpu.memory_space<semaphore_mem>>) src(%arg22 : memref<128x16xf32, #tpu.memory_space<vmem>>) dst(%dma_wait3A_316 : memref<10240x16xf32, #tpu.memory_space<vmem_shared>>)
        } else {
        }
        %mul3A_295 = arith.constant 128 : i32
        %mul3A_296 = arith.muli %add3A_283, %mul3A_295 : i32
        %parallel_loop3A_297 = arith.constant 0 : i32
        %parallel_loop3A_298 = arith.constant 128 : i32
        %parallel_loop3A_299 = arith.constant 1 : i32
        scf.for %parallel_loop3A_311 = %parallel_loop3A_297 to %parallel_loop3A_298 step %parallel_loop3A_299  : i32 {
          %parallel_loop3A_312 = arith.addi %mul3A_296, %parallel_loop3A_311 : i32
          %parallel_loop3A_313 = vector.broadcast %parallel_loop3A_312 : i32 to vector<16xi32>
          %parallel_loop3A_314 = tpu.vector_load_idx %arg14[%parallel_loop3A_313] : memref<20480xf32, #tpu.memory_space<vmem>>[vector<16xi32>], vector<16xf32>,
          %parallel_loop3A_315 = arith.index_cast %parallel_loop3A_311 : i32 to index
          %parallel_loop3A_316 = arith.constant 0 : index
          %parallel_loop3A_317 = tpu.vector_load %arg18[%parallel_loop3A_315, %parallel_loop3A_316] {strides = array<i32>} : memref<128x16xf32, #tpu.memory_space<vmem>>, vector<16xf32>,
          %parallel_loop3A_318 = arith.mulf %parallel_loop3A_317, %parallel_loop3A_314 : vector<16xf32>
          %parallel_loop3A_319 = arith.index_cast %parallel_loop3A_311 : i32 to index
          %parallel_loop3A_320 = arith.constant 0 : index
          %parallel_loop3A_321 = tpu.vector_load %arg22[%parallel_loop3A_319, %parallel_loop3A_320] {strides = array<i32>} : memref<128x16xf32, #tpu.memory_space<vmem>>, vector<16xf32>,
          tpu.vector_store %arg22[%parallel_loop3A_319, %parallel_loop3A_320], %parallel_loop3A_318 {strides = array<i32>} : memref<128x16xf32, #tpu.memory_space<vmem>>, vector<16xf32>,
        } {sc.loop_unroll_factor = 16 : i64, sc.parallel_access}
        %lt3A_300 = arith.constant 39 : i32
        %lt3A_301 = arith.cmpi slt, %add3A_191, %lt3A_300 : i32
        %convert_element_type3A_302 = arith.extui %lt3A_301 : i1 to i32
        %cond3A_303 = arith.constant 0 : i32
        %cond3A_304 = arith.cmpi ne, %convert_element_type3A_302, %cond3A_303 : i32
        scf.if %cond3A_304 {
          %add3A_311 = arith.constant 4 : i32
          %add3A_312 = arith.addi %add3A_283, %add3A_311 : i32
          %dma_start3A_313 = arith.constant 0 : i32
          %dma_start3A_314 = tpu.memref_slice %arg12[%add3A_312, %dma_start3A_313] : memref<160x128xi32, #tpu.memory_space<vmem>> -> memref<1x128xi32, #tpu.memory_space<vmem>>
          %dma_start3A_315 = tpu.memref_squeeze %dma_start3A_314 : memref<1x128xi32, #tpu.memory_space<vmem>> -> memref<128xi32, #tpu.memory_space<vmem>>
          %dma_start3A_316 = arith.constant 0 : i32
          %dma_start3A_317 = arith.constant 0 : i32
          %dma_start3A_318 = tpu.memref_slice %arg9[%dma_start3A_316, %dma_start3A_317] : memref<10240x16xf32, #tpu.memory_space<vmem_shared>> -> memref<10240x16xf32, #tpu.memory_space<vmem_shared>>
          tpu.enqueue_indirect_dma source(%dma_start3A_318 : memref<10240x16xf32, #tpu.memory_space<vmem_shared>>) target(%arg18 : memref<128x16xf32, #tpu.memory_space<vmem>>) offsets(%dma_start3A_315 : memref<128xi32, #tpu.memory_space<vmem>>) semaphore(%arg29 : memref<!tpu.dma_semaphore, #tpu.memory_space<semaphore_mem>>)
        } else {
        }
        %dma_start3A_305 = arith.constant 0 : i32
        %dma_start3A_306 = tpu.memref_slice %arg13[%add3A_283, %dma_start3A_305] : memref<160x128xi32, #tpu.memory_space<vmem>> -> memref<1x128xi32, #tpu.memory_space<vmem>>
        %dma_start3A_307 = tpu.memref_squeeze %dma_start3A_306 : memref<1x128xi32, #tpu.memory_space<vmem>> -> memref<128xi32, #tpu.memory_space<vmem>>
        %dma_start3A_308 = arith.constant 0 : i32
        %dma_start3A_309 = arith.constant 0 : i32
        %dma_start3A_310 = tpu.memref_slice %arg11[%dma_start3A_308, %dma_start3A_309] : memref<10240x16xf32, #tpu.memory_space<vmem_shared>> -> memref<10240x16xf32, #tpu.memory_space<vmem_shared>>
        tpu.enqueue_indirect_dma source(%arg22 : memref<128x16xf32, #tpu.memory_space<vmem>>) target(%dma_start3A_310 : memref<10240x16xf32, #tpu.memory_space<vmem_shared>>) offsets(%dma_start3A_307 : memref<128xi32, #tpu.memory_space<vmem>>) semaphore(%arg33 : memref<!tpu.dma_semaphore, #tpu.memory_space<semaphore_mem>>) {add = true}
      }
      %scan3A_48 = arith.constant 40 : i32
      %dma_wait3A = arith.constant 156 : i32
      %dma_wait3A_49 = arith.constant 0 : i32
      %dma_wait3A_50 = tpu.memref_slice %arg13[%dma_wait3A, %dma_wait3A_49] : memref<160x128xi32, #tpu.memory_space<vmem>> -> memref<1x128xi32, #tpu.memory_space<vmem>>
      %dma_wait3A_51 = tpu.memref_squeeze %dma_wait3A_50 : memref<1x128xi32, #tpu.memory_space<vmem>> -> memref<128xi32, #tpu.memory_space<vmem>>
      %dma_wait3A_52 = arith.constant 0 : i32
      %dma_wait3A_53 = arith.constant 0 : i32
      %dma_wait3A_54 = tpu.memref_slice %arg11[%dma_wait3A_52, %dma_wait3A_53] : memref<10240x16xf32, #tpu.memory_space<vmem_shared>> -> memref<10240x16xf32, #tpu.memory_space<vmem_shared>>
      tpu.wait_indirect_dma semaphore(%arg30 : memref<!tpu.dma_semaphore, #tpu.memory_space<semaphore_mem>>) src(%arg19 : memref<128x16xf32, #tpu.memory_space<vmem>>) dst(%dma_wait3A_54 : memref<10240x16xf32, #tpu.memory_space<vmem_shared>>)
      %dma_wait3A_55 = arith.constant 157 : i32
      %dma_wait3A_56 = arith.constant 0 : i32
      %dma_wait3A_57 = tpu.memref_slice %arg13[%dma_wait3A_55, %dma_wait3A_56] : memref<160x128xi32, #tpu.memory_space<vmem>> -> memref<1x128xi32, #tpu.memory_space<vmem>>
      %dma_wait3A_58 = tpu.memref_squeeze %dma_wait3A_57 : memref<1x128xi32, #tpu.memory_space<vmem>> -> memref<128xi32, #tpu.memory_space<vmem>>
      %dma_wait3A_59 = arith.constant 0 : i32
      %dma_wait3A_60 = arith.constant 0 : i32
      %dma_wait3A_61 = tpu.memref_slice %arg11[%dma_wait3A_59, %dma_wait3A_60] : memref<10240x16xf32, #tpu.memory_space<vmem_shared>> -> memref<10240x16xf32, #tpu.memory_space<vmem_shared>>
      tpu.wait_indirect_dma semaphore(%arg31 : memref<!tpu.dma_semaphore, #tpu.memory_space<semaphore_mem>>) src(%arg20 : memref<128x16xf32, #tpu.memory_space<vmem>>) dst(%dma_wait3A_61 : memref<10240x16xf32, #tpu.memory_space<vmem_shared>>)
      %dma_wait3A_62 = arith.constant 158 : i32
      %dma_wait3A_63 = arith.constant 0 : i32
      %dma_wait3A_64 = tpu.memref_slice %arg13[%dma_wait3A_62, %dma_wait3A_63] : memref<160x128xi32, #tpu.memory_space<vmem>> -> memref<1x128xi32, #tpu.memory_space<vmem>>
      %dma_wait3A_65 = tpu.memref_squeeze %dma_wait3A_64 : memref<1x128xi32, #tpu.memory_space<vmem>> -> memref<128xi32, #tpu.memory_space<vmem>>
      %dma_wait3A_66 = arith.constant 0 : i32
      %dma_wait3A_67 = arith.constant 0 : i32
      %dma_wait3A_68 = tpu.memref_slice %arg11[%dma_wait3A_66, %dma_wait3A_67] : memref<10240x16xf32, #tpu.memory_space<vmem_shared>> -> memref<10240x16xf32, #tpu.memory_space<vmem_shared>>
      tpu.wait_indirect_dma semaphore(%arg32 : memref<!tpu.dma_semaphore, #tpu.memory_space<semaphore_mem>>) src(%arg21 : memref<128x16xf32, #tpu.memory_space<vmem>>) dst(%dma_wait3A_68 : memref<10240x16xf32, #tpu.memory_space<vmem_shared>>)
      %dma_wait3A_69 = arith.constant 159 : i32
      %dma_wait3A_70 = arith.constant 0 : i32
      %dma_wait3A_71 = tpu.memref_slice %arg13[%dma_wait3A_69, %dma_wait3A_70] : memref<160x128xi32, #tpu.memory_space<vmem>> -> memref<1x128xi32, #tpu.memory_space<vmem>>
      %dma_wait3A_72 = tpu.memref_squeeze %dma_wait3A_71 : memref<1x128xi32, #tpu.memory_space<vmem>> -> memref<128xi32, #tpu.memory_space<vmem>>
      %dma_wait3A_73 = arith.constant 0 : i32
      %dma_wait3A_74 = arith.constant 0 : i32
      %dma_wait3A_75 = tpu.memref_slice %arg11[%dma_wait3A_73, %dma_wait3A_74] : memref<10240x16xf32, #tpu.memory_space<vmem_shared>> -> memref<10240x16xf32, #tpu.memory_space<vmem_shared>>
      tpu.wait_indirect_dma semaphore(%arg33 : memref<!tpu.dma_semaphore, #tpu.memory_space<semaphore_mem>>) src(%arg22 : memref<128x16xf32, #tpu.memory_space<vmem>>) dst(%dma_wait3A_75 : memref<10240x16xf32, #tpu.memory_space<vmem_shared>>)
      %barrier3A_76 = arith.constant 0 : index
      tpu.barrier barrier_id(%barrier3A_76)
      "tpu.region"() ({
        %run_scoped3A = tpu.sem_alloc : memref<!tpu.dma_semaphore, #tpu.memory_space<semaphore_mem>>
        %dma_start3A_187 = arith.constant 0 : i32
        %dma_start3A_188 = tpu.memref_slice %arg11[%mul3A_0, %dma_start3A_187] : memref<10240x16xf32, #tpu.memory_space<vmem_shared>> -> memref<640x16xf32, #tpu.memory_space<vmem_shared>>
        %dma_start3A_189 = arith.constant 0 : i32
        %dma_start3A_190 = tpu.memref_slice %arg11[%mul3A_0, %dma_start3A_189] : memref<10240x16xf32, #tpu.memory_space<vmem_shared>> -> memref<640x16xf32, #tpu.memory_space<vmem_shared>>
        tpu.enqueue_dma source(%dma_start3A_190 : memref<640x16xf32, #tpu.memory_space<vmem_shared>>) target(%arg23 : memref<640x16xf32, #tpu.memory_space<vmem>>) target_semaphore(%run_scoped3A : memref<!tpu.dma_semaphore, #tpu.memory_space<semaphore_mem>>)
        %dma_wait3A_191 = arith.constant 0 : i32
        %dma_wait3A_192 = tpu.memref_slice %arg11[%mul3A_0, %dma_wait3A_191] : memref<10240x16xf32, #tpu.memory_space<vmem_shared>> -> memref<640x16xf32, #tpu.memory_space<vmem_shared>>
        %dma_wait3A_193 = arith.constant 0 : i32
        %dma_wait3A_194 = tpu.memref_slice %arg11[%mul3A_0, %dma_wait3A_193] : memref<10240x16xf32, #tpu.memory_space<vmem_shared>> -> memref<640x16xf32, #tpu.memory_space<vmem_shared>>
        tpu.wait_dma2 semaphore(%run_scoped3A : memref<!tpu.dma_semaphore, #tpu.memory_space<semaphore_mem>>) src(%dma_wait3A_194 : memref<640x16xf32, #tpu.memory_space<vmem_shared>>) dst(%arg23 : memref<640x16xf32, #tpu.memory_space<vmem>>)
        tpu.yield
      }) : () -> ()
      %add3A_77 = arith.constant 1 : i32
      %add3A_78 = arith.addi %mul3A_16, %add3A_77 : i32
      %broadcast_in_dim3A_79 = vector.broadcast %add3A_78 : i32 to vector<16xi32>
      %gather3A_80 = tpu.vector_load_idx %arg25[%broadcast_in_dim3A_79] : memref<16xf32, #tpu.memory_space<vmem>>[vector<16xi32>], vector<16xf32>,
      %dma_start3A_81 = arith.constant 0 : i32
      %dma_start3A_82 = tpu.memref_slice %arg10[%mul3A_0, %dma_start3A_81] : memref<10240x16xf32, #tpu.memory_space<vmem_shared>> -> memref<640x16xf32, #tpu.memory_space<vmem_shared>>
      %dma_start3A_83 = arith.constant 0 : i32
      %dma_start3A_84 = tpu.memref_slice %arg10[%mul3A_0, %dma_start3A_83] : memref<10240x16xf32, #tpu.memory_space<vmem_shared>> -> memref<640x16xf32, #tpu.memory_space<vmem_shared>>
      tpu.enqueue_dma source(%arg23 : memref<640x16xf32, #tpu.memory_space<vmem>>) target(%dma_start3A_84 : memref<640x16xf32, #tpu.memory_space<vmem_shared>>) target_semaphore(%arg34 : memref<!tpu.dma_semaphore, #tpu.memory_space<semaphore_mem>>)
      %dma_start3A_85 = arith.constant 0 : i32
      %dma_start3A_86 = tpu.memref_slice %arg11[%mul3A_0, %dma_start3A_85] : memref<10240x16xf32, #tpu.memory_space<vmem_shared>> -> memref<640x16xf32, #tpu.memory_space<vmem_shared>>
      tpu.enqueue_dma source(%arg7 : memref<640x16xf32, #tpu.memory_space<hbm>>) target(%dma_start3A_86 : memref<640x16xf32, #tpu.memory_space<vmem_shared>>) target_semaphore(%arg35 : memref<!tpu.dma_semaphore, #tpu.memory_space<semaphore_mem>>)
      %scan3A_87 = arith.constant 0 : i32
      %scan3A_88 = arith.constant 640 : i32
      %scan3A_89 = arith.addi %scan3A_87, %scan3A_88 : i32
      %scan3A_90 = arith.constant 16 : i32
      scf.for %scan3A_187 = %scan3A_87 to %scan3A_89 step %scan3A_90  : i32 {
        %mul3A_188 = arith.constant 1 : i32
        %mul3A_189 = arith.muli %scan3A_187, %mul3A_188 : i32
        %add3A_190 = arith.constant 0 : i32
        %add3A_191 = arith.addi %add3A_190, %mul3A_189 : i32
        %get3A = arith.index_cast %add3A_191 : i32 to index
        %get3A_192 = arith.constant 0 : index
        %get3A_193 = tpu.vector_load %arg24[%get3A, %get3A_192] {strides = array<i32>} : memref<640x16xf32, #tpu.memory_space<vmem>>, vector<16xf32>,
        %get3A_194 = arith.index_cast %add3A_191 : i32 to index
        %get3A_195 = arith.constant 0 : index
        %get3A_196 = tpu.vector_load %arg23[%get3A_194, %get3A_195] {strides = array<i32>} : memref<640x16xf32, #tpu.memory_space<vmem>>, vector<16xf32>,
        %mul3A_197 = arith.mulf %get3A_196, %gather3A_80 : vector<16xf32>
        %add3A_198 = arith.addf %get3A_193, %mul3A_197 : vector<16xf32>
        %swap3A = arith.index_cast %add3A_191 : i32 to index
        %swap3A_199 = arith.constant 0 : index
        %swap3A_200 = tpu.vector_load %arg24[%swap3A, %swap3A_199] {strides = array<i32>} : memref<640x16xf32, #tpu.memory_space<vmem>>, vector<16xf32>,
        tpu.vector_store %arg24[%swap3A, %swap3A_199], %add3A_198 {strides = array<i32>} : memref<640x16xf32, #tpu.memory_space<vmem>>, vector<16xf32>,
        %scan3A_201 = arith.constant 1 : i32
        %scan3A_202 = arith.addi %scan3A_187, %scan3A_201 : i32
        %mul3A_203 = arith.constant 1 : i32
        %mul3A_204 = arith.muli %scan3A_202, %mul3A_203 : i32
        %add3A_205 = arith.constant 0 : i32
        %add3A_206 = arith.addi %add3A_205, %mul3A_204 : i32
        %get3A_207 = arith.index_cast %add3A_206 : i32 to index
        %get3A_208 = arith.constant 0 : index
        %get3A_209 = tpu.vector_load %arg24[%get3A_207, %get3A_208] {strides = array<i32>} : memref<640x16xf32, #tpu.memory_space<vmem>>, vector<16xf32>,
        %get3A_210 = arith.index_cast %add3A_206 : i32 to index
        %get3A_211 = arith.constant 0 : index
        %get3A_212 = tpu.vector_load %arg23[%get3A_210, %get3A_211] {strides = array<i32>} : memref<640x16xf32, #tpu.memory_space<vmem>>, vector<16xf32>,
        %mul3A_213 = arith.mulf %get3A_212, %gather3A_80 : vector<16xf32>
        %add3A_214 = arith.addf %get3A_209, %mul3A_213 : vector<16xf32>
        %swap3A_215 = arith.index_cast %add3A_206 : i32 to index
        %swap3A_216 = arith.constant 0 : index
        %swap3A_217 = tpu.vector_load %arg24[%swap3A_215, %swap3A_216] {strides = array<i32>} : memref<640x16xf32, #tpu.memory_space<vmem>>, vector<16xf32>,
        tpu.vector_store %arg24[%swap3A_215, %swap3A_216], %add3A_214 {strides = array<i32>} : memref<640x16xf32, #tpu.memory_space<vmem>>, vector<16xf32>,
        %scan3A_218 = arith.constant 2 : i32
        %scan3A_219 = arith.addi %scan3A_187, %scan3A_218 : i32
        %mul3A_220 = arith.constant 1 : i32
        %mul3A_221 = arith.muli %scan3A_219, %mul3A_220 : i32
        %add3A_222 = arith.constant 0 : i32
        %add3A_223 = arith.addi %add3A_222, %mul3A_221 : i32
        %get3A_224 = arith.index_cast %add3A_223 : i32 to index
        %get3A_225 = arith.constant 0 : index
        %get3A_226 = tpu.vector_load %arg24[%get3A_224, %get3A_225] {strides = array<i32>} : memref<640x16xf32, #tpu.memory_space<vmem>>, vector<16xf32>,
        %get3A_227 = arith.index_cast %add3A_223 : i32 to index
        %get3A_228 = arith.constant 0 : index
        %get3A_229 = tpu.vector_load %arg23[%get3A_227, %get3A_228] {strides = array<i32>} : memref<640x16xf32, #tpu.memory_space<vmem>>, vector<16xf32>,
        %mul3A_230 = arith.mulf %get3A_229, %gather3A_80 : vector<16xf32>
        %add3A_231 = arith.addf %get3A_226, %mul3A_230 : vector<16xf32>
        %swap3A_232 = arith.index_cast %add3A_223 : i32 to index
        %swap3A_233 = arith.constant 0 : index
        %swap3A_234 = tpu.vector_load %arg24[%swap3A_232, %swap3A_233] {strides = array<i32>} : memref<640x16xf32, #tpu.memory_space<vmem>>, vector<16xf32>,
        tpu.vector_store %arg24[%swap3A_232, %swap3A_233], %add3A_231 {strides = array<i32>} : memref<640x16xf32, #tpu.memory_space<vmem>>, vector<16xf32>,
        %scan3A_235 = arith.constant 3 : i32
        %scan3A_236 = arith.addi %scan3A_187, %scan3A_235 : i32
        %mul3A_237 = arith.constant 1 : i32
        %mul3A_238 = arith.muli %scan3A_236, %mul3A_237 : i32
        %add3A_239 = arith.constant 0 : i32
        %add3A_240 = arith.addi %add3A_239, %mul3A_238 : i32
        %get3A_241 = arith.index_cast %add3A_240 : i32 to index
        %get3A_242 = arith.constant 0 : index
        %get3A_243 = tpu.vector_load %arg24[%get3A_241, %get3A_242] {strides = array<i32>} : memref<640x16xf32, #tpu.memory_space<vmem>>, vector<16xf32>,
        %get3A_244 = arith.index_cast %add3A_240 : i32 to index
        %get3A_245 = arith.constant 0 : index
        %get3A_246 = tpu.vector_load %arg23[%get3A_244, %get3A_245] {strides = array<i32>} : memref<640x16xf32, #tpu.memory_space<vmem>>, vector<16xf32>,
        %mul3A_247 = arith.mulf %get3A_246, %gather3A_80 : vector<16xf32>
        %add3A_248 = arith.addf %get3A_243, %mul3A_247 : vector<16xf32>
        %swap3A_249 = arith.index_cast %add3A_240 : i32 to index
        %swap3A_250 = arith.constant 0 : index
        %swap3A_251 = tpu.vector_load %arg24[%swap3A_249, %swap3A_250] {strides = array<i32>} : memref<640x16xf32, #tpu.memory_space<vmem>>, vector<16xf32>,
        tpu.vector_store %arg24[%swap3A_249, %swap3A_250], %add3A_248 {strides = array<i32>} : memref<640x16xf32, #tpu.memory_space<vmem>>, vector<16xf32>,
        %scan3A_252 = arith.constant 4 : i32
        %scan3A_253 = arith.addi %scan3A_187, %scan3A_252 : i32
        %mul3A_254 = arith.constant 1 : i32
        %mul3A_255 = arith.muli %scan3A_253, %mul3A_254 : i32
        %add3A_256 = arith.constant 0 : i32
        %add3A_257 = arith.addi %add3A_256, %mul3A_255 : i32
        %get3A_258 = arith.index_cast %add3A_257 : i32 to index
        %get3A_259 = arith.constant 0 : index
        %get3A_260 = tpu.vector_load %arg24[%get3A_258, %get3A_259] {strides = array<i32>} : memref<640x16xf32, #tpu.memory_space<vmem>>, vector<16xf32>,
        %get3A_261 = arith.index_cast %add3A_257 : i32 to index
        %get3A_262 = arith.constant 0 : index
        %get3A_263 = tpu.vector_load %arg23[%get3A_261, %get3A_262] {strides = array<i32>} : memref<640x16xf32, #tpu.memory_space<vmem>>, vector<16xf32>,
        %mul3A_264 = arith.mulf %get3A_263, %gather3A_80 : vector<16xf32>
        %add3A_265 = arith.addf %get3A_260, %mul3A_264 : vector<16xf32>
        %swap3A_266 = arith.index_cast %add3A_257 : i32 to index
        %swap3A_267 = arith.constant 0 : index
        %swap3A_268 = tpu.vector_load %arg24[%swap3A_266, %swap3A_267] {strides = array<i32>} : memref<640x16xf32, #tpu.memory_space<vmem>>, vector<16xf32>,
        tpu.vector_store %arg24[%swap3A_266, %swap3A_267], %add3A_265 {strides = array<i32>} : memref<640x16xf32, #tpu.memory_space<vmem>>, vector<16xf32>,
        %scan3A_269 = arith.constant 5 : i32
        %scan3A_270 = arith.addi %scan3A_187, %scan3A_269 : i32
        %mul3A_271 = arith.constant 1 : i32
        %mul3A_272 = arith.muli %scan3A_270, %mul3A_271 : i32
        %add3A_273 = arith.constant 0 : i32
        %add3A_274 = arith.addi %add3A_273, %mul3A_272 : i32
        %get3A_275 = arith.index_cast %add3A_274 : i32 to index
        %get3A_276 = arith.constant 0 : index
        %get3A_277 = tpu.vector_load %arg24[%get3A_275, %get3A_276] {strides = array<i32>} : memref<640x16xf32, #tpu.memory_space<vmem>>, vector<16xf32>,
        %get3A_278 = arith.index_cast %add3A_274 : i32 to index
        %get3A_279 = arith.constant 0 : index
        %get3A_280 = tpu.vector_load %arg23[%get3A_278, %get3A_279] {strides = array<i32>} : memref<640x16xf32, #tpu.memory_space<vmem>>, vector<16xf32>,
        %mul3A_281 = arith.mulf %get3A_280, %gather3A_80 : vector<16xf32>
        %add3A_282 = arith.addf %get3A_277, %mul3A_281 : vector<16xf32>
        %swap3A_283 = arith.index_cast %add3A_274 : i32 to index
        %swap3A_284 = arith.constant 0 : index
        %swap3A_285 = tpu.vector_load %arg24[%swap3A_283, %swap3A_284] {strides = array<i32>} : memref<640x16xf32, #tpu.memory_space<vmem>>, vector<16xf32>,
        tpu.vector_store %arg24[%swap3A_283, %swap3A_284], %add3A_282 {strides = array<i32>} : memref<640x16xf32, #tpu.memory_space<vmem>>, vector<16xf32>,
        %scan3A_286 = arith.constant 6 : i32
        %scan3A_287 = arith.addi %scan3A_187, %scan3A_286 : i32
        %mul3A_288 = arith.constant 1 : i32
        %mul3A_289 = arith.muli %scan3A_287, %mul3A_288 : i32
        %add3A_290 = arith.constant 0 : i32
        %add3A_291 = arith.addi %add3A_290, %mul3A_289 : i32
        %get3A_292 = arith.index_cast %add3A_291 : i32 to index
        %get3A_293 = arith.constant 0 : index
        %get3A_294 = tpu.vector_load %arg24[%get3A_292, %get3A_293] {strides = array<i32>} : memref<640x16xf32, #tpu.memory_space<vmem>>, vector<16xf32>,
        %get3A_295 = arith.index_cast %add3A_291 : i32 to index
        %get3A_296 = arith.constant 0 : index
        %get3A_297 = tpu.vector_load %arg23[%get3A_295, %get3A_296] {strides = array<i32>} : memref<640x16xf32, #tpu.memory_space<vmem>>, vector<16xf32>,
        %mul3A_298 = arith.mulf %get3A_297, %gather3A_80 : vector<16xf32>
        %add3A_299 = arith.addf %get3A_294, %mul3A_298 : vector<16xf32>
        %swap3A_300 = arith.index_cast %add3A_291 : i32 to index
        %swap3A_301 = arith.constant 0 : index
        %swap3A_302 = tpu.vector_load %arg24[%swap3A_300, %swap3A_301] {strides = array<i32>} : memref<640x16xf32, #tpu.memory_space<vmem>>, vector<16xf32>,
        tpu.vector_store %arg24[%swap3A_300, %swap3A_301], %add3A_299 {strides = array<i32>} : memref<640x16xf32, #tpu.memory_space<vmem>>, vector<16xf32>,
        %scan3A_303 = arith.constant 7 : i32
        %scan3A_304 = arith.addi %scan3A_187, %scan3A_303 : i32
        %mul3A_305 = arith.constant 1 : i32
        %mul3A_306 = arith.muli %scan3A_304, %mul3A_305 : i32
        %add3A_307 = arith.constant 0 : i32
        %add3A_308 = arith.addi %add3A_307, %mul3A_306 : i32
        %get3A_309 = arith.index_cast %add3A_308 : i32 to index
        %get3A_310 = arith.constant 0 : index
        %get3A_311 = tpu.vector_load %arg24[%get3A_309, %get3A_310] {strides = array<i32>} : memref<640x16xf32, #tpu.memory_space<vmem>>, vector<16xf32>,
        %get3A_312 = arith.index_cast %add3A_308 : i32 to index
        %get3A_313 = arith.constant 0 : index
        %get3A_314 = tpu.vector_load %arg23[%get3A_312, %get3A_313] {strides = array<i32>} : memref<640x16xf32, #tpu.memory_space<vmem>>, vector<16xf32>,
        %mul3A_315 = arith.mulf %get3A_314, %gather3A_80 : vector<16xf32>
        %add3A_316 = arith.addf %get3A_311, %mul3A_315 : vector<16xf32>
        %swap3A_317 = arith.index_cast %add3A_308 : i32 to index
        %swap3A_318 = arith.constant 0 : index
        %swap3A_319 = tpu.vector_load %arg24[%swap3A_317, %swap3A_318] {strides = array<i32>} : memref<640x16xf32, #tpu.memory_space<vmem>>, vector<16xf32>,
        tpu.vector_store %arg24[%swap3A_317, %swap3A_318], %add3A_316 {strides = array<i32>} : memref<640x16xf32, #tpu.memory_space<vmem>>, vector<16xf32>,
        %scan3A_320 = arith.constant 8 : i32
        %scan3A_321 = arith.addi %scan3A_187, %scan3A_320 : i32
        %mul3A_322 = arith.constant 1 : i32
        %mul3A_323 = arith.muli %scan3A_321, %mul3A_322 : i32
        %add3A_324 = arith.constant 0 : i32
        %add3A_325 = arith.addi %add3A_324, %mul3A_323 : i32
        %get3A_326 = arith.index_cast %add3A_325 : i32 to index
        %get3A_327 = arith.constant 0 : index
        %get3A_328 = tpu.vector_load %arg24[%get3A_326, %get3A_327] {strides = array<i32>} : memref<640x16xf32, #tpu.memory_space<vmem>>, vector<16xf32>,
        %get3A_329 = arith.index_cast %add3A_325 : i32 to index
        %get3A_330 = arith.constant 0 : index
        %get3A_331 = tpu.vector_load %arg23[%get3A_329, %get3A_330] {strides = array<i32>} : memref<640x16xf32, #tpu.memory_space<vmem>>, vector<16xf32>,
        %mul3A_332 = arith.mulf %get3A_331, %gather3A_80 : vector<16xf32>
        %add3A_333 = arith.addf %get3A_328, %mul3A_332 : vector<16xf32>
        %swap3A_334 = arith.index_cast %add3A_325 : i32 to index
        %swap3A_335 = arith.constant 0 : index
        %swap3A_336 = tpu.vector_load %arg24[%swap3A_334, %swap3A_335] {strides = array<i32>} : memref<640x16xf32, #tpu.memory_space<vmem>>, vector<16xf32>,
        tpu.vector_store %arg24[%swap3A_334, %swap3A_335], %add3A_333 {strides = array<i32>} : memref<640x16xf32, #tpu.memory_space<vmem>>, vector<16xf32>,
        %scan3A_337 = arith.constant 9 : i32
        %scan3A_338 = arith.addi %scan3A_187, %scan3A_337 : i32
        %mul3A_339 = arith.constant 1 : i32
        %mul3A_340 = arith.muli %scan3A_338, %mul3A_339 : i32
        %add3A_341 = arith.constant 0 : i32
        %add3A_342 = arith.addi %add3A_341, %mul3A_340 : i32
        %get3A_343 = arith.index_cast %add3A_342 : i32 to index
        %get3A_344 = arith.constant 0 : index
        %get3A_345 = tpu.vector_load %arg24[%get3A_343, %get3A_344] {strides = array<i32>} : memref<640x16xf32, #tpu.memory_space<vmem>>, vector<16xf32>,
        %get3A_346 = arith.index_cast %add3A_342 : i32 to index
        %get3A_347 = arith.constant 0 : index
        %get3A_348 = tpu.vector_load %arg23[%get3A_346, %get3A_347] {strides = array<i32>} : memref<640x16xf32, #tpu.memory_space<vmem>>, vector<16xf32>,
        %mul3A_349 = arith.mulf %get3A_348, %gather3A_80 : vector<16xf32>
        %add3A_350 = arith.addf %get3A_345, %mul3A_349 : vector<16xf32>
        %swap3A_351 = arith.index_cast %add3A_342 : i32 to index
        %swap3A_352 = arith.constant 0 : index
        %swap3A_353 = tpu.vector_load %arg24[%swap3A_351, %swap3A_352] {strides = array<i32>} : memref<640x16xf32, #tpu.memory_space<vmem>>, vector<16xf32>,
        tpu.vector_store %arg24[%swap3A_351, %swap3A_352], %add3A_350 {strides = array<i32>} : memref<640x16xf32, #tpu.memory_space<vmem>>, vector<16xf32>,
        %scan3A_354 = arith.constant 10 : i32
        %scan3A_355 = arith.addi %scan3A_187, %scan3A_354 : i32
        %mul3A_356 = arith.constant 1 : i32
        %mul3A_357 = arith.muli %scan3A_355, %mul3A_356 : i32
        %add3A_358 = arith.constant 0 : i32
        %add3A_359 = arith.addi %add3A_358, %mul3A_357 : i32
        %get3A_360 = arith.index_cast %add3A_359 : i32 to index
        %get3A_361 = arith.constant 0 : index
        %get3A_362 = tpu.vector_load %arg24[%get3A_360, %get3A_361] {strides = array<i32>} : memref<640x16xf32, #tpu.memory_space<vmem>>, vector<16xf32>,
        %get3A_363 = arith.index_cast %add3A_359 : i32 to index
        %get3A_364 = arith.constant 0 : index
        %get3A_365 = tpu.vector_load %arg23[%get3A_363, %get3A_364] {strides = array<i32>} : memref<640x16xf32, #tpu.memory_space<vmem>>, vector<16xf32>,
        %mul3A_366 = arith.mulf %get3A_365, %gather3A_80 : vector<16xf32>
        %add3A_367 = arith.addf %get3A_362, %mul3A_366 : vector<16xf32>
        %swap3A_368 = arith.index_cast %add3A_359 : i32 to index
        %swap3A_369 = arith.constant 0 : index
        %swap3A_370 = tpu.vector_load %arg24[%swap3A_368, %swap3A_369] {strides = array<i32>} : memref<640x16xf32, #tpu.memory_space<vmem>>, vector<16xf32>,
        tpu.vector_store %arg24[%swap3A_368, %swap3A_369], %add3A_367 {strides = array<i32>} : memref<640x16xf32, #tpu.memory_space<vmem>>, vector<16xf32>,
        %scan3A_371 = arith.constant 11 : i32
        %scan3A_372 = arith.addi %scan3A_187, %scan3A_371 : i32
        %mul3A_373 = arith.constant 1 : i32
        %mul3A_374 = arith.muli %scan3A_372, %mul3A_373 : i32
        %add3A_375 = arith.constant 0 : i32
        %add3A_376 = arith.addi %add3A_375, %mul3A_374 : i32
        %get3A_377 = arith.index_cast %add3A_376 : i32 to index
        %get3A_378 = arith.constant 0 : index
        %get3A_379 = tpu.vector_load %arg24[%get3A_377, %get3A_378] {strides = array<i32>} : memref<640x16xf32, #tpu.memory_space<vmem>>, vector<16xf32>,
        %get3A_380 = arith.index_cast %add3A_376 : i32 to index
        %get3A_381 = arith.constant 0 : index
        %get3A_382 = tpu.vector_load %arg23[%get3A_380, %get3A_381] {strides = array<i32>} : memref<640x16xf32, #tpu.memory_space<vmem>>, vector<16xf32>,
        %mul3A_383 = arith.mulf %get3A_382, %gather3A_80 : vector<16xf32>
        %add3A_384 = arith.addf %get3A_379, %mul3A_383 : vector<16xf32>
        %swap3A_385 = arith.index_cast %add3A_376 : i32 to index
        %swap3A_386 = arith.constant 0 : index
        %swap3A_387 = tpu.vector_load %arg24[%swap3A_385, %swap3A_386] {strides = array<i32>} : memref<640x16xf32, #tpu.memory_space<vmem>>, vector<16xf32>,
        tpu.vector_store %arg24[%swap3A_385, %swap3A_386], %add3A_384 {strides = array<i32>} : memref<640x16xf32, #tpu.memory_space<vmem>>, vector<16xf32>,
        %scan3A_388 = arith.constant 12 : i32
        %scan3A_389 = arith.addi %scan3A_187, %scan3A_388 : i32
        %mul3A_390 = arith.constant 1 : i32
        %mul3A_391 = arith.muli %scan3A_389, %mul3A_390 : i32
        %add3A_392 = arith.constant 0 : i32
        %add3A_393 = arith.addi %add3A_392, %mul3A_391 : i32
        %get3A_394 = arith.index_cast %add3A_393 : i32 to index
        %get3A_395 = arith.constant 0 : index
        %get3A_396 = tpu.vector_load %arg24[%get3A_394, %get3A_395] {strides = array<i32>} : memref<640x16xf32, #tpu.memory_space<vmem>>, vector<16xf32>,
        %get3A_397 = arith.index_cast %add3A_393 : i32 to index
        %get3A_398 = arith.constant 0 : index
        %get3A_399 = tpu.vector_load %arg23[%get3A_397, %get3A_398] {strides = array<i32>} : memref<640x16xf32, #tpu.memory_space<vmem>>, vector<16xf32>,
        %mul3A_400 = arith.mulf %get3A_399, %gather3A_80 : vector<16xf32>
        %add3A_401 = arith.addf %get3A_396, %mul3A_400 : vector<16xf32>
        %swap3A_402 = arith.index_cast %add3A_393 : i32 to index
        %swap3A_403 = arith.constant 0 : index
        %swap3A_404 = tpu.vector_load %arg24[%swap3A_402, %swap3A_403] {strides = array<i32>} : memref<640x16xf32, #tpu.memory_space<vmem>>, vector<16xf32>,
        tpu.vector_store %arg24[%swap3A_402, %swap3A_403], %add3A_401 {strides = array<i32>} : memref<640x16xf32, #tpu.memory_space<vmem>>, vector<16xf32>,
        %scan3A_405 = arith.constant 13 : i32
        %scan3A_406 = arith.addi %scan3A_187, %scan3A_405 : i32
        %mul3A_407 = arith.constant 1 : i32
        %mul3A_408 = arith.muli %scan3A_406, %mul3A_407 : i32
        %add3A_409 = arith.constant 0 : i32
        %add3A_410 = arith.addi %add3A_409, %mul3A_408 : i32
        %get3A_411 = arith.index_cast %add3A_410 : i32 to index
        %get3A_412 = arith.constant 0 : index
        %get3A_413 = tpu.vector_load %arg24[%get3A_411, %get3A_412] {strides = array<i32>} : memref<640x16xf32, #tpu.memory_space<vmem>>, vector<16xf32>,
        %get3A_414 = arith.index_cast %add3A_410 : i32 to index
        %get3A_415 = arith.constant 0 : index
        %get3A_416 = tpu.vector_load %arg23[%get3A_414, %get3A_415] {strides = array<i32>} : memref<640x16xf32, #tpu.memory_space<vmem>>, vector<16xf32>,
        %mul3A_417 = arith.mulf %get3A_416, %gather3A_80 : vector<16xf32>
        %add3A_418 = arith.addf %get3A_413, %mul3A_417 : vector<16xf32>
        %swap3A_419 = arith.index_cast %add3A_410 : i32 to index
        %swap3A_420 = arith.constant 0 : index
        %swap3A_421 = tpu.vector_load %arg24[%swap3A_419, %swap3A_420] {strides = array<i32>} : memref<640x16xf32, #tpu.memory_space<vmem>>, vector<16xf32>,
        tpu.vector_store %arg24[%swap3A_419, %swap3A_420], %add3A_418 {strides = array<i32>} : memref<640x16xf32, #tpu.memory_space<vmem>>, vector<16xf32>,
        %scan3A_422 = arith.constant 14 : i32
        %scan3A_423 = arith.addi %scan3A_187, %scan3A_422 : i32
        %mul3A_424 = arith.constant 1 : i32
        %mul3A_425 = arith.muli %scan3A_423, %mul3A_424 : i32
        %add3A_426 = arith.constant 0 : i32
        %add3A_427 = arith.addi %add3A_426, %mul3A_425 : i32
        %get3A_428 = arith.index_cast %add3A_427 : i32 to index
        %get3A_429 = arith.constant 0 : index
        %get3A_430 = tpu.vector_load %arg24[%get3A_428, %get3A_429] {strides = array<i32>} : memref<640x16xf32, #tpu.memory_space<vmem>>, vector<16xf32>,
        %get3A_431 = arith.index_cast %add3A_427 : i32 to index
        %get3A_432 = arith.constant 0 : index
        %get3A_433 = tpu.vector_load %arg23[%get3A_431, %get3A_432] {strides = array<i32>} : memref<640x16xf32, #tpu.memory_space<vmem>>, vector<16xf32>,
        %mul3A_434 = arith.mulf %get3A_433, %gather3A_80 : vector<16xf32>
        %add3A_435 = arith.addf %get3A_430, %mul3A_434 : vector<16xf32>
        %swap3A_436 = arith.index_cast %add3A_427 : i32 to index
        %swap3A_437 = arith.constant 0 : index
        %swap3A_438 = tpu.vector_load %arg24[%swap3A_436, %swap3A_437] {strides = array<i32>} : memref<640x16xf32, #tpu.memory_space<vmem>>, vector<16xf32>,
        tpu.vector_store %arg24[%swap3A_436, %swap3A_437], %add3A_435 {strides = array<i32>} : memref<640x16xf32, #tpu.memory_space<vmem>>, vector<16xf32>,
        %scan3A_439 = arith.constant 15 : i32
        %scan3A_440 = arith.addi %scan3A_187, %scan3A_439 : i32
        %mul3A_441 = arith.constant 1 : i32
        %mul3A_442 = arith.muli %scan3A_440, %mul3A_441 : i32
        %add3A_443 = arith.constant 0 : i32
        %add3A_444 = arith.addi %add3A_443, %mul3A_442 : i32
        %get3A_445 = arith.index_cast %add3A_444 : i32 to index
        %get3A_446 = arith.constant 0 : index
        %get3A_447 = tpu.vector_load %arg24[%get3A_445, %get3A_446] {strides = array<i32>} : memref<640x16xf32, #tpu.memory_space<vmem>>, vector<16xf32>,
        %get3A_448 = arith.index_cast %add3A_444 : i32 to index
        %get3A_449 = arith.constant 0 : index
        %get3A_450 = tpu.vector_load %arg23[%get3A_448, %get3A_449] {strides = array<i32>} : memref<640x16xf32, #tpu.memory_space<vmem>>, vector<16xf32>,
        %mul3A_451 = arith.mulf %get3A_450, %gather3A_80 : vector<16xf32>
        %add3A_452 = arith.addf %get3A_447, %mul3A_451 : vector<16xf32>
        %swap3A_453 = arith.index_cast %add3A_444 : i32 to index
        %swap3A_454 = arith.constant 0 : index
        %swap3A_455 = tpu.vector_load %arg24[%swap3A_453, %swap3A_454] {strides = array<i32>} : memref<640x16xf32, #tpu.memory_space<vmem>>, vector<16xf32>,
        tpu.vector_store %arg24[%swap3A_453, %swap3A_454], %add3A_452 {strides = array<i32>} : memref<640x16xf32, #tpu.memory_space<vmem>>, vector<16xf32>,
      }
      %scan3A_91 = arith.constant 640 : i32
      %dma_wait3A_92 = arith.constant 0 : i32
      %dma_wait3A_93 = tpu.memref_slice %arg10[%mul3A_0, %dma_wait3A_92] : memref<10240x16xf32, #tpu.memory_space<vmem_shared>> -> memref<640x16xf32, #tpu.memory_space<vmem_shared>>
      %dma_wait3A_94 = arith.constant 0 : i32
      %dma_wait3A_95 = tpu.memref_slice %arg10[%mul3A_0, %dma_wait3A_94] : memref<10240x16xf32, #tpu.memory_space<vmem_shared>> -> memref<640x16xf32, #tpu.memory_space<vmem_shared>>
      tpu.wait_dma2 semaphore(%arg34 : memref<!tpu.dma_semaphore, #tpu.memory_space<semaphore_mem>>) src(%arg23 : memref<640x16xf32, #tpu.memory_space<vmem>>) dst(%dma_wait3A_95 : memref<640x16xf32, #tpu.memory_space<vmem_shared>>)
      %dma_wait3A_96 = arith.constant 0 : i32
      %dma_wait3A_97 = tpu.memref_slice %arg11[%mul3A_0, %dma_wait3A_96] : memref<10240x16xf32, #tpu.memory_space<vmem_shared>> -> memref<640x16xf32, #tpu.memory_space<vmem_shared>>
      tpu.wait_dma2 semaphore(%arg35 : memref<!tpu.dma_semaphore, #tpu.memory_space<semaphore_mem>>) src(%arg7 : memref<640x16xf32, #tpu.memory_space<hbm>>) dst(%dma_wait3A_97 : memref<640x16xf32, #tpu.memory_space<vmem_shared>>)
      %barrier3A_98 = arith.constant 0 : index
      tpu.barrier barrier_id(%barrier3A_98)
      %mul3A_99 = arith.constant 2 : i32
      %mul3A_100 = arith.muli %mul3A_99, %add3A_14 : i32
      %add3A_101 = arith.constant 1 : i32
      %add3A_102 = arith.addi %mul3A_100, %add3A_101 : i32
      %dma_start3A_103 = arith.constant 0 : i32
      %dma_start3A_104 = arith.constant 0 : i32
      %dma_start3A_105 = tpu.memref_slice %arg12[%dma_start3A_103, %dma_start3A_104] : memref<160x128xi32, #tpu.memory_space<vmem>> -> memref<1x128xi32, #tpu.memory_space<vmem>>
      %dma_start3A_106 = tpu.memref_squeeze %dma_start3A_105 : memref<1x128xi32, #tpu.memory_space<vmem>> -> memref<128xi32, #tpu.memory_space<vmem>>
      %dma_start3A_107 = arith.constant 0 : i32
      %dma_start3A_108 = arith.constant 0 : i32
      %dma_start3A_109 = tpu.memref_slice %arg10[%dma_start3A_107, %dma_start3A_108] : memref<10240x16xf32, #tpu.memory_space<vmem_shared>> -> memref<10240x16xf32, #tpu.memory_space<vmem_shared>>
      tpu.enqueue_indirect_dma source(%dma_start3A_109 : memref<10240x16xf32, #tpu.memory_space<vmem_shared>>) target(%arg15 : memref<128x16xf32, #tpu.memory_space<vmem>>) offsets(%dma_start3A_106 : memref<128xi32, #tpu.memory_space<vmem>>) semaphore(%arg26 : memref<!tpu.dma_semaphore, #tpu.memory_space<semaphore_mem>>)
      %dma_start3A_110 = arith.constant 1 : i32
      %dma_start3A_111 = arith.constant 0 : i32
      %dma_start3A_112 = tpu.memref_slice %arg12[%dma_start3A_110, %dma_start3A_111] : memref<160x128xi32, #tpu.memory_space<vmem>> -> memref<1x128xi32, #tpu.memory_space<vmem>>
      %dma_start3A_113 = tpu.memref_squeeze %dma_start3A_112 : memref<1x128xi32, #tpu.memory_space<vmem>> -> memref<128xi32, #tpu.memory_space<vmem>>
      %dma_start3A_114 = arith.constant 0 : i32
      %dma_start3A_115 = arith.constant 0 : i32
      %dma_start3A_116 = tpu.memref_slice %arg10[%dma_start3A_114, %dma_start3A_115] : memref<10240x16xf32, #tpu.memory_space<vmem_shared>> -> memref<10240x16xf32, #tpu.memory_space<vmem_shared>>
      tpu.enqueue_indirect_dma source(%dma_start3A_116 : memref<10240x16xf32, #tpu.memory_space<vmem_shared>>) target(%arg16 : memref<128x16xf32, #tpu.memory_space<vmem>>) offsets(%dma_start3A_113 : memref<128xi32, #tpu.memory_space<vmem>>) semaphore(%arg27 : memref<!tpu.dma_semaphore, #tpu.memory_space<semaphore_mem>>)
      %dma_start3A_117 = arith.constant 2 : i32
      %dma_start3A_118 = arith.constant 0 : i32
      %dma_start3A_119 = tpu.memref_slice %arg12[%dma_start3A_117, %dma_start3A_118] : memref<160x128xi32, #tpu.memory_space<vmem>> -> memref<1x128xi32, #tpu.memory_space<vmem>>
      %dma_start3A_120 = tpu.memref_squeeze %dma_start3A_119 : memref<1x128xi32, #tpu.memory_space<vmem>> -> memref<128xi32, #tpu.memory_space<vmem>>
      %dma_start3A_121 = arith.constant 0 : i32
      %dma_start3A_122 = arith.constant 0 : i32
      %dma_start3A_123 = tpu.memref_slice %arg10[%dma_start3A_121, %dma_start3A_122] : memref<10240x16xf32, #tpu.memory_space<vmem_shared>> -> memref<10240x16xf32, #tpu.memory_space<vmem_shared>>
      tpu.enqueue_indirect_dma source(%dma_start3A_123 : memref<10240x16xf32, #tpu.memory_space<vmem_shared>>) target(%arg17 : memref<128x16xf32, #tpu.memory_space<vmem>>) offsets(%dma_start3A_120 : memref<128xi32, #tpu.memory_space<vmem>>) semaphore(%arg28 : memref<!tpu.dma_semaphore, #tpu.memory_space<semaphore_mem>>)
      %dma_start3A_124 = arith.constant 3 : i32
      %dma_start3A_125 = arith.constant 0 : i32
      %dma_start3A_126 = tpu.memref_slice %arg12[%dma_start3A_124, %dma_start3A_125] : memref<160x128xi32, #tpu.memory_space<vmem>> -> memref<1x128xi32, #tpu.memory_space<vmem>>
      %dma_start3A_127 = tpu.memref_squeeze %dma_start3A_126 : memref<1x128xi32, #tpu.memory_space<vmem>> -> memref<128xi32, #tpu.memory_space<vmem>>
      %dma_start3A_128 = arith.constant 0 : i32
      %dma_start3A_129 = arith.constant 0 : i32
      %dma_start3A_130 = tpu.memref_slice %arg10[%dma_start3A_128, %dma_start3A_129] : memref<10240x16xf32, #tpu.memory_space<vmem_shared>> -> memref<10240x16xf32, #tpu.memory_space<vmem_shared>>
      tpu.enqueue_indirect_dma source(%dma_start3A_130 : memref<10240x16xf32, #tpu.memory_space<vmem_shared>>) target(%arg18 : memref<128x16xf32, #tpu.memory_space<vmem>>) offsets(%dma_start3A_127 : memref<128xi32, #tpu.memory_space<vmem>>) semaphore(%arg29 : memref<!tpu.dma_semaphore, #tpu.memory_space<semaphore_mem>>)
      %scan3A_131 = arith.constant 0 : i32
      %scan3A_132 = arith.constant 40 : i32
      %scan3A_133 = arith.addi %scan3A_131, %scan3A_132 : i32
      %scan3A_134 = arith.constant 1 : i32
      scf.for %scan3A_187 = %scan3A_131 to %scan3A_133 step %scan3A_134  : i32 {
        %mul3A_188 = arith.constant 1 : i32
        %mul3A_189 = arith.muli %scan3A_187, %mul3A_188 : i32
        %add3A_190 = arith.constant 0 : i32
        %add3A_191 = arith.addi %add3A_190, %mul3A_189 : i32
        %mul3A_192 = arith.constant 4 : i32
        %mul3A_193 = arith.muli %add3A_191, %mul3A_192 : i32
        %add3A_194 = arith.constant 0 : i32
        %add3A_195 = arith.addi %mul3A_193, %add3A_194 : i32
        %dma_wait3A_196 = arith.constant 0 : i32
        %dma_wait3A_197 = tpu.memref_slice %arg12[%add3A_195, %dma_wait3A_196] : memref<160x128xi32, #tpu.memory_space<vmem>> -> memref<1x128xi32, #tpu.memory_space<vmem>>
        %dma_wait3A_198 = tpu.memref_squeeze %dma_wait3A_197 : memref<1x128xi32, #tpu.memory_space<vmem>> -> memref<128xi32, #tpu.memory_space<vmem>>
        %dma_wait3A_199 = arith.constant 0 : i32
        %dma_wait3A_200 = arith.constant 0 : i32
        %dma_wait3A_201 = tpu.memref_slice %arg10[%dma_wait3A_199, %dma_wait3A_200] : memref<10240x16xf32, #tpu.memory_space<vmem_shared>> -> memref<10240x16xf32, #tpu.memory_space<vmem_shared>>
        tpu.wait_indirect_dma semaphore(%arg26 : memref<!tpu.dma_semaphore, #tpu.memory_space<semaphore_mem>>) src(%dma_wait3A_201 : memref<10240x16xf32, #tpu.memory_space<vmem_shared>>) dst(%arg15 : memref<128x16xf32, #tpu.memory_space<vmem>>)
        %gt3A = arith.constant 0 : i32
        %gt3A_202 = arith.cmpi sgt, %add3A_191, %gt3A : i32
        %convert_element_type3A = arith.extui %gt3A_202 : i1 to i32
        %cond3A = arith.constant 0 : i32
        %cond3A_203 = arith.cmpi ne, %convert_element_type3A, %cond3A : i32
        scf.if %cond3A_203 {
          %dma_wait3A_311 = arith.constant 0 : i32
          %dma_wait3A_312 = tpu.memref_slice %arg13[%add3A_195, %dma_wait3A_311] : memref<160x128xi32, #tpu.memory_space<vmem>> -> memref<1x128xi32, #tpu.memory_space<vmem>>
          %dma_wait3A_313 = tpu.memref_squeeze %dma_wait3A_312 : memref<1x128xi32, #tpu.memory_space<vmem>> -> memref<128xi32, #tpu.memory_space<vmem>>
          %dma_wait3A_314 = arith.constant 0 : i32
          %dma_wait3A_315 = arith.constant 0 : i32
          %dma_wait3A_316 = tpu.memref_slice %arg11[%dma_wait3A_314, %dma_wait3A_315] : memref<10240x16xf32, #tpu.memory_space<vmem_shared>> -> memref<10240x16xf32, #tpu.memory_space<vmem_shared>>
          tpu.wait_indirect_dma semaphore(%arg30 : memref<!tpu.dma_semaphore, #tpu.memory_space<semaphore_mem>>) src(%arg19 : memref<128x16xf32, #tpu.memory_space<vmem>>) dst(%dma_wait3A_316 : memref<10240x16xf32, #tpu.memory_space<vmem_shared>>)
        } else {
        }
        %mul3A_204 = arith.constant 128 : i32
        %mul3A_205 = arith.muli %add3A_195, %mul3A_204 : i32
        %parallel_loop3A = arith.constant 0 : i32
        %parallel_loop3A_206 = arith.constant 128 : i32
        %parallel_loop3A_207 = arith.constant 1 : i32
        scf.for %parallel_loop3A_311 = %parallel_loop3A to %parallel_loop3A_206 step %parallel_loop3A_207  : i32 {
          %parallel_loop3A_312 = arith.addi %mul3A_205, %parallel_loop3A_311 : i32
          %parallel_loop3A_313 = vector.broadcast %parallel_loop3A_312 : i32 to vector<16xi32>
          %parallel_loop3A_314 = tpu.vector_load_idx %arg14[%parallel_loop3A_313] : memref<20480xf32, #tpu.memory_space<vmem>>[vector<16xi32>], vector<16xf32>,
          %parallel_loop3A_315 = arith.index_cast %parallel_loop3A_311 : i32 to index
          %parallel_loop3A_316 = arith.constant 0 : index
          %parallel_loop3A_317 = tpu.vector_load %arg15[%parallel_loop3A_315, %parallel_loop3A_316] {strides = array<i32>} : memref<128x16xf32, #tpu.memory_space<vmem>>, vector<16xf32>,
          %parallel_loop3A_318 = arith.mulf %parallel_loop3A_317, %parallel_loop3A_314 : vector<16xf32>
          %parallel_loop3A_319 = arith.index_cast %parallel_loop3A_311 : i32 to index
          %parallel_loop3A_320 = arith.constant 0 : index
          %parallel_loop3A_321 = tpu.vector_load %arg19[%parallel_loop3A_319, %parallel_loop3A_320] {strides = array<i32>} : memref<128x16xf32, #tpu.memory_space<vmem>>, vector<16xf32>,
          tpu.vector_store %arg19[%parallel_loop3A_319, %parallel_loop3A_320], %parallel_loop3A_318 {strides = array<i32>} : memref<128x16xf32, #tpu.memory_space<vmem>>, vector<16xf32>,
        } {sc.loop_unroll_factor = 16 : i64, sc.parallel_access}
        %lt3A = arith.constant 39 : i32
        %lt3A_208 = arith.cmpi slt, %add3A_191, %lt3A : i32
        %convert_element_type3A_209 = arith.extui %lt3A_208 : i1 to i32
        %cond3A_210 = arith.constant 0 : i32
        %cond3A_211 = arith.cmpi ne, %convert_element_type3A_209, %cond3A_210 : i32
        scf.if %cond3A_211 {
          %add3A_311 = arith.constant 4 : i32
          %add3A_312 = arith.addi %add3A_195, %add3A_311 : i32
          %dma_start3A_313 = arith.constant 0 : i32
          %dma_start3A_314 = tpu.memref_slice %arg12[%add3A_312, %dma_start3A_313] : memref<160x128xi32, #tpu.memory_space<vmem>> -> memref<1x128xi32, #tpu.memory_space<vmem>>
          %dma_start3A_315 = tpu.memref_squeeze %dma_start3A_314 : memref<1x128xi32, #tpu.memory_space<vmem>> -> memref<128xi32, #tpu.memory_space<vmem>>
          %dma_start3A_316 = arith.constant 0 : i32
          %dma_start3A_317 = arith.constant 0 : i32
          %dma_start3A_318 = tpu.memref_slice %arg10[%dma_start3A_316, %dma_start3A_317] : memref<10240x16xf32, #tpu.memory_space<vmem_shared>> -> memref<10240x16xf32, #tpu.memory_space<vmem_shared>>
          tpu.enqueue_indirect_dma source(%dma_start3A_318 : memref<10240x16xf32, #tpu.memory_space<vmem_shared>>) target(%arg15 : memref<128x16xf32, #tpu.memory_space<vmem>>) offsets(%dma_start3A_315 : memref<128xi32, #tpu.memory_space<vmem>>) semaphore(%arg26 : memref<!tpu.dma_semaphore, #tpu.memory_space<semaphore_mem>>)
        } else {
        }
        %dma_start3A_212 = arith.constant 0 : i32
        %dma_start3A_213 = tpu.memref_slice %arg13[%add3A_195, %dma_start3A_212] : memref<160x128xi32, #tpu.memory_space<vmem>> -> memref<1x128xi32, #tpu.memory_space<vmem>>
        %dma_start3A_214 = tpu.memref_squeeze %dma_start3A_213 : memref<1x128xi32, #tpu.memory_space<vmem>> -> memref<128xi32, #tpu.memory_space<vmem>>
        %dma_start3A_215 = arith.constant 0 : i32
        %dma_start3A_216 = arith.constant 0 : i32
        %dma_start3A_217 = tpu.memref_slice %arg11[%dma_start3A_215, %dma_start3A_216] : memref<10240x16xf32, #tpu.memory_space<vmem_shared>> -> memref<10240x16xf32, #tpu.memory_space<vmem_shared>>
        tpu.enqueue_indirect_dma source(%arg19 : memref<128x16xf32, #tpu.memory_space<vmem>>) target(%dma_start3A_217 : memref<10240x16xf32, #tpu.memory_space<vmem_shared>>) offsets(%dma_start3A_214 : memref<128xi32, #tpu.memory_space<vmem>>) semaphore(%arg30 : memref<!tpu.dma_semaphore, #tpu.memory_space<semaphore_mem>>) {add = true}
        %mul3A_218 = arith.constant 4 : i32
        %mul3A_219 = arith.muli %add3A_191, %mul3A_218 : i32
        %add3A_220 = arith.constant 1 : i32
        %add3A_221 = arith.addi %mul3A_219, %add3A_220 : i32
        %dma_wait3A_222 = arith.constant 0 : i32
        %dma_wait3A_223 = tpu.memref_slice %arg12[%add3A_221, %dma_wait3A_222] : memref<160x128xi32, #tpu.memory_space<vmem>> -> memref<1x128xi32, #tpu.memory_space<vmem>>
        %dma_wait3A_224 = tpu.memref_squeeze %dma_wait3A_223 : memref<1x128xi32, #tpu.memory_space<vmem>> -> memref<128xi32, #tpu.memory_space<vmem>>
        %dma_wait3A_225 = arith.constant 0 : i32
        %dma_wait3A_226 = arith.constant 0 : i32
        %dma_wait3A_227 = tpu.memref_slice %arg10[%dma_wait3A_225, %dma_wait3A_226] : memref<10240x16xf32, #tpu.memory_space<vmem_shared>> -> memref<10240x16xf32, #tpu.memory_space<vmem_shared>>
        tpu.wait_indirect_dma semaphore(%arg27 : memref<!tpu.dma_semaphore, #tpu.memory_space<semaphore_mem>>) src(%dma_wait3A_227 : memref<10240x16xf32, #tpu.memory_space<vmem_shared>>) dst(%arg16 : memref<128x16xf32, #tpu.memory_space<vmem>>)
        %gt3A_228 = arith.constant 0 : i32
        %gt3A_229 = arith.cmpi sgt, %add3A_191, %gt3A_228 : i32
        %convert_element_type3A_230 = arith.extui %gt3A_229 : i1 to i32
        %cond3A_231 = arith.constant 0 : i32
        %cond3A_232 = arith.cmpi ne, %convert_element_type3A_230, %cond3A_231 : i32
        scf.if %cond3A_232 {
          %dma_wait3A_311 = arith.constant 0 : i32
          %dma_wait3A_312 = tpu.memref_slice %arg13[%add3A_221, %dma_wait3A_311] : memref<160x128xi32, #tpu.memory_space<vmem>> -> memref<1x128xi32, #tpu.memory_space<vmem>>
          %dma_wait3A_313 = tpu.memref_squeeze %dma_wait3A_312 : memref<1x128xi32, #tpu.memory_space<vmem>> -> memref<128xi32, #tpu.memory_space<vmem>>
          %dma_wait3A_314 = arith.constant 0 : i32
          %dma_wait3A_315 = arith.constant 0 : i32
          %dma_wait3A_316 = tpu.memref_slice %arg11[%dma_wait3A_314, %dma_wait3A_315] : memref<10240x16xf32, #tpu.memory_space<vmem_shared>> -> memref<10240x16xf32, #tpu.memory_space<vmem_shared>>
          tpu.wait_indirect_dma semaphore(%arg31 : memref<!tpu.dma_semaphore, #tpu.memory_space<semaphore_mem>>) src(%arg20 : memref<128x16xf32, #tpu.memory_space<vmem>>) dst(%dma_wait3A_316 : memref<10240x16xf32, #tpu.memory_space<vmem_shared>>)
        } else {
        }
        %mul3A_233 = arith.constant 128 : i32
        %mul3A_234 = arith.muli %add3A_221, %mul3A_233 : i32
        %parallel_loop3A_235 = arith.constant 0 : i32
        %parallel_loop3A_236 = arith.constant 128 : i32
        %parallel_loop3A_237 = arith.constant 1 : i32
        scf.for %parallel_loop3A_311 = %parallel_loop3A_235 to %parallel_loop3A_236 step %parallel_loop3A_237  : i32 {
          %parallel_loop3A_312 = arith.addi %mul3A_234, %parallel_loop3A_311 : i32
          %parallel_loop3A_313 = vector.broadcast %parallel_loop3A_312 : i32 to vector<16xi32>
          %parallel_loop3A_314 = tpu.vector_load_idx %arg14[%parallel_loop3A_313] : memref<20480xf32, #tpu.memory_space<vmem>>[vector<16xi32>], vector<16xf32>,
          %parallel_loop3A_315 = arith.index_cast %parallel_loop3A_311 : i32 to index
          %parallel_loop3A_316 = arith.constant 0 : index
          %parallel_loop3A_317 = tpu.vector_load %arg16[%parallel_loop3A_315, %parallel_loop3A_316] {strides = array<i32>} : memref<128x16xf32, #tpu.memory_space<vmem>>, vector<16xf32>,
          %parallel_loop3A_318 = arith.mulf %parallel_loop3A_317, %parallel_loop3A_314 : vector<16xf32>
          %parallel_loop3A_319 = arith.index_cast %parallel_loop3A_311 : i32 to index
          %parallel_loop3A_320 = arith.constant 0 : index
          %parallel_loop3A_321 = tpu.vector_load %arg20[%parallel_loop3A_319, %parallel_loop3A_320] {strides = array<i32>} : memref<128x16xf32, #tpu.memory_space<vmem>>, vector<16xf32>,
          tpu.vector_store %arg20[%parallel_loop3A_319, %parallel_loop3A_320], %parallel_loop3A_318 {strides = array<i32>} : memref<128x16xf32, #tpu.memory_space<vmem>>, vector<16xf32>,
        } {sc.loop_unroll_factor = 16 : i64, sc.parallel_access}
        %lt3A_238 = arith.constant 39 : i32
        %lt3A_239 = arith.cmpi slt, %add3A_191, %lt3A_238 : i32
        %convert_element_type3A_240 = arith.extui %lt3A_239 : i1 to i32
        %cond3A_241 = arith.constant 0 : i32
        %cond3A_242 = arith.cmpi ne, %convert_element_type3A_240, %cond3A_241 : i32
        scf.if %cond3A_242 {
          %add3A_311 = arith.constant 4 : i32
          %add3A_312 = arith.addi %add3A_221, %add3A_311 : i32
          %dma_start3A_313 = arith.constant 0 : i32
          %dma_start3A_314 = tpu.memref_slice %arg12[%add3A_312, %dma_start3A_313] : memref<160x128xi32, #tpu.memory_space<vmem>> -> memref<1x128xi32, #tpu.memory_space<vmem>>
          %dma_start3A_315 = tpu.memref_squeeze %dma_start3A_314 : memref<1x128xi32, #tpu.memory_space<vmem>> -> memref<128xi32, #tpu.memory_space<vmem>>
          %dma_start3A_316 = arith.constant 0 : i32
          %dma_start3A_317 = arith.constant 0 : i32
          %dma_start3A_318 = tpu.memref_slice %arg10[%dma_start3A_316, %dma_start3A_317] : memref<10240x16xf32, #tpu.memory_space<vmem_shared>> -> memref<10240x16xf32, #tpu.memory_space<vmem_shared>>
          tpu.enqueue_indirect_dma source(%dma_start3A_318 : memref<10240x16xf32, #tpu.memory_space<vmem_shared>>) target(%arg16 : memref<128x16xf32, #tpu.memory_space<vmem>>) offsets(%dma_start3A_315 : memref<128xi32, #tpu.memory_space<vmem>>) semaphore(%arg27 : memref<!tpu.dma_semaphore, #tpu.memory_space<semaphore_mem>>)
        } else {
        }
        %dma_start3A_243 = arith.constant 0 : i32
        %dma_start3A_244 = tpu.memref_slice %arg13[%add3A_221, %dma_start3A_243] : memref<160x128xi32, #tpu.memory_space<vmem>> -> memref<1x128xi32, #tpu.memory_space<vmem>>
        %dma_start3A_245 = tpu.memref_squeeze %dma_start3A_244 : memref<1x128xi32, #tpu.memory_space<vmem>> -> memref<128xi32, #tpu.memory_space<vmem>>
        %dma_start3A_246 = arith.constant 0 : i32
        %dma_start3A_247 = arith.constant 0 : i32
        %dma_start3A_248 = tpu.memref_slice %arg11[%dma_start3A_246, %dma_start3A_247] : memref<10240x16xf32, #tpu.memory_space<vmem_shared>> -> memref<10240x16xf32, #tpu.memory_space<vmem_shared>>
        tpu.enqueue_indirect_dma source(%arg20 : memref<128x16xf32, #tpu.memory_space<vmem>>) target(%dma_start3A_248 : memref<10240x16xf32, #tpu.memory_space<vmem_shared>>) offsets(%dma_start3A_245 : memref<128xi32, #tpu.memory_space<vmem>>) semaphore(%arg31 : memref<!tpu.dma_semaphore, #tpu.memory_space<semaphore_mem>>) {add = true}
        %mul3A_249 = arith.constant 4 : i32
        %mul3A_250 = arith.muli %add3A_191, %mul3A_249 : i32
        %add3A_251 = arith.constant 2 : i32
        %add3A_252 = arith.addi %mul3A_250, %add3A_251 : i32
        %dma_wait3A_253 = arith.constant 0 : i32
        %dma_wait3A_254 = tpu.memref_slice %arg12[%add3A_252, %dma_wait3A_253] : memref<160x128xi32, #tpu.memory_space<vmem>> -> memref<1x128xi32, #tpu.memory_space<vmem>>
        %dma_wait3A_255 = tpu.memref_squeeze %dma_wait3A_254 : memref<1x128xi32, #tpu.memory_space<vmem>> -> memref<128xi32, #tpu.memory_space<vmem>>
        %dma_wait3A_256 = arith.constant 0 : i32
        %dma_wait3A_257 = arith.constant 0 : i32
        %dma_wait3A_258 = tpu.memref_slice %arg10[%dma_wait3A_256, %dma_wait3A_257] : memref<10240x16xf32, #tpu.memory_space<vmem_shared>> -> memref<10240x16xf32, #tpu.memory_space<vmem_shared>>
        tpu.wait_indirect_dma semaphore(%arg28 : memref<!tpu.dma_semaphore, #tpu.memory_space<semaphore_mem>>) src(%dma_wait3A_258 : memref<10240x16xf32, #tpu.memory_space<vmem_shared>>) dst(%arg17 : memref<128x16xf32, #tpu.memory_space<vmem>>)
        %gt3A_259 = arith.constant 0 : i32
        %gt3A_260 = arith.cmpi sgt, %add3A_191, %gt3A_259 : i32
        %convert_element_type3A_261 = arith.extui %gt3A_260 : i1 to i32
        %cond3A_262 = arith.constant 0 : i32
        %cond3A_263 = arith.cmpi ne, %convert_element_type3A_261, %cond3A_262 : i32
        scf.if %cond3A_263 {
          %dma_wait3A_311 = arith.constant 0 : i32
          %dma_wait3A_312 = tpu.memref_slice %arg13[%add3A_252, %dma_wait3A_311] : memref<160x128xi32, #tpu.memory_space<vmem>> -> memref<1x128xi32, #tpu.memory_space<vmem>>
          %dma_wait3A_313 = tpu.memref_squeeze %dma_wait3A_312 : memref<1x128xi32, #tpu.memory_space<vmem>> -> memref<128xi32, #tpu.memory_space<vmem>>
          %dma_wait3A_314 = arith.constant 0 : i32
          %dma_wait3A_315 = arith.constant 0 : i32
          %dma_wait3A_316 = tpu.memref_slice %arg11[%dma_wait3A_314, %dma_wait3A_315] : memref<10240x16xf32, #tpu.memory_space<vmem_shared>> -> memref<10240x16xf32, #tpu.memory_space<vmem_shared>>
          tpu.wait_indirect_dma semaphore(%arg32 : memref<!tpu.dma_semaphore, #tpu.memory_space<semaphore_mem>>) src(%arg21 : memref<128x16xf32, #tpu.memory_space<vmem>>) dst(%dma_wait3A_316 : memref<10240x16xf32, #tpu.memory_space<vmem_shared>>)
        } else {
        }
        %mul3A_264 = arith.constant 128 : i32
        %mul3A_265 = arith.muli %add3A_252, %mul3A_264 : i32
        %parallel_loop3A_266 = arith.constant 0 : i32
        %parallel_loop3A_267 = arith.constant 128 : i32
        %parallel_loop3A_268 = arith.constant 1 : i32
        scf.for %parallel_loop3A_311 = %parallel_loop3A_266 to %parallel_loop3A_267 step %parallel_loop3A_268  : i32 {
          %parallel_loop3A_312 = arith.addi %mul3A_265, %parallel_loop3A_311 : i32
          %parallel_loop3A_313 = vector.broadcast %parallel_loop3A_312 : i32 to vector<16xi32>
          %parallel_loop3A_314 = tpu.vector_load_idx %arg14[%parallel_loop3A_313] : memref<20480xf32, #tpu.memory_space<vmem>>[vector<16xi32>], vector<16xf32>,
          %parallel_loop3A_315 = arith.index_cast %parallel_loop3A_311 : i32 to index
          %parallel_loop3A_316 = arith.constant 0 : index
          %parallel_loop3A_317 = tpu.vector_load %arg17[%parallel_loop3A_315, %parallel_loop3A_316] {strides = array<i32>} : memref<128x16xf32, #tpu.memory_space<vmem>>, vector<16xf32>,
          %parallel_loop3A_318 = arith.mulf %parallel_loop3A_317, %parallel_loop3A_314 : vector<16xf32>
          %parallel_loop3A_319 = arith.index_cast %parallel_loop3A_311 : i32 to index
          %parallel_loop3A_320 = arith.constant 0 : index
          %parallel_loop3A_321 = tpu.vector_load %arg21[%parallel_loop3A_319, %parallel_loop3A_320] {strides = array<i32>} : memref<128x16xf32, #tpu.memory_space<vmem>>, vector<16xf32>,
          tpu.vector_store %arg21[%parallel_loop3A_319, %parallel_loop3A_320], %parallel_loop3A_318 {strides = array<i32>} : memref<128x16xf32, #tpu.memory_space<vmem>>, vector<16xf32>,
        } {sc.loop_unroll_factor = 16 : i64, sc.parallel_access}
        %lt3A_269 = arith.constant 39 : i32
        %lt3A_270 = arith.cmpi slt, %add3A_191, %lt3A_269 : i32
        %convert_element_type3A_271 = arith.extui %lt3A_270 : i1 to i32
        %cond3A_272 = arith.constant 0 : i32
        %cond3A_273 = arith.cmpi ne, %convert_element_type3A_271, %cond3A_272 : i32
        scf.if %cond3A_273 {
          %add3A_311 = arith.constant 4 : i32
          %add3A_312 = arith.addi %add3A_252, %add3A_311 : i32
          %dma_start3A_313 = arith.constant 0 : i32
          %dma_start3A_314 = tpu.memref_slice %arg12[%add3A_312, %dma_start3A_313] : memref<160x128xi32, #tpu.memory_space<vmem>> -> memref<1x128xi32, #tpu.memory_space<vmem>>
          %dma_start3A_315 = tpu.memref_squeeze %dma_start3A_314 : memref<1x128xi32, #tpu.memory_space<vmem>> -> memref<128xi32, #tpu.memory_space<vmem>>
          %dma_start3A_316 = arith.constant 0 : i32
          %dma_start3A_317 = arith.constant 0 : i32
          %dma_start3A_318 = tpu.memref_slice %arg10[%dma_start3A_316, %dma_start3A_317] : memref<10240x16xf32, #tpu.memory_space<vmem_shared>> -> memref<10240x16xf32, #tpu.memory_space<vmem_shared>>
          tpu.enqueue_indirect_dma source(%dma_start3A_318 : memref<10240x16xf32, #tpu.memory_space<vmem_shared>>) target(%arg17 : memref<128x16xf32, #tpu.memory_space<vmem>>) offsets(%dma_start3A_315 : memref<128xi32, #tpu.memory_space<vmem>>) semaphore(%arg28 : memref<!tpu.dma_semaphore, #tpu.memory_space<semaphore_mem>>)
        } else {
        }
        %dma_start3A_274 = arith.constant 0 : i32
        %dma_start3A_275 = tpu.memref_slice %arg13[%add3A_252, %dma_start3A_274] : memref<160x128xi32, #tpu.memory_space<vmem>> -> memref<1x128xi32, #tpu.memory_space<vmem>>
        %dma_start3A_276 = tpu.memref_squeeze %dma_start3A_275 : memref<1x128xi32, #tpu.memory_space<vmem>> -> memref<128xi32, #tpu.memory_space<vmem>>
        %dma_start3A_277 = arith.constant 0 : i32
        %dma_start3A_278 = arith.constant 0 : i32
        %dma_start3A_279 = tpu.memref_slice %arg11[%dma_start3A_277, %dma_start3A_278] : memref<10240x16xf32, #tpu.memory_space<vmem_shared>> -> memref<10240x16xf32, #tpu.memory_space<vmem_shared>>
        tpu.enqueue_indirect_dma source(%arg21 : memref<128x16xf32, #tpu.memory_space<vmem>>) target(%dma_start3A_279 : memref<10240x16xf32, #tpu.memory_space<vmem_shared>>) offsets(%dma_start3A_276 : memref<128xi32, #tpu.memory_space<vmem>>) semaphore(%arg32 : memref<!tpu.dma_semaphore, #tpu.memory_space<semaphore_mem>>) {add = true}
        %mul3A_280 = arith.constant 4 : i32
        %mul3A_281 = arith.muli %add3A_191, %mul3A_280 : i32
        %add3A_282 = arith.constant 3 : i32
        %add3A_283 = arith.addi %mul3A_281, %add3A_282 : i32
        %dma_wait3A_284 = arith.constant 0 : i32
        %dma_wait3A_285 = tpu.memref_slice %arg12[%add3A_283, %dma_wait3A_284] : memref<160x128xi32, #tpu.memory_space<vmem>> -> memref<1x128xi32, #tpu.memory_space<vmem>>
        %dma_wait3A_286 = tpu.memref_squeeze %dma_wait3A_285 : memref<1x128xi32, #tpu.memory_space<vmem>> -> memref<128xi32, #tpu.memory_space<vmem>>
        %dma_wait3A_287 = arith.constant 0 : i32
        %dma_wait3A_288 = arith.constant 0 : i32
        %dma_wait3A_289 = tpu.memref_slice %arg10[%dma_wait3A_287, %dma_wait3A_288] : memref<10240x16xf32, #tpu.memory_space<vmem_shared>> -> memref<10240x16xf32, #tpu.memory_space<vmem_shared>>
        tpu.wait_indirect_dma semaphore(%arg29 : memref<!tpu.dma_semaphore, #tpu.memory_space<semaphore_mem>>) src(%dma_wait3A_289 : memref<10240x16xf32, #tpu.memory_space<vmem_shared>>) dst(%arg18 : memref<128x16xf32, #tpu.memory_space<vmem>>)
        %gt3A_290 = arith.constant 0 : i32
        %gt3A_291 = arith.cmpi sgt, %add3A_191, %gt3A_290 : i32
        %convert_element_type3A_292 = arith.extui %gt3A_291 : i1 to i32
        %cond3A_293 = arith.constant 0 : i32
        %cond3A_294 = arith.cmpi ne, %convert_element_type3A_292, %cond3A_293 : i32
        scf.if %cond3A_294 {
          %dma_wait3A_311 = arith.constant 0 : i32
          %dma_wait3A_312 = tpu.memref_slice %arg13[%add3A_283, %dma_wait3A_311] : memref<160x128xi32, #tpu.memory_space<vmem>> -> memref<1x128xi32, #tpu.memory_space<vmem>>
          %dma_wait3A_313 = tpu.memref_squeeze %dma_wait3A_312 : memref<1x128xi32, #tpu.memory_space<vmem>> -> memref<128xi32, #tpu.memory_space<vmem>>
          %dma_wait3A_314 = arith.constant 0 : i32
          %dma_wait3A_315 = arith.constant 0 : i32
          %dma_wait3A_316 = tpu.memref_slice %arg11[%dma_wait3A_314, %dma_wait3A_315] : memref<10240x16xf32, #tpu.memory_space<vmem_shared>> -> memref<10240x16xf32, #tpu.memory_space<vmem_shared>>
          tpu.wait_indirect_dma semaphore(%arg33 : memref<!tpu.dma_semaphore, #tpu.memory_space<semaphore_mem>>) src(%arg22 : memref<128x16xf32, #tpu.memory_space<vmem>>) dst(%dma_wait3A_316 : memref<10240x16xf32, #tpu.memory_space<vmem_shared>>)
        } else {
        }
        %mul3A_295 = arith.constant 128 : i32
        %mul3A_296 = arith.muli %add3A_283, %mul3A_295 : i32
        %parallel_loop3A_297 = arith.constant 0 : i32
        %parallel_loop3A_298 = arith.constant 128 : i32
        %parallel_loop3A_299 = arith.constant 1 : i32
        scf.for %parallel_loop3A_311 = %parallel_loop3A_297 to %parallel_loop3A_298 step %parallel_loop3A_299  : i32 {
          %parallel_loop3A_312 = arith.addi %mul3A_296, %parallel_loop3A_311 : i32
          %parallel_loop3A_313 = vector.broadcast %parallel_loop3A_312 : i32 to vector<16xi32>
          %parallel_loop3A_314 = tpu.vector_load_idx %arg14[%parallel_loop3A_313] : memref<20480xf32, #tpu.memory_space<vmem>>[vector<16xi32>], vector<16xf32>,
          %parallel_loop3A_315 = arith.index_cast %parallel_loop3A_311 : i32 to index
          %parallel_loop3A_316 = arith.constant 0 : index
          %parallel_loop3A_317 = tpu.vector_load %arg18[%parallel_loop3A_315, %parallel_loop3A_316] {strides = array<i32>} : memref<128x16xf32, #tpu.memory_space<vmem>>, vector<16xf32>,
          %parallel_loop3A_318 = arith.mulf %parallel_loop3A_317, %parallel_loop3A_314 : vector<16xf32>
          %parallel_loop3A_319 = arith.index_cast %parallel_loop3A_311 : i32 to index
          %parallel_loop3A_320 = arith.constant 0 : index
          %parallel_loop3A_321 = tpu.vector_load %arg22[%parallel_loop3A_319, %parallel_loop3A_320] {strides = array<i32>} : memref<128x16xf32, #tpu.memory_space<vmem>>, vector<16xf32>,
          tpu.vector_store %arg22[%parallel_loop3A_319, %parallel_loop3A_320], %parallel_loop3A_318 {strides = array<i32>} : memref<128x16xf32, #tpu.memory_space<vmem>>, vector<16xf32>,
        } {sc.loop_unroll_factor = 16 : i64, sc.parallel_access}
        %lt3A_300 = arith.constant 39 : i32
        %lt3A_301 = arith.cmpi slt, %add3A_191, %lt3A_300 : i32
        %convert_element_type3A_302 = arith.extui %lt3A_301 : i1 to i32
        %cond3A_303 = arith.constant 0 : i32
        %cond3A_304 = arith.cmpi ne, %convert_element_type3A_302, %cond3A_303 : i32
        scf.if %cond3A_304 {
          %add3A_311 = arith.constant 4 : i32
          %add3A_312 = arith.addi %add3A_283, %add3A_311 : i32
          %dma_start3A_313 = arith.constant 0 : i32
          %dma_start3A_314 = tpu.memref_slice %arg12[%add3A_312, %dma_start3A_313] : memref<160x128xi32, #tpu.memory_space<vmem>> -> memref<1x128xi32, #tpu.memory_space<vmem>>
          %dma_start3A_315 = tpu.memref_squeeze %dma_start3A_314 : memref<1x128xi32, #tpu.memory_space<vmem>> -> memref<128xi32, #tpu.memory_space<vmem>>
          %dma_start3A_316 = arith.constant 0 : i32
          %dma_start3A_317 = arith.constant 0 : i32
          %dma_start3A_318 = tpu.memref_slice %arg10[%dma_start3A_316, %dma_start3A_317] : memref<10240x16xf32, #tpu.memory_space<vmem_shared>> -> memref<10240x16xf32, #tpu.memory_space<vmem_shared>>
          tpu.enqueue_indirect_dma source(%dma_start3A_318 : memref<10240x16xf32, #tpu.memory_space<vmem_shared>>) target(%arg18 : memref<128x16xf32, #tpu.memory_space<vmem>>) offsets(%dma_start3A_315 : memref<128xi32, #tpu.memory_space<vmem>>) semaphore(%arg29 : memref<!tpu.dma_semaphore, #tpu.memory_space<semaphore_mem>>)
        } else {
        }
        %dma_start3A_305 = arith.constant 0 : i32
        %dma_start3A_306 = tpu.memref_slice %arg13[%add3A_283, %dma_start3A_305] : memref<160x128xi32, #tpu.memory_space<vmem>> -> memref<1x128xi32, #tpu.memory_space<vmem>>
        %dma_start3A_307 = tpu.memref_squeeze %dma_start3A_306 : memref<1x128xi32, #tpu.memory_space<vmem>> -> memref<128xi32, #tpu.memory_space<vmem>>
        %dma_start3A_308 = arith.constant 0 : i32
        %dma_start3A_309 = arith.constant 0 : i32
        %dma_start3A_310 = tpu.memref_slice %arg11[%dma_start3A_308, %dma_start3A_309] : memref<10240x16xf32, #tpu.memory_space<vmem_shared>> -> memref<10240x16xf32, #tpu.memory_space<vmem_shared>>
        tpu.enqueue_indirect_dma source(%arg22 : memref<128x16xf32, #tpu.memory_space<vmem>>) target(%dma_start3A_310 : memref<10240x16xf32, #tpu.memory_space<vmem_shared>>) offsets(%dma_start3A_307 : memref<128xi32, #tpu.memory_space<vmem>>) semaphore(%arg33 : memref<!tpu.dma_semaphore, #tpu.memory_space<semaphore_mem>>) {add = true}
      }
      %scan3A_135 = arith.constant 40 : i32
      %dma_wait3A_136 = arith.constant 156 : i32
      %dma_wait3A_137 = arith.constant 0 : i32
      %dma_wait3A_138 = tpu.memref_slice %arg13[%dma_wait3A_136, %dma_wait3A_137] : memref<160x128xi32, #tpu.memory_space<vmem>> -> memref<1x128xi32, #tpu.memory_space<vmem>>
      %dma_wait3A_139 = tpu.memref_squeeze %dma_wait3A_138 : memref<1x128xi32, #tpu.memory_space<vmem>> -> memref<128xi32, #tpu.memory_space<vmem>>
      %dma_wait3A_140 = arith.constant 0 : i32
      %dma_wait3A_141 = arith.constant 0 : i32
      %dma_wait3A_142 = tpu.memref_slice %arg11[%dma_wait3A_140, %dma_wait3A_141] : memref<10240x16xf32, #tpu.memory_space<vmem_shared>> -> memref<10240x16xf32, #tpu.memory_space<vmem_shared>>
      tpu.wait_indirect_dma semaphore(%arg30 : memref<!tpu.dma_semaphore, #tpu.memory_space<semaphore_mem>>) src(%arg19 : memref<128x16xf32, #tpu.memory_space<vmem>>) dst(%dma_wait3A_142 : memref<10240x16xf32, #tpu.memory_space<vmem_shared>>)
      %dma_wait3A_143 = arith.constant 157 : i32
      %dma_wait3A_144 = arith.constant 0 : i32
      %dma_wait3A_145 = tpu.memref_slice %arg13[%dma_wait3A_143, %dma_wait3A_144] : memref<160x128xi32, #tpu.memory_space<vmem>> -> memref<1x128xi32, #tpu.memory_space<vmem>>
      %dma_wait3A_146 = tpu.memref_squeeze %dma_wait3A_145 : memref<1x128xi32, #tpu.memory_space<vmem>> -> memref<128xi32, #tpu.memory_space<vmem>>
      %dma_wait3A_147 = arith.constant 0 : i32
      %dma_wait3A_148 = arith.constant 0 : i32
      %dma_wait3A_149 = tpu.memref_slice %arg11[%dma_wait3A_147, %dma_wait3A_148] : memref<10240x16xf32, #tpu.memory_space<vmem_shared>> -> memref<10240x16xf32, #tpu.memory_space<vmem_shared>>
      tpu.wait_indirect_dma semaphore(%arg31 : memref<!tpu.dma_semaphore, #tpu.memory_space<semaphore_mem>>) src(%arg20 : memref<128x16xf32, #tpu.memory_space<vmem>>) dst(%dma_wait3A_149 : memref<10240x16xf32, #tpu.memory_space<vmem_shared>>)
      %dma_wait3A_150 = arith.constant 158 : i32
      %dma_wait3A_151 = arith.constant 0 : i32
      %dma_wait3A_152 = tpu.memref_slice %arg13[%dma_wait3A_150, %dma_wait3A_151] : memref<160x128xi32, #tpu.memory_space<vmem>> -> memref<1x128xi32, #tpu.memory_space<vmem>>
      %dma_wait3A_153 = tpu.memref_squeeze %dma_wait3A_152 : memref<1x128xi32, #tpu.memory_space<vmem>> -> memref<128xi32, #tpu.memory_space<vmem>>
      %dma_wait3A_154 = arith.constant 0 : i32
      %dma_wait3A_155 = arith.constant 0 : i32
      %dma_wait3A_156 = tpu.memref_slice %arg11[%dma_wait3A_154, %dma_wait3A_155] : memref<10240x16xf32, #tpu.memory_space<vmem_shared>> -> memref<10240x16xf32, #tpu.memory_space<vmem_shared>>
      tpu.wait_indirect_dma semaphore(%arg32 : memref<!tpu.dma_semaphore, #tpu.memory_space<semaphore_mem>>) src(%arg21 : memref<128x16xf32, #tpu.memory_space<vmem>>) dst(%dma_wait3A_156 : memref<10240x16xf32, #tpu.memory_space<vmem_shared>>)
      %dma_wait3A_157 = arith.constant 159 : i32
      %dma_wait3A_158 = arith.constant 0 : i32
      %dma_wait3A_159 = tpu.memref_slice %arg13[%dma_wait3A_157, %dma_wait3A_158] : memref<160x128xi32, #tpu.memory_space<vmem>> -> memref<1x128xi32, #tpu.memory_space<vmem>>
      %dma_wait3A_160 = tpu.memref_squeeze %dma_wait3A_159 : memref<1x128xi32, #tpu.memory_space<vmem>> -> memref<128xi32, #tpu.memory_space<vmem>>
      %dma_wait3A_161 = arith.constant 0 : i32
      %dma_wait3A_162 = arith.constant 0 : i32
      %dma_wait3A_163 = tpu.memref_slice %arg11[%dma_wait3A_161, %dma_wait3A_162] : memref<10240x16xf32, #tpu.memory_space<vmem_shared>> -> memref<10240x16xf32, #tpu.memory_space<vmem_shared>>
      tpu.wait_indirect_dma semaphore(%arg33 : memref<!tpu.dma_semaphore, #tpu.memory_space<semaphore_mem>>) src(%arg22 : memref<128x16xf32, #tpu.memory_space<vmem>>) dst(%dma_wait3A_163 : memref<10240x16xf32, #tpu.memory_space<vmem_shared>>)
      %barrier3A_164 = arith.constant 0 : index
      tpu.barrier barrier_id(%barrier3A_164)
      "tpu.region"() ({
        %run_scoped3A = tpu.sem_alloc : memref<!tpu.dma_semaphore, #tpu.memory_space<semaphore_mem>>
        %dma_start3A_187 = arith.constant 0 : i32
        %dma_start3A_188 = tpu.memref_slice %arg11[%mul3A_0, %dma_start3A_187] : memref<10240x16xf32, #tpu.memory_space<vmem_shared>> -> memref<640x16xf32, #tpu.memory_space<vmem_shared>>
        %dma_start3A_189 = arith.constant 0 : i32
        %dma_start3A_190 = tpu.memref_slice %arg11[%mul3A_0, %dma_start3A_189] : memref<10240x16xf32, #tpu.memory_space<vmem_shared>> -> memref<640x16xf32, #tpu.memory_space<vmem_shared>>
        tpu.enqueue_dma source(%dma_start3A_190 : memref<640x16xf32, #tpu.memory_space<vmem_shared>>) target(%arg23 : memref<640x16xf32, #tpu.memory_space<vmem>>) target_semaphore(%run_scoped3A : memref<!tpu.dma_semaphore, #tpu.memory_space<semaphore_mem>>)
        %dma_wait3A_191 = arith.constant 0 : i32
        %dma_wait3A_192 = tpu.memref_slice %arg11[%mul3A_0, %dma_wait3A_191] : memref<10240x16xf32, #tpu.memory_space<vmem_shared>> -> memref<640x16xf32, #tpu.memory_space<vmem_shared>>
        %dma_wait3A_193 = arith.constant 0 : i32
        %dma_wait3A_194 = tpu.memref_slice %arg11[%mul3A_0, %dma_wait3A_193] : memref<10240x16xf32, #tpu.memory_space<vmem_shared>> -> memref<640x16xf32, #tpu.memory_space<vmem_shared>>
        tpu.wait_dma2 semaphore(%run_scoped3A : memref<!tpu.dma_semaphore, #tpu.memory_space<semaphore_mem>>) src(%dma_wait3A_194 : memref<640x16xf32, #tpu.memory_space<vmem_shared>>) dst(%arg23 : memref<640x16xf32, #tpu.memory_space<vmem>>)
        tpu.yield
      }) : () -> ()
      %add3A_165 = arith.constant 1 : i32
      %add3A_166 = arith.addi %add3A_102, %add3A_165 : i32
      %broadcast_in_dim3A_167 = vector.broadcast %add3A_166 : i32 to vector<16xi32>
      %gather3A_168 = tpu.vector_load_idx %arg25[%broadcast_in_dim3A_167] : memref<16xf32, #tpu.memory_space<vmem>>[vector<16xi32>], vector<16xf32>,
      %dma_start3A_169 = arith.constant 0 : i32
      %dma_start3A_170 = tpu.memref_slice %arg9[%mul3A_0, %dma_start3A_169] : memref<10240x16xf32, #tpu.memory_space<vmem_shared>> -> memref<640x16xf32, #tpu.memory_space<vmem_shared>>
      %dma_start3A_171 = arith.constant 0 : i32
      %dma_start3A_172 = tpu.memref_slice %arg9[%mul3A_0, %dma_start3A_171] : memref<10240x16xf32, #tpu.memory_space<vmem_shared>> -> memref<640x16xf32, #tpu.memory_space<vmem_shared>>
      tpu.enqueue_dma source(%arg23 : memref<640x16xf32, #tpu.memory_space<vmem>>) target(%dma_start3A_172 : memref<640x16xf32, #tpu.memory_space<vmem_shared>>) target_semaphore(%arg34 : memref<!tpu.dma_semaphore, #tpu.memory_space<semaphore_mem>>)
      %dma_start3A_173 = arith.constant 0 : i32
      %dma_start3A_174 = tpu.memref_slice %arg11[%mul3A_0, %dma_start3A_173] : memref<10240x16xf32, #tpu.memory_space<vmem_shared>> -> memref<640x16xf32, #tpu.memory_space<vmem_shared>>
      tpu.enqueue_dma source(%arg7 : memref<640x16xf32, #tpu.memory_space<hbm>>) target(%dma_start3A_174 : memref<640x16xf32, #tpu.memory_space<vmem_shared>>) target_semaphore(%arg35 : memref<!tpu.dma_semaphore, #tpu.memory_space<semaphore_mem>>)
      %scan3A_175 = arith.constant 0 : i32
      %scan3A_176 = arith.constant 640 : i32
      %scan3A_177 = arith.addi %scan3A_175, %scan3A_176 : i32
      %scan3A_178 = arith.constant 16 : i32
      scf.for %scan3A_187 = %scan3A_175 to %scan3A_177 step %scan3A_178  : i32 {
        %mul3A_188 = arith.constant 1 : i32
        %mul3A_189 = arith.muli %scan3A_187, %mul3A_188 : i32
        %add3A_190 = arith.constant 0 : i32
        %add3A_191 = arith.addi %add3A_190, %mul3A_189 : i32
        %get3A = arith.index_cast %add3A_191 : i32 to index
        %get3A_192 = arith.constant 0 : index
        %get3A_193 = tpu.vector_load %arg24[%get3A, %get3A_192] {strides = array<i32>} : memref<640x16xf32, #tpu.memory_space<vmem>>, vector<16xf32>,
        %get3A_194 = arith.index_cast %add3A_191 : i32 to index
        %get3A_195 = arith.constant 0 : index
        %get3A_196 = tpu.vector_load %arg23[%get3A_194, %get3A_195] {strides = array<i32>} : memref<640x16xf32, #tpu.memory_space<vmem>>, vector<16xf32>,
        %mul3A_197 = arith.mulf %get3A_196, %gather3A_168 : vector<16xf32>
        %add3A_198 = arith.addf %get3A_193, %mul3A_197 : vector<16xf32>
        %swap3A = arith.index_cast %add3A_191 : i32 to index
        %swap3A_199 = arith.constant 0 : index
        %swap3A_200 = tpu.vector_load %arg24[%swap3A, %swap3A_199] {strides = array<i32>} : memref<640x16xf32, #tpu.memory_space<vmem>>, vector<16xf32>,
        tpu.vector_store %arg24[%swap3A, %swap3A_199], %add3A_198 {strides = array<i32>} : memref<640x16xf32, #tpu.memory_space<vmem>>, vector<16xf32>,
        %scan3A_201 = arith.constant 1 : i32
        %scan3A_202 = arith.addi %scan3A_187, %scan3A_201 : i32
        %mul3A_203 = arith.constant 1 : i32
        %mul3A_204 = arith.muli %scan3A_202, %mul3A_203 : i32
        %add3A_205 = arith.constant 0 : i32
        %add3A_206 = arith.addi %add3A_205, %mul3A_204 : i32
        %get3A_207 = arith.index_cast %add3A_206 : i32 to index
        %get3A_208 = arith.constant 0 : index
        %get3A_209 = tpu.vector_load %arg24[%get3A_207, %get3A_208] {strides = array<i32>} : memref<640x16xf32, #tpu.memory_space<vmem>>, vector<16xf32>,
        %get3A_210 = arith.index_cast %add3A_206 : i32 to index
        %get3A_211 = arith.constant 0 : index
        %get3A_212 = tpu.vector_load %arg23[%get3A_210, %get3A_211] {strides = array<i32>} : memref<640x16xf32, #tpu.memory_space<vmem>>, vector<16xf32>,
        %mul3A_213 = arith.mulf %get3A_212, %gather3A_168 : vector<16xf32>
        %add3A_214 = arith.addf %get3A_209, %mul3A_213 : vector<16xf32>
        %swap3A_215 = arith.index_cast %add3A_206 : i32 to index
        %swap3A_216 = arith.constant 0 : index
        %swap3A_217 = tpu.vector_load %arg24[%swap3A_215, %swap3A_216] {strides = array<i32>} : memref<640x16xf32, #tpu.memory_space<vmem>>, vector<16xf32>,
        tpu.vector_store %arg24[%swap3A_215, %swap3A_216], %add3A_214 {strides = array<i32>} : memref<640x16xf32, #tpu.memory_space<vmem>>, vector<16xf32>,
        %scan3A_218 = arith.constant 2 : i32
        %scan3A_219 = arith.addi %scan3A_187, %scan3A_218 : i32
        %mul3A_220 = arith.constant 1 : i32
        %mul3A_221 = arith.muli %scan3A_219, %mul3A_220 : i32
        %add3A_222 = arith.constant 0 : i32
        %add3A_223 = arith.addi %add3A_222, %mul3A_221 : i32
        %get3A_224 = arith.index_cast %add3A_223 : i32 to index
        %get3A_225 = arith.constant 0 : index
        %get3A_226 = tpu.vector_load %arg24[%get3A_224, %get3A_225] {strides = array<i32>} : memref<640x16xf32, #tpu.memory_space<vmem>>, vector<16xf32>,
        %get3A_227 = arith.index_cast %add3A_223 : i32 to index
        %get3A_228 = arith.constant 0 : index
        %get3A_229 = tpu.vector_load %arg23[%get3A_227, %get3A_228] {strides = array<i32>} : memref<640x16xf32, #tpu.memory_space<vmem>>, vector<16xf32>,
        %mul3A_230 = arith.mulf %get3A_229, %gather3A_168 : vector<16xf32>
        %add3A_231 = arith.addf %get3A_226, %mul3A_230 : vector<16xf32>
        %swap3A_232 = arith.index_cast %add3A_223 : i32 to index
        %swap3A_233 = arith.constant 0 : index
        %swap3A_234 = tpu.vector_load %arg24[%swap3A_232, %swap3A_233] {strides = array<i32>} : memref<640x16xf32, #tpu.memory_space<vmem>>, vector<16xf32>,
        tpu.vector_store %arg24[%swap3A_232, %swap3A_233], %add3A_231 {strides = array<i32>} : memref<640x16xf32, #tpu.memory_space<vmem>>, vector<16xf32>,
        %scan3A_235 = arith.constant 3 : i32
        %scan3A_236 = arith.addi %scan3A_187, %scan3A_235 : i32
        %mul3A_237 = arith.constant 1 : i32
        %mul3A_238 = arith.muli %scan3A_236, %mul3A_237 : i32
        %add3A_239 = arith.constant 0 : i32
        %add3A_240 = arith.addi %add3A_239, %mul3A_238 : i32
        %get3A_241 = arith.index_cast %add3A_240 : i32 to index
        %get3A_242 = arith.constant 0 : index
        %get3A_243 = tpu.vector_load %arg24[%get3A_241, %get3A_242] {strides = array<i32>} : memref<640x16xf32, #tpu.memory_space<vmem>>, vector<16xf32>,
        %get3A_244 = arith.index_cast %add3A_240 : i32 to index
        %get3A_245 = arith.constant 0 : index
        %get3A_246 = tpu.vector_load %arg23[%get3A_244, %get3A_245] {strides = array<i32>} : memref<640x16xf32, #tpu.memory_space<vmem>>, vector<16xf32>,
        %mul3A_247 = arith.mulf %get3A_246, %gather3A_168 : vector<16xf32>
        %add3A_248 = arith.addf %get3A_243, %mul3A_247 : vector<16xf32>
        %swap3A_249 = arith.index_cast %add3A_240 : i32 to index
        %swap3A_250 = arith.constant 0 : index
        %swap3A_251 = tpu.vector_load %arg24[%swap3A_249, %swap3A_250] {strides = array<i32>} : memref<640x16xf32, #tpu.memory_space<vmem>>, vector<16xf32>,
        tpu.vector_store %arg24[%swap3A_249, %swap3A_250], %add3A_248 {strides = array<i32>} : memref<640x16xf32, #tpu.memory_space<vmem>>, vector<16xf32>,
        %scan3A_252 = arith.constant 4 : i32
        %scan3A_253 = arith.addi %scan3A_187, %scan3A_252 : i32
        %mul3A_254 = arith.constant 1 : i32
        %mul3A_255 = arith.muli %scan3A_253, %mul3A_254 : i32
        %add3A_256 = arith.constant 0 : i32
        %add3A_257 = arith.addi %add3A_256, %mul3A_255 : i32
        %get3A_258 = arith.index_cast %add3A_257 : i32 to index
        %get3A_259 = arith.constant 0 : index
        %get3A_260 = tpu.vector_load %arg24[%get3A_258, %get3A_259] {strides = array<i32>} : memref<640x16xf32, #tpu.memory_space<vmem>>, vector<16xf32>,
        %get3A_261 = arith.index_cast %add3A_257 : i32 to index
        %get3A_262 = arith.constant 0 : index
        %get3A_263 = tpu.vector_load %arg23[%get3A_261, %get3A_262] {strides = array<i32>} : memref<640x16xf32, #tpu.memory_space<vmem>>, vector<16xf32>,
        %mul3A_264 = arith.mulf %get3A_263, %gather3A_168 : vector<16xf32>
        %add3A_265 = arith.addf %get3A_260, %mul3A_264 : vector<16xf32>
        %swap3A_266 = arith.index_cast %add3A_257 : i32 to index
        %swap3A_267 = arith.constant 0 : index
        %swap3A_268 = tpu.vector_load %arg24[%swap3A_266, %swap3A_267] {strides = array<i32>} : memref<640x16xf32, #tpu.memory_space<vmem>>, vector<16xf32>,
        tpu.vector_store %arg24[%swap3A_266, %swap3A_267], %add3A_265 {strides = array<i32>} : memref<640x16xf32, #tpu.memory_space<vmem>>, vector<16xf32>,
        %scan3A_269 = arith.constant 5 : i32
        %scan3A_270 = arith.addi %scan3A_187, %scan3A_269 : i32
        %mul3A_271 = arith.constant 1 : i32
        %mul3A_272 = arith.muli %scan3A_270, %mul3A_271 : i32
        %add3A_273 = arith.constant 0 : i32
        %add3A_274 = arith.addi %add3A_273, %mul3A_272 : i32
        %get3A_275 = arith.index_cast %add3A_274 : i32 to index
        %get3A_276 = arith.constant 0 : index
        %get3A_277 = tpu.vector_load %arg24[%get3A_275, %get3A_276] {strides = array<i32>} : memref<640x16xf32, #tpu.memory_space<vmem>>, vector<16xf32>,
        %get3A_278 = arith.index_cast %add3A_274 : i32 to index
        %get3A_279 = arith.constant 0 : index
        %get3A_280 = tpu.vector_load %arg23[%get3A_278, %get3A_279] {strides = array<i32>} : memref<640x16xf32, #tpu.memory_space<vmem>>, vector<16xf32>,
        %mul3A_281 = arith.mulf %get3A_280, %gather3A_168 : vector<16xf32>
        %add3A_282 = arith.addf %get3A_277, %mul3A_281 : vector<16xf32>
        %swap3A_283 = arith.index_cast %add3A_274 : i32 to index
        %swap3A_284 = arith.constant 0 : index
        %swap3A_285 = tpu.vector_load %arg24[%swap3A_283, %swap3A_284] {strides = array<i32>} : memref<640x16xf32, #tpu.memory_space<vmem>>, vector<16xf32>,
        tpu.vector_store %arg24[%swap3A_283, %swap3A_284], %add3A_282 {strides = array<i32>} : memref<640x16xf32, #tpu.memory_space<vmem>>, vector<16xf32>,
        %scan3A_286 = arith.constant 6 : i32
        %scan3A_287 = arith.addi %scan3A_187, %scan3A_286 : i32
        %mul3A_288 = arith.constant 1 : i32
        %mul3A_289 = arith.muli %scan3A_287, %mul3A_288 : i32
        %add3A_290 = arith.constant 0 : i32
        %add3A_291 = arith.addi %add3A_290, %mul3A_289 : i32
        %get3A_292 = arith.index_cast %add3A_291 : i32 to index
        %get3A_293 = arith.constant 0 : index
        %get3A_294 = tpu.vector_load %arg24[%get3A_292, %get3A_293] {strides = array<i32>} : memref<640x16xf32, #tpu.memory_space<vmem>>, vector<16xf32>,
        %get3A_295 = arith.index_cast %add3A_291 : i32 to index
        %get3A_296 = arith.constant 0 : index
        %get3A_297 = tpu.vector_load %arg23[%get3A_295, %get3A_296] {strides = array<i32>} : memref<640x16xf32, #tpu.memory_space<vmem>>, vector<16xf32>,
        %mul3A_298 = arith.mulf %get3A_297, %gather3A_168 : vector<16xf32>
        %add3A_299 = arith.addf %get3A_294, %mul3A_298 : vector<16xf32>
        %swap3A_300 = arith.index_cast %add3A_291 : i32 to index
        %swap3A_301 = arith.constant 0 : index
        %swap3A_302 = tpu.vector_load %arg24[%swap3A_300, %swap3A_301] {strides = array<i32>} : memref<640x16xf32, #tpu.memory_space<vmem>>, vector<16xf32>,
        tpu.vector_store %arg24[%swap3A_300, %swap3A_301], %add3A_299 {strides = array<i32>} : memref<640x16xf32, #tpu.memory_space<vmem>>, vector<16xf32>,
        %scan3A_303 = arith.constant 7 : i32
        %scan3A_304 = arith.addi %scan3A_187, %scan3A_303 : i32
        %mul3A_305 = arith.constant 1 : i32
        %mul3A_306 = arith.muli %scan3A_304, %mul3A_305 : i32
        %add3A_307 = arith.constant 0 : i32
        %add3A_308 = arith.addi %add3A_307, %mul3A_306 : i32
        %get3A_309 = arith.index_cast %add3A_308 : i32 to index
        %get3A_310 = arith.constant 0 : index
        %get3A_311 = tpu.vector_load %arg24[%get3A_309, %get3A_310] {strides = array<i32>} : memref<640x16xf32, #tpu.memory_space<vmem>>, vector<16xf32>,
        %get3A_312 = arith.index_cast %add3A_308 : i32 to index
        %get3A_313 = arith.constant 0 : index
        %get3A_314 = tpu.vector_load %arg23[%get3A_312, %get3A_313] {strides = array<i32>} : memref<640x16xf32, #tpu.memory_space<vmem>>, vector<16xf32>,
        %mul3A_315 = arith.mulf %get3A_314, %gather3A_168 : vector<16xf32>
        %add3A_316 = arith.addf %get3A_311, %mul3A_315 : vector<16xf32>
        %swap3A_317 = arith.index_cast %add3A_308 : i32 to index
        %swap3A_318 = arith.constant 0 : index
        %swap3A_319 = tpu.vector_load %arg24[%swap3A_317, %swap3A_318] {strides = array<i32>} : memref<640x16xf32, #tpu.memory_space<vmem>>, vector<16xf32>,
        tpu.vector_store %arg24[%swap3A_317, %swap3A_318], %add3A_316 {strides = array<i32>} : memref<640x16xf32, #tpu.memory_space<vmem>>, vector<16xf32>,
        %scan3A_320 = arith.constant 8 : i32
        %scan3A_321 = arith.addi %scan3A_187, %scan3A_320 : i32
        %mul3A_322 = arith.constant 1 : i32
        %mul3A_323 = arith.muli %scan3A_321, %mul3A_322 : i32
        %add3A_324 = arith.constant 0 : i32
        %add3A_325 = arith.addi %add3A_324, %mul3A_323 : i32
        %get3A_326 = arith.index_cast %add3A_325 : i32 to index
        %get3A_327 = arith.constant 0 : index
        %get3A_328 = tpu.vector_load %arg24[%get3A_326, %get3A_327] {strides = array<i32>} : memref<640x16xf32, #tpu.memory_space<vmem>>, vector<16xf32>,
        %get3A_329 = arith.index_cast %add3A_325 : i32 to index
        %get3A_330 = arith.constant 0 : index
        %get3A_331 = tpu.vector_load %arg23[%get3A_329, %get3A_330] {strides = array<i32>} : memref<640x16xf32, #tpu.memory_space<vmem>>, vector<16xf32>,
        %mul3A_332 = arith.mulf %get3A_331, %gather3A_168 : vector<16xf32>
        %add3A_333 = arith.addf %get3A_328, %mul3A_332 : vector<16xf32>
        %swap3A_334 = arith.index_cast %add3A_325 : i32 to index
        %swap3A_335 = arith.constant 0 : index
        %swap3A_336 = tpu.vector_load %arg24[%swap3A_334, %swap3A_335] {strides = array<i32>} : memref<640x16xf32, #tpu.memory_space<vmem>>, vector<16xf32>,
        tpu.vector_store %arg24[%swap3A_334, %swap3A_335], %add3A_333 {strides = array<i32>} : memref<640x16xf32, #tpu.memory_space<vmem>>, vector<16xf32>,
        %scan3A_337 = arith.constant 9 : i32
        %scan3A_338 = arith.addi %scan3A_187, %scan3A_337 : i32
        %mul3A_339 = arith.constant 1 : i32
        %mul3A_340 = arith.muli %scan3A_338, %mul3A_339 : i32
        %add3A_341 = arith.constant 0 : i32
        %add3A_342 = arith.addi %add3A_341, %mul3A_340 : i32
        %get3A_343 = arith.index_cast %add3A_342 : i32 to index
        %get3A_344 = arith.constant 0 : index
        %get3A_345 = tpu.vector_load %arg24[%get3A_343, %get3A_344] {strides = array<i32>} : memref<640x16xf32, #tpu.memory_space<vmem>>, vector<16xf32>,
        %get3A_346 = arith.index_cast %add3A_342 : i32 to index
        %get3A_347 = arith.constant 0 : index
        %get3A_348 = tpu.vector_load %arg23[%get3A_346, %get3A_347] {strides = array<i32>} : memref<640x16xf32, #tpu.memory_space<vmem>>, vector<16xf32>,
        %mul3A_349 = arith.mulf %get3A_348, %gather3A_168 : vector<16xf32>
        %add3A_350 = arith.addf %get3A_345, %mul3A_349 : vector<16xf32>
        %swap3A_351 = arith.index_cast %add3A_342 : i32 to index
        %swap3A_352 = arith.constant 0 : index
        %swap3A_353 = tpu.vector_load %arg24[%swap3A_351, %swap3A_352] {strides = array<i32>} : memref<640x16xf32, #tpu.memory_space<vmem>>, vector<16xf32>,
        tpu.vector_store %arg24[%swap3A_351, %swap3A_352], %add3A_350 {strides = array<i32>} : memref<640x16xf32, #tpu.memory_space<vmem>>, vector<16xf32>,
        %scan3A_354 = arith.constant 10 : i32
        %scan3A_355 = arith.addi %scan3A_187, %scan3A_354 : i32
        %mul3A_356 = arith.constant 1 : i32
        %mul3A_357 = arith.muli %scan3A_355, %mul3A_356 : i32
        %add3A_358 = arith.constant 0 : i32
        %add3A_359 = arith.addi %add3A_358, %mul3A_357 : i32
        %get3A_360 = arith.index_cast %add3A_359 : i32 to index
        %get3A_361 = arith.constant 0 : index
        %get3A_362 = tpu.vector_load %arg24[%get3A_360, %get3A_361] {strides = array<i32>} : memref<640x16xf32, #tpu.memory_space<vmem>>, vector<16xf32>,
        %get3A_363 = arith.index_cast %add3A_359 : i32 to index
        %get3A_364 = arith.constant 0 : index
        %get3A_365 = tpu.vector_load %arg23[%get3A_363, %get3A_364] {strides = array<i32>} : memref<640x16xf32, #tpu.memory_space<vmem>>, vector<16xf32>,
        %mul3A_366 = arith.mulf %get3A_365, %gather3A_168 : vector<16xf32>
        %add3A_367 = arith.addf %get3A_362, %mul3A_366 : vector<16xf32>
        %swap3A_368 = arith.index_cast %add3A_359 : i32 to index
        %swap3A_369 = arith.constant 0 : index
        %swap3A_370 = tpu.vector_load %arg24[%swap3A_368, %swap3A_369] {strides = array<i32>} : memref<640x16xf32, #tpu.memory_space<vmem>>, vector<16xf32>,
        tpu.vector_store %arg24[%swap3A_368, %swap3A_369], %add3A_367 {strides = array<i32>} : memref<640x16xf32, #tpu.memory_space<vmem>>, vector<16xf32>,
        %scan3A_371 = arith.constant 11 : i32
        %scan3A_372 = arith.addi %scan3A_187, %scan3A_371 : i32
        %mul3A_373 = arith.constant 1 : i32
        %mul3A_374 = arith.muli %scan3A_372, %mul3A_373 : i32
        %add3A_375 = arith.constant 0 : i32
        %add3A_376 = arith.addi %add3A_375, %mul3A_374 : i32
        %get3A_377 = arith.index_cast %add3A_376 : i32 to index
        %get3A_378 = arith.constant 0 : index
        %get3A_379 = tpu.vector_load %arg24[%get3A_377, %get3A_378] {strides = array<i32>} : memref<640x16xf32, #tpu.memory_space<vmem>>, vector<16xf32>,
        %get3A_380 = arith.index_cast %add3A_376 : i32 to index
        %get3A_381 = arith.constant 0 : index
        %get3A_382 = tpu.vector_load %arg23[%get3A_380, %get3A_381] {strides = array<i32>} : memref<640x16xf32, #tpu.memory_space<vmem>>, vector<16xf32>,
        %mul3A_383 = arith.mulf %get3A_382, %gather3A_168 : vector<16xf32>
        %add3A_384 = arith.addf %get3A_379, %mul3A_383 : vector<16xf32>
        %swap3A_385 = arith.index_cast %add3A_376 : i32 to index
        %swap3A_386 = arith.constant 0 : index
        %swap3A_387 = tpu.vector_load %arg24[%swap3A_385, %swap3A_386] {strides = array<i32>} : memref<640x16xf32, #tpu.memory_space<vmem>>, vector<16xf32>,
        tpu.vector_store %arg24[%swap3A_385, %swap3A_386], %add3A_384 {strides = array<i32>} : memref<640x16xf32, #tpu.memory_space<vmem>>, vector<16xf32>,
        %scan3A_388 = arith.constant 12 : i32
        %scan3A_389 = arith.addi %scan3A_187, %scan3A_388 : i32
        %mul3A_390 = arith.constant 1 : i32
        %mul3A_391 = arith.muli %scan3A_389, %mul3A_390 : i32
        %add3A_392 = arith.constant 0 : i32
        %add3A_393 = arith.addi %add3A_392, %mul3A_391 : i32
        %get3A_394 = arith.index_cast %add3A_393 : i32 to index
        %get3A_395 = arith.constant 0 : index
        %get3A_396 = tpu.vector_load %arg24[%get3A_394, %get3A_395] {strides = array<i32>} : memref<640x16xf32, #tpu.memory_space<vmem>>, vector<16xf32>,
        %get3A_397 = arith.index_cast %add3A_393 : i32 to index
        %get3A_398 = arith.constant 0 : index
        %get3A_399 = tpu.vector_load %arg23[%get3A_397, %get3A_398] {strides = array<i32>} : memref<640x16xf32, #tpu.memory_space<vmem>>, vector<16xf32>,
        %mul3A_400 = arith.mulf %get3A_399, %gather3A_168 : vector<16xf32>
        %add3A_401 = arith.addf %get3A_396, %mul3A_400 : vector<16xf32>
        %swap3A_402 = arith.index_cast %add3A_393 : i32 to index
        %swap3A_403 = arith.constant 0 : index
        %swap3A_404 = tpu.vector_load %arg24[%swap3A_402, %swap3A_403] {strides = array<i32>} : memref<640x16xf32, #tpu.memory_space<vmem>>, vector<16xf32>,
        tpu.vector_store %arg24[%swap3A_402, %swap3A_403], %add3A_401 {strides = array<i32>} : memref<640x16xf32, #tpu.memory_space<vmem>>, vector<16xf32>,
        %scan3A_405 = arith.constant 13 : i32
        %scan3A_406 = arith.addi %scan3A_187, %scan3A_405 : i32
        %mul3A_407 = arith.constant 1 : i32
        %mul3A_408 = arith.muli %scan3A_406, %mul3A_407 : i32
        %add3A_409 = arith.constant 0 : i32
        %add3A_410 = arith.addi %add3A_409, %mul3A_408 : i32
        %get3A_411 = arith.index_cast %add3A_410 : i32 to index
        %get3A_412 = arith.constant 0 : index
        %get3A_413 = tpu.vector_load %arg24[%get3A_411, %get3A_412] {strides = array<i32>} : memref<640x16xf32, #tpu.memory_space<vmem>>, vector<16xf32>,
        %get3A_414 = arith.index_cast %add3A_410 : i32 to index
        %get3A_415 = arith.constant 0 : index
        %get3A_416 = tpu.vector_load %arg23[%get3A_414, %get3A_415] {strides = array<i32>} : memref<640x16xf32, #tpu.memory_space<vmem>>, vector<16xf32>,
        %mul3A_417 = arith.mulf %get3A_416, %gather3A_168 : vector<16xf32>
        %add3A_418 = arith.addf %get3A_413, %mul3A_417 : vector<16xf32>
        %swap3A_419 = arith.index_cast %add3A_410 : i32 to index
        %swap3A_420 = arith.constant 0 : index
        %swap3A_421 = tpu.vector_load %arg24[%swap3A_419, %swap3A_420] {strides = array<i32>} : memref<640x16xf32, #tpu.memory_space<vmem>>, vector<16xf32>,
        tpu.vector_store %arg24[%swap3A_419, %swap3A_420], %add3A_418 {strides = array<i32>} : memref<640x16xf32, #tpu.memory_space<vmem>>, vector<16xf32>,
        %scan3A_422 = arith.constant 14 : i32
        %scan3A_423 = arith.addi %scan3A_187, %scan3A_422 : i32
        %mul3A_424 = arith.constant 1 : i32
        %mul3A_425 = arith.muli %scan3A_423, %mul3A_424 : i32
        %add3A_426 = arith.constant 0 : i32
        %add3A_427 = arith.addi %add3A_426, %mul3A_425 : i32
        %get3A_428 = arith.index_cast %add3A_427 : i32 to index
        %get3A_429 = arith.constant 0 : index
        %get3A_430 = tpu.vector_load %arg24[%get3A_428, %get3A_429] {strides = array<i32>} : memref<640x16xf32, #tpu.memory_space<vmem>>, vector<16xf32>,
        %get3A_431 = arith.index_cast %add3A_427 : i32 to index
        %get3A_432 = arith.constant 0 : index
        %get3A_433 = tpu.vector_load %arg23[%get3A_431, %get3A_432] {strides = array<i32>} : memref<640x16xf32, #tpu.memory_space<vmem>>, vector<16xf32>,
        %mul3A_434 = arith.mulf %get3A_433, %gather3A_168 : vector<16xf32>
        %add3A_435 = arith.addf %get3A_430, %mul3A_434 : vector<16xf32>
        %swap3A_436 = arith.index_cast %add3A_427 : i32 to index
        %swap3A_437 = arith.constant 0 : index
        %swap3A_438 = tpu.vector_load %arg24[%swap3A_436, %swap3A_437] {strides = array<i32>} : memref<640x16xf32, #tpu.memory_space<vmem>>, vector<16xf32>,
        tpu.vector_store %arg24[%swap3A_436, %swap3A_437], %add3A_435 {strides = array<i32>} : memref<640x16xf32, #tpu.memory_space<vmem>>, vector<16xf32>,
        %scan3A_439 = arith.constant 15 : i32
        %scan3A_440 = arith.addi %scan3A_187, %scan3A_439 : i32
        %mul3A_441 = arith.constant 1 : i32
        %mul3A_442 = arith.muli %scan3A_440, %mul3A_441 : i32
        %add3A_443 = arith.constant 0 : i32
        %add3A_444 = arith.addi %add3A_443, %mul3A_442 : i32
        %get3A_445 = arith.index_cast %add3A_444 : i32 to index
        %get3A_446 = arith.constant 0 : index
        %get3A_447 = tpu.vector_load %arg24[%get3A_445, %get3A_446] {strides = array<i32>} : memref<640x16xf32, #tpu.memory_space<vmem>>, vector<16xf32>,
        %get3A_448 = arith.index_cast %add3A_444 : i32 to index
        %get3A_449 = arith.constant 0 : index
        %get3A_450 = tpu.vector_load %arg23[%get3A_448, %get3A_449] {strides = array<i32>} : memref<640x16xf32, #tpu.memory_space<vmem>>, vector<16xf32>,
        %mul3A_451 = arith.mulf %get3A_450, %gather3A_168 : vector<16xf32>
        %add3A_452 = arith.addf %get3A_447, %mul3A_451 : vector<16xf32>
        %swap3A_453 = arith.index_cast %add3A_444 : i32 to index
        %swap3A_454 = arith.constant 0 : index
        %swap3A_455 = tpu.vector_load %arg24[%swap3A_453, %swap3A_454] {strides = array<i32>} : memref<640x16xf32, #tpu.memory_space<vmem>>, vector<16xf32>,
        tpu.vector_store %arg24[%swap3A_453, %swap3A_454], %add3A_452 {strides = array<i32>} : memref<640x16xf32, #tpu.memory_space<vmem>>, vector<16xf32>,
      }
      %scan3A_179 = arith.constant 640 : i32
      %dma_wait3A_180 = arith.constant 0 : i32
      %dma_wait3A_181 = tpu.memref_slice %arg9[%mul3A_0, %dma_wait3A_180] : memref<10240x16xf32, #tpu.memory_space<vmem_shared>> -> memref<640x16xf32, #tpu.memory_space<vmem_shared>>
      %dma_wait3A_182 = arith.constant 0 : i32
      %dma_wait3A_183 = tpu.memref_slice %arg9[%mul3A_0, %dma_wait3A_182] : memref<10240x16xf32, #tpu.memory_space<vmem_shared>> -> memref<640x16xf32, #tpu.memory_space<vmem_shared>>
      tpu.wait_dma2 semaphore(%arg34 : memref<!tpu.dma_semaphore, #tpu.memory_space<semaphore_mem>>) src(%arg23 : memref<640x16xf32, #tpu.memory_space<vmem>>) dst(%dma_wait3A_183 : memref<640x16xf32, #tpu.memory_space<vmem_shared>>)
      %dma_wait3A_184 = arith.constant 0 : i32
      %dma_wait3A_185 = tpu.memref_slice %arg11[%mul3A_0, %dma_wait3A_184] : memref<10240x16xf32, #tpu.memory_space<vmem_shared>> -> memref<640x16xf32, #tpu.memory_space<vmem_shared>>
      tpu.wait_dma2 semaphore(%arg35 : memref<!tpu.dma_semaphore, #tpu.memory_space<semaphore_mem>>) src(%arg7 : memref<640x16xf32, #tpu.memory_space<hbm>>) dst(%dma_wait3A_185 : memref<640x16xf32, #tpu.memory_space<vmem_shared>>)
      %barrier3A_186 = arith.constant 0 : index
      tpu.barrier barrier_id(%barrier3A_186)
    }
    %scan3A_10 = arith.constant 5 : i32
    "tpu.region"() ({
      %run_scoped3A = tpu.sem_alloc : memref<!tpu.dma_semaphore, #tpu.memory_space<semaphore_mem>>
      %dma_start3A = arith.constant 0 : i32
      %dma_start3A_11 = tpu.memref_slice %arg8[%mul3A_0, %dma_start3A] : memref<10240x16xf32, #tpu.memory_space<hbm>> -> memref<640x16xf32, #tpu.memory_space<hbm>>
      %dma_start3A_12 = arith.constant 0 : i32
      %dma_start3A_13 = tpu.memref_slice %arg8[%mul3A_0, %dma_start3A_12] : memref<10240x16xf32, #tpu.memory_space<hbm>> -> memref<640x16xf32, #tpu.memory_space<hbm>>
      tpu.enqueue_dma source(%arg24 : memref<640x16xf32, #tpu.memory_space<vmem>>) target(%dma_start3A_13 : memref<640x16xf32, #tpu.memory_space<hbm>>) target_semaphore(%run_scoped3A : memref<!tpu.dma_semaphore, #tpu.memory_space<semaphore_mem>>)
      %dma_wait3A = arith.constant 0 : i32
      %dma_wait3A_14 = tpu.memref_slice %arg8[%mul3A_0, %dma_wait3A] : memref<10240x16xf32, #tpu.memory_space<hbm>> -> memref<640x16xf32, #tpu.memory_space<hbm>>
      %dma_wait3A_15 = arith.constant 0 : i32
      %dma_wait3A_16 = tpu.memref_slice %arg8[%mul3A_0, %dma_wait3A_15] : memref<10240x16xf32, #tpu.memory_space<hbm>> -> memref<640x16xf32, #tpu.memory_space<hbm>>
      tpu.wait_dma2 semaphore(%run_scoped3A : memref<!tpu.dma_semaphore, #tpu.memory_space<semaphore_mem>>) src(%arg24 : memref<640x16xf32, #tpu.memory_space<vmem>>) dst(%dma_wait3A_16 : memref<640x16xf32, #tpu.memory_space<hbm>>)
      tpu.yield
    }) : () -> ()
    return
  }
}

module attributes {stable_mosaic.version = 14 : i64} {
  func.func @_mlp_body(%arg0: i32, %arg1: memref<1024x128xf32, #tpu.memory_space<vmem>>, %arg2: memref<128x64xf32, #tpu.memory_space<vmem>>, %arg3: memref<1x64xf32, #tpu.memory_space<vmem>>, %arg4: memref<64x16xf32, #tpu.memory_space<vmem>>, %arg5: memref<1x16xf32, #tpu.memory_space<vmem>>, %arg6: memref<1024x16xf32, #tpu.memory_space<vmem>>) attributes {dimension_semantics = [#tpu.dimension_semantics<arbitrary>], iteration_bounds = array<i64: 10>, scalar_prefetch = 0 : i64, scratch_operands = 0 : i64, tpu.core_type = #tpu.core_type<tc>, window_params = [{transform_indices = @transform_0, window_bounds = array<i64: 1024, 128>}, {pipeline_mode = #tpu.pipeline_mode<synchronous>, transform_indices = @transform_1, window_bounds = array<i64: 128, 64>}, {pipeline_mode = #tpu.pipeline_mode<synchronous>, transform_indices = @transform_2, window_bounds = array<i64: 1, 64>}, {pipeline_mode = #tpu.pipeline_mode<synchronous>, transform_indices = @transform_3, window_bounds = array<i64: 64, 16>}, {pipeline_mode = #tpu.pipeline_mode<synchronous>, transform_indices = @transform_4, window_bounds = array<i64: 1, 16>}, {transform_indices = @transform_5, window_bounds = array<i64: 1024, 16>}]} {
    %get3A = arith.constant 0 : index
    %get3A_0 = arith.constant 0 : index
    %get3A_1 = vector.load %arg1[%get3A, %get3A_0] : memref<1024x128xf32, #tpu.memory_space<vmem>>, vector<1024x128xf32>
    %get3A_2 = arith.constant 0 : index
    %get3A_3 = arith.constant 0 : index
    %get3A_4 = vector.load %arg2[%get3A_2, %get3A_3] : memref<128x64xf32, #tpu.memory_space<vmem>>, vector<128x64xf32>
    %dot_general3A = arith.constant dense<0.000000e+00> : vector<1024x64xf32>
    %dot_general3A_5 = tpu.matmul %get3A_1, %get3A_4, %dot_general3A {dimension_numbers = #tpu.dot_dimension_numbers<[1], [0], [0], [1], [0, 0, 1, 1], [], []>, transpose_lhs_hint = false} : vector<1024x128xf32>, vector<128x64xf32>, vector<1024x64xf32> -> vector<1024x64xf32>
    %get3A_6 = arith.constant 0 : index
    %get3A_7 = arith.constant 0 : index
    %get3A_8 = vector.load %arg3[%get3A_6, %get3A_7] : memref<1x64xf32, #tpu.memory_space<vmem>>, vector<1x64xf32>
    %add3A = vector.broadcast %get3A_8 : vector<1x64xf32> to vector<1024x64xf32>
    %add3A_9 = arith.addf %dot_general3A_5, %add3A : vector<1024x64xf32>
    %max3A = arith.constant 0.000000e+00 : f32
    %max3A_10 = vector.broadcast %max3A : f32 to vector<1024x64xf32>
    %max3A_11 = arith.maximumf %add3A_9, %max3A_10 : vector<1024x64xf32>
    %get3A_12 = arith.constant 0 : index
    %get3A_13 = arith.constant 0 : index
    %get3A_14 = vector.load %arg4[%get3A_12, %get3A_13] : memref<64x16xf32, #tpu.memory_space<vmem>>, vector<64x16xf32>
    %dot_general3A_15 = arith.constant dense<0.000000e+00> : vector<1024x16xf32>
    %dot_general3A_16 = tpu.matmul %max3A_11, %get3A_14, %dot_general3A_15 {dimension_numbers = #tpu.dot_dimension_numbers<[1], [0], [0], [1], [0, 0, 1, 1], [], []>, transpose_lhs_hint = false} : vector<1024x64xf32>, vector<64x16xf32>, vector<1024x16xf32> -> vector<1024x16xf32>
    %get3A_17 = arith.constant 0 : index
    %get3A_18 = arith.constant 0 : index
    %get3A_19 = vector.load %arg5[%get3A_17, %get3A_18] : memref<1x16xf32, #tpu.memory_space<vmem>>, vector<1x16xf32>
    %add3A_20 = vector.broadcast %get3A_19 : vector<1x16xf32> to vector<1024x16xf32>
    %add3A_21 = arith.addf %dot_general3A_16, %add3A_20 : vector<1024x16xf32>
    %swap3A = arith.constant 0 : index
    %swap3A_22 = arith.constant 0 : index
    %swap3A_23 = vector.load %arg6[%swap3A, %swap3A_22] : memref<1024x16xf32, #tpu.memory_space<vmem>>, vector<1024x16xf32>
    tpu.vector_store %arg6[%swap3A, %swap3A_22], %add3A_21 {strides = array<i32>} : memref<1024x16xf32, #tpu.memory_space<vmem>>, vector<1024x16xf32>,
    return
  }
  func.func @transform_0(%arg0: i32) -> (i32, i32) {
    %c0_i32 = arith.constant 0 : i32
    %c0_i32_0 = arith.constant 0 : i32
    return %arg0, %c0_i32 : i32, i32
  }
  func.func @transform_1(%arg0: i32) -> (i32, i32) {
    %c0_i32 = arith.constant 0 : i32
    %c0_i32_0 = arith.constant 0 : i32
    %c0_i32_1 = arith.constant 0 : i32
    return %c0_i32, %c0_i32_0 : i32, i32
  }
  func.func @transform_2(%arg0: i32) -> (i32, i32) {
    %c0_i32 = arith.constant 0 : i32
    %c0_i32_0 = arith.constant 0 : i32
    %c0_i32_1 = arith.constant 0 : i32
    return %c0_i32, %c0_i32_0 : i32, i32
  }
  func.func @transform_3(%arg0: i32) -> (i32, i32) {
    %c0_i32 = arith.constant 0 : i32
    %c0_i32_0 = arith.constant 0 : i32
    %c0_i32_1 = arith.constant 0 : i32
    return %c0_i32, %c0_i32_0 : i32, i32
  }
  func.func @transform_4(%arg0: i32) -> (i32, i32) {
    %c0_i32 = arith.constant 0 : i32
    %c0_i32_0 = arith.constant 0 : i32
    %c0_i32_1 = arith.constant 0 : i32
    return %c0_i32, %c0_i32_0 : i32, i32
  }
  func.func @transform_5(%arg0: i32) -> (i32, i32) {
    %c0_i32 = arith.constant 0 : i32
    %c0_i32_0 = arith.constant 0 : i32
    return %arg0, %c0_i32 : i32, i32
  }
}

</mosaic_0001>

<sc_bundles>
// kernel: kernel.4.cloned.1.call-start
scs
__scs_entry_jumppad:
0x0: {  	(pc) =	sbr.rel $0x88, $3  }
0x1: {  	(tag) =	ssettag $0x0;
	lr =	simm.s32 $0x1  }
0x2: {  	[smem:$0x3F99] =	sst lr;
	_ =	strace $0xD0000000  }
0x3: {  	_ = 	snop  }
0x4: {  	_ = 	snop  }
0x5: {  	_ = 	snop  }
0x6: {  	_ = 	snop  }
0x7: {  	_ = 	snop  }
__scs_overlays_trampoline_lowered:
0x8: {  	[smem:$0x3FA8] =	sst s0  }
0x9: {  	[smem:$0x3FA9] =	sst s1  }
0xa: {  	[smem:$0x3FAA] =	sst s2  }
0xb: {  	[smem:$0x3FAB] =	sst s3  }
0xc: {  	[smem:$0x3FAC] =	sst s4  }
0xd: {  	[smem:$0x3FAD] =	sst s5  }
0xe: {  	[smem:$0x3FAE] =	sst s6  }
0xf: {  	[smem:$0x3FAF] =	sst s7  }
0x10: {  	[smem:$0x3FB0] =	sst s8  }
0x11: {  	[smem:$0x3FB1] =	sst s9;
	s0 =	simm.s32 @!p0 $0x0  }
0x12: {  	s1 =	sld [smem:$0x3F97];
	s0 =	simm.s32 @p0 $0x1  }
0x13: {  	[smem:$0x3FB2] =	sst s0;
	s0 =	simm.s32 @!p1 $0x0  }
0x14: {  	s2 =	sld [smem:$0x3F96];
	s0 =	simm.s32 @p1 $0x1  }
0x15: {  	[smem:$0x3FB3] =	sst s0;
	s0 =	simm.s32 @!p2 $0x0  }
0x16: {  	s3 =	sld [smem:$0x3FDB];
	s0 =	simm.s32 @p2 $0x1  }
0x17: {  	s4 =	simm.s32 $0x1BF5;
	[smem:$0x3FB5] =	sst s0  }
0x18: {  	s0 =	sld [smem:$0x3F98];
	_ =	swait.ge [sflag:s4], $0x0  }
0x19: {  	s7 =	sld [smem:$0x3F99]  }
0x1a: {  	s8 =	sadd.s32 $0xFFFFE003, lr  }
0x1b: {  	s9 =	sadd.s32 $0xFFFFFEF7, lr;
	s5 =	simm.s32 $0xFFFFFFFF;
	p2 =	slt.u32 s8, $0xFFFFF086  }
0x1c: {  	p1 =	slt.u32 s9, $0xF7A;
	s5 =	simm.s32 @!p2 $0x0  }
0x1d: {  	s5 =	simm.s32 @p1 $0x1;
	p0 =	seq.s32 s7, s2  }
0x1e: {  	s7 =	smul.u32 @!p0 $0xF7A, s2;
	p2 =	seq.s32 @!p0 s5, $0x0  }
0x1f: {  	s9 =	smul.u32 $0xF7A, s1;
	s8 =	simm.s32 @!p0 $0x1BF5;
	p2 =	por !p2, p0  }
0x20: {  	[sflag:s8] =	ssyncset.s32 @!p0 $0xFFFFF086;
	s6 =	sadd.s32 @!p0 s3, s7;
	s7 =	simm.s32 @!p0 $0x108  }
0x21: {  	s3 =	sadd.s32 s3, s9;
	s6 =	sadd.s32 @!p0 $0x88, s6;
	s7 =	simm.s32 @p2 $0x1082  }
0x22: {  	[simem:s7], [sflag:s8] =	dma.local @!p0 [hbm:s6], $0xF7A  }
0x23: {  	s9 =	sor.u32 $0xD0000000, s2;
	s6 =	simm.s32 $0x108;
	_ =	swait.ge @!p0 [sflag:s8], $0x0  }
0x24: {  	s3 =	sadd.s32 $0x88, s3;
	s6 =	simm.s32 @!p1 $0x1082;
	[sflag:s4] =	ssyncset.s32 $0xFFFFF086  }
0x25: {  	[simem:s6], [sflag:s4] =	dma.local [hbm:s3], $0xF7A  }
0x26: {  	[smem:$0x3F99] =	sst s1;
	(tag) =	ssettag s2;
	_ =	strace s9  }
0x27: {  	s1 =	sld [smem:$0x3FA9]  }
0x28: {  	s2 =	sld [smem:$0x3FAA]  }
0x29: {  	s4 =	sld [smem:$0x3FAC]  }
0x2a: {  	p0 =	seq.s32 s5, $0x0;
	s5 =	sld [smem:$0x3FAD]  }
0x2b: {  	s6 =	sld [smem:$0x3FAE]  }
0x2c: {  	s7 =	sld [smem:$0x3FAF]  }
0x2d: {  	s3 =	simm.s32 $0x108;
	s8 =	sld [smem:$0x3FB0]  }
0x2e: {  	s3 =	simm.s32 @!p0 $0x1082;
	s9 =	sld [smem:$0x3FB1]  }
0x2f: {  	lr =	sadd.s32 s0, s3;
	s0 =	sld [smem:$0x3FA8]  }
0x30: {  	s3 =	sld [smem:$0x3FAB]  }
0x31: {  	[smem:$0x3FB4] =	sst s10  }
0x32: {  	s10 =	sld [smem:$0x3FB2];
	_ =	sdelay $0x3  }
0x33: {  	p0 =	seq.s32 s10, $0x1;
	s10 =	sld [smem:$0x3FB4];
	_ =	sdelay $0x3  }
0x34: {  	[smem:$0x3FB4] =	sst s10  }
0x35: {  	s10 =	sld [smem:$0x3FB3];
	_ =	sdelay $0x3  }
0x36: {  	p1 =	seq.s32 s10, $0x1;
	s10 =	sld [smem:$0x3FB4];
	_ =	sdelay $0x3  }
0x37: {  	[smem:$0x3FB4] =	sst s10  }
0x38: {  	s10 =	sld [smem:$0x3FB5]  }
0x39: {  	_ = 	snop;
	(pc) =	sbr.ind lr, $3  }
0x3a: {  	_ = 	snop  }
0x3b: {  	_ = 	snop  }
0x3c: {  	p2 =	seq.s32 s10, $0x1;
	s10 =	sld [smem:$0x3FB4]  }
0x3d: {  	_ =	shalt  }
0x3e: {  	_ =	shalt  }
0x3f: {  	_ =	shalt  }
0x40: {  	_ =	shalt  }
0x41: {  	_ =	shalt  }
0x42: {  	_ =	shalt  }
0x43: {  	_ =	shalt  }
0x44: {  	_ =	shalt  }
0x45: {  	_ =	shalt  }
0x46: {  	_ =	shalt  }
0x47: {  	_ =	shalt  }
0x48: {  	_ =	shalt  }
0x49: {  	_ =	shalt  }
0x4a: {  	_ =	shalt  }
0x4b: {  	_ =	shalt  }
0x4c: {  	_ =	shalt  }
0x4d: {  	_ =	shalt  }
0x4e: {  	_ =	shalt  }
0x4f: {  	_ =	shalt  }
0x50: {  	_ =	shalt  }
0x51: {  	_ =	shalt  }
0x52: {  	_ =	shalt  }
0x53: {  	_ =	shalt  }
0x54: {  	_ =	shalt  }
0x55: {  	_ =	shalt  }
0x56: {  	_ =	shalt  }
0x57: {  	_ =	shalt  }
0x58: {  	_ =	shalt  }
0x59: {  	_ =	shalt  }
0x5a: {  	_ =	shalt  }
0x5b: {  	_ =	shalt  }
0x5c: {  	_ =	shalt  }
0x5d: {  	_ =	shalt  }
0x5e: {  	_ =	shalt  }
0x5f: {  	_ =	shalt  }
0x60: {  	_ =	shalt  }
0x61: {  	_ =	shalt  }
0x62: {  	_ =	shalt  }
0x63: {  	_ =	shalt  }
0x64: {  	_ =	shalt  }
0x65: {  	_ =	shalt  }
0x66: {  	_ =	shalt  }
0x67: {  	_ =	shalt  }
0x68: {  	_ =	shalt  }
0x69: {  	_ =	shalt  }
0x6a: {  	_ =	shalt  }
0x6b: {  	_ =	shalt  }
0x6c: {  	_ =	shalt  }
0x6d: {  	_ =	shalt  }
0x6e: {  	_ =	shalt  }
0x6f: {  	_ =	shalt  }
0x70: {  	_ =	shalt  }
0x71: {  	_ =	shalt  }
0x72: {  	_ =	shalt  }
0x73: {  	_ =	shalt  }
0x74: {  	_ =	shalt  }
0x75: {  	_ =	shalt  }
0x76: {  	_ =	shalt  }
0x77: {  	_ =	shalt  }
0x78: {  	_ =	shalt  }
0x79: {  	_ =	shalt  }
0x7a: {  	_ =	shalt  }
0x7b: {  	_ =	shalt  }
0x7c: {  	_ =	shalt  }
0x7d: {  	_ =	shalt  }
0x7e: {  	_ =	shalt  }
0x7f: {  	_ =	shalt  }
0x80: {  	_ =	shalt  }
0x81: {  	_ =	shalt  }
0x82: {  	_ =	shalt  }
0x83: {  	_ =	shalt  }
0x84: {  	_ =	shalt  }
0x85: {  	_ =	shalt  }
0x86: {  	_ =	shalt  }
0x87: {  	_ =	shalt  }
.Lfunc_end0:
.L_simem_size_0:
called_computation_lowered:
.L_overlay_start_0:
0x88: {  	s0 =	sld [smem:$0x3FD9]  }
0x89: {  	s1 =	sld [smem:$0x3FFE];
	_ =	sdelay $0x3  }
0x8a: {  	s0 =	sadd.s32 s1, s0  }
0x8b: {  	[smem:$0x3FC0] =	sst s0  }
0x8c: {  	_ = 	snop  }
0x8d: {  	s0 =	sld [smem:$0x3FD0];
	(tm) =	ssettm $0x1  }
0x8e: {  	s16 =	sld [smem:$0x3FFB];
	_ =	sdelay $0x3  }
0x8f: {  	_ =	strace s16  }
0x90: {  	s1 =	sld [smem:$0x3FFC];
	_ =	sdelay $0x3  }
0x91: {  	_ =	strace s1  }
0x92: {  	s1 =	sld [smem:$0x3FFD];
	_ =	sdelay $0x3  }
0x93: {  	_ =	strace s1  }
0x94: {  	_ =	strace $0x8FFFFFFF  }
0x95: {  	s17 =	sld [smem:$0x3FDB];
	_ =	sdelay $0x1  }
0x96: {  	s2 =	simm.s32 $_scs_section_size  }
0x97: {  	s3 =	simm.s32 $_size__tile_overlayer_lowered;
	s4 =	simm.s32 $_tile_overlayer_lowered  }
0x98: {  	s20 =	simm.s32 $0x1BFF;
	s19 =	sshll.u32 s4, $0x1;
	s1 =	sadd.s32 s2, s17  }
0x99: {  	s5 =	simm.s32 $0x0;
	s18 =	sshll.u32 s3, $0x1;
	s3 =	sadd.s32 s19, s1  }
0x9a: {  	[timem:s5], [sflag:s20] =	dma.local [hbm:s3], s18  }
0x9b: {  	_ =	swait.ge [sflag:s20], s18  }
0x9c: {  	s2 =	ssub.s32 $0x0, s18;
	[sflag:s20] =	ssyncset.done $0x0  }
0x9d: {  	[sflag:s20] =	ssyncadd.s32 s2;
	_ =	sdelay $0x1  }
0x9e: {  	s21 =	simm.s32 $0x1B8B  }
0x9f: {  	_ =	swait.ge [sflag:s21], $0x1  }
0xa0: {  	[sflag:s21] =	ssyncset.done $0x0  }
0xa1: {  	s23 =	simm.s32 $0x1B8E;
	s22 =	sld [smem:$0x3FFE];
	[sflag:s21] =	ssyncadd.s32 $0xFFFFFFFF  }
0xa2: {  	s24 =	simm.s32 $execute0_lowered;
	[smem:$0x3FD2] =	sst s23  }
0xa3: {  	s3 =	sshll.u32 s24, $0x1;
	_ =	strace $0x80000046;
	[dreg:$0x1] =	wrdreg $0xFFFFFFFF  }
0xa4: {  	s25 =	simm.s32 $_size_execute0_lowered;
	s1 =	sadd.s32 s1, s3;
	[dreg:$0x0] =	wrdreg $0x0  }
0xa5: {  	s3 =	sshll.u32 s25, $0x1;
	[dreg:$0x2] =	wrdreg s1  }
0xa6: {  	[dreg:$0x3] =	wrdreg s3  }
0xa7: {  	[dreg:$0x4] =	wrdreg $0xC0  }
0xa8: {  	_ =	task [dreg:s5], $0x5FFFF  }
0xa9: {  	[dreg:$0x1] =	wrdreg $0xFFFFFFFF  }
0xaa: {  	[dreg:$0x0] =	wrdreg $0x60  }
0xab: {  	[dreg:$0x2] =	wrdreg s22  }
0xac: {  	[dreg:$0x3] =	wrdreg s0  }
0xad: {  	[dreg:$0x4] =	wrdreg $0x50000  }
0xae: {  	[dreg:$0x5] =	wrdreg $0x0  }
0xaf: {  	[dreg:$0x6] =	wrdreg $0x28000  }
0xb0: {  	[dreg:$0x7] =	wrdreg $0x9  }
0xb1: {  	_ =	task.clear_ibuf [dreg:s5], $0x8FFFF;
	_ =	strace $0x90000046  }
0xb2: {  	s26 =	simm.s32 $0x9;
	_ =	strace $0x80000048  }
0xb3: {  	_ =	swait.ge [sflag:s26], $0x1  }
0xb4: {  	[sflag:s26] =	ssyncadd.s32 $0xFFFFFFFF  }
0xb5: {  	_ =	strace $0x90000048  }
0xb6: {  	_ =	sfence  }
0xb7: {  	s28 =	sld [smem:$0x0];
	_ =	sdelay $0x1  }
0xb8: {  	s29 =	srdreg.scid  }
0xb9: {  	s30 =	sshll.u32 s29, $0xD;
	s31 =	sshrl.u32 s29, $0x2  }
0xba: {  	s2 =	sand.u32 $0x4000, s30;
	s1 =	sand.u32 $0x1, s29;
	s0 =	sadd.s32 s31, s28  }
0xbb: {  	s1 =	sor.u32 s2, s1;
	s0 =	sshll.u32 s0, $0x11  }
0xbc: {  	s0 =	sor.u32 s0, s1  }
0xbd: {  	s0 =	sadd.s32 $0x8F2B, s0  }
0xbe: {  	[sflag:s0] =	ssyncadd.remote.s32 $0x1  }
0xbf: {  	_ =	sfence.sel $0xFFFF  }
0xc0: {  	[dreg:$0x0] =	wrdreg $0xFFFFFFFF;
	(pc) =	sbr.abs _section_cstart, $3  }
0xc1: {  	[dreg:$0x1] =	wrdreg $0xFFFFFFFF  }
0xc2: {  	_ =	task.clear_ibuf [dreg:s5], $0x2FFFF;
	_ =	strace $0x9FFFFFFF  }
0xc3: {  	(tm) =	ssettm $0x7FFFFFFF  }
tec
execute0_lowered:
.L_overlay_start_1:
0x0: {  	(tag) =	ssettag $0x1  }
0x1: {  	s2 =	rddreg [dreg:$0x0]  }
0x2: {  	s3 =	rddreg [dreg:$0x2];
	s10 =	stileid.u32  }
0x3: {  	s4 =	rddreg [dreg:$0x3];
	s0 =	smul.u32 $0xA00, s10  }
0x4: {  	s5 =	rddreg [dreg:$0x4];
	s1 =	simm.s32 $0x0  }
0x5: {  	s7 =	simm.s32 $0x7800;
	[smem:$0x7FF] =	sst s1;
	s0 =	sadd.s32 s0, s2  }
0x6: {  	s25 =	simm.s32 $0xB;
	_ =	strace $0x80000047;
	s6 =	sadd.s32 $0x5600, s0  }
0x7: {  	[tilespmem:s7], [sflag:$0xB] =	stream.linear.gather [hbm4b:s6+s1], $0x5000, $0x38;
	[tilespmem:$0x1F810] =	vst v63  }
0x8: {  	_ =	swait.ge [sflag:s25], $0x5000  }
0x9: {  	[sflag:s25] =	ssyncset.done $0x0  }
0xa: {  	s8 =	simm.s32 $0xC800;
	s26 =	sadd.s32 $0xF600, s0;
	[sflag:s25] =	ssyncadd.s32 $0xFFFFB000  }
0xb: {  	[tilespmem:s8], [sflag:$0xB] =	stream.linear.gather [hbm4b:s26+s1], $0x5000, $0x38;
	[tilespmem:$0x1F810] =	vst v63  }
0xc: {  	_ =	swait.ge [sflag:s25], $0x5000  }
0xd: {  	[sflag:s25] =	ssyncset.done $0x0  }
0xe: {  	s28 =	simm.s32 $0x11800;
	s0 =	sadd.s32 $0x19600, s0;
	[sflag:s25] =	ssyncadd.s32 $0xFFFFB000  }
0xf: {  	[tilespmem:s28], [sflag:$0xB] =	stream.linear.gather [hbm4b:s0+s1], $0x5000, $0x38;
	[tilespmem:$0x1F810] =	vst v63  }
0x10: {  	_ =	swait.ge [sflag:s25], $0x5000  }
0x11: {  	s30 =	simm.s32 $0x1F800;
	[sflag:s25] =	ssyncset.done $0x0  }
0x12: {  	s29 =	sadd.s32 $0x23600, s2;
	s0 =	smul.u32 $0x2800, s10;
	[sflag:s25] =	ssyncadd.s32 $0xFFFFB000  }
0x13: {  	[tilespmem:s30], [sflag:$0xB] =	stream.linear.gather [hbm4b:s29+s1], $0x10, $0x38;
	[tilespmem:$0x1F810] =	vst v63  }
0x14: {  	s31 =	sshrl.u32 s0, $0x3;
	_ =	swait.ge [sflag:s25], $0x10  }
0x15: {  	s9 =	simm.s32 $0x1A800;
	s7 =	sadd.s32 s31, s2;
	[sflag:s25] =	ssyncset.done $0x0  }
0x16: {  	s7 =	sadd.s32 $0x600, s7;
	[dreg:$0x6] =	wrdreg s31;
	[sflag:s25] =	ssyncadd.s32 $0xFFFFFFF0  }
0x17: {  	[tilespmem:s9], [sflag:$0xB] =	stream.linear.gather [hbm4b:s7+s1], $0x2800, $0x38;
	[tilespmem:$0x1F810] =	vst v63  }
0x18: {  	_ =	swait.ge [sflag:s25], $0x2800  }
0x19: {  	[sflag:s25] =	ssyncset.done $0x0  }
0x1a: {  	[sflag:s25] =	ssyncadd.s32 $0xFFFFD800  }
0x1b: {  	s1 =	simm.s32 $0x0;
	v0 =	vld.msk [tilespmem:s30+$0x0], $0xffff  }
0x1c: {  	s2 =	sadd.s32 $0x23800, s2;
	v1 =	vld [tilespmem:s1+$0x1A800]  }
0x1d: {  	[dreg:$0x7] =	wrdreg s2;
	s2 =	simm.s32 $0x40  }
.LBB2_1:
0x1e: {  	p0 =	sne.s32 s2, $0x9FC0  }
.Ltmp0:
0x1f: {  	_ = 	snop;
	(pc) =	sbr.rel @p0 .LBB2_1-.Ltmp0, $4  }
0x20: {  	_ = 	snop  }
0x21: {  	s6 =	sshra.s32 s2, $0x2;
	s2 =	sadd.s32 $0x40, s2;
	v2 =	vmul.f32 v1, v0  }
0x22: {  	v1 =	vld [tilespmem:s6+$0x1A800]  }
0x23: {  	[tilespmem:s1+$0x1D000] =	vst v2;
	s1 =	smov.u32 s6  }
0x24: {  	_ =	sdelay $0x1  }
0x25: {  	s6 =	sshll.u32 s10, $0x6;
	s22 =	rddreg [dreg:$0x1]  }
0x26: {  	s2 =	sadd.s32 s0, s3;
	[dreg:$0x9] =	wrdreg s6;
	v0 =	vmul.f32 v1, v0  }
0x27: {  	[dreg:$0x8] =	wrdreg s2;
	s21 =	sshrl.u32 s2, $0x3  }
0x28: {  	s23 =	simm.s32 $0xB;
	s20 =	sor.u32 $0x1C0B, s6;
	[dreg:$0xa] =	wrdreg s21;
	[tilespmem:s1+$0x1D000] =	vst v0  }
0x29: {  	[spmem:s21], [sflag:s20] =	dma.local [hbm:s22], $0x500  }
0x2a: {  	s24 =	sadd.s32 s0, s4;
	_ =	swait.ge [sflag:s23], $0x500  }
0x2b: {  	s25 =	simm.s32 $0x1A800;
	s26 =	sadd.s32 s0, s5;
	[sflag:s23] =	ssyncset.done $0x0  }
0x2c: {  	s28 =	simm.s32 $0x0;
	[dreg:$0xb] =	wrdreg s24;
	[sflag:s23] =	ssyncadd.s32 $0xFFFFFB00  }
0x2d: {  	[spmem:s24] =	stream.linear.scatter [tilespmem:s25], [sflag:$0xB], $0x2800, $0x38;
	[tilespmem:$0x1F810] =	vst v63  }
0x2e: {  	s16 =	simm.s32 $0x80;
	s29 =	simm.s32 $0x2;
	_ =	swait.ge [sflag:s23], $0x2800  }
0x2f: {  	s30 =	simm.s32 $0x19000;
	s31 =	simm.s32 $0x3;
	[sflag:s23] =	ssyncset.done $0x0  }
0x30: {  	s7 =	simm.s32 $0x4;
	[dreg:$0xc] =	wrdreg s26;
	[sflag:s23] =	ssyncadd.s32 $0xFFFFD800  }
0x31: {  	s0 =	simm.s32 $0x1A000;
	vm0 =	vcmask $0x300;
	s1 =	simm.s32 $0x19800;
	v0 =	vimm.s32 $0x0;
	[bflag:$0x0] =	sbarrier.arrive $0xFFFF  }
0x32: {  	v0 =	vsel vm0, $0x3, v0;
	s25 =	simm.s32 $0x1;
	s26 =	simm.s32 $0x11800;
	[dreg:$0xd] =	wrdreg s28  }
.LBB2_3:
0x33: {  	s2 =	simm.s32 $0x7800;
	s6 =	simm.s32 $0x16800  }
0x34: {  	[tilespmem:s6], [sflag:$0x1] =	stream.indirect.gather [spmem:s4], $0x10, s2, s16, $0xb8;
	[tilespmem:$0x1F810] =	vst v63  }
0x35: {  	s20 =	simm.s32 $0x7880;
	s21 =	simm.s32 $0x17000  }
0x36: {  	[tilespmem:s21], [sflag:$0x2] =	stream.indirect.gather [spmem:s4], $0x10, s20, s16, $0xb8;
	[tilespmem:$0x1F810] =	vst v63  }
0x37: {  	s22 =	simm.s32 $0x7900;
	s23 =	simm.s32 $0x17800;
	s24 =	simm.s32 $0x7980  }
0x38: {  	[tilespmem:s23], [sflag:$0x3] =	stream.indirect.gather [spmem:s4], $0x10, s22, s16, $0xb8;
	[tilespmem:$0x1F810] =	vst v63  }
0x39: {  	s28 =	simm.s32 $0x18000;
	s19 =	simm.s32 $0x0;
	s22 =	simm.s32 $0x0  }
0x3a: {  	[tilespmem:s28], [sflag:$0x4] =	stream.indirect.gather [spmem:s4], $0x10, s24, s16, $0xb8;
	[tilespmem:$0x1F810] =	vst v63  }
.LBB2_4:
0x3b: {  	s2 =	sadd.s32 $0xFFFFFFF0, s22  }
0x3c: {  	s6 =	sadd.s32 $0x11, s2  }
0x3d: {  	s8 =	sadd.s32 $0x12, s2;
	s12 =	sadd.s32 $0x14, s2;
	s9 =	sadd.s32 $0x15, s2;
	v1 =	vmov s6  }
0x3e: {  	s13 =	sadd.s32 $0x17, s2;
	s14 =	sadd.s32 $0x1B, s2;
	s15 =	sadd.s32 $0x19, s2;
	v2 =	vmov s8;
	v3 =	vmov s12;
	v4 =	vmov s9  }
0x3f: {  	s10 =	sadd.s32 $0x13, s2;
	s17 =	sadd.s32 $0x16, s2;
	s20 =	sadd.s32 $0x1F, s2;
	v5 =	vmov s13;
	v6 =	vmov s14;
	v7 =	vmov s15  }
0x40: {  	s21 =	sadd.s32 $0x1C, s2;
	s23 =	sadd.s32 $0x1E, s2;
	v8 =	vmov s10;
	v10 =	vmov s17;
	v11 =	vmov s20  }
0x41: {  	v12 =	vmov s21;
	v13 =	vmov s23;
	v6 =	vshrl.u32 v6, $0x3  }
0x42: {  	s24 =	sadd.s32 $0x10, s2;
	v9 =	vshrl.u32 v4, $0x3;
	v11 =	vshrl.u32 v11, $0x3;
	v4 =	vshll.u32 v6, v0  }
0x43: {  	_ =	swait.ge [sflag:s25], $0x800;
	s18 =	sadd.s32 $0x18, s2;
	v14 =	vmov s24;
	v11 =	vshll.u32 v11, v0;
	v4 =	vadd.s32 $0x3, v4  }
0x44: {  	p0 =	seq.s32 s19, $0x0;
	[sflag:s25] =	ssyncset.done $0x0;
	s28 =	sadd.s32 $0x1D, s2;
	v6 =	vmov s18;
	v11 =	vadd.s32 $0x7, v11;
	v4 =	vbroadcast v4, $0x0  }
0x45: {  	[sflag:s25] =	ssyncadd.s32 $0xFFFFF800;
	s8 =	simm.s32 @!p0 $0x5;
	v15 =	vmov s28;
	v6 =	vshrl.u32 v6, $0x3;
	v11 =	vbroadcast v11, $0x0  }
0x46: {  	v2 =	vshrl.u32 v2, $0x3;
	_ =	swait.ge @!p0 [sflag:s8], $0x800;
	v3 =	vshrl.u32 v3, $0x3;
	v6 =	vshll.u32 v6, v0  }
0x47: {  	[sflag:s8] =	ssyncset.done @!p0 $0x0;
	v3 =	vshll.u32 v3, v0;
	v16 =	vshll.u32 v2, v0;
	v6 =	vbroadcast v6, $0x0  }
0x48: {  	s9 =	simm.s32 $0x16880;
	[sflag:s8] =	ssyncadd.s32 @!p0 $0xFFFFF800;
	v2 =	vadd.s32 $0x4, v3;
	v3 =	vshrl.u32 v5, $0x3;
	v5 =	vshrl.u32 v7, $0x3  }
0x49: {  	v13 =	vshrl.u32 v13, $0x3;
	v17 =	vbroadcast v2, $0x0;
	v2 =	vshll.u32 v5, v0;
	v5 =	vld [tilespmem:s9+$0x30]  }
0x4a: {  	v1 =	vshrl.u32 v1, $0x3;
	v8 =	vshrl.u32 v8, $0x3;
	v3 =	vshll.u32 v3, v0;
	v7 =	vld.idx.msk [tilespmem:v4+s26+$0x0], $0xffff  }
0x4b: {  	v12 =	vshrl.u32 v12, $0x3;
	v3 =	vadd.s32 $0x7, v3;
	v4 =	vshll.u32 v13, v0;
	v11 =	vld.idx.msk [tilespmem:v11+s26+$0x0], $0xffff  }
0x4c: {  	v3 =	vbroadcast v3, $0x0;
	v13 =	vshrl.u32 v15, $0x3;
	v15 =	vld [tilespmem:s9+$0x70];
	v4 =	vadd.s32 $0x6, v4  }
0x4d: {  	v1 =	vshll.u32 v1, v0;
	v18 =	vld.idx.msk [tilespmem:v6+s26+$0x0], $0xffff;
	v6 =	vshrl.u32 v14, $0x3;
	v14 =	vbroadcast v4, $0x0  }
0x4e: {  	v19 =	vshll.u32 v8, v0;
	v8 =	vshll.u32 v9, v0;
	v21 =	vld [tilespmem:s9+$0xFFFFFFC0];
	v6 =	vshll.u32 v6, v0  }
0x4f: {  	v9 =	vshrl.u32 v10, $0x3;
	v10 =	vshll.u32 v12, v0;
	v17 =	vld.idx.msk [tilespmem:v17+s26+$0x0], $0xffff;
	v6 =	vbroadcast v6, $0x0  }
0x50: {  	v20 =	vadd.s32 $0x5, v8;
	v1 =	vadd.s32 $0x1, v1;
	v10 =	vadd.s32 $0x4, v10;
	v22 =	vld [tilespmem:s9+$0x0]  }
0x51: {  	v8 =	vshll.u32 v13, v0;
	v4 =	vld [tilespmem:s9+$0x60];
	v5 =	vmul.f32 v5, v7;
	v7 =	vshll.u32 v9, v0  }
0x52: {  	s2 =	sadd.s32 $0x1A, s2;
	v13 =	vadd.s32 $0x5, v8;
	v8 =	vld.idx.msk [tilespmem:v3+s26+$0x0], $0xffff;
	v15 =	vmul.f32 v15, v11;
	v7 =	vadd.s32 $0x6, v7  }
0x53: {  	s6 =	simm.s32 $0x18880;
	v9 =	vbroadcast v7, $0x0;
	v7 =	vmov s2;
	v11 =	vld.idx.msk [tilespmem:v14+s26+$0x0], $0xffff;
	v14 =	vbroadcast v1, $0x0  }
0x54: {  	v2 =	vadd.s32 $0x1, v2;
	v3 =	vld [tilespmem:s9+$0xFFFFFFF0];
	[tilespmem:s6+$0x30] =	vst v5;
	v5 =	vmul.f32 v21, v17;
	v7 =	vshrl.u32 v7, $0x3  }
0x55: {  	[tilespmem:s6+$0x70] =	vst v15;
	v15 =	vbroadcast v20, $0x0;
	v1 =	vadd.s32 $0x3, v19;
	v12 =	vld.idx.msk [tilespmem:v6+s26+$0x0], $0xffff;
	v17 =	vshll.u32 v7, v0  }
0x56: {  	s14 =	sshll.u32 s19, $0x9;
	v7 =	vbroadcast v13, $0x0;
	v13 =	vld [tilespmem:s9+$0xFFFFFF80];
	v6 =	vbroadcast v1, $0x0;
	v1 =	vadd.s32 $0x2, v17  }
0x57: {  	s10 =	simm.s32 $0x16980;
	s8 =	simm.s32 $0x18880;
	s2 =	simm.s32 $0x0;
	[tilespmem:s6+$0xFFFFFFC0] =	vst v5;
	v17 =	vadd.s32 $0x2, v16;
	v16 =	vmul.f32 v22, v18;
	v5 =	vbroadcast v1, $0x0;
	v1 =	vld [tilespmem:s9+$0x20]  }
.LBB2_5:
0x58: {  	s13 =	sadd.s32 s2, s22;
	s2 =	sadd.s32 $0x10, s2;
	v17 =	vbroadcast v17, $0x0;
	v18 =	vld [tilespmem:s9+$0xFFFFFFA0];
	v2 =	vbroadcast v2, $0x0;
	s6 =	sadd.s32 $0x100, s6  }
0x59: {  	v4 =	vmul.f32 v4, v11;
	s12 =	sadd.s32 $0x11, s13;
	s17 =	sadd.s32 $0x12, s13;
	s18 =	sadd.s32 $0x18, s13;
	v14 =	vld.idx.msk [tilespmem:v14+s26+$0x0], $0xffff;
	v8 =	vmul.f32 v3, v8;
	[tilespmem:s8+$0x0] =	vst v16  }
0x5a: {  	s20 =	sadd.s32 $0x16, s13;
	v11 =	vmov s12;
	v16 =	vmov s17;
	s12 =	sadd.s32 $0x14, s13;
	s17 =	sadd.s32 $0x15, s13;
	v3 =	vld.idx.msk [tilespmem:v9+s26+$0x0], $0xffff;
	v9 =	vbroadcast v10, $0x0  }
0x5b: {  	s21 =	sadd.s32 $0x1D, s13;
	v10 =	vmov s12;
	v19 =	vmov s17;
	s12 =	sadd.s32 $0x17, s13;
	s17 =	sadd.s32 $0x19, s13;
	v12 =	vmul.f32 v13, v12;
	[tilespmem:s8+$0xFFFFFFF0] =	vst v8;
	v8 =	vld [tilespmem:s9+$0x10]  }
0x5c: {  	s23 =	sadd.s32 $0x13, s13;
	s11 =	sadd.s32 $0x1C, s13;
	v13 =	vshrl.u32 v16, $0x3;
	v16 =	vmov s12;
	v20 =	vmov s17;
	s17 =	sadd.s32 $0x1B, s13;
	v15 =	vld.idx.msk [tilespmem:v15+s26+$0x0], $0xffff  }
0x5d: {  	p1 =	slt.u32 s2, $0x70;
	v21 =	vmov s23;
	v19 =	vshrl.u32 v19, $0x3;
	s12 =	sadd.s32 $0x1A, s13;
	v22 =	vmov s17;
	[tilespmem:s8+$0xFFFFFF80] =	vst v12;
	v5 =	vld.idx.msk [tilespmem:v5+s26+$0x0], $0xffff  }
0x5e: {  	v23 =	vmov s18;
	s17 =	sadd.s32 $0x10, s13;
	v12 =	vmov s20;
	v22 =	vshrl.u32 v22, $0x3;
	v24 =	vld [tilespmem:s9+$0xFFFFFF90];
	[tilespmem:s8+$0x60] =	vst v4  }
0x5f: {  	v4 =	vshrl.u32 v23, $0x3;
	v23 =	vmov s11;
	s11 =	sadd.s32 $0x1E, s13;
	v22 =	vshll.u32 v22, v0;
	v7 =	vld.idx.msk [tilespmem:v7+s26+$0x0], $0xffff  }
0x60: {  	v4 =	vshll.u32 v4, v0;
	v25 =	vmov s11;
	s11 =	sadd.s32 $0x1F, s13;
	v22 =	vadd.s32 $0x3, v22;
	v2 =	vld.idx.msk [tilespmem:v2+s26+$0x0], $0xffff  }
0x61: {  	v26 =	vmov s17;
	v27 =	vmov s11;
	v22 =	vbroadcast v22, $0x0;
	v17 =	vld.idx.msk [tilespmem:v17+s26+$0x0], $0xffff  }
0x62: {  	v28 =	vmov s21;
	v25 =	vshrl.u32 v25, $0x3;
	v27 =	vshrl.u32 v27, $0x3;
	v6 =	vld.idx.msk [tilespmem:v6+s26+$0x0], $0xffff  }
0x63: {  	v11 =	vshrl.u32 v11, $0x3;
	v29 =	vshll.u32 v13, v0;
	v13 =	vshll.u32 v27, v0;
	v9 =	vld.idx.msk [tilespmem:v9+s26+$0x0], $0xffff  }
0x64: {  	v4 =	vbroadcast v4, $0x0;
	v25 =	vshll.u32 v25, v0;
	v13 =	vadd.s32 $0x7, v13;
	v27 =	vld [tilespmem:s9+$0xFFFFFFB0]  }
0x65: {  	v16 =	vshrl.u32 v16, $0x3;
	v14 =	vmul.f32 v24, v14;
	v13 =	vbroadcast v13, $0x0;
	v24 =	vld [tilespmem:s9+$0x50]  }
0x66: {  	v10 =	vshrl.u32 v10, $0x3;
	v20 =	vshrl.u32 v20, $0x3;
	v8 =	vmul.f32 v8, v2;
	v30 =	vld [tilespmem:s9+$0xFFFFFFD0]  }
0x67: {  	v2 =	vshll.u32 v10, v0;
	v10 =	vshll.u32 v20, v0;
	v17 =	vmul.f32 v18, v17;
	v20 =	vld.idx.msk [tilespmem:v22+s26+$0x0], $0xffff  }
0x68: {  	v11 =	vshll.u32 v11, v0;
	v18 =	vadd.s32 $0x4, v2;
	v2 =	vadd.s32 $0x1, v10;
	v10 =	vld [tilespmem:s10+$0x30];
	[tilespmem:s8+$0x10] =	vst v8  }
0x69: {  	v16 =	vshll.u32 v16, v0;
	v18 =	vbroadcast v18, $0x0;
	v8 =	vshrl.u32 v26, $0x3;
	[tilespmem:s8+$0xFFFFFFA0] =	vst v17;
	v17 =	vld [tilespmem:s9+$0x40]  }
0x6a: {  	v16 =	vadd.s32 $0x7, v16;
	v26 =	vshrl.u32 v28, $0x3;
	v22 =	vld.idx.msk [tilespmem:v4+s26+$0x0], $0xffff;
	[tilespmem:s8+$0xFFFFFF90] =	vst v14;
	v4 =	vmul.f32 v24, v7  }
0x6b: {  	v7 =	vbroadcast v16, $0x0;
	v14 =	vadd.s32 $0x6, v25;
	v13 =	vld.idx.msk [tilespmem:v13+s26+$0x0], $0xffff;
	v15 =	vmul.f32 v30, v15  }
0x6c: {  	v16 =	vshrl.u32 v21, $0x3;
	v21 =	vshrl.u32 v23, $0x3;
	v23 =	vbroadcast v14, $0x0;
	v14 =	vld [tilespmem:s10+$0x70];
	[tilespmem:s8+$0x50] =	vst v4  }
0x6d: {  	v16 =	vshll.u32 v16, v0;
	v4 =	vshll.u32 v19, v0;
	v10 =	vmul.f32 v10, v20;
	[tilespmem:s8+$0xFFFFFFD0] =	vst v15;
	v15 =	vld [tilespmem:s9+$0xFFFFFFE0];
	s9 =	smov.u32 s10  }
0x6e: {  	v12 =	vshrl.u32 v12, $0x3;
	v8 =	vshll.u32 v8, v0;
	v19 =	vadd.s32 $0x5, v4;
	v4 =	vld [tilespmem:s10+$0x60]  }
0x6f: {  	v20 =	vbroadcast v8, $0x0;
	v8 =	vshll.u32 v12, v0;
	v18 =	vld.idx.msk [tilespmem:v18+s26+$0x0], $0xffff;
	[tilespmem:s6+$0x30] =	vst v10;
	v10 =	vshll.u32 v21, v0  }
0x70: {  	v12 =	vshll.u32 v26, v0;
	v8 =	vadd.s32 $0x6, v8;
	v17 =	vmul.f32 v17, v9;
	v21 =	vld [tilespmem:s10+$0xFFFFFFC0]  }
0x71: {  	v6 =	vmul.f32 v27, v6;
	v25 =	vadd.s32 $0x5, v12;
	v24 =	vld [tilespmem:s10+$0x0];
	v12 =	vmul.f32 v14, v13  }
0x72: {  	v11 =	vadd.s32 $0x1, v11;
	v9 =	vbroadcast v8, $0x0;
	v10 =	vadd.s32 $0x4, v10;
	v8 =	vld.idx.msk [tilespmem:v7+s26+$0x0], $0xffff;
	[tilespmem:s8+$0x40] =	vst v17  }
.Ltmp1:
0x73: {  	v14 =	vbroadcast v11, $0x0;
	v7 =	vmov s12;
	v11 =	vld.idx.msk [tilespmem:v23+s26+$0x0], $0xffff;
	[tilespmem:s8+$0xFFFFFFB0] =	vst v6;
	v6 =	vmul.f32 v15, v3;
	(pc) =	sbr.rel @p1 .LBB2_5-.Ltmp1, $4  }
0x74: {  	v1 =	vmul.f32 v1, v5;
	v15 =	vadd.s32 $0x3, v16;
	v7 =	vshrl.u32 v7, $0x3;
	v3 =	vld [tilespmem:s10+$0xFFFFFFF0];
	[tilespmem:s6+$0x70] =	vst v12  }
0x75: {  	v16 =	vshll.u32 v7, v0;
	v7 =	vbroadcast v25, $0x0;
	v12 =	vld.idx.msk [tilespmem:v20+s26+$0x0], $0xffff;
	v5 =	vmul.f32 v21, v18;
	[tilespmem:s8+$0xFFFFFFE0] =	vst v6  }
0x76: {  	v6 =	vbroadcast v15, $0x0;
	v15 =	vbroadcast v19, $0x0;
	v18 =	vadd.s32 $0x2, v16;
	v13 =	vld [tilespmem:s10+$0xFFFFFF80];
	[tilespmem:s8+$0x20] =	vst v1;
	s8 =	smov.u32 s6  }
0x77: {  	v17 =	vadd.s32 $0x2, v29;
	v16 =	vmul.f32 v24, v22;
	s10 =	sadd.s32 $0x100, s10;
	[tilespmem:s6+$0xFFFFFFC0] =	vst v5;
	v5 =	vbroadcast v18, $0x0;
	v1 =	vld [tilespmem:s9+$0x20]  }
0x78: {  	_ =	sdelay $0x2  }
0x79: {  	v18 =	vld [tilespmem:s9+$0xFFFFFFA0]  }
0x7a: {  	v14 =	vld.idx.msk [tilespmem:v14+s26+$0x0], $0xffff  }
0x7b: {  	v9 =	vld.idx.msk [tilespmem:v9+s26+$0x0], $0xffff  }
0x7c: {  	v2 =	vbroadcast v2, $0x0;
	v19 =	vld [tilespmem:s9+$0x10]  }
0x7d: {  	v15 =	vld.idx.msk [tilespmem:v15+s26+$0x0], $0xffff  }
0x7e: {  	v20 =	vld [tilespmem:s9+$0xFFFFFF90]  }
0x7f: {  	v10 =	vbroadcast v10, $0x0;
	v7 =	vld.idx.msk [tilespmem:v7+s26+$0x0], $0xffff  }
0x80: {  	v6 =	vld.idx.msk [tilespmem:v6+s26+$0x0], $0xffff  }
0x81: {  	v17 =	vbroadcast v17, $0x0;
	v3 =	vmul.f32 v3, v8;
	v5 =	vld.idx.msk [tilespmem:v5+s26+$0x0], $0xffff  }
0x82: {  	v4 =	vmul.f32 v4, v11;
	v2 =	vld.idx.msk [tilespmem:v2+s26+$0x0], $0xffff  }
0x83: {  	[tilespmem:s8+$0xFFFFFFF0] =	vst v3;
	v3 =	vld [tilespmem:s9+$0xFFFFFFD0]  }
0x84: {  	[tilespmem:s8+$0x60] =	vst v4;
	v4 =	vld [tilespmem:s9+$0xFFFFFFB0]  }
0x85: {  	v8 =	vld.idx.msk [tilespmem:v10+s26+$0x0], $0xffff;
	v10 =	vmul.f32 v13, v12  }
0x86: {  	[tilespmem:s8+$0x0] =	vst v16;
	v12 =	vld [tilespmem:s9+$0x50];
	v13 =	vmul.f32 v20, v14  }
0x87: {  	v17 =	vld.idx.msk [tilespmem:v17+s26+$0x0], $0xffff;
	[tilespmem:s8+$0xFFFFFF80] =	vst v10;
	v2 =	vmul.f32 v19, v2  }
0x88: {  	v10 =	vld [tilespmem:s9+$0x40];
	[tilespmem:s8+$0xFFFFFF90] =	vst v13;
	v3 =	vmul.f32 v3, v15  }
0x89: {  	v1 =	vmul.f32 v1, v5;
	[tilespmem:s8+$0x10] =	vst v2;
	v2 =	vld [tilespmem:s9+$0xFFFFFFE0]  }
0x8a: {  	[tilespmem:s8+$0xFFFFFFD0] =	vst v3;
	v3 =	vmul.f32 v4, v6  }
0x8b: {  	[tilespmem:s8+$0x20] =	vst v1;
	v7 =	vmul.f32 v12, v7  }
0x8c: {  	v11 =	vmul.f32 v18, v17;
	[tilespmem:s8+$0xFFFFFFB0] =	vst v3  }
0x8d: {  	p1 =	seq.s32 s19, $0x27;
	[tilespmem:s8+$0x50] =	vst v7;
	v7 =	vmul.f32 v10, v8  }
0x8e: {  	s12 =	sshll.u32 @!p1 s19, $0xB;
	[tilespmem:s8+$0xFFFFFFA0] =	vst v11;
	v2 =	vmul.f32 v2, v9  }
0x8f: {  	s2 =	sshrl.u32 @!p1 s12, $0x2;
	[tilespmem:s8+$0x40] =	vst v7  }
0x90: {  	s6 =	simm.s32 @!p1 $0x80;
	s2 =	sadd.s32 @!p1 $0x7A00, s2;
	[tilespmem:s8+$0xFFFFFFE0] =	vst v2;
	s8 =	simm.s32 @!p1 $0x16800  }
0x91: {  	[tilespmem:s8], [sflag:$0x1] =	stream.indirect.gather @!p1 [spmem:s4], $0x10, s2, s6, $0xb8;
	[tilespmem:$0x1F810] =	vst v63  }
0x92: {  	s2 =	sadd.s32 $0xFFFFFFF0, s22  }
0x93: {  	s12 =	simm.s32 @p1 $0x13800;
	s21 =	sadd.s32 $0x91, s2  }
0x94: {  	s23 =	sadd.s32 $0x92, s2;
	s24 =	sadd.s32 $0x94, s2;
	s28 =	sadd.s32 $0x95, s2;
	v1 =	vmov s21  }
0x95: {  	s8 =	sadd.s32 $0x97, s2;
	s9 =	sadd.s32 $0x9B, s2;
	s10 =	sadd.s32 $0x99, s2;
	v2 =	vmov s23;
	v3 =	vmov s24;
	v4 =	vmov s28  }
0x96: {  	s11 =	sadd.s32 $0x93, s2;
	s13 =	sadd.s32 $0x96, s2;
	s18 =	sadd.s32 $0x9F, s2;
	v5 =	vmov s8;
	v6 =	vmov s9;
	v7 =	vmov s10  }
0x97: {  	s20 =	simm.s32 $0x18800;
	s9 =	sshrl.u32 s12, $0x2;
	v8 =	vmov s11;
	v10 =	vmov s13;
	v11 =	vmov s18  }
0x98: {  	s21 =	sadd.s32 $0x9C, s2;
	s23 =	sadd.s32 $0x9E, s2;
	v2 =	vshrl.u32 v2, $0x3;
	v6 =	vshrl.u32 v6, $0x3;
	s15 =	sadd.s32 $0xC800, s9;
	v9 =	vshrl.u32 v4, $0x3  }
0x99: {  	v11 =	vshrl.u32 v11, $0x3;
	v12 =	vmov s21;
	v4 =	vshll.u32 v6, v0;
	[spmem:s3] =	stream.indirect.scatter.add.f32 [tilespmem:s20], [sflag:$0x5], $0x10, s15, s16, $0xb8;
	[tilespmem:$0x1F810] =	vst v63  }
0x9a: {  	s17 =	sadd.s32 $0x98, s2;
	v13 =	vmov s23;
	v11 =	vshll.u32 v11, v0;
	v4 =	vadd.s32 $0x3, v4;
	_ =	swait.ge [sflag:s29], $0x800  }
0x9b: {  	s24 =	sadd.s32 $0x90, s2;
	v6 =	vmov s17;
	v11 =	vadd.s32 $0x7, v11;
	v4 =	vbroadcast v4, $0x0;
	[sflag:s29] =	ssyncset.done $0x0  }
0x9c: {  	s8 =	simm.s32 @!p0 $0x6;
	s28 =	sadd.s32 $0x9D, s2;
	v14 =	vmov s24;
	v6 =	vshrl.u32 v6, $0x3;
	v11 =	vbroadcast v11, $0x0;
	[sflag:s29] =	ssyncadd.s32 $0xFFFFF800  }
0x9d: {  	v3 =	vshrl.u32 v3, $0x3;
	v15 =	vmov s28;
	v6 =	vshll.u32 v6, v0;
	_ =	swait.ge @!p0 [sflag:s8], $0x800  }
0x9e: {  	v3 =	vshll.u32 v3, v0;
	v16 =	vshll.u32 v2, v0;
	v6 =	vbroadcast v6, $0x0;
	[sflag:s8] =	ssyncset.done @!p0 $0x0  }
0x9f: {  	s13 =	simm.s32 $0x17080;
	v2 =	vadd.s32 $0x4, v3;
	v3 =	vshrl.u32 v5, $0x3;
	v5 =	vshrl.u32 v7, $0x3;
	[sflag:s8] =	ssyncadd.s32 @!p0 $0xFFFFF800  }
0xa0: {  	v1 =	vshrl.u32 v1, $0x3;
	v17 =	vbroadcast v2, $0x0;
	v2 =	vshll.u32 v5, v0;
	v5 =	vld [tilespmem:s13+$0x30]  }
0xa1: {  	v8 =	vshrl.u32 v8, $0x3;
	v13 =	vshrl.u32 v13, $0x3;
	v3 =	vshll.u32 v3, v0;
	v7 =	vld.idx.msk [tilespmem:v4+s26+$0x0], $0xffff  }
0xa2: {  	v1 =	vshll.u32 v1, v0;
	v3 =	vadd.s32 $0x7, v3;
	v4 =	vshll.u32 v13, v0;
	v11 =	vld.idx.msk [tilespmem:v11+s26+$0x0], $0xffff  }
0xa3: {  	v3 =	vbroadcast v3, $0x0;
	v13 =	vshrl.u32 v15, $0x3;
	v15 =	vld [tilespmem:s13+$0x70];
	v4 =	vadd.s32 $0x6, v4  }
0xa4: {  	v12 =	vshrl.u32 v12, $0x3;
	v18 =	vld.idx.msk [tilespmem:v6+s26+$0x0], $0xffff;
	v6 =	vshrl.u32 v14, $0x3;
	v14 =	vbroadcast v4, $0x0  }
0xa5: {  	v19 =	vshll.u32 v8, v0;
	v8 =	vshll.u32 v9, v0;
	v21 =	vld [tilespmem:s13+$0xFFFFFFC0];
	v6 =	vshll.u32 v6, v0  }
0xa6: {  	v9 =	vshrl.u32 v10, $0x3;
	v10 =	vshll.u32 v12, v0;
	v17 =	vld.idx.msk [tilespmem:v17+s26+$0x0], $0xffff;
	v6 =	vbroadcast v6, $0x0  }
0xa7: {  	v63 =	vadd.s32 $0x5, v8;
	v1 =	vadd.s32 $0x1, v1;
	v10 =	vadd.s32 $0x4, v10;
	v22 =	vld [tilespmem:s13+$0x0]  }
0xa8: {  	v8 =	vshll.u32 v13, v0;
	v4 =	vld [tilespmem:s13+$0x60];
	v5 =	vmul.f32 v5, v7;
	v7 =	vshll.u32 v9, v0  }
0xa9: {  	s2 =	sadd.s32 $0x9A, s2;
	v13 =	vadd.s32 $0x5, v8;
	v8 =	vld.idx.msk [tilespmem:v3+s26+$0x0], $0xffff;
	v15 =	vmul.f32 v15, v11;
	v7 =	vadd.s32 $0x6, v7  }
0xaa: {  	s6 =	simm.s32 $0x19080;
	v9 =	vbroadcast v7, $0x0;
	v7 =	vmov s2;
	v11 =	vld.idx.msk [tilespmem:v14+s26+$0x0], $0xffff;
	v14 =	vbroadcast v1, $0x0  }
0xab: {  	v2 =	vadd.s32 $0x1, v2;
	v3 =	vld [tilespmem:s13+$0xFFFFFFF0];
	[tilespmem:s6+$0x30] =	vst v5;
	v5 =	vmul.f32 v21, v17;
	v7 =	vshrl.u32 v7, $0x3  }
0xac: {  	[tilespmem:s6+$0x70] =	vst v15;
	v15 =	vbroadcast v63, $0x0;
	v1 =	vadd.s32 $0x3, v19;
	v12 =	vld.idx.msk [tilespmem:v6+s26+$0x0], $0xffff;
	v17 =	vshll.u32 v7, v0  }
0xad: {  	s10 =	simm.s32 $0x19080;
	v7 =	vbroadcast v13, $0x0;
	v13 =	vld [tilespmem:s13+$0xFFFFFF80];
	v6 =	vbroadcast v1, $0x0;
	v1 =	vadd.s32 $0x2, v17  }
0xae: {  	s17 =	simm.s32 $0x17180;
	s8 =	sor.u32 $0x80, s14;
	s2 =	simm.s32 $0x0;
	[tilespmem:s6+$0xFFFFFFC0] =	vst v5;
	v17 =	vadd.s32 $0x2, v16;
	v16 =	vmul.f32 v22, v18;
	v5 =	vbroadcast v1, $0x0;
	v1 =	vld [tilespmem:s13+$0x20]  }
.LBB2_7:
0xaf: {  	s20 =	sadd.s32 s2, s22;
	s2 =	sadd.s32 $0x10, s2;
	v17 =	vbroadcast v17, $0x0;
	v18 =	vld [tilespmem:s13+$0xFFFFFFA0];
	v2 =	vbroadcast v2, $0x0;
	s6 =	sadd.s32 $0x100, s6  }
0xb0: {  	v4 =	vmul.f32 v4, v11;
	s11 =	sadd.s32 $0x91, s20;
	s18 =	sadd.s32 $0x92, s20;
	s21 =	sadd.s32 $0x98, s20;
	v14 =	vld.idx.msk [tilespmem:v14+s26+$0x0], $0xffff;
	v8 =	vmul.f32 v3, v8;
	[tilespmem:s10+$0x0] =	vst v16  }
0xb1: {  	s23 =	sadd.s32 $0x96, s20;
	v11 =	vmov s11;
	v16 =	vmov s18;
	s11 =	sadd.s32 $0x94, s20;
	s18 =	sadd.s32 $0x95, s20;
	v3 =	vld.idx.msk [tilespmem:v9+s26+$0x0], $0xffff;
	v9 =	vbroadcast v10, $0x0  }
0xb2: {  	s15 =	sadd.s32 $0x9D, s20;
	v10 =	vmov s11;
	v19 =	vmov s18;
	s11 =	sadd.s32 $0x97, s20;
	s18 =	sadd.s32 $0x99, s20;
	v12 =	vmul.f32 v13, v12;
	[tilespmem:s10+$0xFFFFFFF0] =	vst v8;
	v8 =	vld [tilespmem:s13+$0x10]  }
0xb3: {  	s24 =	sadd.s32 $0x93, s20;
	s28 =	sadd.s32 $0x9C, s20;
	v13 =	vshrl.u32 v16, $0x3;
	v16 =	vmov s11;
	v20 =	vmov s18;
	s11 =	sadd.s32 $0x9B, s20;
	v15 =	vld.idx.msk [tilespmem:v15+s26+$0x0], $0xffff  }
0xb4: {  	p2 =	slt.u32 s2, $0x70;
	v21 =	vmov s24;
	v19 =	vshrl.u32 v19, $0x3;
	s18 =	sadd.s32 $0x9A, s20;
	v22 =	vmov s11;
	[tilespmem:s10+$0xFFFFFF80] =	vst v12;
	v5 =	vld.idx.msk [tilespmem:v5+s26+$0x0], $0xffff  }
0xb5: {  	v23 =	vmov s21;
	s11 =	sadd.s32 $0x90, s20;
	v12 =	vmov s23;
	v22 =	vshrl.u32 v22, $0x3;
	v24 =	vld [tilespmem:s13+$0xFFFFFF90];
	[tilespmem:s10+$0x60] =	vst v4  }
0xb6: {  	s21 =	sadd.s32 $0x9E, s20;
	v4 =	vshrl.u32 v23, $0x3;
	v23 =	vmov s28;
	v22 =	vshll.u32 v22, v0;
	v7 =	vld.idx.msk [tilespmem:v7+s26+$0x0], $0xffff  }
0xb7: {  	v25 =	vmov s21;
	s20 =	sadd.s32 $0x9F, s20;
	v4 =	vshll.u32 v4, v0;
	v22 =	vadd.s32 $0x3, v22;
	v2 =	vld.idx.msk [tilespmem:v2+s26+$0x0], $0xffff  }
0xb8: {  	v26 =	vmov s11;
	v27 =	vmov s20;
	v22 =	vbroadcast v22, $0x0;
	v17 =	vld.idx.msk [tilespmem:v17+s26+$0x0], $0xffff  }
0xb9: {  	v28 =	vmov s15;
	v25 =	vshrl.u32 v25, $0x3;
	v27 =	vshrl.u32 v27, $0x3;
	v6 =	vld.idx.msk [tilespmem:v6+s26+$0x0], $0xffff  }
0xba: {  	v11 =	vshrl.u32 v11, $0x3;
	v29 =	vshll.u32 v13, v0;
	v13 =	vshll.u32 v27, v0;
	v9 =	vld.idx.msk [tilespmem:v9+s26+$0x0], $0xffff  }
0xbb: {  	v25 =	vshll.u32 v25, v0;
	v4 =	vbroadcast v4, $0x0;
	v13 =	vadd.s32 $0x7, v13;
	v27 =	vld [tilespmem:s13+$0xFFFFFFB0]  }
0xbc: {  	v16 =	vshrl.u32 v16, $0x3;
	v13 =	vbroadcast v13, $0x0;
	v14 =	vmul.f32 v24, v14;
	v24 =	vld [tilespmem:s13+$0x50]  }
0xbd: {  	v10 =	vshrl.u32 v10, $0x3;
	v20 =	vshrl.u32 v20, $0x3;
	v8 =	vmul.f32 v8, v2;
	v30 =	vld [tilespmem:s13+$0xFFFFFFD0]  }
0xbe: {  	v2 =	vshll.u32 v10, v0;
	v10 =	vshll.u32 v20, v0;
	v17 =	vmul.f32 v18, v17;
	v20 =	vld.idx.msk [tilespmem:v22+s26+$0x0], $0xffff  }
0xbf: {  	v11 =	vshll.u32 v11, v0;
	v18 =	vadd.s32 $0x4, v2;
	v2 =	vadd.s32 $0x1, v10;
	v10 =	vld [tilespmem:s17+$0x30];
	[tilespmem:s10+$0x10] =	vst v8  }
0xc0: {  	v16 =	vshll.u32 v16, v0;
	v18 =	vbroadcast v18, $0x0;
	v8 =	vshrl.u32 v26, $0x3;
	[tilespmem:s10+$0xFFFFFFA0] =	vst v17;
	v17 =	vld [tilespmem:s13+$0x40]  }
0xc1: {  	v16 =	vadd.s32 $0x7, v16;
	v26 =	vshrl.u32 v28, $0x3;
	v22 =	vld.idx.msk [tilespmem:v4+s26+$0x0], $0xffff;
	[tilespmem:s10+$0xFFFFFF90] =	vst v14;
	v4 =	vmul.f32 v24, v7  }
0xc2: {  	v7 =	vbroadcast v16, $0x0;
	v14 =	vadd.s32 $0x6, v25;
	v13 =	vld.idx.msk [tilespmem:v13+s26+$0x0], $0xffff;
	v15 =	vmul.f32 v30, v15  }
0xc3: {  	v16 =	vshrl.u32 v21, $0x3;
	v21 =	vshrl.u32 v23, $0x3;
	v23 =	vbroadcast v14, $0x0;
	v14 =	vld [tilespmem:s17+$0x70];
	[tilespmem:s10+$0x50] =	vst v4  }
0xc4: {  	v16 =	vshll.u32 v16, v0;
	v4 =	vshll.u32 v19, v0;
	v10 =	vmul.f32 v10, v20;
	[tilespmem:s10+$0xFFFFFFD0] =	vst v15;
	v15 =	vld [tilespmem:s13+$0xFFFFFFE0];
	s13 =	smov.u32 s17  }
0xc5: {  	v12 =	vshrl.u32 v12, $0x3;
	v8 =	vshll.u32 v8, v0;
	v19 =	vadd.s32 $0x5, v4;
	v4 =	vld [tilespmem:s17+$0x60]  }
0xc6: {  	v20 =	vbroadcast v8, $0x0;
	v8 =	vshll.u32 v12, v0;
	v18 =	vld.idx.msk [tilespmem:v18+s26+$0x0], $0xffff;
	[tilespmem:s6+$0x30] =	vst v10;
	v10 =	vshll.u32 v21, v0  }
0xc7: {  	v12 =	vshll.u32 v26, v0;
	v8 =	vadd.s32 $0x6, v8;
	v17 =	vmul.f32 v17, v9;
	v21 =	vld [tilespmem:s17+$0xFFFFFFC0]  }
0xc8: {  	v6 =	vmul.f32 v27, v6;
	v25 =	vadd.s32 $0x5, v12;
	v24 =	vld [tilespmem:s17+$0x0];
	v12 =	vmul.f32 v14, v13  }
0xc9: {  	v11 =	vadd.s32 $0x1, v11;
	v9 =	vbroadcast v8, $0x0;
	v10 =	vadd.s32 $0x4, v10;
	v8 =	vld.idx.msk [tilespmem:v7+s26+$0x0], $0xffff;
	[tilespmem:s10+$0x40] =	vst v17  }
.Ltmp2:
0xca: {  	v14 =	vbroadcast v11, $0x0;
	v7 =	vmov s18;
	v11 =	vld.idx.msk [tilespmem:v23+s26+$0x0], $0xffff;
	[tilespmem:s10+$0xFFFFFFB0] =	vst v6;
	v6 =	vmul.f32 v15, v3;
	(pc) =	sbr.rel @p2 .LBB2_7-.Ltmp2, $4  }
0xcb: {  	v1 =	vmul.f32 v1, v5;
	v15 =	vadd.s32 $0x3, v16;
	v7 =	vshrl.u32 v7, $0x3;
	v3 =	vld [tilespmem:s17+$0xFFFFFFF0];
	[tilespmem:s6+$0x70] =	vst v12  }
0xcc: {  	v16 =	vshll.u32 v7, v0;
	v7 =	vbroadcast v25, $0x0;
	v12 =	vld.idx.msk [tilespmem:v20+s26+$0x0], $0xffff;
	v5 =	vmul.f32 v21, v18;
	[tilespmem:s10+$0xFFFFFFE0] =	vst v6  }
0xcd: {  	v6 =	vbroadcast v15, $0x0;
	v15 =	vbroadcast v19, $0x0;
	v18 =	vadd.s32 $0x2, v16;
	v13 =	vld [tilespmem:s17+$0xFFFFFF80];
	[tilespmem:s10+$0x20] =	vst v1;
	s10 =	smov.u32 s6  }
0xce: {  	v17 =	vadd.s32 $0x2, v29;
	v16 =	vmul.f32 v24, v22;
	s17 =	sadd.s32 $0x100, s17;
	[tilespmem:s6+$0xFFFFFFC0] =	vst v5;
	v5 =	vbroadcast v18, $0x0;
	v1 =	vld [tilespmem:s13+$0x20]  }
0xcf: {  	_ =	sdelay $0x2  }
0xd0: {  	v18 =	vld [tilespmem:s13+$0xFFFFFFA0]  }
0xd1: {  	v14 =	vld.idx.msk [tilespmem:v14+s26+$0x0], $0xffff  }
0xd2: {  	v9 =	vld.idx.msk [tilespmem:v9+s26+$0x0], $0xffff  }
0xd3: {  	v2 =	vbroadcast v2, $0x0;
	v19 =	vld [tilespmem:s13+$0x10]  }
0xd4: {  	v15 =	vld.idx.msk [tilespmem:v15+s26+$0x0], $0xffff  }
0xd5: {  	v20 =	vld [tilespmem:s13+$0xFFFFFF90]  }
0xd6: {  	v10 =	vbroadcast v10, $0x0;
	v7 =	vld.idx.msk [tilespmem:v7+s26+$0x0], $0xffff  }
0xd7: {  	v6 =	vld.idx.msk [tilespmem:v6+s26+$0x0], $0xffff  }
0xd8: {  	v17 =	vbroadcast v17, $0x0;
	v3 =	vmul.f32 v3, v8;
	v5 =	vld.idx.msk [tilespmem:v5+s26+$0x0], $0xffff  }
0xd9: {  	v4 =	vmul.f32 v4, v11;
	v2 =	vld.idx.msk [tilespmem:v2+s26+$0x0], $0xffff  }
0xda: {  	[tilespmem:s10+$0xFFFFFFF0] =	vst v3;
	v3 =	vld [tilespmem:s13+$0xFFFFFFD0]  }
0xdb: {  	[tilespmem:s10+$0x60] =	vst v4;
	v4 =	vld [tilespmem:s13+$0xFFFFFFB0]  }
0xdc: {  	v8 =	vld.idx.msk [tilespmem:v10+s26+$0x0], $0xffff;
	v10 =	vmul.f32 v13, v12  }
0xdd: {  	[tilespmem:s10+$0x0] =	vst v16;
	v12 =	vld [tilespmem:s13+$0x50];
	v13 =	vmul.f32 v20, v14  }
0xde: {  	v17 =	vld.idx.msk [tilespmem:v17+s26+$0x0], $0xffff;
	[tilespmem:s10+$0xFFFFFF80] =	vst v10;
	v2 =	vmul.f32 v19, v2  }
0xdf: {  	v10 =	vld [tilespmem:s13+$0x40];
	[tilespmem:s10+$0xFFFFFF90] =	vst v13;
	v3 =	vmul.f32 v3, v15  }
0xe0: {  	v1 =	vmul.f32 v1, v5;
	[tilespmem:s10+$0x10] =	vst v2;
	v2 =	vld [tilespmem:s13+$0xFFFFFFE0]  }
0xe1: {  	[tilespmem:s10+$0xFFFFFFD0] =	vst v3;
	v3 =	vmul.f32 v4, v6  }
0xe2: {  	[tilespmem:s10+$0x20] =	vst v1;
	v7 =	vmul.f32 v12, v7  }
0xe3: {  	v11 =	vmul.f32 v18, v17;
	[tilespmem:s10+$0xFFFFFFB0] =	vst v3  }
0xe4: {  	[tilespmem:s10+$0x50] =	vst v7;
	v7 =	vmul.f32 v10, v8  }
0xe5: {  	[tilespmem:s10+$0xFFFFFFA0] =	vst v11;
	v2 =	vmul.f32 v2, v9  }
0xe6: {  	s12 =	sshrl.u32 @!p1 s12, $0x2;
	[tilespmem:s10+$0x40] =	vst v7  }
0xe7: {  	s6 =	simm.s32 @!p1 $0x80;
	s2 =	sadd.s32 @!p1 $0x7A80, s12;
	[tilespmem:s10+$0xFFFFFFE0] =	vst v2;
	s10 =	simm.s32 @!p1 $0x17000  }
0xe8: {  	[tilespmem:s10], [sflag:$0x2] =	stream.indirect.gather @!p1 [spmem:s4], $0x10, s2, s6, $0xb8;
	[tilespmem:$0x1F810] =	vst v63  }
0xe9: {  	s2 =	sadd.s32 $0xFFFFFFF0, s22  }
0xea: {  	s23 =	sadd.s32 $0x111, s2  }
0xeb: {  	s24 =	sadd.s32 $0x112, s2;
	s28 =	sadd.s32 $0x114, s2;
	s11 =	sadd.s32 $0x115, s2;
	v1 =	vmov s23  }
0xec: {  	s10 =	sadd.s32 $0x117, s2;
	s13 =	sadd.s32 $0x119, s2;
	s15 =	sadd.s32 $0x113, s2;
	v2 =	vmov s24;
	v3 =	vmov s28;
	v4 =	vmov s11  }
0xed: {  	s17 =	sadd.s32 $0x116, s2;
	s20 =	sadd.s32 $0x11F, s2;
	s21 =	sadd.s32 $0x11C, s2;
	v5 =	vmov s10;
	v7 =	vmov s13;
	v8 =	vmov s15  }
0xee: {  	s8 =	sadd.s32 $0xC800, s8;
	s11 =	sadd.s32 $0x11B, s2;
	v10 =	vmov s17;
	v11 =	vmov s20;
	v12 =	vmov s21  }
0xef: {  	[spmem:s3] =	stream.indirect.scatter.add.f32 [tilespmem:s30], [sflag:$0x6], $0x10, s8, s16, $0xb8;
	v2 =	vshrl.u32 v2, $0x3;
	v6 =	vmov s11;
	v11 =	vshrl.u32 v11, $0x3;
	[tilespmem:$0x1F810] =	vst v63  }
0xf0: {  	s23 =	sadd.s32 $0x11E, s2;
	v9 =	vshrl.u32 v4, $0x3;
	v6 =	vshrl.u32 v6, $0x3;
	v11 =	vshll.u32 v11, v0  }
0xf1: {  	s18 =	sadd.s32 $0x118, s2;
	_ =	swait.ge [sflag:s31], $0x800;
	v13 =	vmov s23;
	v4 =	vshll.u32 v6, v0;
	v11 =	vadd.s32 $0x7, v11  }
0xf2: {  	s24 =	sadd.s32 $0x110, s2;
	[sflag:s31] =	ssyncset.done $0x0;
	v6 =	vmov s18;
	v4 =	vadd.s32 $0x3, v4;
	v11 =	vbroadcast v11, $0x0  }
0xf3: {  	s8 =	simm.s32 @!p0 $0x7;
	s28 =	sadd.s32 $0x11D, s2;
	v14 =	vmov s24;
	[sflag:s31] =	ssyncadd.s32 $0xFFFFF800;
	v6 =	vshrl.u32 v6, $0x3;
	v4 =	vbroadcast v4, $0x0  }
0xf4: {  	v3 =	vshrl.u32 v3, $0x3;
	v15 =	vmov s28;
	_ =	swait.ge @!p0 [sflag:s8], $0x800;
	v6 =	vshll.u32 v6, v0  }
0xf5: {  	v3 =	vshll.u32 v3, v0;
	v16 =	vshll.u32 v2, v0;
	[sflag:s8] =	ssyncset.done @!p0 $0x0;
	v6 =	vbroadcast v6, $0x0  }
0xf6: {  	s13 =	simm.s32 $0x17880;
	v2 =	vadd.s32 $0x4, v3;
	v3 =	vshrl.u32 v5, $0x3;
	v5 =	vshrl.u32 v7, $0x3;
	[sflag:s8] =	ssyncadd.s32 @!p0 $0xFFFFF800  }
0xf7: {  	v1 =	vshrl.u32 v1, $0x3;
	v17 =	vbroadcast v2, $0x0;
	v2 =	vshll.u32 v5, v0;
	v5 =	vld [tilespmem:s13+$0x30]  }
0xf8: {  	v8 =	vshrl.u32 v8, $0x3;
	v13 =	vshrl.u32 v13, $0x3;
	v3 =	vshll.u32 v3, v0;
	v11 =	vld.idx.msk [tilespmem:v11+s26+$0x0], $0xffff  }
0xf9: {  	v12 =	vshrl.u32 v12, $0x3;
	v3 =	vadd.s32 $0x7, v3;
	v7 =	vld.idx.msk [tilespmem:v4+s26+$0x0], $0xffff;
	v4 =	vshll.u32 v13, v0  }
0xfa: {  	v3 =	vbroadcast v3, $0x0;
	v13 =	vshrl.u32 v15, $0x3;
	v15 =	vld [tilespmem:s13+$0x70];
	v4 =	vadd.s32 $0x6, v4  }
0xfb: {  	v1 =	vshll.u32 v1, v0;
	v18 =	vld.idx.msk [tilespmem:v6+s26+$0x0], $0xffff;
	v6 =	vshrl.u32 v14, $0x3;
	v14 =	vbroadcast v4, $0x0  }
0xfc: {  	v19 =	vshll.u32 v8, v0;
	v8 =	vshll.u32 v9, v0;
	v21 =	vld [tilespmem:s13+$0xFFFFFFC0];
	v6 =	vshll.u32 v6, v0  }
0xfd: {  	v9 =	vshrl.u32 v10, $0x3;
	v10 =	vshll.u32 v12, v0;
	v17 =	vld.idx.msk [tilespmem:v17+s26+$0x0], $0xffff;
	v6 =	vbroadcast v6, $0x0  }
0xfe: {  	v63 =	vadd.s32 $0x5, v8;
	v1 =	vadd.s32 $0x1, v1;
	v10 =	vadd.s32 $0x4, v10;
	v22 =	vld [tilespmem:s13+$0x0]  }
0xff: {  	v8 =	vshll.u32 v13, v0;
	v4 =	vld [tilespmem:s13+$0x60];
	v5 =	vmul.f32 v5, v7;
	v7 =	vshll.u32 v9, v0  }
0x100: {  	s2 =	sadd.s32 $0x11A, s2;
	v13 =	vadd.s32 $0x5, v8;
	v8 =	vld.idx.msk [tilespmem:v3+s26+$0x0], $0xffff;
	v15 =	vmul.f32 v15, v11;
	v7 =	vadd.s32 $0x6, v7  }
0x101: {  	s10 =	simm.s32 $0x19880;
	v9 =	vbroadcast v7, $0x0;
	v7 =	vmov s2;
	v11 =	vld.idx.msk [tilespmem:v14+s26+$0x0], $0xffff;
	v14 =	vbroadcast v1, $0x0  }
0x102: {  	v2 =	vadd.s32 $0x1, v2;
	v3 =	vld [tilespmem:s13+$0xFFFFFFF0];
	[tilespmem:s10+$0x30] =	vst v5;
	v5 =	vmul.f32 v21, v17;
	v7 =	vshrl.u32 v7, $0x3  }
0x103: {  	[tilespmem:s10+$0x70] =	vst v15;
	v15 =	vbroadcast v63, $0x0;
	v1 =	vadd.s32 $0x3, v19;
	v12 =	vld.idx.msk [tilespmem:v6+s26+$0x0], $0xffff;
	v17 =	vshll.u32 v7, v0  }
0x104: {  	s6 =	simm.s32 $0x19880;
	v7 =	vbroadcast v13, $0x0;
	v13 =	vld [tilespmem:s13+$0xFFFFFF80];
	v6 =	vbroadcast v1, $0x0;
	v1 =	vadd.s32 $0x2, v17  }
0x105: {  	s17 =	simm.s32 $0x17980;
	s8 =	sor.u32 $0x100, s14;
	s2 =	simm.s32 $0x0;
	[tilespmem:s10+$0xFFFFFFC0] =	vst v5;
	v17 =	vadd.s32 $0x2, v16;
	v16 =	vmul.f32 v22, v18;
	v5 =	vbroadcast v1, $0x0;
	v1 =	vld [tilespmem:s13+$0x20]  }
.LBB2_9:
0x106: {  	s20 =	sadd.s32 s2, s22;
	s2 =	sadd.s32 $0x10, s2;
	v17 =	vbroadcast v17, $0x0;
	v18 =	vld [tilespmem:s13+$0xFFFFFFA0];
	v2 =	vbroadcast v2, $0x0;
	s10 =	sadd.s32 $0x100, s10  }
0x107: {  	v4 =	vmul.f32 v4, v11;
	s11 =	sadd.s32 $0x111, s20;
	s15 =	sadd.s32 $0x112, s20;
	s21 =	sadd.s32 $0x118, s20;
	v14 =	vld.idx.msk [tilespmem:v14+s26+$0x0], $0xffff;
	v8 =	vmul.f32 v3, v8;
	[tilespmem:s6+$0x0] =	vst v16  }
0x108: {  	s23 =	sadd.s32 $0x116, s20;
	v11 =	vmov s11;
	v16 =	vmov s15;
	s11 =	sadd.s32 $0x114, s20;
	s15 =	sadd.s32 $0x115, s20;
	v3 =	vld.idx.msk [tilespmem:v9+s26+$0x0], $0xffff;
	v9 =	vbroadcast v10, $0x0  }
0x109: {  	s24 =	sadd.s32 $0x11D, s20;
	v10 =	vmov s11;
	v19 =	vmov s15;
	s11 =	sadd.s32 $0x117, s20;
	s15 =	sadd.s32 $0x119, s20;
	v12 =	vmul.f32 v13, v12;
	[tilespmem:s6+$0xFFFFFFF0] =	vst v8;
	v8 =	vld [tilespmem:s13+$0x10]  }
0x10a: {  	s18 =	sadd.s32 $0x113, s20;
	v13 =	vshrl.u32 v16, $0x3;
	v16 =	vmov s11;
	v20 =	vmov s15;
	s11 =	sadd.s32 $0x11B, s20;
	s15 =	sadd.s32 $0x11C, s20;
	v15 =	vld.idx.msk [tilespmem:v15+s26+$0x0], $0xffff  }
0x10b: {  	p2 =	slt.u32 s2, $0x70;
	v21 =	vmov s18;
	s18 =	sadd.s32 $0x11A, s20;
	v19 =	vshrl.u32 v19, $0x3;
	v22 =	vmov s11;
	[tilespmem:s6+$0xFFFFFF80] =	vst v12;
	v5 =	vld.idx.msk [tilespmem:v5+s26+$0x0], $0xffff  }
0x10c: {  	v23 =	vmov s21;
	s11 =	sadd.s32 $0x110, s20;
	v12 =	vmov s23;
	v22 =	vshrl.u32 v22, $0x3;
	v24 =	vld [tilespmem:s13+$0xFFFFFF90];
	[tilespmem:s6+$0x60] =	vst v4  }
0x10d: {  	v4 =	vshrl.u32 v23, $0x3;
	v23 =	vmov s15;
	s15 =	sadd.s32 $0x11E, s20;
	v22 =	vshll.u32 v22, v0;
	v7 =	vld.idx.msk [tilespmem:v7+s26+$0x0], $0xffff  }
0x10e: {  	v4 =	vshll.u32 v4, v0;
	v25 =	vmov s15;
	s15 =	sadd.s32 $0x11F, s20;
	v22 =	vadd.s32 $0x3, v22;
	v2 =	vld.idx.msk [tilespmem:v2+s26+$0x0], $0xffff  }
0x10f: {  	v26 =	vmov s11;
	v27 =	vmov s15;
	v22 =	vbroadcast v22, $0x0;
	v17 =	vld.idx.msk [tilespmem:v17+s26+$0x0], $0xffff  }
0x110: {  	v28 =	vmov s24;
	v25 =	vshrl.u32 v25, $0x3;
	v27 =	vshrl.u32 v27, $0x3;
	v6 =	vld.idx.msk [tilespmem:v6+s26+$0x0], $0xffff  }
0x111: {  	v11 =	vshrl.u32 v11, $0x3;
	v29 =	vshll.u32 v13, v0;
	v13 =	vshll.u32 v27, v0;
	v9 =	vld.idx.msk [tilespmem:v9+s26+$0x0], $0xffff  }
0x112: {  	v4 =	vbroadcast v4, $0x0;
	v25 =	vshll.u32 v25, v0;
	v13 =	vadd.s32 $0x7, v13;
	v27 =	vld [tilespmem:s13+$0xFFFFFFB0]  }
0x113: {  	v16 =	vshrl.u32 v16, $0x3;
	v14 =	vmul.f32 v24, v14;
	v13 =	vbroadcast v13, $0x0;
	v24 =	vld [tilespmem:s13+$0x50]  }
0x114: {  	v10 =	vshrl.u32 v10, $0x3;
	v20 =	vshrl.u32 v20, $0x3;
	v8 =	vmul.f32 v8, v2;
	v30 =	vld [tilespmem:s13+$0xFFFFFFD0]  }
0x115: {  	v2 =	vshll.u32 v10, v0;
	v10 =	vshll.u32 v20, v0;
	v17 =	vmul.f32 v18, v17;
	v20 =	vld.idx.msk [tilespmem:v22+s26+$0x0], $0xffff  }
0x116: {  	v11 =	vshll.u32 v11, v0;
	v18 =	vadd.s32 $0x4, v2;
	v2 =	vadd.s32 $0x1, v10;
	v10 =	vld [tilespmem:s17+$0x30];
	[tilespmem:s6+$0x10] =	vst v8  }
0x117: {  	v16 =	vshll.u32 v16, v0;
	v18 =	vbroadcast v18, $0x0;
	v8 =	vshrl.u32 v26, $0x3;
	[tilespmem:s6+$0xFFFFFFA0] =	vst v17;
	v17 =	vld [tilespmem:s13+$0x40]  }
0x118: {  	v16 =	vadd.s32 $0x7, v16;
	v26 =	vshrl.u32 v28, $0x3;
	v22 =	vld.idx.msk [tilespmem:v4+s26+$0x0], $0xffff;
	[tilespmem:s6+$0xFFFFFF90] =	vst v14;
	v4 =	vmul.f32 v24, v7  }
0x119: {  	v7 =	vbroadcast v16, $0x0;
	v14 =	vadd.s32 $0x6, v25;
	v13 =	vld.idx.msk [tilespmem:v13+s26+$0x0], $0xffff;
	v15 =	vmul.f32 v30, v15  }
0x11a: {  	v16 =	vshrl.u32 v21, $0x3;
	v21 =	vshrl.u32 v23, $0x3;
	v23 =	vbroadcast v14, $0x0;
	v14 =	vld [tilespmem:s17+$0x70];
	[tilespmem:s6+$0x50] =	vst v4  }
0x11b: {  	v16 =	vshll.u32 v16, v0;
	v4 =	vshll.u32 v19, v0;
	v10 =	vmul.f32 v10, v20;
	[tilespmem:s6+$0xFFFFFFD0] =	vst v15;
	v15 =	vld [tilespmem:s13+$0xFFFFFFE0];
	s13 =	smov.u32 s17  }
0x11c: {  	v12 =	vshrl.u32 v12, $0x3;
	v8 =	vshll.u32 v8, v0;
	v19 =	vadd.s32 $0x5, v4;
	v4 =	vld [tilespmem:s17+$0x60]  }
0x11d: {  	v20 =	vbroadcast v8, $0x0;
	v8 =	vshll.u32 v12, v0;
	v18 =	vld.idx.msk [tilespmem:v18+s26+$0x0], $0xffff;
	[tilespmem:s10+$0x30] =	vst v10;
	v10 =	vshll.u32 v21, v0  }
0x11e: {  	v12 =	vshll.u32 v26, v0;
	v8 =	vadd.s32 $0x6, v8;
	v17 =	vmul.f32 v17, v9;
	v21 =	vld [tilespmem:s17+$0xFFFFFFC0]  }
0x11f: {  	v6 =	vmul.f32 v27, v6;
	v25 =	vadd.s32 $0x5, v12;
	v24 =	vld [tilespmem:s17+$0x0];
	v12 =	vmul.f32 v14, v13  }
0x120: {  	v11 =	vadd.s32 $0x1, v11;
	v9 =	vbroadcast v8, $0x0;
	v10 =	vadd.s32 $0x4, v10;
	v8 =	vld.idx.msk [tilespmem:v7+s26+$0x0], $0xffff;
	[tilespmem:s6+$0x40] =	vst v17  }
.Ltmp3:
0x121: {  	v14 =	vbroadcast v11, $0x0;
	v7 =	vmov s18;
	v11 =	vld.idx.msk [tilespmem:v23+s26+$0x0], $0xffff;
	[tilespmem:s6+$0xFFFFFFB0] =	vst v6;
	v6 =	vmul.f32 v15, v3;
	(pc) =	sbr.rel @p2 .LBB2_9-.Ltmp3, $4  }
0x122: {  	v1 =	vmul.f32 v1, v5;
	v15 =	vadd.s32 $0x3, v16;
	v7 =	vshrl.u32 v7, $0x3;
	v3 =	vld [tilespmem:s17+$0xFFFFFFF0];
	[tilespmem:s10+$0x70] =	vst v12  }
0x123: {  	v16 =	vshll.u32 v7, v0;
	v7 =	vbroadcast v25, $0x0;
	v12 =	vld.idx.msk [tilespmem:v20+s26+$0x0], $0xffff;
	v5 =	vmul.f32 v21, v18;
	[tilespmem:s6+$0xFFFFFFE0] =	vst v6  }
0x124: {  	v6 =	vbroadcast v15, $0x0;
	v15 =	vbroadcast v19, $0x0;
	v18 =	vadd.s32 $0x2, v16;
	v13 =	vld [tilespmem:s17+$0xFFFFFF80];
	[tilespmem:s6+$0x20] =	vst v1;
	s6 =	smov.u32 s10  }
0x125: {  	v17 =	vadd.s32 $0x2, v29;
	v16 =	vmul.f32 v24, v22;
	s17 =	sadd.s32 $0x100, s17;
	[tilespmem:s10+$0xFFFFFFC0] =	vst v5;
	v5 =	vbroadcast v18, $0x0;
	v1 =	vld [tilespmem:s13+$0x20]  }
0x126: {  	_ =	sdelay $0x2  }
0x127: {  	v18 =	vld [tilespmem:s13+$0xFFFFFFA0]  }
0x128: {  	v14 =	vld.idx.msk [tilespmem:v14+s26+$0x0], $0xffff  }
0x129: {  	v9 =	vld.idx.msk [tilespmem:v9+s26+$0x0], $0xffff  }
0x12a: {  	v2 =	vbroadcast v2, $0x0;
	v19 =	vld [tilespmem:s13+$0x10]  }
0x12b: {  	v15 =	vld.idx.msk [tilespmem:v15+s26+$0x0], $0xffff  }
0x12c: {  	v20 =	vld [tilespmem:s13+$0xFFFFFF90]  }
0x12d: {  	v10 =	vbroadcast v10, $0x0;
	v7 =	vld.idx.msk [tilespmem:v7+s26+$0x0], $0xffff  }
0x12e: {  	v6 =	vld.idx.msk [tilespmem:v6+s26+$0x0], $0xffff  }
0x12f: {  	v17 =	vbroadcast v17, $0x0;
	v3 =	vmul.f32 v3, v8;
	v5 =	vld.idx.msk [tilespmem:v5+s26+$0x0], $0xffff  }
0x130: {  	v4 =	vmul.f32 v4, v11;
	v2 =	vld.idx.msk [tilespmem:v2+s26+$0x0], $0xffff  }
0x131: {  	[tilespmem:s6+$0xFFFFFFF0] =	vst v3;
	v3 =	vld [tilespmem:s13+$0xFFFFFFD0]  }
0x132: {  	[tilespmem:s6+$0x60] =	vst v4;
	v4 =	vld [tilespmem:s13+$0xFFFFFFB0]  }
0x133: {  	v8 =	vld.idx.msk [tilespmem:v10+s26+$0x0], $0xffff;
	v10 =	vmul.f32 v13, v12  }
0x134: {  	[tilespmem:s6+$0x0] =	vst v16;
	v12 =	vld [tilespmem:s13+$0x50];
	v13 =	vmul.f32 v20, v14  }
0x135: {  	v17 =	vld.idx.msk [tilespmem:v17+s26+$0x0], $0xffff;
	[tilespmem:s6+$0xFFFFFF80] =	vst v10;
	v2 =	vmul.f32 v19, v2  }
0x136: {  	v10 =	vld [tilespmem:s13+$0x40];
	[tilespmem:s6+$0xFFFFFF90] =	vst v13;
	v3 =	vmul.f32 v3, v15  }
0x137: {  	v1 =	vmul.f32 v1, v5;
	[tilespmem:s6+$0x10] =	vst v2;
	v2 =	vld [tilespmem:s13+$0xFFFFFFE0]  }
0x138: {  	[tilespmem:s6+$0xFFFFFFD0] =	vst v3;
	v3 =	vmul.f32 v4, v6  }
0x139: {  	[tilespmem:s6+$0x20] =	vst v1;
	v7 =	vmul.f32 v12, v7  }
0x13a: {  	v11 =	vmul.f32 v18, v17;
	[tilespmem:s6+$0xFFFFFFB0] =	vst v3  }
0x13b: {  	[tilespmem:s6+$0x50] =	vst v7;
	v7 =	vmul.f32 v10, v8  }
0x13c: {  	[tilespmem:s6+$0xFFFFFFA0] =	vst v11;
	v2 =	vmul.f32 v2, v9  }
0x13d: {  	[tilespmem:s6+$0x40] =	vst v7  }
0x13e: {  	s2 =	sadd.s32 @!p1 $0x7B00, s12;
	s10 =	simm.s32 @!p1 $0x17800;
	[tilespmem:s6+$0xFFFFFFE0] =	vst v2;
	s6 =	simm.s32 @!p1 $0x80  }
0x13f: {  	[tilespmem:s10], [sflag:$0x3] =	stream.indirect.gather @!p1 [spmem:s4], $0x10, s2, s6, $0xb8;
	[tilespmem:$0x1F810] =	vst v63  }
0x140: {  	s2 =	sadd.s32 $0xFFFFFFF0, s22  }
0x141: {  	s23 =	sadd.s32 $0x191, s2  }
0x142: {  	s24 =	sadd.s32 $0x192, s2;
	s28 =	sadd.s32 $0x194, s2;
	s11 =	sadd.s32 $0x195, s2;
	v1 =	vmov s23  }
0x143: {  	s12 =	sadd.s32 $0x19B, s2;
	s13 =	sadd.s32 $0x199, s2;
	s15 =	sadd.s32 $0x193, s2;
	v2 =	vmov s24;
	v3 =	vmov s28;
	v4 =	vmov s11  }
0x144: {  	s17 =	sadd.s32 $0x196, s2;
	s20 =	sadd.s32 $0x19F, s2;
	s21 =	sadd.s32 $0x19C, s2;
	v6 =	vmov s12;
	v7 =	vmov s13;
	v8 =	vmov s15  }
0x145: {  	s8 =	sadd.s32 $0xC800, s8;
	s11 =	sadd.s32 $0x197, s2;
	v10 =	vmov s17;
	v11 =	vmov s20;
	v12 =	vmov s21  }
0x146: {  	[spmem:s3] =	stream.indirect.scatter.add.f32 [tilespmem:s1], [sflag:$0x7], $0x10, s8, s16, $0xb8;
	v2 =	vshrl.u32 v2, $0x3;
	v5 =	vmov s11;
	v6 =	vshrl.u32 v6, $0x3;
	[tilespmem:$0x1F810] =	vst v63  }
0x147: {  	s23 =	sadd.s32 $0x19E, s2;
	v9 =	vshrl.u32 v4, $0x3;
	v11 =	vshrl.u32 v11, $0x3;
	v4 =	vshll.u32 v6, v0  }
0x148: {  	s18 =	sadd.s32 $0x198, s2;
	_ =	swait.ge [sflag:s7], $0x800;
	v13 =	vmov s23;
	v11 =	vshll.u32 v11, v0;
	v4 =	vadd.s32 $0x3, v4  }
0x149: {  	s24 =	sadd.s32 $0x190, s2;
	v6 =	vmov s18;
	[sflag:s7] =	ssyncset.done $0x0;
	v11 =	vadd.s32 $0x7, v11;
	v4 =	vbroadcast v4, $0x0  }
0x14a: {  	s8 =	simm.s32 @!p0 $0x8;
	s28 =	sadd.s32 $0x19D, s2;
	v14 =	vmov s24;
	v6 =	vshrl.u32 v6, $0x3;
	[sflag:s7] =	ssyncadd.s32 $0xFFFFF800;
	v11 =	vbroadcast v11, $0x0  }
0x14b: {  	v3 =	vshrl.u32 v3, $0x3;
	v15 =	vmov s28;
	v6 =	vshll.u32 v6, v0;
	_ =	swait.ge @!p0 [sflag:s8], $0x800  }
0x14c: {  	v3 =	vshll.u32 v3, v0;
	v16 =	vshll.u32 v2, v0;
	v6 =	vbroadcast v6, $0x0;
	[sflag:s8] =	ssyncset.done @!p0 $0x0  }
0x14d: {  	s12 =	simm.s32 $0x18080;
	v2 =	vadd.s32 $0x4, v3;
	v3 =	vshrl.u32 v5, $0x3;
	v5 =	vshrl.u32 v7, $0x3;
	[sflag:s8] =	ssyncadd.s32 @!p0 $0xFFFFF800  }
0x14e: {  	v1 =	vshrl.u32 v1, $0x3;
	v17 =	vbroadcast v2, $0x0;
	v2 =	vshll.u32 v5, v0;
	v5 =	vld [tilespmem:s12+$0x30]  }
0x14f: {  	v8 =	vshrl.u32 v8, $0x3;
	v13 =	vshrl.u32 v13, $0x3;
	v3 =	vshll.u32 v3, v0;
	v7 =	vld.idx.msk [tilespmem:v4+s26+$0x0], $0xffff  }
0x150: {  	v12 =	vshrl.u32 v12, $0x3;
	v3 =	vadd.s32 $0x7, v3;
	v4 =	vshll.u32 v13, v0;
	v11 =	vld.idx.msk [tilespmem:v11+s26+$0x0], $0xffff  }
0x151: {  	v3 =	vbroadcast v3, $0x0;
	v13 =	vshrl.u32 v15, $0x3;
	v15 =	vld [tilespmem:s12+$0x70];
	v4 =	vadd.s32 $0x6, v4  }
0x152: {  	v1 =	vshll.u32 v1, v0;
	v18 =	vld.idx.msk [tilespmem:v6+s26+$0x0], $0xffff;
	v6 =	vshrl.u32 v14, $0x3;
	v14 =	vbroadcast v4, $0x0  }
0x153: {  	v19 =	vshll.u32 v8, v0;
	v8 =	vshll.u32 v9, v0;
	v21 =	vld [tilespmem:s12+$0xFFFFFFC0];
	v6 =	vshll.u32 v6, v0  }
0x154: {  	v9 =	vshrl.u32 v10, $0x3;
	v10 =	vshll.u32 v12, v0;
	v17 =	vld.idx.msk [tilespmem:v17+s26+$0x0], $0xffff;
	v6 =	vbroadcast v6, $0x0  }
0x155: {  	v63 =	vadd.s32 $0x5, v8;
	v1 =	vadd.s32 $0x1, v1;
	v10 =	vadd.s32 $0x4, v10;
	v22 =	vld [tilespmem:s12+$0x0]  }
0x156: {  	v8 =	vshll.u32 v13, v0;
	v4 =	vld [tilespmem:s12+$0x60];
	v5 =	vmul.f32 v5, v7;
	v7 =	vshll.u32 v9, v0  }
0x157: {  	s2 =	sadd.s32 $0x19A, s2;
	v13 =	vadd.s32 $0x5, v8;
	v8 =	vld.idx.msk [tilespmem:v3+s26+$0x0], $0xffff;
	v15 =	vmul.f32 v15, v11;
	v7 =	vadd.s32 $0x6, v7  }
0x158: {  	s10 =	simm.s32 $0x1A080;
	v9 =	vbroadcast v7, $0x0;
	v7 =	vmov s2;
	v11 =	vld.idx.msk [tilespmem:v14+s26+$0x0], $0xffff;
	v14 =	vbroadcast v1, $0x0  }
0x159: {  	v2 =	vadd.s32 $0x1, v2;
	v3 =	vld [tilespmem:s12+$0xFFFFFFF0];
	[tilespmem:s10+$0x30] =	vst v5;
	v5 =	vmul.f32 v21, v17;
	v7 =	vshrl.u32 v7, $0x3  }
0x15a: {  	[tilespmem:s10+$0x70] =	vst v15;
	v15 =	vbroadcast v63, $0x0;
	v1 =	vadd.s32 $0x3, v19;
	v12 =	vld.idx.msk [tilespmem:v6+s26+$0x0], $0xffff;
	v17 =	vshll.u32 v7, v0  }
0x15b: {  	s6 =	simm.s32 $0x1A080;
	v7 =	vbroadcast v13, $0x0;
	v13 =	vld [tilespmem:s12+$0xFFFFFF80];
	v6 =	vbroadcast v1, $0x0;
	v1 =	vadd.s32 $0x2, v17  }
0x15c: {  	s13 =	simm.s32 $0x18180;
	s8 =	sor.u32 $0x180, s14;
	s2 =	simm.s32 $0x0;
	[tilespmem:s10+$0xFFFFFFC0] =	vst v5;
	v17 =	vadd.s32 $0x2, v16;
	v16 =	vmul.f32 v22, v18;
	v5 =	vbroadcast v1, $0x0;
	v1 =	vld [tilespmem:s12+$0x20]  }
.LBB2_11:
0x15d: {  	s17 =	sadd.s32 s2, s22;
	s2 =	sadd.s32 $0x10, s2;
	v17 =	vbroadcast v17, $0x0;
	v18 =	vld [tilespmem:s12+$0xFFFFFFA0];
	v2 =	vbroadcast v2, $0x0;
	s10 =	sadd.s32 $0x100, s10  }
0x15e: {  	v4 =	vmul.f32 v4, v11;
	s11 =	sadd.s32 $0x191, s17;
	s14 =	sadd.s32 $0x192, s17;
	s15 =	sadd.s32 $0x198, s17;
	v14 =	vld.idx.msk [tilespmem:v14+s26+$0x0], $0xffff;
	v8 =	vmul.f32 v3, v8;
	[tilespmem:s6+$0x0] =	vst v16  }
0x15f: {  	s18 =	sadd.s32 $0x196, s17;
	v11 =	vmov s11;
	v16 =	vmov s14;
	s11 =	sadd.s32 $0x194, s17;
	s14 =	sadd.s32 $0x195, s17;
	v3 =	vld.idx.msk [tilespmem:v9+s26+$0x0], $0xffff;
	v9 =	vbroadcast v10, $0x0  }
0x160: {  	s20 =	sadd.s32 $0x19D, s17;
	v10 =	vmov s11;
	v19 =	vmov s14;
	s11 =	sadd.s32 $0x197, s17;
	s14 =	sadd.s32 $0x199, s17;
	v12 =	vmul.f32 v13, v12;
	[tilespmem:s6+$0xFFFFFFF0] =	vst v8;
	v8 =	vld [tilespmem:s12+$0x10]  }
0x161: {  	s21 =	sadd.s32 $0x193, s17;
	s23 =	sadd.s32 $0x19C, s17;
	v13 =	vshrl.u32 v16, $0x3;
	v16 =	vmov s11;
	v20 =	vmov s14;
	s11 =	sadd.s32 $0x19B, s17;
	v15 =	vld.idx.msk [tilespmem:v15+s26+$0x0], $0xffff  }
0x162: {  	p0 =	slt.u32 s2, $0x70;
	v21 =	vmov s21;
	v19 =	vshrl.u32 v19, $0x3;
	s14 =	sadd.s32 $0x19A, s17;
	v22 =	vmov s11;
	[tilespmem:s6+$0xFFFFFF80] =	vst v12;
	v5 =	vld.idx.msk [tilespmem:v5+s26+$0x0], $0xffff  }
0x163: {  	v23 =	vmov s15;
	s11 =	sadd.s32 $0x190, s17;
	v12 =	vmov s18;
	v22 =	vshrl.u32 v22, $0x3;
	v24 =	vld [tilespmem:s12+$0xFFFFFF90];
	[tilespmem:s6+$0x60] =	vst v4  }
0x164: {  	s15 =	sadd.s32 $0x19E, s17;
	v4 =	vshrl.u32 v23, $0x3;
	v23 =	vmov s23;
	v22 =	vshll.u32 v22, v0;
	v7 =	vld.idx.msk [tilespmem:v7+s26+$0x0], $0xffff  }
0x165: {  	v25 =	vmov s15;
	s15 =	sadd.s32 $0x19F, s17;
	v4 =	vshll.u32 v4, v0;
	v22 =	vadd.s32 $0x3, v22;
	v2 =	vld.idx.msk [tilespmem:v2+s26+$0x0], $0xffff  }
0x166: {  	v27 =	vmov s15;
	v26 =	vmov s11;
	v22 =	vbroadcast v22, $0x0;
	v17 =	vld.idx.msk [tilespmem:v17+s26+$0x0], $0xffff  }
0x167: {  	v28 =	vmov s20;
	v25 =	vshrl.u32 v25, $0x3;
	v27 =	vshrl.u32 v27, $0x3;
	v6 =	vld.idx.msk [tilespmem:v6+s26+$0x0], $0xffff  }
0x168: {  	v11 =	vshrl.u32 v11, $0x3;
	v29 =	vshll.u32 v13, v0;
	v13 =	vshll.u32 v27, v0;
	v9 =	vld.idx.msk [tilespmem:v9+s26+$0x0], $0xffff  }
0x169: {  	v25 =	vshll.u32 v25, v0;
	v13 =	vadd.s32 $0x7, v13;
	v4 =	vbroadcast v4, $0x0;
	v27 =	vld [tilespmem:s12+$0xFFFFFFB0]  }
0x16a: {  	v16 =	vshrl.u32 v16, $0x3;
	v13 =	vbroadcast v13, $0x0;
	v14 =	vmul.f32 v24, v14;
	v24 =	vld [tilespmem:s12+$0x50]  }
0x16b: {  	v10 =	vshrl.u32 v10, $0x3;
	v20 =	vshrl.u32 v20, $0x3;
	v8 =	vmul.f32 v8, v2;
	v30 =	vld [tilespmem:s12+$0xFFFFFFD0]  }
0x16c: {  	v2 =	vshll.u32 v10, v0;
	v10 =	vshll.u32 v20, v0;
	v17 =	vmul.f32 v18, v17;
	v20 =	vld.idx.msk [tilespmem:v22+s26+$0x0], $0xffff  }
0x16d: {  	v11 =	vshll.u32 v11, v0;
	v18 =	vadd.s32 $0x4, v2;
	v2 =	vadd.s32 $0x1, v10;
	v10 =	vld [tilespmem:s13+$0x30];
	[tilespmem:s6+$0x10] =	vst v8  }
0x16e: {  	v16 =	vshll.u32 v16, v0;
	v18 =	vbroadcast v18, $0x0;
	v8 =	vshrl.u32 v26, $0x3;
	[tilespmem:s6+$0xFFFFFFA0] =	vst v17;
	v17 =	vld [tilespmem:s12+$0x40]  }
0x16f: {  	v16 =	vadd.s32 $0x7, v16;
	v26 =	vshrl.u32 v28, $0x3;
	v22 =	vld.idx.msk [tilespmem:v4+s26+$0x0], $0xffff;
	[tilespmem:s6+$0xFFFFFF90] =	vst v14;
	v4 =	vmul.f32 v24, v7  }
0x170: {  	v7 =	vbroadcast v16, $0x0;
	v14 =	vadd.s32 $0x6, v25;
	v13 =	vld.idx.msk [tilespmem:v13+s26+$0x0], $0xffff;
	v15 =	vmul.f32 v30, v15  }
0x171: {  	v16 =	vshrl.u32 v21, $0x3;
	v21 =	vshrl.u32 v23, $0x3;
	v23 =	vbroadcast v14, $0x0;
	v14 =	vld [tilespmem:s13+$0x70];
	[tilespmem:s6+$0x50] =	vst v4  }
0x172: {  	v16 =	vshll.u32 v16, v0;
	v4 =	vshll.u32 v19, v0;
	v10 =	vmul.f32 v10, v20;
	[tilespmem:s6+$0xFFFFFFD0] =	vst v15;
	v15 =	vld [tilespmem:s12+$0xFFFFFFE0];
	s12 =	smov.u32 s13  }
0x173: {  	v12 =	vshrl.u32 v12, $0x3;
	v8 =	vshll.u32 v8, v0;
	v19 =	vadd.s32 $0x5, v4;
	v4 =	vld [tilespmem:s13+$0x60]  }
0x174: {  	v20 =	vbroadcast v8, $0x0;
	v8 =	vshll.u32 v12, v0;
	v18 =	vld.idx.msk [tilespmem:v18+s26+$0x0], $0xffff;
	[tilespmem:s10+$0x30] =	vst v10;
	v10 =	vshll.u32 v21, v0  }
0x175: {  	v12 =	vshll.u32 v26, v0;
	v8 =	vadd.s32 $0x6, v8;
	v17 =	vmul.f32 v17, v9;
	v21 =	vld [tilespmem:s13+$0xFFFFFFC0]  }
0x176: {  	v6 =	vmul.f32 v27, v6;
	v25 =	vadd.s32 $0x5, v12;
	v24 =	vld [tilespmem:s13+$0x0];
	v12 =	vmul.f32 v14, v13  }
0x177: {  	v11 =	vadd.s32 $0x1, v11;
	v9 =	vbroadcast v8, $0x0;
	v10 =	vadd.s32 $0x4, v10;
	v8 =	vld.idx.msk [tilespmem:v7+s26+$0x0], $0xffff;
	[tilespmem:s6+$0x40] =	vst v17  }
.Ltmp4:
0x178: {  	v14 =	vbroadcast v11, $0x0;
	v7 =	vmov s14;
	v11 =	vld.idx.msk [tilespmem:v23+s26+$0x0], $0xffff;
	[tilespmem:s6+$0xFFFFFFB0] =	vst v6;
	v6 =	vmul.f32 v15, v3;
	(pc) =	sbr.rel @p0 .LBB2_11-.Ltmp4, $4  }
0x179: {  	v1 =	vmul.f32 v1, v5;
	v15 =	vadd.s32 $0x3, v16;
	v7 =	vshrl.u32 v7, $0x3;
	v3 =	vld [tilespmem:s13+$0xFFFFFFF0];
	[tilespmem:s10+$0x70] =	vst v12  }
0x17a: {  	v16 =	vshll.u32 v7, v0;
	v7 =	vbroadcast v25, $0x0;
	v12 =	vld.idx.msk [tilespmem:v20+s26+$0x0], $0xffff;
	v5 =	vmul.f32 v21, v18;
	[tilespmem:s6+$0xFFFFFFE0] =	vst v6  }
0x17b: {  	v6 =	vbroadcast v15, $0x0;
	v15 =	vbroadcast v19, $0x0;
	v18 =	vadd.s32 $0x2, v16;
	v13 =	vld [tilespmem:s13+$0xFFFFFF80];
	[tilespmem:s6+$0x20] =	vst v1;
	s6 =	smov.u32 s10  }
0x17c: {  	v17 =	vadd.s32 $0x2, v29;
	v16 =	vmul.f32 v24, v22;
	s13 =	sadd.s32 $0x100, s13;
	[tilespmem:s10+$0xFFFFFFC0] =	vst v5;
	v5 =	vbroadcast v18, $0x0;
	v1 =	vld [tilespmem:s12+$0x20]  }
0x17d: {  	_ =	sdelay $0x2  }
0x17e: {  	v18 =	vld [tilespmem:s12+$0xFFFFFFA0]  }
0x17f: {  	v14 =	vld.idx.msk [tilespmem:v14+s26+$0x0], $0xffff  }
0x180: {  	v9 =	vld.idx.msk [tilespmem:v9+s26+$0x0], $0xffff  }
0x181: {  	v2 =	vbroadcast v2, $0x0;
	v19 =	vld [tilespmem:s12+$0x10]  }
0x182: {  	v15 =	vld.idx.msk [tilespmem:v15+s26+$0x0], $0xffff  }
0x183: {  	v20 =	vld [tilespmem:s12+$0xFFFFFF90]  }
0x184: {  	v7 =	vld.idx.msk [tilespmem:v7+s26+$0x0], $0xffff  }
0x185: {  	v6 =	vld.idx.msk [tilespmem:v6+s26+$0x0], $0xffff  }
0x186: {  	v17 =	vbroadcast v17, $0x0;
	v58 =	vld [tilespmem:s12+$0x50]  }
0x187: {  	v10 =	vbroadcast v10, $0x0;
	v3 =	vmul.f32 v3, v8;
	v2 =	vld.idx.msk [tilespmem:v2+s26+$0x0], $0xffff  }
0x188: {  	v59 =	vld [tilespmem:s12+$0x40]  }
0x189: {  	v4 =	vmul.f32 v4, v11;
	[tilespmem:s6+$0xFFFFFFF0] =	vst v3;
	v3 =	vld [tilespmem:s12+$0xFFFFFFD0]  }
0x18a: {  	[tilespmem:s6+$0x0] =	vst v16;
	v5 =	vld.idx.msk [tilespmem:v5+s26+$0x0], $0xffff;
	v57 =	vmul.f32 v13, v12  }
0x18b: {  	v60 =	vld [tilespmem:s12+$0xFFFFFFB0];
	[tilespmem:s6+$0x60] =	vst v4;
	v62 =	vmul.f32 v20, v14  }
0x18c: {  	[tilespmem:s6+$0xFFFFFF80] =	vst v57;
	v17 =	vld.idx.msk [tilespmem:v17+s26+$0x0], $0xffff;
	v2 =	vmul.f32 v19, v2  }
0x18d: {  	v7 =	vmul.f32 v58, v7;
	v56 =	vld.idx.msk [tilespmem:v10+s26+$0x0], $0xffff;
	[tilespmem:s6+$0xFFFFFF90] =	vst v62  }
0x18e: {  	v3 =	vmul.f32 v3, v15;
	[tilespmem:s6+$0x10] =	vst v2;
	v2 =	vld [tilespmem:s12+$0xFFFFFFE0]  }
0x18f: {  	v1 =	vmul.f32 v1, v5;
	[tilespmem:s6+$0x50] =	vst v7  }
0x190: {  	[tilespmem:s6+$0xFFFFFFD0] =	vst v3;
	v3 =	vmul.f32 v60, v6  }
.Ltmp5:
0x191: {  	[tilespmem:s6+$0x20] =	vst v1;
	v61 =	vmul.f32 v18, v17;
	(pc) =	sbr.rel @p1 .LBB2_14-.Ltmp5, $4  }
0x192: {  	v63 =	vmul.f32 v59, v56;
	[tilespmem:s6+$0xFFFFFFB0] =	vst v3  }
0x193: {  	[tilespmem:s6+$0xFFFFFFA0] =	vst v61;
	v2 =	vmul.f32 v2, v9  }
0x194: {  	[tilespmem:s6+$0x40] =	vst v63  }
0x195: {  	s2 =	sadd.s32 $0xC800, s8;
	[tilespmem:s6+$0xFFFFFFE0] =	vst v2  }
.Ltmp6:
0x196: {  	(pc) =	sbr.rel .LBB2_4-.Ltmp6, $4  }
0x197: {  	s6 =	sadd.s32 $0x7B80, s9;
	s8 =	simm.s32 $0x18000  }
0x198: {  	[tilespmem:s8], [sflag:$0x4] =	stream.indirect.gather [spmem:s4], $0x10, s6, s16, $0xb8;
	[tilespmem:$0x1F810] =	vst v63  }
0x199: {  	s19 =	sadd.s32 $0x1, s19;
	s22 =	sadd.s32 $0x200, s22  }
0x19a: {  	[spmem:s3] =	stream.indirect.scatter.add.f32 [tilespmem:s0], [sflag:$0x8], $0x10, s2, s16, $0xb8;
	[tilespmem:$0x1F810] =	vst v63  }
.LBB2_14:
0x19b: {  	[spmem:s3] =	stream.indirect.scatter.add.f32 [tilespmem:s0], [sflag:$0x8], $0x10, s2, s16, $0xb8;
	[tilespmem:$0x1F810] =	vst v63  }
0x19c: {  	s10 =	simm.s32 $0x5  }
0x19d: {  	_ =	swait.ge [sflag:s10], $0x800  }
0x19e: {  	[sflag:s10] =	ssyncset.done $0x0  }
0x19f: {  	s11 =	simm.s32 $0x6;
	[sflag:s10] =	ssyncadd.s32 $0xFFFFF800  }
0x1a0: {  	_ =	swait.ge [sflag:s11], $0x800  }
0x1a1: {  	[sflag:s11] =	ssyncset.done $0x0  }
0x1a2: {  	s12 =	simm.s32 $0x7;
	[sflag:s11] =	ssyncadd.s32 $0xFFFFF800  }
0x1a3: {  	_ =	swait.ge [sflag:s12], $0x800  }
0x1a4: {  	[sflag:s12] =	ssyncset.done $0x0  }
0x1a5: {  	s13 =	simm.s32 $0x8;
	[sflag:s12] =	ssyncadd.s32 $0xFFFFF800  }
0x1a6: {  	_ =	swait.ge [sflag:s13], $0x800  }
0x1a7: {  	[sflag:s13] =	ssyncset.done $0x0  }
0x1a8: {  	[sflag:s13] =	ssyncadd.s32 $0xFFFFF800  }
0x1a9: {  	s6 =	simm.s32 $0x1A800;
	s8 =	rddreg [dreg:$0xd];
	[bflag:$0x0] =	sbarrier.arrive $0xFFFF  }
0x1aa: {  	s17 =	simm.s32 $0xB;
	s14 =	sshllo.u32 s8, $0x1;
	s15 =	rddreg [dreg:$0x8]  }
0x1ab: {  	v1 =	vmov s14;
	[tilespmem:s6], [sflag:$0xB] =	stream.linear.gather [spmem:s15], $0x2800, $0x38;
	[tilespmem:$0x1F810] =	vst v63  }
0x1ac: {  	_ =	swait.ge [sflag:s17], $0x2800  }
0x1ad: {  	s19 =	rddreg [dreg:$0xc]  }
0x1ae: {  	[sflag:s17] =	ssyncset.done $0x0;
	s20 =	rddreg [dreg:$0x9]  }
0x1af: {  	s18 =	simm.s32 $0x1F800;
	s23 =	rddreg [dreg:$0xa];
	[sflag:s17] =	ssyncadd.s32 $0xFFFFD800  }
0x1b0: {  	v1 =	vld.idx.msk [tilespmem:v1+s18+$0x0], $0xffff;
	[spmem:s19] =	stream.linear.scatter [tilespmem:s6], [sflag:$0x9], $0x2800, $0x38  }
0x1b1: {  	s24 =	simm.s32 $0x1A880;
	s22 =	sor.u32 $0x1C0A, s20;
	s21 =	rddreg [dreg:$0x1]  }
0x1b2: {  	[spmem:s23], [sflag:s22] =	dma.local [hbm:s21], $0x500  }
0x1b3: {  	v2 =	vld [tilespmem:s24+$0xFFFFFF80]  }
0x1b4: {  	s9 =	simm.s32 $0x1D080  }
0x1b5: {  	v3 =	vld [tilespmem:s9+$0xFFFFFF80];
	_ =	sdelay $0x2  }
0x1b6: {  	v2 =	vmul.f32 v2, v1;
	_ =	sdelay $0x1  }
0x1b7: {  	v2 =	vadd.f32 v2, v3;
	_ =	sdelay $0x1  }
0x1b8: {  	[tilespmem:s9+$0xFFFFFF80] =	vst v2  }
0x1b9: {  	v2 =	vld [tilespmem:s24+$0xFFFFFF90];
	_ =	sdelay $0x1  }
0x1ba: {  	v3 =	vld [tilespmem:s9+$0xFFFFFF90];
	_ =	sdelay $0x2  }
0x1bb: {  	v2 =	vmul.f32 v2, v1;
	_ =	sdelay $0x1  }
0x1bc: {  	v2 =	vadd.f32 v2, v3;
	_ =	sdelay $0x1  }
0x1bd: {  	[tilespmem:s9+$0xFFFFFF90] =	vst v2  }
0x1be: {  	v2 =	vld [tilespmem:s24+$0xFFFFFFA0];
	_ =	sdelay $0x1  }
0x1bf: {  	v3 =	vld [tilespmem:s9+$0xFFFFFFA0];
	_ =	sdelay $0x2  }
0x1c0: {  	v2 =	vmul.f32 v2, v1;
	_ =	sdelay $0x1  }
0x1c1: {  	v2 =	vadd.f32 v2, v3;
	_ =	sdelay $0x1  }
0x1c2: {  	[tilespmem:s9+$0xFFFFFFA0] =	vst v2  }
0x1c3: {  	v2 =	vld [tilespmem:s24+$0xFFFFFFB0];
	_ =	sdelay $0x1  }
0x1c4: {  	v3 =	vld [tilespmem:s9+$0xFFFFFFB0];
	_ =	sdelay $0x2  }
0x1c5: {  	v2 =	vmul.f32 v2, v1;
	_ =	sdelay $0x1  }
0x1c6: {  	v2 =	vadd.f32 v2, v3;
	_ =	sdelay $0x1  }
0x1c7: {  	[tilespmem:s9+$0xFFFFFFB0] =	vst v2  }
0x1c8: {  	v2 =	vld [tilespmem:s24+$0xFFFFFFC0];
	_ =	sdelay $0x1  }
0x1c9: {  	v3 =	vld [tilespmem:s9+$0xFFFFFFC0];
	_ =	sdelay $0x2  }
0x1ca: {  	v2 =	vmul.f32 v2, v1;
	_ =	sdelay $0x1  }
0x1cb: {  	v2 =	vadd.f32 v2, v3;
	_ =	sdelay $0x1  }
0x1cc: {  	[tilespmem:s9+$0xFFFFFFC0] =	vst v2  }
0x1cd: {  	v2 =	vld [tilespmem:s24+$0xFFFFFFD0];
	_ =	sdelay $0x1  }
0x1ce: {  	v3 =	vld [tilespmem:s9+$0xFFFFFFD0];
	_ =	sdelay $0x2  }
0x1cf: {  	v2 =	vmul.f32 v2, v1;
	_ =	sdelay $0x1  }
0x1d0: {  	v2 =	vadd.f32 v2, v3;
	_ =	sdelay $0x1  }
0x1d1: {  	[tilespmem:s9+$0xFFFFFFD0] =	vst v2  }
0x1d2: {  	v2 =	vld [tilespmem:s24+$0xFFFFFFE0];
	_ =	sdelay $0x1  }
0x1d3: {  	v3 =	vld [tilespmem:s9+$0xFFFFFFE0];
	_ =	sdelay $0x2  }
0x1d4: {  	v2 =	vmul.f32 v2, v1;
	_ =	sdelay $0x1  }
0x1d5: {  	v2 =	vadd.f32 v2, v3;
	_ =	sdelay $0x1  }
0x1d6: {  	[tilespmem:s9+$0xFFFFFFE0] =	vst v2  }
0x1d7: {  	v2 =	vld [tilespmem:s24+$0xFFFFFFF0];
	_ =	sdelay $0x1  }
0x1d8: {  	v3 =	vld [tilespmem:s9+$0xFFFFFFF0];
	_ =	sdelay $0x2  }
0x1d9: {  	v2 =	vmul.f32 v2, v1;
	_ =	sdelay $0x1  }
0x1da: {  	v2 =	vadd.f32 v2, v3;
	_ =	sdelay $0x1  }
0x1db: {  	[tilespmem:s9+$0xFFFFFFF0] =	vst v2  }
0x1dc: {  	v2 =	vld [tilespmem:s24+$0x0];
	_ =	sdelay $0x1  }
0x1dd: {  	v3 =	vld [tilespmem:s9+$0x0];
	_ =	sdelay $0x2  }
0x1de: {  	v2 =	vmul.f32 v2, v1;
	_ =	sdelay $0x1  }
0x1df: {  	v2 =	vadd.f32 v2, v3;
	_ =	sdelay $0x1  }
0x1e0: {  	[tilespmem:s9+$0x0] =	vst v2  }
0x1e1: {  	v2 =	vld [tilespmem:s24+$0x10];
	_ =	sdelay $0x1  }
0x1e2: {  	v3 =	vld [tilespmem:s9+$0x10];
	_ =	sdelay $0x2  }
0x1e3: {  	v2 =	vmul.f32 v2, v1;
	_ =	sdelay $0x1  }
0x1e4: {  	v2 =	vadd.f32 v2, v3;
	_ =	sdelay $0x1  }
0x1e5: {  	[tilespmem:s9+$0x10] =	vst v2  }
0x1e6: {  	v2 =	vld [tilespmem:s24+$0x20];
	_ =	sdelay $0x1  }
0x1e7: {  	v3 =	vld [tilespmem:s9+$0x20];
	_ =	sdelay $0x2  }
0x1e8: {  	v2 =	vmul.f32 v2, v1;
	_ =	sdelay $0x1  }
0x1e9: {  	v2 =	vadd.f32 v2, v3;
	_ =	sdelay $0x1  }
0x1ea: {  	[tilespmem:s9+$0x20] =	vst v2  }
0x1eb: {  	v2 =	vld [tilespmem:s24+$0x30];
	_ =	sdelay $0x1  }
0x1ec: {  	v3 =	vld [tilespmem:s9+$0x30];
	_ =	sdelay $0x2  }
0x1ed: {  	v2 =	vmul.f32 v2, v1;
	_ =	sdelay $0x1  }
0x1ee: {  	v2 =	vadd.f32 v2, v3;
	_ =	sdelay $0x1  }
0x1ef: {  	[tilespmem:s9+$0x30] =	vst v2  }
0x1f0: {  	v2 =	vld [tilespmem:s24+$0x40];
	_ =	sdelay $0x1  }
0x1f1: {  	v3 =	vld [tilespmem:s9+$0x40];
	_ =	sdelay $0x2  }
0x1f2: {  	v2 =	vmul.f32 v2, v1;
	_ =	sdelay $0x1  }
0x1f3: {  	v2 =	vadd.f32 v2, v3;
	_ =	sdelay $0x1  }
0x1f4: {  	[tilespmem:s9+$0x40] =	vst v2  }
0x1f5: {  	v2 =	vld [tilespmem:s24+$0x50];
	_ =	sdelay $0x1  }
0x1f6: {  	v3 =	vld [tilespmem:s9+$0x50];
	_ =	sdelay $0x2  }
0x1f7: {  	v2 =	vmul.f32 v2, v1;
	_ =	sdelay $0x1  }
0x1f8: {  	v2 =	vadd.f32 v2, v3;
	_ =	sdelay $0x1  }
0x1f9: {  	[tilespmem:s9+$0x50] =	vst v2  }
0x1fa: {  	v2 =	vld [tilespmem:s24+$0x60];
	_ =	sdelay $0x1  }
0x1fb: {  	v3 =	vld [tilespmem:s9+$0x60];
	_ =	sdelay $0x2  }
0x1fc: {  	v2 =	vmul.f32 v2, v1;
	_ =	sdelay $0x1  }
0x1fd: {  	v2 =	vadd.f32 v2, v3;
	_ =	sdelay $0x1  }
0x1fe: {  	[tilespmem:s9+$0x60] =	vst v2  }
0x1ff: {  	v2 =	vld [tilespmem:s24+$0x70];
	_ =	sdelay $0x1  }
0x200: {  	v3 =	vld [tilespmem:s9+$0x70];
	_ =	sdelay $0x2  }
0x201: {  	v2 =	vmul.f32 v2, v1;
	_ =	sdelay $0x1  }
0x202: {  	v2 =	vadd.f32 v2, v3  }
0x203: {  	s28 =	sshll.u32 s8, $0x1  }
0x204: {  	s10 =	simm.s32 $0x1A980;
	s8 =	simm.s32 $0x0;
	[dreg:$0xe] =	wrdreg s28;
	[tilespmem:s9+$0x70] =	vst v2  }
.LBB2_15:
0x205: {  	v2 =	vld [tilespmem:s10+$0xFFFFFF80];
	s8 =	sadd.s32 $0x10, s8  }
0x206: {  	s9 =	sadd.s32 $0x100, s9;
	p0 =	slt.u32 s8, $0x270  }
0x207: {  	v3 =	vld [tilespmem:s9+$0xFFFFFF80];
	_ =	sdelay $0x2  }
0x208: {  	v2 =	vmul.f32 v2, v1;
	_ =	sdelay $0x1  }
0x209: {  	v2 =	vadd.f32 v2, v3;
	_ =	sdelay $0x1  }
0x20a: {  	[tilespmem:s9+$0xFFFFFF80] =	vst v2  }
0x20b: {  	v2 =	vld [tilespmem:s10+$0xFFFFFF90];
	_ =	sdelay $0x1  }
0x20c: {  	v3 =	vld [tilespmem:s9+$0xFFFFFF90];
	_ =	sdelay $0x2  }
0x20d: {  	v2 =	vmul.f32 v2, v1;
	_ =	sdelay $0x1  }
0x20e: {  	v2 =	vadd.f32 v2, v3;
	_ =	sdelay $0x1  }
0x20f: {  	[tilespmem:s9+$0xFFFFFF90] =	vst v2  }
0x210: {  	v2 =	vld [tilespmem:s10+$0xFFFFFFA0];
	_ =	sdelay $0x1  }
0x211: {  	v3 =	vld [tilespmem:s9+$0xFFFFFFA0];
	_ =	sdelay $0x2  }
0x212: {  	v2 =	vmul.f32 v2, v1;
	_ =	sdelay $0x1  }
0x213: {  	v2 =	vadd.f32 v2, v3;
	_ =	sdelay $0x1  }
0x214: {  	[tilespmem:s9+$0xFFFFFFA0] =	vst v2  }
0x215: {  	v2 =	vld [tilespmem:s10+$0xFFFFFFB0];
	_ =	sdelay $0x1  }
0x216: {  	v3 =	vld [tilespmem:s9+$0xFFFFFFB0];
	_ =	sdelay $0x2  }
0x217: {  	v2 =	vmul.f32 v2, v1;
	_ =	sdelay $0x1  }
0x218: {  	v2 =	vadd.f32 v2, v3;
	_ =	sdelay $0x1  }
0x219: {  	[tilespmem:s9+$0xFFFFFFB0] =	vst v2  }
0x21a: {  	v2 =	vld [tilespmem:s10+$0xFFFFFFC0];
	_ =	sdelay $0x1  }
0x21b: {  	v3 =	vld [tilespmem:s9+$0xFFFFFFC0];
	_ =	sdelay $0x2  }
0x21c: {  	v2 =	vmul.f32 v2, v1;
	_ =	sdelay $0x1  }
0x21d: {  	v2 =	vadd.f32 v2, v3;
	_ =	sdelay $0x1  }
0x21e: {  	[tilespmem:s9+$0xFFFFFFC0] =	vst v2  }
0x21f: {  	v2 =	vld [tilespmem:s10+$0xFFFFFFD0];
	_ =	sdelay $0x1  }
0x220: {  	v3 =	vld [tilespmem:s9+$0xFFFFFFD0];
	_ =	sdelay $0x2  }
0x221: {  	v2 =	vmul.f32 v2, v1;
	_ =	sdelay $0x1  }
0x222: {  	v2 =	vadd.f32 v2, v3;
	_ =	sdelay $0x1  }
0x223: {  	[tilespmem:s9+$0xFFFFFFD0] =	vst v2  }
0x224: {  	v2 =	vld [tilespmem:s10+$0xFFFFFFE0];
	_ =	sdelay $0x1  }
0x225: {  	v3 =	vld [tilespmem:s9+$0xFFFFFFE0];
	_ =	sdelay $0x2  }
0x226: {  	v2 =	vmul.f32 v2, v1;
	_ =	sdelay $0x1  }
0x227: {  	v2 =	vadd.f32 v2, v3;
	_ =	sdelay $0x1  }
0x228: {  	[tilespmem:s9+$0xFFFFFFE0] =	vst v2  }
0x229: {  	v2 =	vld [tilespmem:s10+$0xFFFFFFF0];
	_ =	sdelay $0x1  }
0x22a: {  	v3 =	vld [tilespmem:s9+$0xFFFFFFF0];
	_ =	sdelay $0x2  }
0x22b: {  	v2 =	vmul.f32 v2, v1;
	_ =	sdelay $0x1  }
0x22c: {  	v2 =	vadd.f32 v2, v3;
	_ =	sdelay $0x1  }
0x22d: {  	[tilespmem:s9+$0xFFFFFFF0] =	vst v2  }
0x22e: {  	v2 =	vld [tilespmem:s10+$0x0];
	_ =	sdelay $0x1  }
0x22f: {  	v3 =	vld [tilespmem:s9+$0x0];
	_ =	sdelay $0x2  }
0x230: {  	v2 =	vmul.f32 v2, v1;
	_ =	sdelay $0x1  }
0x231: {  	v2 =	vadd.f32 v2, v3;
	_ =	sdelay $0x1  }
0x232: {  	[tilespmem:s9+$0x0] =	vst v2  }
0x233: {  	v2 =	vld [tilespmem:s10+$0x10];
	_ =	sdelay $0x1  }
0x234: {  	v3 =	vld [tilespmem:s9+$0x10];
	_ =	sdelay $0x2  }
0x235: {  	v2 =	vmul.f32 v2, v1;
	_ =	sdelay $0x1  }
0x236: {  	v2 =	vadd.f32 v2, v3;
	_ =	sdelay $0x1  }
0x237: {  	[tilespmem:s9+$0x10] =	vst v2  }
0x238: {  	v2 =	vld [tilespmem:s10+$0x20];
	_ =	sdelay $0x1  }
0x239: {  	v3 =	vld [tilespmem:s9+$0x20];
	_ =	sdelay $0x2  }
0x23a: {  	v2 =	vmul.f32 v2, v1;
	_ =	sdelay $0x1  }
0x23b: {  	v2 =	vadd.f32 v2, v3;
	_ =	sdelay $0x1  }
0x23c: {  	[tilespmem:s9+$0x20] =	vst v2  }
0x23d: {  	v2 =	vld [tilespmem:s10+$0x30];
	_ =	sdelay $0x1  }
0x23e: {  	v3 =	vld [tilespmem:s9+$0x30];
	_ =	sdelay $0x2  }
0x23f: {  	v2 =	vmul.f32 v2, v1;
	_ =	sdelay $0x1  }
0x240: {  	v2 =	vadd.f32 v2, v3;
	_ =	sdelay $0x1  }
0x241: {  	[tilespmem:s9+$0x30] =	vst v2  }
0x242: {  	v2 =	vld [tilespmem:s10+$0x40];
	_ =	sdelay $0x1  }
0x243: {  	v3 =	vld [tilespmem:s9+$0x40];
	_ =	sdelay $0x2  }
0x244: {  	v2 =	vmul.f32 v2, v1;
	_ =	sdelay $0x1  }
0x245: {  	v2 =	vadd.f32 v2, v3;
	_ =	sdelay $0x1  }
0x246: {  	[tilespmem:s9+$0x40] =	vst v2  }
0x247: {  	v2 =	vld [tilespmem:s10+$0x50];
	_ =	sdelay $0x1  }
0x248: {  	v3 =	vld [tilespmem:s9+$0x50];
	_ =	sdelay $0x2  }
0x249: {  	v2 =	vmul.f32 v2, v1;
	_ =	sdelay $0x1  }
0x24a: {  	v2 =	vadd.f32 v2, v3;
	_ =	sdelay $0x1  }
0x24b: {  	[tilespmem:s9+$0x50] =	vst v2  }
0x24c: {  	v2 =	vld [tilespmem:s10+$0x60];
	_ =	sdelay $0x1  }
0x24d: {  	v3 =	vld [tilespmem:s9+$0x60];
	_ =	sdelay $0x2  }
0x24e: {  	v2 =	vmul.f32 v2, v1;
	_ =	sdelay $0x1  }
0x24f: {  	v2 =	vadd.f32 v2, v3;
	_ =	sdelay $0x1  }
0x250: {  	[tilespmem:s9+$0x60] =	vst v2  }
0x251: {  	v2 =	vld [tilespmem:s10+$0x70];
	_ =	sdelay $0x1  }
0x252: {  	v3 =	vld [tilespmem:s9+$0x70];
	_ =	sdelay $0x2  }
.Ltmp7:
0x253: {  	v2 =	vmul.f32 v2, v1;
	(pc) =	sbr.rel @p0 .LBB2_15-.Ltmp7, $3  }
0x254: {  	_ = 	snop  }
0x255: {  	v2 =	vadd.f32 v2, v3;
	_ =	sdelay $0x1  }
0x256: {  	s10 =	sadd.s32 $0x100, s10;
	[tilespmem:s9+$0x70] =	vst v2  }
0x257: {  	s2 =	simm.s32 $0x9  }
0x258: {  	_ =	swait.ge [sflag:s2], $0x2800  }
0x259: {  	[sflag:s2] =	ssyncset.done $0x0  }
0x25a: {  	s17 =	simm.s32 $0xA;
	[sflag:s2] =	ssyncadd.s32 $0xFFFFD800  }
0x25b: {  	_ =	swait.ge [sflag:s17], $0x500  }
0x25c: {  	[sflag:s17] =	ssyncset.done $0x0  }
0x25d: {  	[sflag:s17] =	ssyncadd.s32 $0xFFFFFB00  }
0x25e: {  	s18 =	simm.s32 $0x7800;
	s6 =	simm.s32 $0x16800;
	[bflag:$0x0] =	sbarrier.arrive $0xFFFF  }
0x25f: {  	[tilespmem:s6], [sflag:$0x1] =	stream.indirect.gather [spmem:s5], $0x10, s18, s16, $0xb8;
	[tilespmem:$0x1F810] =	vst v63  }
0x260: {  	s19 =	simm.s32 $0x7880;
	s20 =	simm.s32 $0x17000  }
0x261: {  	[tilespmem:s20], [sflag:$0x2] =	stream.indirect.gather [spmem:s5], $0x10, s19, s16, $0xb8;
	[tilespmem:$0x1F810] =	vst v63  }
0x262: {  	s21 =	simm.s32 $0x7900;
	s23 =	simm.s32 $0x17800;
	s24 =	simm.s32 $0x7980  }
0x263: {  	[tilespmem:s23], [sflag:$0x3] =	stream.indirect.gather [spmem:s5], $0x10, s21, s16, $0xb8;
	[tilespmem:$0x1F810] =	vst v63  }
0x264: {  	s28 =	simm.s32 $0x18000;
	s14 =	simm.s32 $0x0;
	s19 =	simm.s32 $0x0  }
0x265: {  	[tilespmem:s28], [sflag:$0x4] =	stream.indirect.gather [spmem:s5], $0x10, s24, s16, $0xb8;
	[tilespmem:$0x1F810] =	vst v63  }
.LBB2_17:
0x266: {  	s2 =	sadd.s32 $0xFFFFFFF0, s19  }
0x267: {  	s6 =	sadd.s32 $0x11, s2  }
0x268: {  	s8 =	sadd.s32 $0x12, s2;
	s11 =	sadd.s32 $0x14, s2;
	s9 =	sadd.s32 $0x15, s2;
	v1 =	vmov s6  }
0x269: {  	s12 =	sadd.s32 $0x17, s2;
	s13 =	sadd.s32 $0x1B, s2;
	s15 =	sadd.s32 $0x19, s2;
	v2 =	vmov s8;
	v3 =	vmov s11;
	v4 =	vmov s9  }
0x26a: {  	s10 =	sadd.s32 $0x13, s2;
	s17 =	sadd.s32 $0x16, s2;
	s20 =	sadd.s32 $0x1F, s2;
	v5 =	vmov s12;
	v6 =	vmov s13;
	v7 =	vmov s15  }
0x26b: {  	s21 =	sadd.s32 $0x1C, s2;
	s23 =	sadd.s32 $0x1E, s2;
	v8 =	vmov s10;
	v10 =	vmov s17;
	v11 =	vmov s20  }
0x26c: {  	v12 =	vmov s21;
	v13 =	vmov s23;
	v6 =	vshrl.u32 v6, $0x3  }
0x26d: {  	s24 =	sadd.s32 $0x10, s2;
	v9 =	vshrl.u32 v4, $0x3;
	v11 =	vshrl.u32 v11, $0x3;
	v4 =	vshll.u32 v6, v0  }
0x26e: {  	_ =	swait.ge [sflag:s25], $0x800;
	s18 =	sadd.s32 $0x18, s2;
	v14 =	vmov s24;
	v11 =	vshll.u32 v11, v0;
	v4 =	vadd.s32 $0x3, v4  }
0x26f: {  	p0 =	seq.s32 s14, $0x0;
	[sflag:s25] =	ssyncset.done $0x0;
	s28 =	sadd.s32 $0x1D, s2;
	v6 =	vmov s18;
	v11 =	vadd.s32 $0x7, v11;
	v4 =	vbroadcast v4, $0x0  }
0x270: {  	[sflag:s25] =	ssyncadd.s32 $0xFFFFF800;
	s8 =	simm.s32 @!p0 $0x5;
	v15 =	vmov s28;
	v6 =	vshrl.u32 v6, $0x3;
	v11 =	vbroadcast v11, $0x0  }
0x271: {  	v2 =	vshrl.u32 v2, $0x3;
	_ =	swait.ge @!p0 [sflag:s8], $0x800;
	v3 =	vshrl.u32 v3, $0x3;
	v6 =	vshll.u32 v6, v0  }
0x272: {  	[sflag:s8] =	ssyncset.done @!p0 $0x0;
	v3 =	vshll.u32 v3, v0;
	v16 =	vshll.u32 v2, v0;
	v6 =	vbroadcast v6, $0x0  }
0x273: {  	s12 =	simm.s32 $0x16880;
	[sflag:s8] =	ssyncadd.s32 @!p0 $0xFFFFF800;
	v2 =	vadd.s32 $0x4, v3;
	v3 =	vshrl.u32 v5, $0x3;
	v5 =	vshrl.u32 v7, $0x3  }
0x274: {  	v13 =	vshrl.u32 v13, $0x3;
	v17 =	vbroadcast v2, $0x0;
	v2 =	vshll.u32 v5, v0;
	v5 =	vld [tilespmem:s12+$0x30]  }
0x275: {  	v1 =	vshrl.u32 v1, $0x3;
	v8 =	vshrl.u32 v8, $0x3;
	v3 =	vshll.u32 v3, v0;
	v7 =	vld.idx.msk [tilespmem:v4+s26+$0x0], $0xffff  }
0x276: {  	v12 =	vshrl.u32 v12, $0x3;
	v3 =	vadd.s32 $0x7, v3;
	v4 =	vshll.u32 v13, v0;
	v11 =	vld.idx.msk [tilespmem:v11+s26+$0x0], $0xffff  }
0x277: {  	v3 =	vbroadcast v3, $0x0;
	v13 =	vshrl.u32 v15, $0x3;
	v15 =	vld [tilespmem:s12+$0x70];
	v4 =	vadd.s32 $0x6, v4  }
0x278: {  	v1 =	vshll.u32 v1, v0;
	v18 =	vld.idx.msk [tilespmem:v6+s26+$0x0], $0xffff;
	v6 =	vshrl.u32 v14, $0x3;
	v14 =	vbroadcast v4, $0x0  }
0x279: {  	v19 =	vshll.u32 v8, v0;
	v8 =	vshll.u32 v9, v0;
	v21 =	vld [tilespmem:s12+$0xFFFFFFC0];
	v6 =	vshll.u32 v6, v0  }
0x27a: {  	v9 =	vshrl.u32 v10, $0x3;
	v10 =	vshll.u32 v12, v0;
	v17 =	vld.idx.msk [tilespmem:v17+s26+$0x0], $0xffff;
	v6 =	vbroadcast v6, $0x0  }
0x27b: {  	v20 =	vadd.s32 $0x5, v8;
	v1 =	vadd.s32 $0x1, v1;
	v10 =	vadd.s32 $0x4, v10;
	v22 =	vld [tilespmem:s12+$0x0]  }
0x27c: {  	v8 =	vshll.u32 v13, v0;
	v4 =	vld [tilespmem:s12+$0x60];
	v5 =	vmul.f32 v5, v7;
	v7 =	vshll.u32 v9, v0  }
0x27d: {  	s2 =	sadd.s32 $0x1A, s2;
	v13 =	vadd.s32 $0x5, v8;
	v8 =	vld.idx.msk [tilespmem:v3+s26+$0x0], $0xffff;
	v15 =	vmul.f32 v15, v11;
	v7 =	vadd.s32 $0x6, v7  }
0x27e: {  	s6 =	simm.s32 $0x18880;
	v9 =	vbroadcast v7, $0x0;
	v7 =	vmov s2;
	v11 =	vld.idx.msk [tilespmem:v14+s26+$0x0], $0xffff;
	v14 =	vbroadcast v1, $0x0  }
0x27f: {  	v2 =	vadd.s32 $0x1, v2;
	v3 =	vld [tilespmem:s12+$0xFFFFFFF0];
	[tilespmem:s6+$0x30] =	vst v5;
	v5 =	vmul.f32 v21, v17;
	v7 =	vshrl.u32 v7, $0x3  }
0x280: {  	[tilespmem:s6+$0x70] =	vst v15;
	v15 =	vbroadcast v20, $0x0;
	v1 =	vadd.s32 $0x3, v19;
	v12 =	vld.idx.msk [tilespmem:v6+s26+$0x0], $0xffff;
	v17 =	vshll.u32 v7, v0  }
0x281: {  	s9 =	sshll.u32 s14, $0x9;
	v7 =	vbroadcast v13, $0x0;
	v13 =	vld [tilespmem:s12+$0xFFFFFF80];
	v6 =	vbroadcast v1, $0x0;
	v1 =	vadd.s32 $0x2, v17  }
0x282: {  	s10 =	simm.s32 $0x16980;
	s8 =	simm.s32 $0x18880;
	s2 =	simm.s32 $0x0;
	[tilespmem:s6+$0xFFFFFFC0] =	vst v5;
	v17 =	vadd.s32 $0x2, v16;
	v16 =	vmul.f32 v22, v18;
	v5 =	vbroadcast v1, $0x0;
	v1 =	vld [tilespmem:s12+$0x20]  }
.LBB2_18:
0x283: {  	s17 =	sadd.s32 s2, s19;
	s2 =	sadd.s32 $0x10, s2;
	v17 =	vbroadcast v17, $0x0;
	v18 =	vld [tilespmem:s12+$0xFFFFFFA0];
	v2 =	vbroadcast v2, $0x0;
	s6 =	sadd.s32 $0x100, s6  }
0x284: {  	v4 =	vmul.f32 v4, v11;
	s11 =	sadd.s32 $0x11, s17;
	s13 =	sadd.s32 $0x12, s17;
	s15 =	sadd.s32 $0x18, s17;
	v14 =	vld.idx.msk [tilespmem:v14+s26+$0x0], $0xffff;
	v8 =	vmul.f32 v3, v8;
	[tilespmem:s8+$0x0] =	vst v16  }
0x285: {  	s18 =	sadd.s32 $0x16, s17;
	v11 =	vmov s11;
	v16 =	vmov s13;
	s11 =	sadd.s32 $0x14, s17;
	s13 =	sadd.s32 $0x15, s17;
	v3 =	vld.idx.msk [tilespmem:v9+s26+$0x0], $0xffff;
	v9 =	vbroadcast v10, $0x0  }
0x286: {  	s20 =	sadd.s32 $0x1D, s17;
	v10 =	vmov s11;
	v19 =	vmov s13;
	s11 =	sadd.s32 $0x17, s17;
	s13 =	sadd.s32 $0x19, s17;
	v12 =	vmul.f32 v13, v12;
	[tilespmem:s8+$0xFFFFFFF0] =	vst v8;
	v8 =	vld [tilespmem:s12+$0x10]  }
0x287: {  	s21 =	sadd.s32 $0x13, s17;
	s24 =	sadd.s32 $0x1C, s17;
	v13 =	vshrl.u32 v16, $0x3;
	v16 =	vmov s11;
	v20 =	vmov s13;
	s11 =	sadd.s32 $0x1B, s17;
	v15 =	vld.idx.msk [tilespmem:v15+s26+$0x0], $0xffff  }
0x288: {  	p1 =	slt.u32 s2, $0x70;
	v21 =	vmov s21;
	v19 =	vshrl.u32 v19, $0x3;
	s13 =	sadd.s32 $0x1A, s17;
	v22 =	vmov s11;
	[tilespmem:s8+$0xFFFFFF80] =	vst v12;
	v5 =	vld.idx.msk [tilespmem:v5+s26+$0x0], $0xffff  }
0x289: {  	v23 =	vmov s15;
	s11 =	sadd.s32 $0x10, s17;
	v12 =	vmov s18;
	v22 =	vshrl.u32 v22, $0x3;
	v24 =	vld [tilespmem:s12+$0xFFFFFF90];
	[tilespmem:s8+$0x60] =	vst v4  }
0x28a: {  	s15 =	sadd.s32 $0x1E, s17;
	v4 =	vshrl.u32 v23, $0x3;
	v23 =	vmov s24;
	v22 =	vshll.u32 v22, v0;
	v7 =	vld.idx.msk [tilespmem:v7+s26+$0x0], $0xffff  }
0x28b: {  	v25 =	vmov s15;
	s15 =	sadd.s32 $0x1F, s17;
	v4 =	vshll.u32 v4, v0;
	v22 =	vadd.s32 $0x3, v22;
	v2 =	vld.idx.msk [tilespmem:v2+s26+$0x0], $0xffff  }
0x28c: {  	v27 =	vmov s15;
	v26 =	vmov s11;
	v22 =	vbroadcast v22, $0x0;
	v17 =	vld.idx.msk [tilespmem:v17+s26+$0x0], $0xffff  }
0x28d: {  	v28 =	vmov s20;
	v25 =	vshrl.u32 v25, $0x3;
	v27 =	vshrl.u32 v27, $0x3;
	v6 =	vld.idx.msk [tilespmem:v6+s26+$0x0], $0xffff  }
0x28e: {  	v11 =	vshrl.u32 v11, $0x3;
	v29 =	vshll.u32 v13, v0;
	v13 =	vshll.u32 v27, v0;
	v9 =	vld.idx.msk [tilespmem:v9+s26+$0x0], $0xffff  }
0x28f: {  	v25 =	vshll.u32 v25, v0;
	v13 =	vadd.s32 $0x7, v13;
	v4 =	vbroadcast v4, $0x0;
	v27 =	vld [tilespmem:s12+$0xFFFFFFB0]  }
0x290: {  	v16 =	vshrl.u32 v16, $0x3;
	v13 =	vbroadcast v13, $0x0;
	v14 =	vmul.f32 v24, v14;
	v24 =	vld [tilespmem:s12+$0x50]  }
0x291: {  	v10 =	vshrl.u32 v10, $0x3;
	v20 =	vshrl.u32 v20, $0x3;
	v8 =	vmul.f32 v8, v2;
	v30 =	vld [tilespmem:s12+$0xFFFFFFD0]  }
0x292: {  	v2 =	vshll.u32 v10, v0;
	v10 =	vshll.u32 v20, v0;
	v17 =	vmul.f32 v18, v17;
	v20 =	vld.idx.msk [tilespmem:v22+s26+$0x0], $0xffff  }
0x293: {  	v11 =	vshll.u32 v11, v0;
	v18 =	vadd.s32 $0x4, v2;
	v2 =	vadd.s32 $0x1, v10;
	v10 =	vld [tilespmem:s10+$0x30];
	[tilespmem:s8+$0x10] =	vst v8  }
0x294: {  	v16 =	vshll.u32 v16, v0;
	v18 =	vbroadcast v18, $0x0;
	v8 =	vshrl.u32 v26, $0x3;
	[tilespmem:s8+$0xFFFFFFA0] =	vst v17;
	v17 =	vld [tilespmem:s12+$0x40]  }
0x295: {  	v16 =	vadd.s32 $0x7, v16;
	v26 =	vshrl.u32 v28, $0x3;
	v22 =	vld.idx.msk [tilespmem:v4+s26+$0x0], $0xffff;
	[tilespmem:s8+$0xFFFFFF90] =	vst v14;
	v4 =	vmul.f32 v24, v7  }
0x296: {  	v7 =	vbroadcast v16, $0x0;
	v14 =	vadd.s32 $0x6, v25;
	v13 =	vld.idx.msk [tilespmem:v13+s26+$0x0], $0xffff;
	v15 =	vmul.f32 v30, v15  }
0x297: {  	v16 =	vshrl.u32 v21, $0x3;
	v21 =	vshrl.u32 v23, $0x3;
	v23 =	vbroadcast v14, $0x0;
	v14 =	vld [tilespmem:s10+$0x70];
	[tilespmem:s8+$0x50] =	vst v4  }
0x298: {  	v16 =	vshll.u32 v16, v0;
	v4 =	vshll.u32 v19, v0;
	v10 =	vmul.f32 v10, v20;
	[tilespmem:s8+$0xFFFFFFD0] =	vst v15;
	v15 =	vld [tilespmem:s12+$0xFFFFFFE0];
	s12 =	smov.u32 s10  }
0x299: {  	v12 =	vshrl.u32 v12, $0x3;
	v8 =	vshll.u32 v8, v0;
	v19 =	vadd.s32 $0x5, v4;
	v4 =	vld [tilespmem:s10+$0x60]  }
0x29a: {  	v20 =	vbroadcast v8, $0x0;
	v8 =	vshll.u32 v12, v0;
	v18 =	vld.idx.msk [tilespmem:v18+s26+$0x0], $0xffff;
	[tilespmem:s6+$0x30] =	vst v10;
	v10 =	vshll.u32 v21, v0  }
0x29b: {  	v12 =	vshll.u32 v26, v0;
	v8 =	vadd.s32 $0x6, v8;
	v17 =	vmul.f32 v17, v9;
	v21 =	vld [tilespmem:s10+$0xFFFFFFC0]  }
0x29c: {  	v6 =	vmul.f32 v27, v6;
	v25 =	vadd.s32 $0x5, v12;
	v24 =	vld [tilespmem:s10+$0x0];
	v12 =	vmul.f32 v14, v13  }
0x29d: {  	v11 =	vadd.s32 $0x1, v11;
	v9 =	vbroadcast v8, $0x0;
	v10 =	vadd.s32 $0x4, v10;
	v8 =	vld.idx.msk [tilespmem:v7+s26+$0x0], $0xffff;
	[tilespmem:s8+$0x40] =	vst v17  }
.Ltmp8:
0x29e: {  	v14 =	vbroadcast v11, $0x0;
	v7 =	vmov s13;
	v11 =	vld.idx.msk [tilespmem:v23+s26+$0x0], $0xffff;
	[tilespmem:s8+$0xFFFFFFB0] =	vst v6;
	v6 =	vmul.f32 v15, v3;
	(pc) =	sbr.rel @p1 .LBB2_18-.Ltmp8, $4  }
0x29f: {  	v1 =	vmul.f32 v1, v5;
	v15 =	vadd.s32 $0x3, v16;
	v7 =	vshrl.u32 v7, $0x3;
	v3 =	vld [tilespmem:s10+$0xFFFFFFF0];
	[tilespmem:s6+$0x70] =	vst v12  }
0x2a0: {  	v16 =	vshll.u32 v7, v0;
	v7 =	vbroadcast v25, $0x0;
	v12 =	vld.idx.msk [tilespmem:v20+s26+$0x0], $0xffff;
	v5 =	vmul.f32 v21, v18;
	[tilespmem:s8+$0xFFFFFFE0] =	vst v6  }
0x2a1: {  	v6 =	vbroadcast v15, $0x0;
	v15 =	vbroadcast v19, $0x0;
	v18 =	vadd.s32 $0x2, v16;
	v13 =	vld [tilespmem:s10+$0xFFFFFF80];
	[tilespmem:s8+$0x20] =	vst v1;
	s8 =	smov.u32 s6  }
0x2a2: {  	v17 =	vadd.s32 $0x2, v29;
	v16 =	vmul.f32 v24, v22;
	s10 =	sadd.s32 $0x100, s10;
	[tilespmem:s6+$0xFFFFFFC0] =	vst v5;
	v5 =	vbroadcast v18, $0x0;
	v1 =	vld [tilespmem:s12+$0x20]  }
0x2a3: {  	_ =	sdelay $0x2  }
0x2a4: {  	v18 =	vld [tilespmem:s12+$0xFFFFFFA0]  }
0x2a5: {  	v14 =	vld.idx.msk [tilespmem:v14+s26+$0x0], $0xffff  }
0x2a6: {  	v9 =	vld.idx.msk [tilespmem:v9+s26+$0x0], $0xffff  }
0x2a7: {  	v2 =	vbroadcast v2, $0x0;
	v19 =	vld [tilespmem:s12+$0x10]  }
0x2a8: {  	v15 =	vld.idx.msk [tilespmem:v15+s26+$0x0], $0xffff  }
0x2a9: {  	v20 =	vld [tilespmem:s12+$0xFFFFFF90]  }
0x2aa: {  	v10 =	vbroadcast v10, $0x0;
	v7 =	vld.idx.msk [tilespmem:v7+s26+$0x0], $0xffff  }
0x2ab: {  	v6 =	vld.idx.msk [tilespmem:v6+s26+$0x0], $0xffff  }
0x2ac: {  	v17 =	vbroadcast v17, $0x0;
	v3 =	vmul.f32 v3, v8;
	v5 =	vld.idx.msk [tilespmem:v5+s26+$0x0], $0xffff  }
0x2ad: {  	v4 =	vmul.f32 v4, v11;
	v2 =	vld.idx.msk [tilespmem:v2+s26+$0x0], $0xffff  }
0x2ae: {  	[tilespmem:s8+$0xFFFFFFF0] =	vst v3;
	v3 =	vld [tilespmem:s12+$0xFFFFFFD0]  }
0x2af: {  	[tilespmem:s8+$0x60] =	vst v4;
	v4 =	vld [tilespmem:s12+$0xFFFFFFB0]  }
0x2b0: {  	v8 =	vld.idx.msk [tilespmem:v10+s26+$0x0], $0xffff;
	v10 =	vmul.f32 v13, v12  }
0x2b1: {  	[tilespmem:s8+$0x0] =	vst v16;
	v12 =	vld [tilespmem:s12+$0x50];
	v13 =	vmul.f32 v20, v14  }
0x2b2: {  	v17 =	vld.idx.msk [tilespmem:v17+s26+$0x0], $0xffff;
	[tilespmem:s8+$0xFFFFFF80] =	vst v10;
	v2 =	vmul.f32 v19, v2  }
0x2b3: {  	v10 =	vld [tilespmem:s12+$0x40];
	[tilespmem:s8+$0xFFFFFF90] =	vst v13;
	v3 =	vmul.f32 v3, v15  }
0x2b4: {  	v1 =	vmul.f32 v1, v5;
	[tilespmem:s8+$0x10] =	vst v2;
	v2 =	vld [tilespmem:s12+$0xFFFFFFE0]  }
0x2b5: {  	[tilespmem:s8+$0xFFFFFFD0] =	vst v3;
	v3 =	vmul.f32 v4, v6  }
0x2b6: {  	[tilespmem:s8+$0x20] =	vst v1;
	v7 =	vmul.f32 v12, v7  }
0x2b7: {  	v11 =	vmul.f32 v18, v17;
	[tilespmem:s8+$0xFFFFFFB0] =	vst v3  }
0x2b8: {  	p1 =	seq.s32 s14, $0x27;
	[tilespmem:s8+$0x50] =	vst v7;
	v7 =	vmul.f32 v10, v8  }
0x2b9: {  	s13 =	sshll.u32 @!p1 s14, $0xB;
	[tilespmem:s8+$0xFFFFFFA0] =	vst v11;
	v2 =	vmul.f32 v2, v9  }
0x2ba: {  	s2 =	sshrl.u32 @!p1 s13, $0x2;
	[tilespmem:s8+$0x40] =	vst v7  }
0x2bb: {  	s6 =	simm.s32 @!p1 $0x80;
	s2 =	sadd.s32 @!p1 $0x7A00, s2;
	[tilespmem:s8+$0xFFFFFFE0] =	vst v2;
	s8 =	simm.s32 @!p1 $0x16800  }
0x2bc: {  	[tilespmem:s8], [sflag:$0x1] =	stream.indirect.gather @!p1 [spmem:s5], $0x10, s2, s6, $0xb8;
	[tilespmem:$0x1F810] =	vst v63  }
0x2bd: {  	s13 =	simm.s32 @p1 $0x13800;
	s2 =	sadd.s32 $0xFFFFFFF0, s19  }
0x2be: {  	s12 =	sshrl.u32 s13, $0x2;
	s18 =	sadd.s32 $0x91, s2  }
0x2bf: {  	s20 =	sadd.s32 $0x92, s2;
	s21 =	sadd.s32 $0x94, s2;
	s10 =	sadd.s32 $0x95, s2;
	v1 =	vmov s18  }
0x2c0: {  	s23 =	sadd.s32 $0x97, s2;
	s24 =	sadd.s32 $0x9B, s2;
	s28 =	sadd.s32 $0x99, s2;
	v2 =	vmov s20;
	v3 =	vmov s21;
	v4 =	vmov s10  }
0x2c1: {  	s15 =	sadd.s32 $0xC800, s12;
	s11 =	sadd.s32 $0x93, s2;
	s8 =	sadd.s32 $0x96, s2;
	v5 =	vmov s23;
	v6 =	vmov s24;
	v7 =	vmov s28  }
0x2c2: {  	s17 =	sadd.s32 $0x98, s2;
	v8 =	vmov s11;
	v10 =	vmov s8;
	s18 =	sadd.s32 $0x9F, s2;
	s20 =	simm.s32 $0x18800;
	v2 =	vshrl.u32 v2, $0x3  }
0x2c3: {  	s21 =	sadd.s32 $0x9C, s2;
	s23 =	sadd.s32 $0x9E, s2;
	s24 =	sadd.s32 $0x90, s2;
	v6 =	vshrl.u32 v6, $0x3;
	v9 =	vshrl.u32 v4, $0x3;
	v11 =	vmov s18  }
0x2c4: {  	[spmem:s3] =	stream.indirect.scatter.add.f32 [tilespmem:s20], [sflag:$0x5], $0x10, s15, s16, $0xb8;
	v12 =	vmov s21;
	v13 =	vmov s23;
	v4 =	vshll.u32 v6, v0;
	[tilespmem:$0x1F810] =	vst v63  }
0x2c5: {  	v14 =	vmov s24;
	v6 =	vmov s17;
	_ =	swait.ge [sflag:s29], $0x800;
	v4 =	vadd.s32 $0x3, v4  }
0x2c6: {  	v11 =	vshrl.u32 v11, $0x3;
	v6 =	vshrl.u32 v6, $0x3;
	[sflag:s29] =	ssyncset.done $0x0;
	v4 =	vbroadcast v4, $0x0  }
0x2c7: {  	s8 =	simm.s32 @!p0 $0x6;
	s28 =	sadd.s32 $0x9D, s2;
	v3 =	vshrl.u32 v3, $0x3;
	v11 =	vshll.u32 v11, v0;
	v6 =	vshll.u32 v6, v0;
	[sflag:s29] =	ssyncadd.s32 $0xFFFFF800  }
0x2c8: {  	v15 =	vmov s28;
	v11 =	vadd.s32 $0x7, v11;
	v6 =	vbroadcast v6, $0x0;
	_ =	swait.ge @!p0 [sflag:s8], $0x800  }
0x2c9: {  	v3 =	vshll.u32 v3, v0;
	v16 =	vshll.u32 v2, v0;
	v11 =	vbroadcast v11, $0x0;
	[sflag:s8] =	ssyncset.done @!p0 $0x0  }
0x2ca: {  	v2 =	vadd.s32 $0x4, v3;
	v3 =	vshrl.u32 v5, $0x3;
	v5 =	vshrl.u32 v7, $0x3;
	[sflag:s8] =	ssyncadd.s32 @!p0 $0xFFFFF800;
	s8 =	simm.s32 $0x17080  }
0x2cb: {  	v1 =	vshrl.u32 v1, $0x3;
	v17 =	vbroadcast v2, $0x0;
	v2 =	vshll.u32 v5, v0;
	v5 =	vld [tilespmem:s8+$0x30]  }
0x2cc: {  	v8 =	vshrl.u32 v8, $0x3;
	v13 =	vshrl.u32 v13, $0x3;
	v3 =	vshll.u32 v3, v0;
	v7 =	vld.idx.msk [tilespmem:v4+s26+$0x0], $0xffff  }
0x2cd: {  	v3 =	vadd.s32 $0x7, v3;
	v4 =	vshll.u32 v13, v0;
	v13 =	vshrl.u32 v15, $0x3;
	v15 =	vld [tilespmem:s8+$0x70]  }
0x2ce: {  	v1 =	vshll.u32 v1, v0;
	v3 =	vbroadcast v3, $0x0;
	v18 =	vld.idx.msk [tilespmem:v6+s26+$0x0], $0xffff;
	v4 =	vadd.s32 $0x6, v4  }
0x2cf: {  	v12 =	vshrl.u32 v12, $0x3;
	v6 =	vshrl.u32 v14, $0x3;
	v11 =	vld.idx.msk [tilespmem:v11+s26+$0x0], $0xffff;
	v14 =	vbroadcast v4, $0x0  }
0x2d0: {  	v19 =	vshll.u32 v8, v0;
	v8 =	vshll.u32 v9, v0;
	v21 =	vld [tilespmem:s8+$0xFFFFFFC0];
	v6 =	vshll.u32 v6, v0  }
0x2d1: {  	v9 =	vshrl.u32 v10, $0x3;
	v10 =	vshll.u32 v12, v0;
	v22 =	vld [tilespmem:s8+$0x0];
	v6 =	vbroadcast v6, $0x0  }
0x2d2: {  	v63 =	vadd.s32 $0x5, v8;
	v1 =	vadd.s32 $0x1, v1;
	v10 =	vadd.s32 $0x4, v10;
	v17 =	vld.idx.msk [tilespmem:v17+s26+$0x0], $0xffff  }
0x2d3: {  	v8 =	vshll.u32 v13, v0;
	v4 =	vld [tilespmem:s8+$0x60];
	v5 =	vmul.f32 v5, v7;
	v7 =	vshll.u32 v9, v0  }
0x2d4: {  	s2 =	sadd.s32 $0x9A, s2;
	v13 =	vadd.s32 $0x5, v8;
	v8 =	vld.idx.msk [tilespmem:v3+s26+$0x0], $0xffff;
	v7 =	vadd.s32 $0x6, v7;
	v15 =	vmul.f32 v15, v11  }
0x2d5: {  	v9 =	vbroadcast v7, $0x0;
	v7 =	vmov s2;
	s2 =	simm.s32 $0x19080;
	v11 =	vld.idx.msk [tilespmem:v14+s26+$0x0], $0xffff;
	v14 =	vbroadcast v1, $0x0  }
0x2d6: {  	v2 =	vadd.s32 $0x1, v2;
	v3 =	vld [tilespmem:s8+$0xFFFFFFF0];
	v1 =	vadd.s32 $0x3, v19;
	v7 =	vshrl.u32 v7, $0x3;
	[tilespmem:s2+$0x30] =	vst v5  }
0x2d7: {  	v5 =	vmul.f32 v21, v17;
	[tilespmem:s2+$0x70] =	vst v15;
	v15 =	vbroadcast v63, $0x0;
	v12 =	vld.idx.msk [tilespmem:v6+s26+$0x0], $0xffff;
	v17 =	vshll.u32 v7, v0  }
0x2d8: {  	s6 =	simm.s32 $0x19080;
	v7 =	vbroadcast v13, $0x0;
	v13 =	vld [tilespmem:s8+$0xFFFFFF80];
	v6 =	vbroadcast v1, $0x0;
	v1 =	vadd.s32 $0x2, v17  }
0x2d9: {  	s10 =	sor.u32 $0x80, s9;
	s18 =	simm.s32 $0x17180;
	s17 =	simm.s32 $0x0;
	v17 =	vadd.s32 $0x2, v16;
	[tilespmem:s2+$0xFFFFFFC0] =	vst v5;
	v16 =	vmul.f32 v22, v18;
	v5 =	vbroadcast v1, $0x0;
	v1 =	vld [tilespmem:s8+$0x20]  }
.LBB2_20:
0x2da: {  	s21 =	sadd.s32 s17, s19;
	s17 =	sadd.s32 $0x10, s17;
	v17 =	vbroadcast v17, $0x0;
	v18 =	vld [tilespmem:s8+$0xFFFFFFA0];
	v2 =	vbroadcast v2, $0x0;
	s2 =	sadd.s32 $0x100, s2  }
0x2db: {  	v4 =	vmul.f32 v4, v11;
	s11 =	sadd.s32 $0x91, s21;
	s15 =	sadd.s32 $0x92, s21;
	s24 =	sadd.s32 $0x98, s21;
	v14 =	vld.idx.msk [tilespmem:v14+s26+$0x0], $0xffff;
	v8 =	vmul.f32 v3, v8;
	[tilespmem:s6+$0x0] =	vst v16  }
0x2dc: {  	s28 =	sadd.s32 $0x96, s21;
	v11 =	vmov s11;
	v16 =	vmov s15;
	s11 =	sadd.s32 $0x94, s21;
	s15 =	sadd.s32 $0x95, s21;
	v3 =	vld.idx.msk [tilespmem:v9+s26+$0x0], $0xffff;
	v9 =	vbroadcast v10, $0x0  }
0x2dd: {  	s23 =	sadd.s32 $0x9D, s21;
	v10 =	vmov s11;
	v19 =	vmov s15;
	s11 =	sadd.s32 $0x97, s21;
	s15 =	sadd.s32 $0x99, s21;
	v12 =	vmul.f32 v13, v12;
	[tilespmem:s6+$0xFFFFFFF0] =	vst v8;
	v8 =	vld [tilespmem:s8+$0x10]  }
0x2de: {  	s20 =	sadd.s32 $0x93, s21;
	v13 =	vshrl.u32 v16, $0x3;
	v16 =	vmov s11;
	v20 =	vmov s15;
	s11 =	sadd.s32 $0x9B, s21;
	s15 =	sadd.s32 $0x9C, s21;
	v15 =	vld.idx.msk [tilespmem:v15+s26+$0x0], $0xffff  }
0x2df: {  	p2 =	slt.u32 s17, $0x70;
	v21 =	vmov s20;
	s20 =	sadd.s32 $0x9A, s21;
	v19 =	vshrl.u32 v19, $0x3;
	v22 =	vmov s11;
	[tilespmem:s6+$0xFFFFFF80] =	vst v12;
	v5 =	vld.idx.msk [tilespmem:v5+s26+$0x0], $0xffff  }
0x2e0: {  	v23 =	vmov s24;
	s11 =	sadd.s32 $0x90, s21;
	v12 =	vmov s28;
	v22 =	vshrl.u32 v22, $0x3;
	v24 =	vld [tilespmem:s8+$0xFFFFFF90];
	[tilespmem:s6+$0x60] =	vst v4  }
0x2e1: {  	v4 =	vshrl.u32 v23, $0x3;
	v23 =	vmov s15;
	s15 =	sadd.s32 $0x9E, s21;
	v22 =	vshll.u32 v22, v0;
	v7 =	vld.idx.msk [tilespmem:v7+s26+$0x0], $0xffff  }
0x2e2: {  	v4 =	vshll.u32 v4, v0;
	v25 =	vmov s15;
	s15 =	sadd.s32 $0x9F, s21;
	v22 =	vadd.s32 $0x3, v22;
	v2 =	vld.idx.msk [tilespmem:v2+s26+$0x0], $0xffff  }
0x2e3: {  	v26 =	vmov s11;
	v27 =	vmov s15;
	v22 =	vbroadcast v22, $0x0;
	v17 =	vld.idx.msk [tilespmem:v17+s26+$0x0], $0xffff  }
0x2e4: {  	v28 =	vmov s23;
	v25 =	vshrl.u32 v25, $0x3;
	v27 =	vshrl.u32 v27, $0x3;
	v6 =	vld.idx.msk [tilespmem:v6+s26+$0x0], $0xffff  }
0x2e5: {  	v11 =	vshrl.u32 v11, $0x3;
	v29 =	vshll.u32 v13, v0;
	v13 =	vshll.u32 v27, v0;
	v9 =	vld.idx.msk [tilespmem:v9+s26+$0x0], $0xffff  }
0x2e6: {  	v4 =	vbroadcast v4, $0x0;
	v25 =	vshll.u32 v25, v0;
	v13 =	vadd.s32 $0x7, v13;
	v27 =	vld [tilespmem:s8+$0xFFFFFFB0]  }
0x2e7: {  	v16 =	vshrl.u32 v16, $0x3;
	v14 =	vmul.f32 v24, v14;
	v13 =	vbroadcast v13, $0x0;
	v24 =	vld [tilespmem:s8+$0x50]  }
0x2e8: {  	v10 =	vshrl.u32 v10, $0x3;
	v20 =	vshrl.u32 v20, $0x3;
	v8 =	vmul.f32 v8, v2;
	v30 =	vld [tilespmem:s8+$0xFFFFFFD0]  }
0x2e9: {  	v2 =	vshll.u32 v10, v0;
	v10 =	vshll.u32 v20, v0;
	v17 =	vmul.f32 v18, v17;
	v20 =	vld.idx.msk [tilespmem:v22+s26+$0x0], $0xffff  }
0x2ea: {  	v11 =	vshll.u32 v11, v0;
	v18 =	vadd.s32 $0x4, v2;
	v2 =	vadd.s32 $0x1, v10;
	v10 =	vld [tilespmem:s18+$0x30];
	[tilespmem:s6+$0x10] =	vst v8  }
0x2eb: {  	v16 =	vshll.u32 v16, v0;
	v18 =	vbroadcast v18, $0x0;
	v8 =	vshrl.u32 v26, $0x3;
	[tilespmem:s6+$0xFFFFFFA0] =	vst v17;
	v17 =	vld [tilespmem:s8+$0x40]  }
0x2ec: {  	v16 =	vadd.s32 $0x7, v16;
	v26 =	vshrl.u32 v28, $0x3;
	v22 =	vld.idx.msk [tilespmem:v4+s26+$0x0], $0xffff;
	[tilespmem:s6+$0xFFFFFF90] =	vst v14;
	v4 =	vmul.f32 v24, v7  }
0x2ed: {  	v7 =	vbroadcast v16, $0x0;
	v14 =	vadd.s32 $0x6, v25;
	v13 =	vld.idx.msk [tilespmem:v13+s26+$0x0], $0xffff;
	v15 =	vmul.f32 v30, v15  }
0x2ee: {  	v16 =	vshrl.u32 v21, $0x3;
	v21 =	vshrl.u32 v23, $0x3;
	v23 =	vbroadcast v14, $0x0;
	v14 =	vld [tilespmem:s18+$0x70];
	[tilespmem:s6+$0x50] =	vst v4  }
0x2ef: {  	v16 =	vshll.u32 v16, v0;
	v4 =	vshll.u32 v19, v0;
	v10 =	vmul.f32 v10, v20;
	[tilespmem:s6+$0xFFFFFFD0] =	vst v15;
	v15 =	vld [tilespmem:s8+$0xFFFFFFE0];
	s8 =	smov.u32 s18  }
0x2f0: {  	v12 =	vshrl.u32 v12, $0x3;
	v8 =	vshll.u32 v8, v0;
	v19 =	vadd.s32 $0x5, v4;
	v4 =	vld [tilespmem:s18+$0x60]  }
0x2f1: {  	v20 =	vbroadcast v8, $0x0;
	v8 =	vshll.u32 v12, v0;
	v18 =	vld.idx.msk [tilespmem:v18+s26+$0x0], $0xffff;
	[tilespmem:s2+$0x30] =	vst v10;
	v10 =	vshll.u32 v21, v0  }
0x2f2: {  	v12 =	vshll.u32 v26, v0;
	v8 =	vadd.s32 $0x6, v8;
	v17 =	vmul.f32 v17, v9;
	v21 =	vld [tilespmem:s18+$0xFFFFFFC0]  }
0x2f3: {  	v6 =	vmul.f32 v27, v6;
	v25 =	vadd.s32 $0x5, v12;
	v24 =	vld [tilespmem:s18+$0x0];
	v12 =	vmul.f32 v14, v13  }
0x2f4: {  	v11 =	vadd.s32 $0x1, v11;
	v9 =	vbroadcast v8, $0x0;
	v10 =	vadd.s32 $0x4, v10;
	v8 =	vld.idx.msk [tilespmem:v7+s26+$0x0], $0xffff;
	[tilespmem:s6+$0x40] =	vst v17  }
.Ltmp9:
0x2f5: {  	v14 =	vbroadcast v11, $0x0;
	v7 =	vmov s20;
	v11 =	vld.idx.msk [tilespmem:v23+s26+$0x0], $0xffff;
	[tilespmem:s6+$0xFFFFFFB0] =	vst v6;
	v6 =	vmul.f32 v15, v3;
	(pc) =	sbr.rel @p2 .LBB2_20-.Ltmp9, $4  }
0x2f6: {  	v1 =	vmul.f32 v1, v5;
	v15 =	vadd.s32 $0x3, v16;
	v7 =	vshrl.u32 v7, $0x3;
	v3 =	vld [tilespmem:s18+$0xFFFFFFF0];
	[tilespmem:s2+$0x70] =	vst v12  }
0x2f7: {  	v16 =	vshll.u32 v7, v0;
	v7 =	vbroadcast v25, $0x0;
	v12 =	vld.idx.msk [tilespmem:v20+s26+$0x0], $0xffff;
	v5 =	vmul.f32 v21, v18;
	[tilespmem:s6+$0xFFFFFFE0] =	vst v6  }
0x2f8: {  	v6 =	vbroadcast v15, $0x0;
	v15 =	vbroadcast v19, $0x0;
	v18 =	vadd.s32 $0x2, v16;
	v13 =	vld [tilespmem:s18+$0xFFFFFF80];
	[tilespmem:s6+$0x20] =	vst v1;
	s6 =	smov.u32 s2  }
0x2f9: {  	v17 =	vadd.s32 $0x2, v29;
	v16 =	vmul.f32 v24, v22;
	s18 =	sadd.s32 $0x100, s18;
	[tilespmem:s2+$0xFFFFFFC0] =	vst v5;
	v5 =	vbroadcast v18, $0x0;
	v1 =	vld [tilespmem:s8+$0x20]  }
0x2fa: {  	_ =	sdelay $0x2  }
0x2fb: {  	v18 =	vld [tilespmem:s8+$0xFFFFFFA0]  }
0x2fc: {  	v14 =	vld.idx.msk [tilespmem:v14+s26+$0x0], $0xffff  }
0x2fd: {  	v9 =	vld.idx.msk [tilespmem:v9+s26+$0x0], $0xffff  }
0x2fe: {  	v2 =	vbroadcast v2, $0x0;
	v19 =	vld [tilespmem:s8+$0x10]  }
0x2ff: {  	v15 =	vld.idx.msk [tilespmem:v15+s26+$0x0], $0xffff  }
0x300: {  	v20 =	vld [tilespmem:s8+$0xFFFFFF90]  }
0x301: {  	v10 =	vbroadcast v10, $0x0;
	v7 =	vld.idx.msk [tilespmem:v7+s26+$0x0], $0xffff  }
0x302: {  	v6 =	vld.idx.msk [tilespmem:v6+s26+$0x0], $0xffff  }
0x303: {  	v17 =	vbroadcast v17, $0x0;
	v3 =	vmul.f32 v3, v8;
	v5 =	vld.idx.msk [tilespmem:v5+s26+$0x0], $0xffff  }
0x304: {  	v4 =	vmul.f32 v4, v11;
	v2 =	vld.idx.msk [tilespmem:v2+s26+$0x0], $0xffff  }
0x305: {  	[tilespmem:s6+$0xFFFFFFF0] =	vst v3;
	v3 =	vld [tilespmem:s8+$0xFFFFFFD0]  }
0x306: {  	[tilespmem:s6+$0x60] =	vst v4;
	v4 =	vld [tilespmem:s8+$0xFFFFFFB0]  }
0x307: {  	v8 =	vld.idx.msk [tilespmem:v10+s26+$0x0], $0xffff;
	v10 =	vmul.f32 v13, v12  }
0x308: {  	[tilespmem:s6+$0x0] =	vst v16;
	v12 =	vld [tilespmem:s8+$0x50];
	v13 =	vmul.f32 v20, v14  }
0x309: {  	v17 =	vld.idx.msk [tilespmem:v17+s26+$0x0], $0xffff;
	[tilespmem:s6+$0xFFFFFF80] =	vst v10;
	v2 =	vmul.f32 v19, v2  }
0x30a: {  	v10 =	vld [tilespmem:s8+$0x40];
	[tilespmem:s6+$0xFFFFFF90] =	vst v13;
	v3 =	vmul.f32 v3, v15  }
0x30b: {  	v1 =	vmul.f32 v1, v5;
	[tilespmem:s6+$0x10] =	vst v2;
	v2 =	vld [tilespmem:s8+$0xFFFFFFE0]  }
0x30c: {  	[tilespmem:s6+$0xFFFFFFD0] =	vst v3;
	v3 =	vmul.f32 v4, v6  }
0x30d: {  	[tilespmem:s6+$0x20] =	vst v1;
	v7 =	vmul.f32 v12, v7  }
0x30e: {  	v11 =	vmul.f32 v18, v17;
	[tilespmem:s6+$0xFFFFFFB0] =	vst v3  }
0x30f: {  	[tilespmem:s6+$0x50] =	vst v7;
	v7 =	vmul.f32 v10, v8  }
0x310: {  	[tilespmem:s6+$0xFFFFFFA0] =	vst v11;
	v2 =	vmul.f32 v2, v9  }
0x311: {  	s13 =	sshrl.u32 @!p1 s13, $0x2;
	[tilespmem:s6+$0x40] =	vst v7  }
0x312: {  	s2 =	sadd.s32 @!p1 $0x7A80, s13;
	s8 =	simm.s32 @!p1 $0x17000;
	[tilespmem:s6+$0xFFFFFFE0] =	vst v2;
	s6 =	simm.s32 @!p1 $0x80  }
0x313: {  	[tilespmem:s8], [sflag:$0x2] =	stream.indirect.gather @!p1 [spmem:s5], $0x10, s2, s6, $0xb8;
	[tilespmem:$0x1F810] =	vst v63  }
0x314: {  	s2 =	sadd.s32 $0xFFFFFFF0, s19  }
0x315: {  	s17 =	sadd.s32 $0xC800, s10;
	s18 =	sadd.s32 $0x111, s2  }
0x316: {  	s20 =	sadd.s32 $0x112, s2;
	s21 =	sadd.s32 $0x114, s2;
	s11 =	sadd.s32 $0x115, s2;
	v1 =	vmov s18  }
0x317: {  	s23 =	sadd.s32 $0x117, s2;
	s24 =	sadd.s32 $0x11B, s2;
	s28 =	sadd.s32 $0x119, s2;
	v2 =	vmov s20;
	v3 =	vmov s21;
	v4 =	vmov s11  }
0x318: {  	s15 =	sadd.s32 $0x113, s2;
	s8 =	sadd.s32 $0x116, s2;
	v5 =	vmov s23;
	v6 =	vmov s24;
	v7 =	vmov s28;
	s20 =	sadd.s32 $0x11F, s2  }
0x319: {  	v8 =	vmov s15;
	v10 =	vmov s8;
	[spmem:s3] =	stream.indirect.scatter.add.f32 [tilespmem:s30], [sflag:$0x6], $0x10, s17, s16, $0xb8;
	v2 =	vshrl.u32 v2, $0x3;
	[tilespmem:$0x1F810] =	vst v63  }
0x31a: {  	s21 =	sadd.s32 $0x11C, s2;
	s23 =	sadd.s32 $0x11E, s2;
	v6 =	vshrl.u32 v6, $0x3;
	v9 =	vshrl.u32 v4, $0x3;
	v11 =	vmov s20  }
0x31b: {  	s18 =	sadd.s32 $0x118, s2;
	s24 =	sadd.s32 $0x110, s2;
	v12 =	vmov s21;
	v13 =	vmov s23;
	v4 =	vshll.u32 v6, v0  }
0x31c: {  	_ =	swait.ge [sflag:s31], $0x800;
	v14 =	vmov s24;
	v6 =	vmov s18;
	v4 =	vadd.s32 $0x3, v4  }
0x31d: {  	v11 =	vshrl.u32 v11, $0x3;
	[sflag:s31] =	ssyncset.done $0x0;
	v6 =	vshrl.u32 v6, $0x3;
	v4 =	vbroadcast v4, $0x0  }
0x31e: {  	s8 =	simm.s32 @!p0 $0x7;
	s28 =	sadd.s32 $0x11D, s2;
	v3 =	vshrl.u32 v3, $0x3;
	v11 =	vshll.u32 v11, v0;
	[sflag:s31] =	ssyncadd.s32 $0xFFFFF800;
	v6 =	vshll.u32 v6, v0  }
0x31f: {  	v15 =	vmov s28;
	v11 =	vadd.s32 $0x7, v11;
	_ =	swait.ge @!p0 [sflag:s8], $0x800;
	v6 =	vbroadcast v6, $0x0  }
0x320: {  	v3 =	vshll.u32 v3, v0;
	v16 =	vshll.u32 v2, v0;
	v11 =	vbroadcast v11, $0x0;
	[sflag:s8] =	ssyncset.done @!p0 $0x0  }
0x321: {  	v2 =	vadd.s32 $0x4, v3;
	v3 =	vshrl.u32 v5, $0x3;
	v5 =	vshrl.u32 v7, $0x3;
	[sflag:s8] =	ssyncadd.s32 @!p0 $0xFFFFF800;
	s8 =	simm.s32 $0x17880  }
0x322: {  	v1 =	vshrl.u32 v1, $0x3;
	v17 =	vbroadcast v2, $0x0;
	v2 =	vshll.u32 v5, v0;
	v5 =	vld [tilespmem:s8+$0x30]  }
0x323: {  	v8 =	vshrl.u32 v8, $0x3;
	v13 =	vshrl.u32 v13, $0x3;
	v3 =	vshll.u32 v3, v0;
	v7 =	vld.idx.msk [tilespmem:v4+s26+$0x0], $0xffff  }
0x324: {  	v3 =	vadd.s32 $0x7, v3;
	v4 =	vshll.u32 v13, v0;
	v13 =	vshrl.u32 v15, $0x3;
	v15 =	vld [tilespmem:s8+$0x70]  }
0x325: {  	v1 =	vshll.u32 v1, v0;
	v3 =	vbroadcast v3, $0x0;
	v18 =	vld.idx.msk [tilespmem:v6+s26+$0x0], $0xffff;
	v4 =	vadd.s32 $0x6, v4  }
0x326: {  	v12 =	vshrl.u32 v12, $0x3;
	v6 =	vshrl.u32 v14, $0x3;
	v11 =	vld.idx.msk [tilespmem:v11+s26+$0x0], $0xffff;
	v14 =	vbroadcast v4, $0x0  }
0x327: {  	v19 =	vshll.u32 v8, v0;
	v8 =	vshll.u32 v9, v0;
	v21 =	vld [tilespmem:s8+$0xFFFFFFC0];
	v6 =	vshll.u32 v6, v0  }
0x328: {  	v9 =	vshrl.u32 v10, $0x3;
	v10 =	vshll.u32 v12, v0;
	v22 =	vld [tilespmem:s8+$0x0];
	v6 =	vbroadcast v6, $0x0  }
0x329: {  	v63 =	vadd.s32 $0x5, v8;
	v1 =	vadd.s32 $0x1, v1;
	v10 =	vadd.s32 $0x4, v10;
	v17 =	vld.idx.msk [tilespmem:v17+s26+$0x0], $0xffff  }
0x32a: {  	v8 =	vshll.u32 v13, v0;
	v4 =	vld [tilespmem:s8+$0x60];
	v5 =	vmul.f32 v5, v7;
	v7 =	vshll.u32 v9, v0  }
0x32b: {  	s2 =	sadd.s32 $0x11A, s2;
	v13 =	vadd.s32 $0x5, v8;
	v8 =	vld.idx.msk [tilespmem:v3+s26+$0x0], $0xffff;
	v7 =	vadd.s32 $0x6, v7;
	v15 =	vmul.f32 v15, v11  }
0x32c: {  	v9 =	vbroadcast v7, $0x0;
	v7 =	vmov s2;
	s2 =	simm.s32 $0x19880;
	v11 =	vld.idx.msk [tilespmem:v14+s26+$0x0], $0xffff;
	v14 =	vbroadcast v1, $0x0  }
0x32d: {  	v2 =	vadd.s32 $0x1, v2;
	v3 =	vld [tilespmem:s8+$0xFFFFFFF0];
	v1 =	vadd.s32 $0x3, v19;
	v7 =	vshrl.u32 v7, $0x3;
	[tilespmem:s2+$0x30] =	vst v5  }
0x32e: {  	v5 =	vmul.f32 v21, v17;
	[tilespmem:s2+$0x70] =	vst v15;
	v15 =	vbroadcast v63, $0x0;
	v12 =	vld.idx.msk [tilespmem:v6+s26+$0x0], $0xffff;
	v17 =	vshll.u32 v7, v0  }
0x32f: {  	s10 =	sor.u32 $0x100, s9;
	v7 =	vbroadcast v13, $0x0;
	v13 =	vld [tilespmem:s8+$0xFFFFFF80];
	v6 =	vbroadcast v1, $0x0;
	v1 =	vadd.s32 $0x2, v17  }
0x330: {  	s6 =	simm.s32 $0x19880;
	s17 =	simm.s32 $0x0;
	s18 =	simm.s32 $0x17980;
	v17 =	vadd.s32 $0x2, v16;
	[tilespmem:s2+$0xFFFFFFC0] =	vst v5;
	v16 =	vmul.f32 v22, v18;
	v5 =	vbroadcast v1, $0x0;
	v1 =	vld [tilespmem:s8+$0x20]  }
.LBB2_22:
0x331: {  	s21 =	sadd.s32 s17, s19;
	s17 =	sadd.s32 $0x10, s17;
	v17 =	vbroadcast v17, $0x0;
	v18 =	vld [tilespmem:s8+$0xFFFFFFA0];
	v2 =	vbroadcast v2, $0x0;
	s2 =	sadd.s32 $0x100, s2  }
0x332: {  	v4 =	vmul.f32 v4, v11;
	s11 =	sadd.s32 $0x111, s21;
	s15 =	sadd.s32 $0x112, s21;
	s23 =	sadd.s32 $0x118, s21;
	v14 =	vld.idx.msk [tilespmem:v14+s26+$0x0], $0xffff;
	v8 =	vmul.f32 v3, v8;
	[tilespmem:s6+$0x0] =	vst v16  }
0x333: {  	s24 =	sadd.s32 $0x116, s21;
	v11 =	vmov s11;
	v16 =	vmov s15;
	s11 =	sadd.s32 $0x114, s21;
	s15 =	sadd.s32 $0x115, s21;
	v3 =	vld.idx.msk [tilespmem:v9+s26+$0x0], $0xffff;
	v9 =	vbroadcast v10, $0x0  }
0x334: {  	s28 =	sadd.s32 $0x11D, s21;
	v10 =	vmov s11;
	v19 =	vmov s15;
	s11 =	sadd.s32 $0x117, s21;
	s15 =	sadd.s32 $0x119, s21;
	v12 =	vmul.f32 v13, v12;
	[tilespmem:s6+$0xFFFFFFF0] =	vst v8;
	v8 =	vld [tilespmem:s8+$0x10]  }
0x335: {  	s20 =	sadd.s32 $0x113, s21;
	v13 =	vshrl.u32 v16, $0x3;
	v16 =	vmov s11;
	v20 =	vmov s15;
	s11 =	sadd.s32 $0x11B, s21;
	s15 =	sadd.s32 $0x11C, s21;
	v15 =	vld.idx.msk [tilespmem:v15+s26+$0x0], $0xffff  }
0x336: {  	p2 =	slt.u32 s17, $0x70;
	v21 =	vmov s20;
	s20 =	sadd.s32 $0x11A, s21;
	v19 =	vshrl.u32 v19, $0x3;
	v22 =	vmov s11;
	[tilespmem:s6+$0xFFFFFF80] =	vst v12;
	v5 =	vld.idx.msk [tilespmem:v5+s26+$0x0], $0xffff  }
0x337: {  	v23 =	vmov s23;
	s11 =	sadd.s32 $0x110, s21;
	v12 =	vmov s24;
	v22 =	vshrl.u32 v22, $0x3;
	v24 =	vld [tilespmem:s8+$0xFFFFFF90];
	[tilespmem:s6+$0x60] =	vst v4  }
0x338: {  	v4 =	vshrl.u32 v23, $0x3;
	v23 =	vmov s15;
	s15 =	sadd.s32 $0x11E, s21;
	v22 =	vshll.u32 v22, v0;
	v7 =	vld.idx.msk [tilespmem:v7+s26+$0x0], $0xffff  }
0x339: {  	v4 =	vshll.u32 v4, v0;
	v25 =	vmov s15;
	s15 =	sadd.s32 $0x11F, s21;
	v22 =	vadd.s32 $0x3, v22;
	v2 =	vld.idx.msk [tilespmem:v2+s26+$0x0], $0xffff  }
0x33a: {  	v26 =	vmov s11;
	v27 =	vmov s15;
	v22 =	vbroadcast v22, $0x0;
	v17 =	vld.idx.msk [tilespmem:v17+s26+$0x0], $0xffff  }
0x33b: {  	v28 =	vmov s28;
	v25 =	vshrl.u32 v25, $0x3;
	v27 =	vshrl.u32 v27, $0x3;
	v6 =	vld.idx.msk [tilespmem:v6+s26+$0x0], $0xffff  }
0x33c: {  	v11 =	vshrl.u32 v11, $0x3;
	v29 =	vshll.u32 v13, v0;
	v13 =	vshll.u32 v27, v0;
	v9 =	vld.idx.msk [tilespmem:v9+s26+$0x0], $0xffff  }
0x33d: {  	v4 =	vbroadcast v4, $0x0;
	v25 =	vshll.u32 v25, v0;
	v13 =	vadd.s32 $0x7, v13;
	v27 =	vld [tilespmem:s8+$0xFFFFFFB0]  }
0x33e: {  	v16 =	vshrl.u32 v16, $0x3;
	v14 =	vmul.f32 v24, v14;
	v13 =	vbroadcast v13, $0x0;
	v24 =	vld [tilespmem:s8+$0x50]  }
0x33f: {  	v10 =	vshrl.u32 v10, $0x3;
	v20 =	vshrl.u32 v20, $0x3;
	v8 =	vmul.f32 v8, v2;
	v30 =	vld [tilespmem:s8+$0xFFFFFFD0]  }
0x340: {  	v2 =	vshll.u32 v10, v0;
	v10 =	vshll.u32 v20, v0;
	v17 =	vmul.f32 v18, v17;
	v20 =	vld.idx.msk [tilespmem:v22+s26+$0x0], $0xffff  }
0x341: {  	v11 =	vshll.u32 v11, v0;
	v18 =	vadd.s32 $0x4, v2;
	v2 =	vadd.s32 $0x1, v10;
	v10 =	vld [tilespmem:s18+$0x30];
	[tilespmem:s6+$0x10] =	vst v8  }
0x342: {  	v16 =	vshll.u32 v16, v0;
	v18 =	vbroadcast v18, $0x0;
	v8 =	vshrl.u32 v26, $0x3;
	[tilespmem:s6+$0xFFFFFFA0] =	vst v17;
	v17 =	vld [tilespmem:s8+$0x40]  }
0x343: {  	v16 =	vadd.s32 $0x7, v16;
	v26 =	vshrl.u32 v28, $0x3;
	v22 =	vld.idx.msk [tilespmem:v4+s26+$0x0], $0xffff;
	[tilespmem:s6+$0xFFFFFF90] =	vst v14;
	v4 =	vmul.f32 v24, v7  }
0x344: {  	v7 =	vbroadcast v16, $0x0;
	v14 =	vadd.s32 $0x6, v25;
	v13 =	vld.idx.msk [tilespmem:v13+s26+$0x0], $0xffff;
	v15 =	vmul.f32 v30, v15  }
0x345: {  	v16 =	vshrl.u32 v21, $0x3;
	v21 =	vshrl.u32 v23, $0x3;
	v23 =	vbroadcast v14, $0x0;
	v14 =	vld [tilespmem:s18+$0x70];
	[tilespmem:s6+$0x50] =	vst v4  }
0x346: {  	v16 =	vshll.u32 v16, v0;
	v4 =	vshll.u32 v19, v0;
	v10 =	vmul.f32 v10, v20;
	[tilespmem:s6+$0xFFFFFFD0] =	vst v15;
	v15 =	vld [tilespmem:s8+$0xFFFFFFE0];
	s8 =	smov.u32 s18  }
0x347: {  	v12 =	vshrl.u32 v12, $0x3;
	v8 =	vshll.u32 v8, v0;
	v19 =	vadd.s32 $0x5, v4;
	v4 =	vld [tilespmem:s18+$0x60]  }
0x348: {  	v20 =	vbroadcast v8, $0x0;
	v8 =	vshll.u32 v12, v0;
	v18 =	vld.idx.msk [tilespmem:v18+s26+$0x0], $0xffff;
	[tilespmem:s2+$0x30] =	vst v10;
	v10 =	vshll.u32 v21, v0  }
0x349: {  	v12 =	vshll.u32 v26, v0;
	v8 =	vadd.s32 $0x6, v8;
	v17 =	vmul.f32 v17, v9;
	v21 =	vld [tilespmem:s18+$0xFFFFFFC0]  }
0x34a: {  	v6 =	vmul.f32 v27, v6;
	v25 =	vadd.s32 $0x5, v12;
	v24 =	vld [tilespmem:s18+$0x0];
	v12 =	vmul.f32 v14, v13  }
0x34b: {  	v11 =	vadd.s32 $0x1, v11;
	v9 =	vbroadcast v8, $0x0;
	v10 =	vadd.s32 $0x4, v10;
	v8 =	vld.idx.msk [tilespmem:v7+s26+$0x0], $0xffff;
	[tilespmem:s6+$0x40] =	vst v17  }
.Ltmp10:
0x34c: {  	v14 =	vbroadcast v11, $0x0;
	v7 =	vmov s20;
	v11 =	vld.idx.msk [tilespmem:v23+s26+$0x0], $0xffff;
	[tilespmem:s6+$0xFFFFFFB0] =	vst v6;
	v6 =	vmul.f32 v15, v3;
	(pc) =	sbr.rel @p2 .LBB2_22-.Ltmp10, $4  }
0x34d: {  	v1 =	vmul.f32 v1, v5;
	v15 =	vadd.s32 $0x3, v16;
	v7 =	vshrl.u32 v7, $0x3;
	v3 =	vld [tilespmem:s18+$0xFFFFFFF0];
	[tilespmem:s2+$0x70] =	vst v12  }
0x34e: {  	v16 =	vshll.u32 v7, v0;
	v7 =	vbroadcast v25, $0x0;
	v12 =	vld.idx.msk [tilespmem:v20+s26+$0x0], $0xffff;
	v5 =	vmul.f32 v21, v18;
	[tilespmem:s6+$0xFFFFFFE0] =	vst v6  }
0x34f: {  	v6 =	vbroadcast v15, $0x0;
	v15 =	vbroadcast v19, $0x0;
	v18 =	vadd.s32 $0x2, v16;
	v13 =	vld [tilespmem:s18+$0xFFFFFF80];
	[tilespmem:s6+$0x20] =	vst v1;
	s6 =	smov.u32 s2  }
0x350: {  	v17 =	vadd.s32 $0x2, v29;
	v16 =	vmul.f32 v24, v22;
	s18 =	sadd.s32 $0x100, s18;
	[tilespmem:s2+$0xFFFFFFC0] =	vst v5;
	v5 =	vbroadcast v18, $0x0;
	v1 =	vld [tilespmem:s8+$0x20]  }
0x351: {  	_ =	sdelay $0x2  }
0x352: {  	v18 =	vld [tilespmem:s8+$0xFFFFFFA0]  }
0x353: {  	v14 =	vld.idx.msk [tilespmem:v14+s26+$0x0], $0xffff  }
0x354: {  	v9 =	vld.idx.msk [tilespmem:v9+s26+$0x0], $0xffff  }
0x355: {  	v2 =	vbroadcast v2, $0x0;
	v19 =	vld [tilespmem:s8+$0x10]  }
0x356: {  	v15 =	vld.idx.msk [tilespmem:v15+s26+$0x0], $0xffff  }
0x357: {  	v20 =	vld [tilespmem:s8+$0xFFFFFF90]  }
0x358: {  	v10 =	vbroadcast v10, $0x0;
	v7 =	vld.idx.msk [tilespmem:v7+s26+$0x0], $0xffff  }
0x359: {  	v6 =	vld.idx.msk [tilespmem:v6+s26+$0x0], $0xffff  }
0x35a: {  	v17 =	vbroadcast v17, $0x0;
	v3 =	vmul.f32 v3, v8;
	v5 =	vld.idx.msk [tilespmem:v5+s26+$0x0], $0xffff  }
0x35b: {  	v4 =	vmul.f32 v4, v11;
	v2 =	vld.idx.msk [tilespmem:v2+s26+$0x0], $0xffff  }
0x35c: {  	[tilespmem:s6+$0xFFFFFFF0] =	vst v3;
	v3 =	vld [tilespmem:s8+$0xFFFFFFD0]  }
0x35d: {  	[tilespmem:s6+$0x60] =	vst v4;
	v4 =	vld [tilespmem:s8+$0xFFFFFFB0]  }
0x35e: {  	v8 =	vld.idx.msk [tilespmem:v10+s26+$0x0], $0xffff;
	v10 =	vmul.f32 v13, v12  }
0x35f: {  	[tilespmem:s6+$0x0] =	vst v16;
	v12 =	vld [tilespmem:s8+$0x50];
	v13 =	vmul.f32 v20, v14  }
0x360: {  	v17 =	vld.idx.msk [tilespmem:v17+s26+$0x0], $0xffff;
	[tilespmem:s6+$0xFFFFFF80] =	vst v10;
	v2 =	vmul.f32 v19, v2  }
0x361: {  	v10 =	vld [tilespmem:s8+$0x40];
	[tilespmem:s6+$0xFFFFFF90] =	vst v13;
	v3 =	vmul.f32 v3, v15  }
0x362: {  	v1 =	vmul.f32 v1, v5;
	[tilespmem:s6+$0x10] =	vst v2;
	v2 =	vld [tilespmem:s8+$0xFFFFFFE0]  }
0x363: {  	[tilespmem:s6+$0xFFFFFFD0] =	vst v3;
	v3 =	vmul.f32 v4, v6  }
0x364: {  	[tilespmem:s6+$0x20] =	vst v1;
	v7 =	vmul.f32 v12, v7  }
0x365: {  	v11 =	vmul.f32 v18, v17;
	[tilespmem:s6+$0xFFFFFFB0] =	vst v3  }
0x366: {  	[tilespmem:s6+$0x50] =	vst v7;
	v7 =	vmul.f32 v10, v8  }
0x367: {  	[tilespmem:s6+$0xFFFFFFA0] =	vst v11;
	v2 =	vmul.f32 v2, v9  }
0x368: {  	[tilespmem:s6+$0x40] =	vst v7  }
0x369: {  	s2 =	sadd.s32 @!p1 $0x7B00, s13;
	s8 =	simm.s32 @!p1 $0x17800;
	[tilespmem:s6+$0xFFFFFFE0] =	vst v2;
	s6 =	simm.s32 @!p1 $0x80  }
0x36a: {  	[tilespmem:s8], [sflag:$0x3] =	stream.indirect.gather @!p1 [spmem:s5], $0x10, s2, s6, $0xb8;
	[tilespmem:$0x1F810] =	vst v63  }
0x36b: {  	s2 =	sadd.s32 $0xFFFFFFF0, s19  }
0x36c: {  	s17 =	sadd.s32 $0x191, s2  }
0x36d: {  	s18 =	sadd.s32 $0x192, s2;
	s20 =	sadd.s32 $0x194, s2;
	s11 =	sadd.s32 $0x195, s2;
	v1 =	vmov s17  }
0x36e: {  	s21 =	sadd.s32 $0x197, s2;
	s23 =	sadd.s32 $0x19B, s2;
	s24 =	sadd.s32 $0x199, s2;
	v2 =	vmov s18;
	v3 =	vmov s20;
	v4 =	vmov s11  }
0x36f: {  	s28 =	sadd.s32 $0x193, s2;
	s15 =	sadd.s32 $0x196, s2;
	v5 =	vmov s21;
	v6 =	vmov s23;
	v7 =	vmov s24  }
0x370: {  	v8 =	vmov s28;
	s17 =	sadd.s32 $0xC800, s10;
	s18 =	sadd.s32 $0x198, s2;
	v10 =	vmov s15;
	s20 =	sadd.s32 $0x19F, s2;
	v2 =	vshrl.u32 v2, $0x3  }
0x371: {  	s21 =	sadd.s32 $0x19C, s2;
	s23 =	sadd.s32 $0x19E, s2;
	s24 =	sadd.s32 $0x190, s2;
	v6 =	vshrl.u32 v6, $0x3;
	v9 =	vshrl.u32 v4, $0x3;
	v11 =	vmov s20  }
0x372: {  	[spmem:s3] =	stream.indirect.scatter.add.f32 [tilespmem:s1], [sflag:$0x7], $0x10, s17, s16, $0xb8;
	v12 =	vmov s21;
	v13 =	vmov s23;
	v4 =	vshll.u32 v6, v0;
	[tilespmem:$0x1F810] =	vst v63  }
0x373: {  	v14 =	vmov s24;
	v6 =	vmov s18;
	_ =	swait.ge [sflag:s7], $0x800;
	v4 =	vadd.s32 $0x3, v4  }
0x374: {  	v11 =	vshrl.u32 v11, $0x3;
	v6 =	vshrl.u32 v6, $0x3;
	[sflag:s7] =	ssyncset.done $0x0;
	v4 =	vbroadcast v4, $0x0  }
0x375: {  	s8 =	simm.s32 @!p0 $0x8;
	s28 =	sadd.s32 $0x19D, s2;
	v3 =	vshrl.u32 v3, $0x3;
	v11 =	vshll.u32 v11, v0;
	v6 =	vshll.u32 v6, v0;
	[sflag:s7] =	ssyncadd.s32 $0xFFFFF800  }
0x376: {  	v15 =	vmov s28;
	v11 =	vadd.s32 $0x7, v11;
	v6 =	vbroadcast v6, $0x0;
	_ =	swait.ge @!p0 [sflag:s8], $0x800  }
0x377: {  	v3 =	vshll.u32 v3, v0;
	v16 =	vshll.u32 v2, v0;
	v11 =	vbroadcast v11, $0x0;
	[sflag:s8] =	ssyncset.done @!p0 $0x0  }
0x378: {  	v2 =	vadd.s32 $0x4, v3;
	v3 =	vshrl.u32 v5, $0x3;
	v5 =	vshrl.u32 v7, $0x3;
	[sflag:s8] =	ssyncadd.s32 @!p0 $0xFFFFF800;
	s8 =	simm.s32 $0x18080  }
0x379: {  	v1 =	vshrl.u32 v1, $0x3;
	v17 =	vbroadcast v2, $0x0;
	v2 =	vshll.u32 v5, v0;
	v5 =	vld [tilespmem:s8+$0x30]  }
0x37a: {  	v8 =	vshrl.u32 v8, $0x3;
	v13 =	vshrl.u32 v13, $0x3;
	v3 =	vshll.u32 v3, v0;
	v7 =	vld.idx.msk [tilespmem:v4+s26+$0x0], $0xffff  }
0x37b: {  	v3 =	vadd.s32 $0x7, v3;
	v4 =	vshll.u32 v13, v0;
	v13 =	vshrl.u32 v15, $0x3;
	v15 =	vld [tilespmem:s8+$0x70]  }
0x37c: {  	v1 =	vshll.u32 v1, v0;
	v3 =	vbroadcast v3, $0x0;
	v18 =	vld.idx.msk [tilespmem:v6+s26+$0x0], $0xffff;
	v4 =	vadd.s32 $0x6, v4  }
0x37d: {  	v12 =	vshrl.u32 v12, $0x3;
	v6 =	vshrl.u32 v14, $0x3;
	v11 =	vld.idx.msk [tilespmem:v11+s26+$0x0], $0xffff;
	v14 =	vbroadcast v4, $0x0  }
0x37e: {  	v19 =	vshll.u32 v8, v0;
	v8 =	vshll.u32 v9, v0;
	v21 =	vld [tilespmem:s8+$0xFFFFFFC0];
	v6 =	vshll.u32 v6, v0  }
0x37f: {  	v9 =	vshrl.u32 v10, $0x3;
	v10 =	vshll.u32 v12, v0;
	v22 =	vld [tilespmem:s8+$0x0];
	v6 =	vbroadcast v6, $0x0  }
0x380: {  	v63 =	vadd.s32 $0x5, v8;
	v1 =	vadd.s32 $0x1, v1;
	v10 =	vadd.s32 $0x4, v10;
	v17 =	vld.idx.msk [tilespmem:v17+s26+$0x0], $0xffff  }
0x381: {  	v8 =	vshll.u32 v13, v0;
	v4 =	vld [tilespmem:s8+$0x60];
	v5 =	vmul.f32 v5, v7;
	v7 =	vshll.u32 v9, v0  }
0x382: {  	s2 =	sadd.s32 $0x19A, s2;
	v13 =	vadd.s32 $0x5, v8;
	v8 =	vld.idx.msk [tilespmem:v3+s26+$0x0], $0xffff;
	v7 =	vadd.s32 $0x6, v7;
	v15 =	vmul.f32 v15, v11  }
0x383: {  	v9 =	vbroadcast v7, $0x0;
	v7 =	vmov s2;
	s2 =	simm.s32 $0x1A080;
	v11 =	vld.idx.msk [tilespmem:v14+s26+$0x0], $0xffff;
	v14 =	vbroadcast v1, $0x0  }
0x384: {  	v2 =	vadd.s32 $0x1, v2;
	v3 =	vld [tilespmem:s8+$0xFFFFFFF0];
	v1 =	vadd.s32 $0x3, v19;
	v7 =	vshrl.u32 v7, $0x3;
	[tilespmem:s2+$0x30] =	vst v5  }
0x385: {  	v5 =	vmul.f32 v21, v17;
	[tilespmem:s2+$0x70] =	vst v15;
	v15 =	vbroadcast v63, $0x0;
	v12 =	vld.idx.msk [tilespmem:v6+s26+$0x0], $0xffff;
	v17 =	vshll.u32 v7, v0  }
0x386: {  	s9 =	sor.u32 $0x180, s9;
	v7 =	vbroadcast v13, $0x0;
	v13 =	vld [tilespmem:s8+$0xFFFFFF80];
	v6 =	vbroadcast v1, $0x0;
	v1 =	vadd.s32 $0x2, v17  }
0x387: {  	s13 =	simm.s32 $0x18180;
	s6 =	simm.s32 $0x1A080;
	s10 =	simm.s32 $0x0;
	v17 =	vadd.s32 $0x2, v16;
	[tilespmem:s2+$0xFFFFFFC0] =	vst v5;
	v16 =	vmul.f32 v22, v18;
	v5 =	vbroadcast v1, $0x0;
	v1 =	vld [tilespmem:s8+$0x20]  }
.LBB2_24:
0x388: {  	s18 =	sadd.s32 s10, s19;
	s10 =	sadd.s32 $0x10, s10;
	v17 =	vbroadcast v17, $0x0;
	v18 =	vld [tilespmem:s8+$0xFFFFFFA0];
	v2 =	vbroadcast v2, $0x0;
	s2 =	sadd.s32 $0x100, s2  }
0x389: {  	v4 =	vmul.f32 v4, v11;
	s11 =	sadd.s32 $0x191, s18;
	s15 =	sadd.s32 $0x192, s18;
	s20 =	sadd.s32 $0x198, s18;
	v14 =	vld.idx.msk [tilespmem:v14+s26+$0x0], $0xffff;
	v8 =	vmul.f32 v3, v8;
	[tilespmem:s6+$0x0] =	vst v16  }
0x38a: {  	s21 =	sadd.s32 $0x196, s18;
	v11 =	vmov s11;
	v16 =	vmov s15;
	s11 =	sadd.s32 $0x194, s18;
	s15 =	sadd.s32 $0x195, s18;
	v3 =	vld.idx.msk [tilespmem:v9+s26+$0x0], $0xffff;
	v9 =	vbroadcast v10, $0x0  }
0x38b: {  	s23 =	sadd.s32 $0x19D, s18;
	v10 =	vmov s11;
	v19 =	vmov s15;
	s11 =	sadd.s32 $0x197, s18;
	s15 =	sadd.s32 $0x199, s18;
	v12 =	vmul.f32 v13, v12;
	[tilespmem:s6+$0xFFFFFFF0] =	vst v8;
	v8 =	vld [tilespmem:s8+$0x10]  }
0x38c: {  	s17 =	sadd.s32 $0x193, s18;
	v13 =	vshrl.u32 v16, $0x3;
	v16 =	vmov s11;
	v20 =	vmov s15;
	s11 =	sadd.s32 $0x19B, s18;
	s15 =	sadd.s32 $0x19C, s18;
	v15 =	vld.idx.msk [tilespmem:v15+s26+$0x0], $0xffff  }
0x38d: {  	p0 =	slt.u32 s10, $0x70;
	v21 =	vmov s17;
	s17 =	sadd.s32 $0x19A, s18;
	v19 =	vshrl.u32 v19, $0x3;
	v22 =	vmov s11;
	[tilespmem:s6+$0xFFFFFF80] =	vst v12;
	v5 =	vld.idx.msk [tilespmem:v5+s26+$0x0], $0xffff  }
0x38e: {  	v23 =	vmov s20;
	s11 =	sadd.s32 $0x190, s18;
	v12 =	vmov s21;
	v22 =	vshrl.u32 v22, $0x3;
	v24 =	vld [tilespmem:s8+$0xFFFFFF90];
	[tilespmem:s6+$0x60] =	vst v4  }
0x38f: {  	v4 =	vshrl.u32 v23, $0x3;
	v23 =	vmov s15;
	s15 =	sadd.s32 $0x19E, s18;
	v22 =	vshll.u32 v22, v0;
	v7 =	vld.idx.msk [tilespmem:v7+s26+$0x0], $0xffff  }
0x390: {  	v4 =	vshll.u32 v4, v0;
	v25 =	vmov s15;
	s15 =	sadd.s32 $0x19F, s18;
	v22 =	vadd.s32 $0x3, v22;
	v2 =	vld.idx.msk [tilespmem:v2+s26+$0x0], $0xffff  }
0x391: {  	v26 =	vmov s11;
	v27 =	vmov s15;
	v22 =	vbroadcast v22, $0x0;
	v17 =	vld.idx.msk [tilespmem:v17+s26+$0x0], $0xffff  }
0x392: {  	v28 =	vmov s23;
	v25 =	vshrl.u32 v25, $0x3;
	v27 =	vshrl.u32 v27, $0x3;
	v6 =	vld.idx.msk [tilespmem:v6+s26+$0x0], $0xffff  }
0x393: {  	v11 =	vshrl.u32 v11, $0x3;
	v29 =	vshll.u32 v13, v0;
	v13 =	vshll.u32 v27, v0;
	v9 =	vld.idx.msk [tilespmem:v9+s26+$0x0], $0xffff  }
0x394: {  	v4 =	vbroadcast v4, $0x0;
	v25 =	vshll.u32 v25, v0;
	v13 =	vadd.s32 $0x7, v13;
	v27 =	vld [tilespmem:s8+$0xFFFFFFB0]  }
0x395: {  	v16 =	vshrl.u32 v16, $0x3;
	v14 =	vmul.f32 v24, v14;
	v13 =	vbroadcast v13, $0x0;
	v24 =	vld [tilespmem:s8+$0x50]  }
0x396: {  	v10 =	vshrl.u32 v10, $0x3;
	v20 =	vshrl.u32 v20, $0x3;
	v8 =	vmul.f32 v8, v2;
	v30 =	vld [tilespmem:s8+$0xFFFFFFD0]  }
0x397: {  	v2 =	vshll.u32 v10, v0;
	v10 =	vshll.u32 v20, v0;
	v17 =	vmul.f32 v18, v17;
	v20 =	vld.idx.msk [tilespmem:v22+s26+$0x0], $0xffff  }
0x398: {  	v11 =	vshll.u32 v11, v0;
	v18 =	vadd.s32 $0x4, v2;
	v2 =	vadd.s32 $0x1, v10;
	v10 =	vld [tilespmem:s13+$0x30];
	[tilespmem:s6+$0x10] =	vst v8  }
0x399: {  	v16 =	vshll.u32 v16, v0;
	v18 =	vbroadcast v18, $0x0;
	v8 =	vshrl.u32 v26, $0x3;
	[tilespmem:s6+$0xFFFFFFA0] =	vst v17;
	v17 =	vld [tilespmem:s8+$0x40]  }
0x39a: {  	v16 =	vadd.s32 $0x7, v16;
	v26 =	vshrl.u32 v28, $0x3;
	v22 =	vld.idx.msk [tilespmem:v4+s26+$0x0], $0xffff;
	[tilespmem:s6+$0xFFFFFF90] =	vst v14;
	v4 =	vmul.f32 v24, v7  }
0x39b: {  	v7 =	vbroadcast v16, $0x0;
	v14 =	vadd.s32 $0x6, v25;
	v13 =	vld.idx.msk [tilespmem:v13+s26+$0x0], $0xffff;
	v15 =	vmul.f32 v30, v15  }
0x39c: {  	v16 =	vshrl.u32 v21, $0x3;
	v21 =	vshrl.u32 v23, $0x3;
	v23 =	vbroadcast v14, $0x0;
	v14 =	vld [tilespmem:s13+$0x70];
	[tilespmem:s6+$0x50] =	vst v4  }
0x39d: {  	v16 =	vshll.u32 v16, v0;
	v4 =	vshll.u32 v19, v0;
	v10 =	vmul.f32 v10, v20;
	[tilespmem:s6+$0xFFFFFFD0] =	vst v15;
	v15 =	vld [tilespmem:s8+$0xFFFFFFE0];
	s8 =	smov.u32 s13  }
0x39e: {  	v12 =	vshrl.u32 v12, $0x3;
	v8 =	vshll.u32 v8, v0;
	v19 =	vadd.s32 $0x5, v4;
	v4 =	vld [tilespmem:s13+$0x60]  }
0x39f: {  	v20 =	vbroadcast v8, $0x0;
	v8 =	vshll.u32 v12, v0;
	v18 =	vld.idx.msk [tilespmem:v18+s26+$0x0], $0xffff;
	[tilespmem:s2+$0x30] =	vst v10;
	v10 =	vshll.u32 v21, v0  }
0x3a0: {  	v12 =	vshll.u32 v26, v0;
	v8 =	vadd.s32 $0x6, v8;
	v17 =	vmul.f32 v17, v9;
	v21 =	vld [tilespmem:s13+$0xFFFFFFC0]  }
0x3a1: {  	v6 =	vmul.f32 v27, v6;
	v25 =	vadd.s32 $0x5, v12;
	v24 =	vld [tilespmem:s13+$0x0];
	v12 =	vmul.f32 v14, v13  }
0x3a2: {  	v11 =	vadd.s32 $0x1, v11;
	v9 =	vbroadcast v8, $0x0;
	v10 =	vadd.s32 $0x4, v10;
	v8 =	vld.idx.msk [tilespmem:v7+s26+$0x0], $0xffff;
	[tilespmem:s6+$0x40] =	vst v17  }
.Ltmp11:
0x3a3: {  	v14 =	vbroadcast v11, $0x0;
	v7 =	vmov s17;
	v11 =	vld.idx.msk [tilespmem:v23+s26+$0x0], $0xffff;
	[tilespmem:s6+$0xFFFFFFB0] =	vst v6;
	v6 =	vmul.f32 v15, v3;
	(pc) =	sbr.rel @p0 .LBB2_24-.Ltmp11, $4  }
0x3a4: {  	v1 =	vmul.f32 v1, v5;
	v15 =	vadd.s32 $0x3, v16;
	v7 =	vshrl.u32 v7, $0x3;
	v3 =	vld [tilespmem:s13+$0xFFFFFFF0];
	[tilespmem:s2+$0x70] =	vst v12  }
0x3a5: {  	v16 =	vshll.u32 v7, v0;
	v7 =	vbroadcast v25, $0x0;
	v12 =	vld.idx.msk [tilespmem:v20+s26+$0x0], $0xffff;
	v5 =	vmul.f32 v21, v18;
	[tilespmem:s6+$0xFFFFFFE0] =	vst v6  }
0x3a6: {  	v6 =	vbroadcast v15, $0x0;
	v15 =	vbroadcast v19, $0x0;
	v18 =	vadd.s32 $0x2, v16;
	v13 =	vld [tilespmem:s13+$0xFFFFFF80];
	[tilespmem:s6+$0x20] =	vst v1;
	s6 =	smov.u32 s2  }
0x3a7: {  	v17 =	vadd.s32 $0x2, v29;
	v16 =	vmul.f32 v24, v22;
	s13 =	sadd.s32 $0x100, s13;
	[tilespmem:s2+$0xFFFFFFC0] =	vst v5;
	v5 =	vbroadcast v18, $0x0;
	v1 =	vld [tilespmem:s8+$0x20]  }
0x3a8: {  	_ =	sdelay $0x2  }
0x3a9: {  	v18 =	vld [tilespmem:s8+$0xFFFFFFA0]  }
0x3aa: {  	v14 =	vld.idx.msk [tilespmem:v14+s26+$0x0], $0xffff  }
0x3ab: {  	v9 =	vld.idx.msk [tilespmem:v9+s26+$0x0], $0xffff  }
0x3ac: {  	v2 =	vbroadcast v2, $0x0;
	v19 =	vld [tilespmem:s8+$0x10]  }
0x3ad: {  	v15 =	vld.idx.msk [tilespmem:v15+s26+$0x0], $0xffff  }
0x3ae: {  	v20 =	vld [tilespmem:s8+$0xFFFFFF90]  }
0x3af: {  	v7 =	vld.idx.msk [tilespmem:v7+s26+$0x0], $0xffff  }
0x3b0: {  	v6 =	vld.idx.msk [tilespmem:v6+s26+$0x0], $0xffff  }
0x3b1: {  	v17 =	vbroadcast v17, $0x0;
	v58 =	vld [tilespmem:s8+$0x50]  }
0x3b2: {  	v10 =	vbroadcast v10, $0x0;
	v3 =	vmul.f32 v3, v8;
	v2 =	vld.idx.msk [tilespmem:v2+s26+$0x0], $0xffff  }
0x3b3: {  	v59 =	vld [tilespmem:s8+$0x40]  }
0x3b4: {  	v4 =	vmul.f32 v4, v11;
	[tilespmem:s6+$0xFFFFFFF0] =	vst v3;
	v3 =	vld [tilespmem:s8+$0xFFFFFFD0]  }
0x3b5: {  	[tilespmem:s6+$0x0] =	vst v16;
	v5 =	vld.idx.msk [tilespmem:v5+s26+$0x0], $0xffff;
	v57 =	vmul.f32 v13, v12  }
0x3b6: {  	v60 =	vld [tilespmem:s8+$0xFFFFFFB0];
	[tilespmem:s6+$0x60] =	vst v4;
	v62 =	vmul.f32 v20, v14  }
0x3b7: {  	[tilespmem:s6+$0xFFFFFF80] =	vst v57;
	v17 =	vld.idx.msk [tilespmem:v17+s26+$0x0], $0xffff;
	v2 =	vmul.f32 v19, v2  }
0x3b8: {  	v7 =	vmul.f32 v58, v7;
	v56 =	vld.idx.msk [tilespmem:v10+s26+$0x0], $0xffff;
	[tilespmem:s6+$0xFFFFFF90] =	vst v62  }
0x3b9: {  	v3 =	vmul.f32 v3, v15;
	[tilespmem:s6+$0x10] =	vst v2;
	v2 =	vld [tilespmem:s8+$0xFFFFFFE0]  }
0x3ba: {  	v1 =	vmul.f32 v1, v5;
	[tilespmem:s6+$0x50] =	vst v7  }
0x3bb: {  	[tilespmem:s6+$0xFFFFFFD0] =	vst v3;
	v3 =	vmul.f32 v60, v6  }
.Ltmp12:
0x3bc: {  	[tilespmem:s6+$0x20] =	vst v1;
	v61 =	vmul.f32 v18, v17;
	(pc) =	sbr.rel @p1 .LBB2_27-.Ltmp12, $4  }
0x3bd: {  	v63 =	vmul.f32 v59, v56;
	[tilespmem:s6+$0xFFFFFFB0] =	vst v3  }
0x3be: {  	[tilespmem:s6+$0xFFFFFFA0] =	vst v61;
	v2 =	vmul.f32 v2, v9  }
0x3bf: {  	[tilespmem:s6+$0x40] =	vst v63  }
0x3c0: {  	s2 =	sadd.s32 $0xC800, s9;
	[tilespmem:s6+$0xFFFFFFE0] =	vst v2  }
.Ltmp13:
0x3c1: {  	(pc) =	sbr.rel .LBB2_17-.Ltmp13, $4  }
0x3c2: {  	s6 =	sadd.s32 $0x7B80, s12;
	s8 =	simm.s32 $0x18000  }
0x3c3: {  	[tilespmem:s8], [sflag:$0x4] =	stream.indirect.gather [spmem:s5], $0x10, s6, s16, $0xb8;
	[tilespmem:$0x1F810] =	vst v63  }
0x3c4: {  	s14 =	sadd.s32 $0x1, s14;
	s19 =	sadd.s32 $0x200, s19  }
0x3c5: {  	[spmem:s3] =	stream.indirect.scatter.add.f32 [tilespmem:s0], [sflag:$0x8], $0x10, s2, s16, $0xb8;
	[tilespmem:$0x1F810] =	vst v63  }
.LBB2_27:
0x3c6: {  	[spmem:s3] =	stream.indirect.scatter.add.f32 [tilespmem:s0], [sflag:$0x8], $0x10, s2, s16, $0xb8;
	[tilespmem:$0x1F810] =	vst v63  }
0x3c7: {  	s12 =	simm.s32 $0x5  }
0x3c8: {  	_ =	swait.ge [sflag:s12], $0x800  }
0x3c9: {  	[sflag:s12] =	ssyncset.done $0x0  }
0x3ca: {  	s13 =	simm.s32 $0x6;
	[sflag:s12] =	ssyncadd.s32 $0xFFFFF800  }
0x3cb: {  	_ =	swait.ge [sflag:s13], $0x800  }
0x3cc: {  	[sflag:s13] =	ssyncset.done $0x0  }
0x3cd: {  	s14 =	simm.s32 $0x7;
	[sflag:s13] =	ssyncadd.s32 $0xFFFFF800  }
0x3ce: {  	_ =	swait.ge [sflag:s14], $0x800  }
0x3cf: {  	[sflag:s14] =	ssyncset.done $0x0  }
0x3d0: {  	s6 =	simm.s32 $0x8;
	s15 =	rddreg [dreg:$0xe];
	[sflag:s14] =	ssyncadd.s32 $0xFFFFF800  }
0x3d1: {  	s2 =	sadd.s32 $0x2, s15;
	_ =	swait.ge [sflag:s6], $0x800  }
0x3d2: {  	v1 =	vmov s2;
	[sflag:s6] =	ssyncset.done $0x0  }
0x3d3: {  	v1 =	vand.u32 $0xFFFFFFFE, v1;
	[sflag:s6] =	ssyncadd.s32 $0xFFFFF800  }
0x3d4: {  	v1 =	vbroadcast v1, $0x0;
	[bflag:$0x0] =	sbarrier.arrive $0xFFFF  }
0x3d5: {  	s18 =	simm.s32 $0x1A800;
	s19 =	simm.s32 $0xB;
	s17 =	rddreg [dreg:$0x8]  }
0x3d6: {  	[tilespmem:s18], [sflag:$0xB] =	stream.linear.gather [spmem:s17], $0x2800, $0x38;
	[tilespmem:$0x1F810] =	vst v63  }
0x3d7: {  	_ =	swait.ge [sflag:s19], $0x2800  }
0x3d8: {  	[sflag:s19] =	ssyncset.done $0x0;
	s21 =	rddreg [dreg:$0xb]  }
0x3d9: {  	s20 =	simm.s32 $0x1F800;
	s24 =	rddreg [dreg:$0xa];
	[sflag:s19] =	ssyncadd.s32 $0xFFFFD800  }
0x3da: {  	v1 =	vld.idx.msk [tilespmem:v1+s20+$0x0], $0xffff;
	[spmem:s21] =	stream.linear.scatter [tilespmem:s18], [sflag:$0x9], $0x2800, $0x38  }
0x3db: {  	s28 =	simm.s32 $0x1A880;
	s23 =	rddreg [dreg:$0x1]  }
0x3dc: {  	[spmem:s24], [sflag:s22] =	dma.local [hbm:s23], $0x500  }
0x3dd: {  	v2 =	vld [tilespmem:s28+$0xFFFFFF80]  }
0x3de: {  	s9 =	simm.s32 $0x1D080  }
0x3df: {  	v3 =	vld [tilespmem:s9+$0xFFFFFF80];
	_ =	sdelay $0x2  }
0x3e0: {  	v2 =	vmul.f32 v2, v1;
	_ =	sdelay $0x1  }
0x3e1: {  	v2 =	vadd.f32 v2, v3;
	_ =	sdelay $0x1  }
0x3e2: {  	[tilespmem:s9+$0xFFFFFF80] =	vst v2  }
0x3e3: {  	v2 =	vld [tilespmem:s28+$0xFFFFFF90];
	_ =	sdelay $0x1  }
0x3e4: {  	v3 =	vld [tilespmem:s9+$0xFFFFFF90];
	_ =	sdelay $0x2  }
0x3e5: {  	v2 =	vmul.f32 v2, v1;
	_ =	sdelay $0x1  }
0x3e6: {  	v2 =	vadd.f32 v2, v3;
	_ =	sdelay $0x1  }
0x3e7: {  	[tilespmem:s9+$0xFFFFFF90] =	vst v2  }
0x3e8: {  	v2 =	vld [tilespmem:s28+$0xFFFFFFA0];
	_ =	sdelay $0x1  }
0x3e9: {  	v3 =	vld [tilespmem:s9+$0xFFFFFFA0];
	_ =	sdelay $0x2  }
0x3ea: {  	v2 =	vmul.f32 v2, v1;
	_ =	sdelay $0x1  }
0x3eb: {  	v2 =	vadd.f32 v2, v3;
	_ =	sdelay $0x1  }
0x3ec: {  	[tilespmem:s9+$0xFFFFFFA0] =	vst v2  }
0x3ed: {  	v2 =	vld [tilespmem:s28+$0xFFFFFFB0];
	_ =	sdelay $0x1  }
0x3ee: {  	v3 =	vld [tilespmem:s9+$0xFFFFFFB0];
	_ =	sdelay $0x2  }
0x3ef: {  	v2 =	vmul.f32 v2, v1;
	_ =	sdelay $0x1  }
0x3f0: {  	v2 =	vadd.f32 v2, v3;
	_ =	sdelay $0x1  }
0x3f1: {  	[tilespmem:s9+$0xFFFFFFB0] =	vst v2  }
0x3f2: {  	v2 =	vld [tilespmem:s28+$0xFFFFFFC0];
	_ =	sdelay $0x1  }
0x3f3: {  	v3 =	vld [tilespmem:s9+$0xFFFFFFC0];
	_ =	sdelay $0x2  }
0x3f4: {  	v2 =	vmul.f32 v2, v1;
	_ =	sdelay $0x1  }
0x3f5: {  	v2 =	vadd.f32 v2, v3;
	_ =	sdelay $0x1  }
0x3f6: {  	[tilespmem:s9+$0xFFFFFFC0] =	vst v2  }
0x3f7: {  	v2 =	vld [tilespmem:s28+$0xFFFFFFD0];
	_ =	sdelay $0x1  }
0x3f8: {  	v3 =	vld [tilespmem:s9+$0xFFFFFFD0];
	_ =	sdelay $0x2  }
0x3f9: {  	v2 =	vmul.f32 v2, v1;
	_ =	sdelay $0x1  }
0x3fa: {  	v2 =	vadd.f32 v2, v3;
	_ =	sdelay $0x1  }
0x3fb: {  	[tilespmem:s9+$0xFFFFFFD0] =	vst v2  }
0x3fc: {  	v2 =	vld [tilespmem:s28+$0xFFFFFFE0];
	_ =	sdelay $0x1  }
0x3fd: {  	v3 =	vld [tilespmem:s9+$0xFFFFFFE0];
	_ =	sdelay $0x2  }
0x3fe: {  	v2 =	vmul.f32 v2, v1;
	_ =	sdelay $0x1  }
0x3ff: {  	v2 =	vadd.f32 v2, v3;
	_ =	sdelay $0x1  }
0x400: {  	[tilespmem:s9+$0xFFFFFFE0] =	vst v2  }
0x401: {  	v2 =	vld [tilespmem:s28+$0xFFFFFFF0];
	_ =	sdelay $0x1  }
0x402: {  	v3 =	vld [tilespmem:s9+$0xFFFFFFF0];
	_ =	sdelay $0x2  }
0x403: {  	v2 =	vmul.f32 v2, v1;
	_ =	sdelay $0x1  }
0x404: {  	v2 =	vadd.f32 v2, v3;
	_ =	sdelay $0x1  }
0x405: {  	[tilespmem:s9+$0xFFFFFFF0] =	vst v2  }
0x406: {  	v2 =	vld [tilespmem:s28+$0x0];
	_ =	sdelay $0x1  }
0x407: {  	v3 =	vld [tilespmem:s9+$0x0];
	_ =	sdelay $0x2  }
0x408: {  	v2 =	vmul.f32 v2, v1;
	_ =	sdelay $0x1  }
0x409: {  	v2 =	vadd.f32 v2, v3;
	_ =	sdelay $0x1  }
0x40a: {  	[tilespmem:s9+$0x0] =	vst v2  }
0x40b: {  	v2 =	vld [tilespmem:s28+$0x10];
	_ =	sdelay $0x1  }
0x40c: {  	v3 =	vld [tilespmem:s9+$0x10];
	_ =	sdelay $0x2  }
0x40d: {  	v2 =	vmul.f32 v2, v1;
	_ =	sdelay $0x1  }
0x40e: {  	v2 =	vadd.f32 v2, v3;
	_ =	sdelay $0x1  }
0x40f: {  	[tilespmem:s9+$0x10] =	vst v2  }
0x410: {  	v2 =	vld [tilespmem:s28+$0x20];
	_ =	sdelay $0x1  }
0x411: {  	v3 =	vld [tilespmem:s9+$0x20];
	_ =	sdelay $0x2  }
0x412: {  	v2 =	vmul.f32 v2, v1;
	_ =	sdelay $0x1  }
0x413: {  	v2 =	vadd.f32 v2, v3;
	_ =	sdelay $0x1  }
0x414: {  	[tilespmem:s9+$0x20] =	vst v2  }
0x415: {  	v2 =	vld [tilespmem:s28+$0x30];
	_ =	sdelay $0x1  }
0x416: {  	v3 =	vld [tilespmem:s9+$0x30];
	_ =	sdelay $0x2  }
0x417: {  	v2 =	vmul.f32 v2, v1;
	_ =	sdelay $0x1  }
0x418: {  	v2 =	vadd.f32 v2, v3;
	_ =	sdelay $0x1  }
0x419: {  	[tilespmem:s9+$0x30] =	vst v2  }
0x41a: {  	v2 =	vld [tilespmem:s28+$0x40];
	_ =	sdelay $0x1  }
0x41b: {  	v3 =	vld [tilespmem:s9+$0x40];
	_ =	sdelay $0x2  }
0x41c: {  	v2 =	vmul.f32 v2, v1;
	_ =	sdelay $0x1  }
0x41d: {  	v2 =	vadd.f32 v2, v3;
	_ =	sdelay $0x1  }
0x41e: {  	[tilespmem:s9+$0x40] =	vst v2  }
0x41f: {  	v2 =	vld [tilespmem:s28+$0x50];
	_ =	sdelay $0x1  }
0x420: {  	v3 =	vld [tilespmem:s9+$0x50];
	_ =	sdelay $0x2  }
0x421: {  	v2 =	vmul.f32 v2, v1;
	_ =	sdelay $0x1  }
0x422: {  	v2 =	vadd.f32 v2, v3;
	_ =	sdelay $0x1  }
0x423: {  	[tilespmem:s9+$0x50] =	vst v2  }
0x424: {  	v2 =	vld [tilespmem:s28+$0x60];
	_ =	sdelay $0x1  }
0x425: {  	v3 =	vld [tilespmem:s9+$0x60];
	_ =	sdelay $0x2  }
0x426: {  	v2 =	vmul.f32 v2, v1;
	_ =	sdelay $0x1  }
0x427: {  	v2 =	vadd.f32 v2, v3;
	_ =	sdelay $0x1  }
0x428: {  	[tilespmem:s9+$0x60] =	vst v2  }
0x429: {  	v2 =	vld [tilespmem:s28+$0x70];
	_ =	sdelay $0x1  }
0x42a: {  	v3 =	vld [tilespmem:s9+$0x70];
	_ =	sdelay $0x2  }
0x42b: {  	v2 =	vmul.f32 v2, v1;
	_ =	sdelay $0x1  }
0x42c: {  	v2 =	vadd.f32 v2, v3;
	_ =	sdelay $0x1  }
0x42d: {  	s8 =	simm.s32 $0x0;
	s10 =	simm.s32 $0x1A980;
	[tilespmem:s9+$0x70] =	vst v2  }
.LBB2_28:
0x42e: {  	v2 =	vld [tilespmem:s10+$0xFFFFFF80];
	s8 =	sadd.s32 $0x10, s8  }
0x42f: {  	s9 =	sadd.s32 $0x100, s9;
	p0 =	slt.u32 s8, $0x270  }
0x430: {  	v3 =	vld [tilespmem:s9+$0xFFFFFF80];
	_ =	sdelay $0x2  }
0x431: {  	v2 =	vmul.f32 v2, v1;
	_ =	sdelay $0x1  }
0x432: {  	v2 =	vadd.f32 v2, v3;
	_ =	sdelay $0x1  }
0x433: {  	[tilespmem:s9+$0xFFFFFF80] =	vst v2  }
0x434: {  	v2 =	vld [tilespmem:s10+$0xFFFFFF90];
	_ =	sdelay $0x1  }
0x435: {  	v3 =	vld [tilespmem:s9+$0xFFFFFF90];
	_ =	sdelay $0x2  }
0x436: {  	v2 =	vmul.f32 v2, v1;
	_ =	sdelay $0x1  }
0x437: {  	v2 =	vadd.f32 v2, v3;
	_ =	sdelay $0x1  }
0x438: {  	[tilespmem:s9+$0xFFFFFF90] =	vst v2  }
0x439: {  	v2 =	vld [tilespmem:s10+$0xFFFFFFA0];
	_ =	sdelay $0x1  }
0x43a: {  	v3 =	vld [tilespmem:s9+$0xFFFFFFA0];
	_ =	sdelay $0x2  }
0x43b: {  	v2 =	vmul.f32 v2, v1;
	_ =	sdelay $0x1  }
0x43c: {  	v2 =	vadd.f32 v2, v3;
	_ =	sdelay $0x1  }
0x43d: {  	[tilespmem:s9+$0xFFFFFFA0] =	vst v2  }
0x43e: {  	v2 =	vld [tilespmem:s10+$0xFFFFFFB0];
	_ =	sdelay $0x1  }
0x43f: {  	v3 =	vld [tilespmem:s9+$0xFFFFFFB0];
	_ =	sdelay $0x2  }
0x440: {  	v2 =	vmul.f32 v2, v1;
	_ =	sdelay $0x1  }
0x441: {  	v2 =	vadd.f32 v2, v3;
	_ =	sdelay $0x1  }
0x442: {  	[tilespmem:s9+$0xFFFFFFB0] =	vst v2  }
0x443: {  	v2 =	vld [tilespmem:s10+$0xFFFFFFC0];
	_ =	sdelay $0x1  }
0x444: {  	v3 =	vld [tilespmem:s9+$0xFFFFFFC0];
	_ =	sdelay $0x2  }
0x445: {  	v2 =	vmul.f32 v2, v1;
	_ =	sdelay $0x1  }
0x446: {  	v2 =	vadd.f32 v2, v3;
	_ =	sdelay $0x1  }
0x447: {  	[tilespmem:s9+$0xFFFFFFC0] =	vst v2  }
0x448: {  	v2 =	vld [tilespmem:s10+$0xFFFFFFD0];
	_ =	sdelay $0x1  }
0x449: {  	v3 =	vld [tilespmem:s9+$0xFFFFFFD0];
	_ =	sdelay $0x2  }
0x44a: {  	v2 =	vmul.f32 v2, v1;
	_ =	sdelay $0x1  }
0x44b: {  	v2 =	vadd.f32 v2, v3;
	_ =	sdelay $0x1  }
0x44c: {  	[tilespmem:s9+$0xFFFFFFD0] =	vst v2  }
0x44d: {  	v2 =	vld [tilespmem:s10+$0xFFFFFFE0];
	_ =	sdelay $0x1  }
0x44e: {  	v3 =	vld [tilespmem:s9+$0xFFFFFFE0];
	_ =	sdelay $0x2  }
0x44f: {  	v2 =	vmul.f32 v2, v1;
	_ =	sdelay $0x1  }
0x450: {  	v2 =	vadd.f32 v2, v3;
	_ =	sdelay $0x1  }
0x451: {  	[tilespmem:s9+$0xFFFFFFE0] =	vst v2  }
0x452: {  	v2 =	vld [tilespmem:s10+$0xFFFFFFF0];
	_ =	sdelay $0x1  }
0x453: {  	v3 =	vld [tilespmem:s9+$0xFFFFFFF0];
	_ =	sdelay $0x2  }
0x454: {  	v2 =	vmul.f32 v2, v1;
	_ =	sdelay $0x1  }
0x455: {  	v2 =	vadd.f32 v2, v3;
	_ =	sdelay $0x1  }
0x456: {  	[tilespmem:s9+$0xFFFFFFF0] =	vst v2  }
0x457: {  	v2 =	vld [tilespmem:s10+$0x0];
	_ =	sdelay $0x1  }
0x458: {  	v3 =	vld [tilespmem:s9+$0x0];
	_ =	sdelay $0x2  }
0x459: {  	v2 =	vmul.f32 v2, v1;
	_ =	sdelay $0x1  }
0x45a: {  	v2 =	vadd.f32 v2, v3;
	_ =	sdelay $0x1  }
0x45b: {  	[tilespmem:s9+$0x0] =	vst v2  }
0x45c: {  	v2 =	vld [tilespmem:s10+$0x10];
	_ =	sdelay $0x1  }
0x45d: {  	v3 =	vld [tilespmem:s9+$0x10];
	_ =	sdelay $0x2  }
0x45e: {  	v2 =	vmul.f32 v2, v1;
	_ =	sdelay $0x1  }
0x45f: {  	v2 =	vadd.f32 v2, v3;
	_ =	sdelay $0x1  }
0x460: {  	[tilespmem:s9+$0x10] =	vst v2  }
0x461: {  	v2 =	vld [tilespmem:s10+$0x20];
	_ =	sdelay $0x1  }
0x462: {  	v3 =	vld [tilespmem:s9+$0x20];
	_ =	sdelay $0x2  }
0x463: {  	v2 =	vmul.f32 v2, v1;
	_ =	sdelay $0x1  }
0x464: {  	v2 =	vadd.f32 v2, v3;
	_ =	sdelay $0x1  }
0x465: {  	[tilespmem:s9+$0x20] =	vst v2  }
0x466: {  	v2 =	vld [tilespmem:s10+$0x30];
	_ =	sdelay $0x1  }
0x467: {  	v3 =	vld [tilespmem:s9+$0x30];
	_ =	sdelay $0x2  }
0x468: {  	v2 =	vmul.f32 v2, v1;
	_ =	sdelay $0x1  }
0x469: {  	v2 =	vadd.f32 v2, v3;
	_ =	sdelay $0x1  }
0x46a: {  	[tilespmem:s9+$0x30] =	vst v2  }
0x46b: {  	v2 =	vld [tilespmem:s10+$0x40];
	_ =	sdelay $0x1  }
0x46c: {  	v3 =	vld [tilespmem:s9+$0x40];
	_ =	sdelay $0x2  }
0x46d: {  	v2 =	vmul.f32 v2, v1;
	_ =	sdelay $0x1  }
0x46e: {  	v2 =	vadd.f32 v2, v3;
	_ =	sdelay $0x1  }
0x46f: {  	[tilespmem:s9+$0x40] =	vst v2  }
0x470: {  	v2 =	vld [tilespmem:s10+$0x50];
	_ =	sdelay $0x1  }
0x471: {  	v3 =	vld [tilespmem:s9+$0x50];
	_ =	sdelay $0x2  }
0x472: {  	v2 =	vmul.f32 v2, v1;
	_ =	sdelay $0x1  }
0x473: {  	v2 =	vadd.f32 v2, v3;
	_ =	sdelay $0x1  }
0x474: {  	[tilespmem:s9+$0x50] =	vst v2  }
0x475: {  	v2 =	vld [tilespmem:s10+$0x60];
	_ =	sdelay $0x1  }
0x476: {  	v3 =	vld [tilespmem:s9+$0x60];
	_ =	sdelay $0x2  }
0x477: {  	v2 =	vmul.f32 v2, v1;
	_ =	sdelay $0x1  }
0x478: {  	v2 =	vadd.f32 v2, v3;
	_ =	sdelay $0x1  }
0x479: {  	[tilespmem:s9+$0x60] =	vst v2  }
0x47a: {  	v2 =	vld [tilespmem:s10+$0x70];
	_ =	sdelay $0x1  }
0x47b: {  	v3 =	vld [tilespmem:s9+$0x70];
	_ =	sdelay $0x2  }
.Ltmp14:
0x47c: {  	v2 =	vmul.f32 v2, v1;
	(pc) =	sbr.rel @p0 .LBB2_28-.Ltmp14, $3  }
0x47d: {  	_ = 	snop  }
0x47e: {  	v2 =	vadd.f32 v2, v3;
	_ =	sdelay $0x1  }
0x47f: {  	s10 =	sadd.s32 $0x100, s10;
	[tilespmem:s9+$0x70] =	vst v2  }
0x480: {  	s2 =	simm.s32 $0x9  }
0x481: {  	_ =	swait.ge [sflag:s2], $0x2800  }
0x482: {  	[sflag:s2] =	ssyncset.done $0x0  }
0x483: {  	s6 =	simm.s32 $0xA;
	[sflag:s2] =	ssyncadd.s32 $0xFFFFD800  }
0x484: {  	_ =	swait.ge [sflag:s6], $0x500  }
0x485: {  	s28 =	rddreg [dreg:$0xd]  }
0x486: {  	s2 =	sadd.s32 $0x1, s28  }
0x487: {  	p0 =	sne.s32 s2, $0x5  }
.Ltmp15:
0x488: {  	_ = 	snop;
	(pc) =	sbr.rel @p0 .LBB2_3-.Ltmp15, $3  }
0x489: {  	[sflag:s6] =	ssyncset.done $0x0  }
0x48a: {  	[sflag:s6] =	ssyncadd.s32 $0xFFFFFB00;
	[dreg:$0xd] =	wrdreg s2  }
0x48b: {  	[bflag:$0x0] =	sbarrier.arrive $0xFFFF;
	_ =	sdelay $0x1  }
0x48c: {  	s0 =	rddreg [dreg:$0x6]  }
0x48d: {  	s1 =	rddreg [dreg:$0x7];
	s29 =	simm.s32 $0x0  }
0x48e: {  	s2 =	simm.s32 $0x1D000;
	s30 =	simm.s32 $0xB;
	s0 =	sadd.s32 s1, s0  }
0x48f: {  	[hbm4b:s0+s29] =	stream.linear.scatter [tilespmem:s2], [sflag:$0xB], $0x2800, $0x38;
	[tilespmem:$0x1F810] =	vst v63  }
0x490: {  	_ =	swait.ge [sflag:s30], $0x2800  }
0x491: {  	[sflag:s30] =	ssyncset.done $0x0  }
0x492: {  	[sflag:s30] =	ssyncadd.s32 $0xFFFFD800  }
0x493: {  	_ =	sfence.sel $0x180000  }
0x494: {  	[bflag:$0x0] =	sbarrier.arrive $0xFFFF  }
0x495: {  	_ =	strace $0x90000047  }
0x496: {  	s31 =	stileid.u32;
	[bflag:$0x2] =	sbarrier.arrive $0xFFFF  }
0x497: {  	p0 =	sne.s32 s31, $0x0;
	s0 =	rddreg [dreg:$0x5]  }
0x498: {  	s0 =	sadd.s32 @!p0 $0x100000, s0  }
0x499: {  	[sflag:s0] =	ssyncadd.tile.s32 @!p0 $0x1;
	_ =	shalt  }
.Lfunc_end2:
_tile_overlayer_lowered:
.L_overlay_start_2:
0x49a: {  	(tag) =	ssettag $0x2  }
0x49b: {  	s0 =	rddreg [dreg:$0x0];
	s2 =	stileid.u32  }
0x49c: {  	s1 =	rddreg [dreg:$0x1];
	p0 =	sne.s32 s2, $0x0  }
0x49d: {  	s3 =	rddreg [dreg:$0x2];
	[bflag:$0x3] =	sbarrier.arrive $0xFFFF;
	s2 =	simm.s32 @!p0 $0x1C0B  }
0x49e: {  	[timem:s3], [sflag:s2] =	dma.local @!p0 [hbm:s0], s1  }
0x49f: {  	s0 =	simm.s32 @!p0 $0xB  }
0x4a0: {  	_ =	swait.ge @!p0 [sflag:s0], s1  }
0x4a1: {  	s1 =	ssub.s32 @!p0 $0x0, s1;
	[sflag:s0] =	ssyncset.done @!p0 $0x0  }
0x4a2: {  	[sflag:s0] =	ssyncadd.s32 @!p0 s1  }
0x4a3: {  	[bflag:$0x3] =	sbarrier.arrive $0xFFFF  }
0x4a4: {  	_ =	shalt  }

</sc_bundles>
